<compile_context>
chip_gen: v7x
topology: tpu7x:2x2x1
jax: 0.10.2.dev20260603
libtpu: 0.0.44.dev20260713+nightly
codegen_flags: <defaults>
</compile_context>

<pallas_src>
import functools

import jax
import jax.numpy as jnp
from jax import lax
from jax.experimental import pallas as pl
from jax.experimental.pallas import tpu as pltpu
from jax.experimental.pallas import tpu_sc as plsc

_D = 64
_M = 4
_CHUNK = 128
_LANES = 16


@functools.cache
def _make_sc_call(N, n_opc, n_opr, interpret=False):
    try:
        info = plsc.get_sparse_core_info()
        NC, NS = info.num_cores, info.num_subcores
    except ValueError:
        NC, NS = 2, 16
    NW = NC * NS
    assert N % (NW * _CHUNK) == 0
    per_w = N // NW
    n_chunks = per_w // _CHUNK

    mesh = plsc.VectorSubcoreMesh(
        core_axis_name="c", subcore_axis_name="s",
        num_cores=NC, num_subcores=NS)

    @functools.partial(
        pl.kernel,
        out_type=jax.ShapeDtypeStruct((N, _D), jnp.float32),
        mesh=mesh,
        interpret=interpret,
        compiler_params=pltpu.CompilerParams(use_tc_tiling_on_sc=False),
        scratch_types=[
            pltpu.VMEM((_CHUNK,), jnp.int32),
            pltpu.VMEM((_M, _CHUNK), jnp.int32),
            pltpu.VMEM((_M, _CHUNK), jnp.float32),
            pltpu.VMEM((_M, _CHUNK, _D), jnp.float32),
            pltpu.VMEM((_CHUNK, _D), jnp.float32),
            pltpu.SemaphoreType.DMA,
            pltpu.SemaphoreType.DMA,
        ],
    )
    def sc_fn(opc_ids_hbm, opr_ids_hbm, opc_tab_hbm, opr_tab_hbm, out_hbm,
              opc_v, ids_v, w_v, rows_v, o_v, sem_ids, sem_g):
        wid = lax.axis_index("s") * NC + lax.axis_index("c")
        w_base = wid * per_w

        def chunk_body(c, carry):
            base = w_base + c * _CHUNK
            cps = [pltpu.async_copy(
                opc_ids_hbm.at[pl.ds(base, _CHUNK)], opc_v, sem_ids)]
            for m in range(_M):
                cps.append(pltpu.async_copy(
                    opr_ids_hbm.at[m, pl.ds(base, _CHUNK)], ids_v.at[m],
                    sem_ids))
            for cp in cps:
                cp.wait()
            gs = [pltpu.async_copy(opc_tab_hbm.at[opc_v], o_v, sem_g)]
            for m in range(_M):
                gs.append(pltpu.async_copy(
                    opr_tab_hbm.at[ids_v.at[m]], rows_v.at[m], sem_g))
            for t in range(_CHUNK // _LANES):
                sl = pl.ds(t * _LANES, _LANES)
                mk = [jnp.where(ids_v[m, sl] != 0, 1.0, 0.0) for m in range(_M)]
                cnt = mk[0] + mk[1] + mk[2] + mk[3] + 1e-10
                for m in range(_M):
                    w_v[m, sl] = mk[m] / cnt
            for g in gs:
                g.wait()

            def group_body(g, carry2):
                i0 = g * _LANES
                wvecs = [w_v[m, pl.ds(i0, _LANES)] for m in range(_M)]
                for j in range(_LANES):
                    i = i0 + j
                    ws = [wvecs[m][j] for m in range(_M)]
                    for dblk in range(_D // _LANES):
                        sl = pl.ds(dblk * _LANES, _LANES)
                        acc = ws[0] * rows_v[0, i, sl]
                        for m in range(1, _M):
                            acc = acc + ws[m] * rows_v[m, i, sl]
                        plsc.addupdate(o_v.at[i, sl], acc)
                return carry2

            lax.fori_loop(0, _CHUNK // _LANES, group_body, 0)
            pltpu.sync_copy(o_v, out_hbm.at[pl.ds(base, _CHUNK)])
            return carry

        lax.fori_loop(0, n_chunks, chunk_body, 0)

    return sc_fn


def kernel(opcode_ids, operand_ids, opcode_table, operand_table):
    B, S = opcode_ids.shape
    N = B * S
    opc_flat = opcode_ids.reshape(N).astype(jnp.int32)
    opr_t = operand_ids.reshape(N, _M).T.astype(jnp.int32)
    fn = _make_sc_call(N, opcode_table.shape[0], operand_table.shape[0])
    out = fn(opc_flat, opr_t, opcode_table, operand_table)
    return out.reshape(B, S, _D)

# --- scband reference (transcript-rebuilt; emitter-appended) ---
"""Pipeline reference for scband-instruction-embedding-31911607009897 (READ-ONLY COPY).

The authoritative reference and input builder live on the scoring server;
editing this copy changes nothing except your own understanding.
"""

import jax, jax.numpy as jnp
import numpy as np

OPCODE_VOCAB = 1000
OPERAND_VOCAB = 1000000
EMBED_DIM = 64
B, S, M = 1024, 200, 4

def setup_inputs(seed: int = 0) -> dict:
    key = jax.random.key(seed)
    k1, k2, k3, k4 = jax.random.split(key, 4)
    opcode_ids = jax.random.randint(k1, (B, S), 0, OPCODE_VOCAB, dtype=jnp.int64 if jax.config.jax_enable_x64 else jnp.int32)
    operand_ids = jax.random.randint(k2, (B, S, M), 0, OPERAND_VOCAB, dtype=jnp.int64 if jax.config.jax_enable_x64 else jnp.int32)
    opcode_table = jax.random.normal(k3, (OPCODE_VOCAB, EMBED_DIM), dtype=jnp.float32)
    operand_table = jax.random.normal(k4, (OPERAND_VOCAB, EMBED_DIM), dtype=jnp.float32)
    return {"opcode_ids": opcode_ids, "operand_ids": operand_ids, "opcode_table": opcode_table, "operand_table": operand_table}

def reference(opcode_ids, operand_ids, opcode_table, operand_table):
    # opcode embedding lookup: [B, S, D]
    opcode_embeddings = jnp.take(opcode_table, opcode_ids, axis=0)
    # operand embedding lookup: [B, S, M, D]
    operand_embeddings = jnp.take(operand_table, operand_ids, axis=0)
    # mask out padding id 0
    operand_mask = (operand_ids != 0).astype(jnp.float32)[..., None]
    operand_sum = jnp.sum(operand_embeddings * operand_mask, axis=2)
    operand_count = jnp.sum(operand_mask, axis=2) + 1e-10
    operand_avg = operand_sum / operand_count
    instruction_embeddings = opcode_embeddings + operand_avg
    # dropout is identity in inference mode
    return instruction_embeddings

if __name__ == "__main__":
    import jax
    _d = setup_inputs()
    print(jax.jit(kernel)(*tuple(_d.values())))

</pallas_src>

<mosaic_0001>
#map = affine_map<(d0, d1) -> (0)>
#map1 = affine_map<(d0, d1) -> (0, 0)>
module attributes {stable_mosaic.version = 14 : i64} {
  func.func @sc_fn(%arg0: i32, %arg1: i32, %arg2: memref<204800xi32, #tpu.memory_space<hbm>>, %arg3: memref<4x204800xi32, #tpu.memory_space<hbm>>, %arg4: memref<1000x64xf32, #tpu.memory_space<hbm>>, %arg5: memref<1000000x64xf32, #tpu.memory_space<hbm>>, %arg6: memref<204800x64xf32, #tpu.memory_space<hbm>>, %arg7: memref<128xi32, #tpu.memory_space<vmem>>, %arg8: memref<4x128xi32, #tpu.memory_space<vmem>>, %arg9: memref<4x128xf32, #tpu.memory_space<vmem>>, %arg10: memref<4x128x64xf32, #tpu.memory_space<vmem>>, %arg11: memref<128x64xf32, #tpu.memory_space<vmem>>, %arg12: memref<!tpu.dma_semaphore, #tpu.memory_space<semaphore_mem>>, %arg13: memref<!tpu.dma_semaphore, #tpu.memory_space<semaphore_mem>>) attributes {dimension_semantics = [#tpu.dimension_semantics<core_parallel>, #tpu.dimension_semantics<subcore_parallel>], iteration_bounds = array<i64: 2, 16>, scalar_prefetch = 0 : i64, scratch_operands = 7 : i64, tpu.core_type = #tpu.core_type<sc_vector_subcore>, window_params = [{transform_indices = #map}, {transform_indices = #map1}, {transform_indices = #map1}, {transform_indices = #map1}, {transform_indices = #map1}]} {
    %mul3A = arith.constant 2 : i32
    %mul3A_0 = arith.muli %arg1, %mul3A : i32
    %add3A = arith.addi %mul3A_0, %arg0 : i32
    %mul3A_1 = arith.constant 6400 : i32
    %mul3A_2 = arith.muli %add3A, %mul3A_1 : i32
    %scan3A = arith.constant 0 : i32
    %scan3A_3 = arith.constant 0 : i32
    %scan3A_4 = arith.constant 50 : i32
    %scan3A_5 = arith.addi %scan3A_3, %scan3A_4 : i32
    %scan3A_6 = arith.constant 1 : i32
    scf.for %scan3A_8 = %scan3A_3 to %scan3A_5 step %scan3A_6  : i32 {
      %mul3A_9 = arith.constant 128 : i32
      %mul3A_10 = arith.muli %scan3A_8, %mul3A_9 : i32
      %add3A_11 = arith.addi %mul3A_2, %mul3A_10 : i32
      %dma_start3A = tpu.memref_slice %arg2[%add3A_11] : memref<204800xi32, #tpu.memory_space<hbm>> -> memref<128xi32, #tpu.memory_space<hbm>>
      %dma_start3A_12 = tpu.memref_slice %arg2[%add3A_11] : memref<204800xi32, #tpu.memory_space<hbm>> -> memref<128xi32, #tpu.memory_space<hbm>>
      tpu.enqueue_dma source(%dma_start3A_12 : memref<128xi32, #tpu.memory_space<hbm>>) target(%arg7 : memref<128xi32, #tpu.memory_space<vmem>>) target_semaphore(%arg12 : memref<!tpu.dma_semaphore, #tpu.memory_space<semaphore_mem>>)
      %dma_start3A_13 = arith.constant 0 : i32
      %dma_start3A_14 = arith.constant 0 : i32
      %dma_start3A_15 = arith.constant 0 : i32
      %dma_start3A_16 = tpu.memref_slice %arg8[%dma_start3A_14, %dma_start3A_15] : memref<4x128xi32, #tpu.memory_space<vmem>> -> memref<1x128xi32, #tpu.memory_space<vmem>>
      %dma_start3A_17 = tpu.memref_squeeze %dma_start3A_16 : memref<1x128xi32, #tpu.memory_space<vmem>> -> memref<128xi32, #tpu.memory_space<vmem>>
      %dma_start3A_18 = tpu.memref_slice %arg3[%dma_start3A_13, %add3A_11] : memref<4x204800xi32, #tpu.memory_space<hbm>> -> memref<1x128xi32, #tpu.memory_space<hbm>>
      %dma_start3A_19 = tpu.memref_squeeze %dma_start3A_18 : memref<1x128xi32, #tpu.memory_space<hbm>> -> memref<128xi32, #tpu.memory_space<hbm>>
      %dma_start3A_20 = arith.constant 0 : i32
      %dma_start3A_21 = tpu.memref_slice %arg8[%dma_start3A_14, %dma_start3A_20] : memref<4x128xi32, #tpu.memory_space<vmem>> -> memref<1x128xi32, #tpu.memory_space<vmem>>
      %dma_start3A_22 = tpu.memref_squeeze %dma_start3A_21 : memref<1x128xi32, #tpu.memory_space<vmem>> -> memref<128xi32, #tpu.memory_space<vmem>>
      %dma_start3A_23 = tpu.memref_slice %arg3[%dma_start3A_13, %add3A_11] : memref<4x204800xi32, #tpu.memory_space<hbm>> -> memref<1x128xi32, #tpu.memory_space<hbm>>
      %dma_start3A_24 = tpu.memref_squeeze %dma_start3A_23 : memref<1x128xi32, #tpu.memory_space<hbm>> -> memref<128xi32, #tpu.memory_space<hbm>>
      tpu.enqueue_dma source(%dma_start3A_24 : memref<128xi32, #tpu.memory_space<hbm>>) target(%dma_start3A_22 : memref<128xi32, #tpu.memory_space<vmem>>) target_semaphore(%arg12 : memref<!tpu.dma_semaphore, #tpu.memory_space<semaphore_mem>>)
      %dma_start3A_25 = arith.constant 1 : i32
      %dma_start3A_26 = arith.constant 1 : i32
      %dma_start3A_27 = arith.constant 0 : i32
      %dma_start3A_28 = tpu.memref_slice %arg8[%dma_start3A_26, %dma_start3A_27] : memref<4x128xi32, #tpu.memory_space<vmem>> -> memref<1x128xi32, #tpu.memory_space<vmem>>
      %dma_start3A_29 = tpu.memref_squeeze %dma_start3A_28 : memref<1x128xi32, #tpu.memory_space<vmem>> -> memref<128xi32, #tpu.memory_space<vmem>>
      %dma_start3A_30 = tpu.memref_slice %arg3[%dma_start3A_25, %add3A_11] : memref<4x204800xi32, #tpu.memory_space<hbm>> -> memref<1x128xi32, #tpu.memory_space<hbm>>
      %dma_start3A_31 = tpu.memref_squeeze %dma_start3A_30 : memref<1x128xi32, #tpu.memory_space<hbm>> -> memref<128xi32, #tpu.memory_space<hbm>>
      %dma_start3A_32 = arith.constant 0 : i32
      %dma_start3A_33 = tpu.memref_slice %arg8[%dma_start3A_26, %dma_start3A_32] : memref<4x128xi32, #tpu.memory_space<vmem>> -> memref<1x128xi32, #tpu.memory_space<vmem>>
      %dma_start3A_34 = tpu.memref_squeeze %dma_start3A_33 : memref<1x128xi32, #tpu.memory_space<vmem>> -> memref<128xi32, #tpu.memory_space<vmem>>
      %dma_start3A_35 = tpu.memref_slice %arg3[%dma_start3A_25, %add3A_11] : memref<4x204800xi32, #tpu.memory_space<hbm>> -> memref<1x128xi32, #tpu.memory_space<hbm>>
      %dma_start3A_36 = tpu.memref_squeeze %dma_start3A_35 : memref<1x128xi32, #tpu.memory_space<hbm>> -> memref<128xi32, #tpu.memory_space<hbm>>
      tpu.enqueue_dma source(%dma_start3A_36 : memref<128xi32, #tpu.memory_space<hbm>>) target(%dma_start3A_34 : memref<128xi32, #tpu.memory_space<vmem>>) target_semaphore(%arg12 : memref<!tpu.dma_semaphore, #tpu.memory_space<semaphore_mem>>)
      %dma_start3A_37 = arith.constant 2 : i32
      %dma_start3A_38 = arith.constant 2 : i32
      %dma_start3A_39 = arith.constant 0 : i32
      %dma_start3A_40 = tpu.memref_slice %arg8[%dma_start3A_38, %dma_start3A_39] : memref<4x128xi32, #tpu.memory_space<vmem>> -> memref<1x128xi32, #tpu.memory_space<vmem>>
      %dma_start3A_41 = tpu.memref_squeeze %dma_start3A_40 : memref<1x128xi32, #tpu.memory_space<vmem>> -> memref<128xi32, #tpu.memory_space<vmem>>
      %dma_start3A_42 = tpu.memref_slice %arg3[%dma_start3A_37, %add3A_11] : memref<4x204800xi32, #tpu.memory_space<hbm>> -> memref<1x128xi32, #tpu.memory_space<hbm>>
      %dma_start3A_43 = tpu.memref_squeeze %dma_start3A_42 : memref<1x128xi32, #tpu.memory_space<hbm>> -> memref<128xi32, #tpu.memory_space<hbm>>
      %dma_start3A_44 = arith.constant 0 : i32
      %dma_start3A_45 = tpu.memref_slice %arg8[%dma_start3A_38, %dma_start3A_44] : memref<4x128xi32, #tpu.memory_space<vmem>> -> memref<1x128xi32, #tpu.memory_space<vmem>>
      %dma_start3A_46 = tpu.memref_squeeze %dma_start3A_45 : memref<1x128xi32, #tpu.memory_space<vmem>> -> memref<128xi32, #tpu.memory_space<vmem>>
      %dma_start3A_47 = tpu.memref_slice %arg3[%dma_start3A_37, %add3A_11] : memref<4x204800xi32, #tpu.memory_space<hbm>> -> memref<1x128xi32, #tpu.memory_space<hbm>>
      %dma_start3A_48 = tpu.memref_squeeze %dma_start3A_47 : memref<1x128xi32, #tpu.memory_space<hbm>> -> memref<128xi32, #tpu.memory_space<hbm>>
      tpu.enqueue_dma source(%dma_start3A_48 : memref<128xi32, #tpu.memory_space<hbm>>) target(%dma_start3A_46 : memref<128xi32, #tpu.memory_space<vmem>>) target_semaphore(%arg12 : memref<!tpu.dma_semaphore, #tpu.memory_space<semaphore_mem>>)
      %dma_start3A_49 = arith.constant 3 : i32
      %dma_start3A_50 = arith.constant 3 : i32
      %dma_start3A_51 = arith.constant 0 : i32
      %dma_start3A_52 = tpu.memref_slice %arg8[%dma_start3A_50, %dma_start3A_51] : memref<4x128xi32, #tpu.memory_space<vmem>> -> memref<1x128xi32, #tpu.memory_space<vmem>>
      %dma_start3A_53 = tpu.memref_squeeze %dma_start3A_52 : memref<1x128xi32, #tpu.memory_space<vmem>> -> memref<128xi32, #tpu.memory_space<vmem>>
      %dma_start3A_54 = tpu.memref_slice %arg3[%dma_start3A_49, %add3A_11] : memref<4x204800xi32, #tpu.memory_space<hbm>> -> memref<1x128xi32, #tpu.memory_space<hbm>>
      %dma_start3A_55 = tpu.memref_squeeze %dma_start3A_54 : memref<1x128xi32, #tpu.memory_space<hbm>> -> memref<128xi32, #tpu.memory_space<hbm>>
      %dma_start3A_56 = arith.constant 0 : i32
      %dma_start3A_57 = tpu.memref_slice %arg8[%dma_start3A_50, %dma_start3A_56] : memref<4x128xi32, #tpu.memory_space<vmem>> -> memref<1x128xi32, #tpu.memory_space<vmem>>
      %dma_start3A_58 = tpu.memref_squeeze %dma_start3A_57 : memref<1x128xi32, #tpu.memory_space<vmem>> -> memref<128xi32, #tpu.memory_space<vmem>>
      %dma_start3A_59 = tpu.memref_slice %arg3[%dma_start3A_49, %add3A_11] : memref<4x204800xi32, #tpu.memory_space<hbm>> -> memref<1x128xi32, #tpu.memory_space<hbm>>
      %dma_start3A_60 = tpu.memref_squeeze %dma_start3A_59 : memref<1x128xi32, #tpu.memory_space<hbm>> -> memref<128xi32, #tpu.memory_space<hbm>>
      tpu.enqueue_dma source(%dma_start3A_60 : memref<128xi32, #tpu.memory_space<hbm>>) target(%dma_start3A_58 : memref<128xi32, #tpu.memory_space<vmem>>) target_semaphore(%arg12 : memref<!tpu.dma_semaphore, #tpu.memory_space<semaphore_mem>>)
      %dma_wait3A = tpu.memref_slice %arg2[%add3A_11] : memref<204800xi32, #tpu.memory_space<hbm>> -> memref<128xi32, #tpu.memory_space<hbm>>
      %dma_wait3A_61 = tpu.memref_slice %arg2[%add3A_11] : memref<204800xi32, #tpu.memory_space<hbm>> -> memref<128xi32, #tpu.memory_space<hbm>>
      tpu.wait_dma2 semaphore(%arg12 : memref<!tpu.dma_semaphore, #tpu.memory_space<semaphore_mem>>) src(%dma_wait3A_61 : memref<128xi32, #tpu.memory_space<hbm>>) dst(%arg7 : memref<128xi32, #tpu.memory_space<vmem>>)
      %dma_wait3A_62 = arith.constant 0 : i32
      %dma_wait3A_63 = arith.constant 0 : i32
      %dma_wait3A_64 = arith.constant 0 : i32
      %dma_wait3A_65 = tpu.memref_slice %arg8[%dma_wait3A_63, %dma_wait3A_64] : memref<4x128xi32, #tpu.memory_space<vmem>> -> memref<1x128xi32, #tpu.memory_space<vmem>>
      %dma_wait3A_66 = tpu.memref_squeeze %dma_wait3A_65 : memref<1x128xi32, #tpu.memory_space<vmem>> -> memref<128xi32, #tpu.memory_space<vmem>>
      %dma_wait3A_67 = tpu.memref_slice %arg3[%dma_wait3A_62, %add3A_11] : memref<4x204800xi32, #tpu.memory_space<hbm>> -> memref<1x128xi32, #tpu.memory_space<hbm>>
      %dma_wait3A_68 = tpu.memref_squeeze %dma_wait3A_67 : memref<1x128xi32, #tpu.memory_space<hbm>> -> memref<128xi32, #tpu.memory_space<hbm>>
      %dma_wait3A_69 = arith.constant 0 : i32
      %dma_wait3A_70 = tpu.memref_slice %arg8[%dma_wait3A_63, %dma_wait3A_69] : memref<4x128xi32, #tpu.memory_space<vmem>> -> memref<1x128xi32, #tpu.memory_space<vmem>>
      %dma_wait3A_71 = tpu.memref_squeeze %dma_wait3A_70 : memref<1x128xi32, #tpu.memory_space<vmem>> -> memref<128xi32, #tpu.memory_space<vmem>>
      %dma_wait3A_72 = tpu.memref_slice %arg3[%dma_wait3A_62, %add3A_11] : memref<4x204800xi32, #tpu.memory_space<hbm>> -> memref<1x128xi32, #tpu.memory_space<hbm>>
      %dma_wait3A_73 = tpu.memref_squeeze %dma_wait3A_72 : memref<1x128xi32, #tpu.memory_space<hbm>> -> memref<128xi32, #tpu.memory_space<hbm>>
      tpu.wait_dma2 semaphore(%arg12 : memref<!tpu.dma_semaphore, #tpu.memory_space<semaphore_mem>>) src(%dma_wait3A_73 : memref<128xi32, #tpu.memory_space<hbm>>) dst(%dma_wait3A_71 : memref<128xi32, #tpu.memory_space<vmem>>)
      %dma_wait3A_74 = arith.constant 1 : i32
      %dma_wait3A_75 = arith.constant 1 : i32
      %dma_wait3A_76 = arith.constant 0 : i32
      %dma_wait3A_77 = tpu.memref_slice %arg8[%dma_wait3A_75, %dma_wait3A_76] : memref<4x128xi32, #tpu.memory_space<vmem>> -> memref<1x128xi32, #tpu.memory_space<vmem>>
      %dma_wait3A_78 = tpu.memref_squeeze %dma_wait3A_77 : memref<1x128xi32, #tpu.memory_space<vmem>> -> memref<128xi32, #tpu.memory_space<vmem>>
      %dma_wait3A_79 = tpu.memref_slice %arg3[%dma_wait3A_74, %add3A_11] : memref<4x204800xi32, #tpu.memory_space<hbm>> -> memref<1x128xi32, #tpu.memory_space<hbm>>
      %dma_wait3A_80 = tpu.memref_squeeze %dma_wait3A_79 : memref<1x128xi32, #tpu.memory_space<hbm>> -> memref<128xi32, #tpu.memory_space<hbm>>
      %dma_wait3A_81 = arith.constant 0 : i32
      %dma_wait3A_82 = tpu.memref_slice %arg8[%dma_wait3A_75, %dma_wait3A_81] : memref<4x128xi32, #tpu.memory_space<vmem>> -> memref<1x128xi32, #tpu.memory_space<vmem>>
      %dma_wait3A_83 = tpu.memref_squeeze %dma_wait3A_82 : memref<1x128xi32, #tpu.memory_space<vmem>> -> memref<128xi32, #tpu.memory_space<vmem>>
      %dma_wait3A_84 = tpu.memref_slice %arg3[%dma_wait3A_74, %add3A_11] : memref<4x204800xi32, #tpu.memory_space<hbm>> -> memref<1x128xi32, #tpu.memory_space<hbm>>
      %dma_wait3A_85 = tpu.memref_squeeze %dma_wait3A_84 : memref<1x128xi32, #tpu.memory_space<hbm>> -> memref<128xi32, #tpu.memory_space<hbm>>
      tpu.wait_dma2 semaphore(%arg12 : memref<!tpu.dma_semaphore, #tpu.memory_space<semaphore_mem>>) src(%dma_wait3A_85 : memref<128xi32, #tpu.memory_space<hbm>>) dst(%dma_wait3A_83 : memref<128xi32, #tpu.memory_space<vmem>>)
      %dma_wait3A_86 = arith.constant 2 : i32
      %dma_wait3A_87 = arith.constant 2 : i32
      %dma_wait3A_88 = arith.constant 0 : i32
      %dma_wait3A_89 = tpu.memref_slice %arg8[%dma_wait3A_87, %dma_wait3A_88] : memref<4x128xi32, #tpu.memory_space<vmem>> -> memref<1x128xi32, #tpu.memory_space<vmem>>
      %dma_wait3A_90 = tpu.memref_squeeze %dma_wait3A_89 : memref<1x128xi32, #tpu.memory_space<vmem>> -> memref<128xi32, #tpu.memory_space<vmem>>
      %dma_wait3A_91 = tpu.memref_slice %arg3[%dma_wait3A_86, %add3A_11] : memref<4x204800xi32, #tpu.memory_space<hbm>> -> memref<1x128xi32, #tpu.memory_space<hbm>>
      %dma_wait3A_92 = tpu.memref_squeeze %dma_wait3A_91 : memref<1x128xi32, #tpu.memory_space<hbm>> -> memref<128xi32, #tpu.memory_space<hbm>>
      %dma_wait3A_93 = arith.constant 0 : i32
      %dma_wait3A_94 = tpu.memref_slice %arg8[%dma_wait3A_87, %dma_wait3A_93] : memref<4x128xi32, #tpu.memory_space<vmem>> -> memref<1x128xi32, #tpu.memory_space<vmem>>
      %dma_wait3A_95 = tpu.memref_squeeze %dma_wait3A_94 : memref<1x128xi32, #tpu.memory_space<vmem>> -> memref<128xi32, #tpu.memory_space<vmem>>
      %dma_wait3A_96 = tpu.memref_slice %arg3[%dma_wait3A_86, %add3A_11] : memref<4x204800xi32, #tpu.memory_space<hbm>> -> memref<1x128xi32, #tpu.memory_space<hbm>>
      %dma_wait3A_97 = tpu.memref_squeeze %dma_wait3A_96 : memref<1x128xi32, #tpu.memory_space<hbm>> -> memref<128xi32, #tpu.memory_space<hbm>>
      tpu.wait_dma2 semaphore(%arg12 : memref<!tpu.dma_semaphore, #tpu.memory_space<semaphore_mem>>) src(%dma_wait3A_97 : memref<128xi32, #tpu.memory_space<hbm>>) dst(%dma_wait3A_95 : memref<128xi32, #tpu.memory_space<vmem>>)
      %dma_wait3A_98 = arith.constant 3 : i32
      %dma_wait3A_99 = arith.constant 3 : i32
      %dma_wait3A_100 = arith.constant 0 : i32
      %dma_wait3A_101 = tpu.memref_slice %arg8[%dma_wait3A_99, %dma_wait3A_100] : memref<4x128xi32, #tpu.memory_space<vmem>> -> memref<1x128xi32, #tpu.memory_space<vmem>>
      %dma_wait3A_102 = tpu.memref_squeeze %dma_wait3A_101 : memref<1x128xi32, #tpu.memory_space<vmem>> -> memref<128xi32, #tpu.memory_space<vmem>>
      %dma_wait3A_103 = tpu.memref_slice %arg3[%dma_wait3A_98, %add3A_11] : memref<4x204800xi32, #tpu.memory_space<hbm>> -> memref<1x128xi32, #tpu.memory_space<hbm>>
      %dma_wait3A_104 = tpu.memref_squeeze %dma_wait3A_103 : memref<1x128xi32, #tpu.memory_space<hbm>> -> memref<128xi32, #tpu.memory_space<hbm>>
      %dma_wait3A_105 = arith.constant 0 : i32
      %dma_wait3A_106 = tpu.memref_slice %arg8[%dma_wait3A_99, %dma_wait3A_105] : memref<4x128xi32, #tpu.memory_space<vmem>> -> memref<1x128xi32, #tpu.memory_space<vmem>>
      %dma_wait3A_107 = tpu.memref_squeeze %dma_wait3A_106 : memref<1x128xi32, #tpu.memory_space<vmem>> -> memref<128xi32, #tpu.memory_space<vmem>>
      %dma_wait3A_108 = tpu.memref_slice %arg3[%dma_wait3A_98, %add3A_11] : memref<4x204800xi32, #tpu.memory_space<hbm>> -> memref<1x128xi32, #tpu.memory_space<hbm>>
      %dma_wait3A_109 = tpu.memref_squeeze %dma_wait3A_108 : memref<1x128xi32, #tpu.memory_space<hbm>> -> memref<128xi32, #tpu.memory_space<hbm>>
      tpu.wait_dma2 semaphore(%arg12 : memref<!tpu.dma_semaphore, #tpu.memory_space<semaphore_mem>>) src(%dma_wait3A_109 : memref<128xi32, #tpu.memory_space<hbm>>) dst(%dma_wait3A_107 : memref<128xi32, #tpu.memory_space<vmem>>)
      %dma_start3A_110 = arith.constant 0 : i32
      %dma_start3A_111 = arith.constant 0 : i32
      %dma_start3A_112 = tpu.memref_slice %arg4[%dma_start3A_110, %dma_start3A_111] : memref<1000x64xf32, #tpu.memory_space<hbm>> -> memref<1000x64xf32, #tpu.memory_space<hbm>>
      tpu.enqueue_indirect_dma source(%dma_start3A_112 : memref<1000x64xf32, #tpu.memory_space<hbm>>) target(%arg11 : memref<128x64xf32, #tpu.memory_space<vmem>>) offsets(%arg7 : memref<128xi32, #tpu.memory_space<vmem>>) semaphore(%arg13 : memref<!tpu.dma_semaphore, #tpu.memory_space<semaphore_mem>>)
      %dma_start3A_113 = arith.constant 0 : i32
      %dma_start3A_114 = arith.constant 0 : i32
      %dma_start3A_115 = arith.constant 0 : i32
      %dma_start3A_116 = arith.constant 0 : i32
      %dma_start3A_117 = tpu.memref_slice %arg10[%dma_start3A_114, %dma_start3A_115, %dma_start3A_116] : memref<4x128x64xf32, #tpu.memory_space<vmem>> -> memref<1x128x64xf32, #tpu.memory_space<vmem>>
      %dma_start3A_118 = tpu.memref_squeeze %dma_start3A_117 : memref<1x128x64xf32, #tpu.memory_space<vmem>> -> memref<128x64xf32, #tpu.memory_space<vmem>>
      %dma_start3A_119 = arith.constant 0 : i32
      %dma_start3A_120 = tpu.memref_slice %arg8[%dma_start3A_113, %dma_start3A_119] : memref<4x128xi32, #tpu.memory_space<vmem>> -> memref<1x128xi32, #tpu.memory_space<vmem>>
      %dma_start3A_121 = tpu.memref_squeeze %dma_start3A_120 : memref<1x128xi32, #tpu.memory_space<vmem>> -> memref<128xi32, #tpu.memory_space<vmem>>
      %dma_start3A_122 = arith.constant 0 : i32
      %dma_start3A_123 = arith.constant 0 : i32
      %dma_start3A_124 = tpu.memref_slice %arg5[%dma_start3A_122, %dma_start3A_123] : memref<1000000x64xf32, #tpu.memory_space<hbm>> -> memref<1000000x64xf32, #tpu.memory_space<hbm>>
      tpu.enqueue_indirect_dma source(%dma_start3A_124 : memref<1000000x64xf32, #tpu.memory_space<hbm>>) target(%dma_start3A_118 : memref<128x64xf32, #tpu.memory_space<vmem>>) offsets(%dma_start3A_121 : memref<128xi32, #tpu.memory_space<vmem>>) semaphore(%arg13 : memref<!tpu.dma_semaphore, #tpu.memory_space<semaphore_mem>>)
      %dma_start3A_125 = arith.constant 1 : i32
      %dma_start3A_126 = arith.constant 1 : i32
      %dma_start3A_127 = arith.constant 0 : i32
      %dma_start3A_128 = arith.constant 0 : i32
      %dma_start3A_129 = tpu.memref_slice %arg10[%dma_start3A_126, %dma_start3A_127, %dma_start3A_128] : memref<4x128x64xf32, #tpu.memory_space<vmem>> -> memref<1x128x64xf32, #tpu.memory_space<vmem>>
      %dma_start3A_130 = tpu.memref_squeeze %dma_start3A_129 : memref<1x128x64xf32, #tpu.memory_space<vmem>> -> memref<128x64xf32, #tpu.memory_space<vmem>>
      %dma_start3A_131 = arith.constant 0 : i32
      %dma_start3A_132 = tpu.memref_slice %arg8[%dma_start3A_125, %dma_start3A_131] : memref<4x128xi32, #tpu.memory_space<vmem>> -> memref<1x128xi32, #tpu.memory_space<vmem>>
      %dma_start3A_133 = tpu.memref_squeeze %dma_start3A_132 : memref<1x128xi32, #tpu.memory_space<vmem>> -> memref<128xi32, #tpu.memory_space<vmem>>
      %dma_start3A_134 = arith.constant 0 : i32
      %dma_start3A_135 = arith.constant 0 : i32
      %dma_start3A_136 = tpu.memref_slice %arg5[%dma_start3A_134, %dma_start3A_135] : memref<1000000x64xf32, #tpu.memory_space<hbm>> -> memref<1000000x64xf32, #tpu.memory_space<hbm>>
      tpu.enqueue_indirect_dma source(%dma_start3A_136 : memref<1000000x64xf32, #tpu.memory_space<hbm>>) target(%dma_start3A_130 : memref<128x64xf32, #tpu.memory_space<vmem>>) offsets(%dma_start3A_133 : memref<128xi32, #tpu.memory_space<vmem>>) semaphore(%arg13 : memref<!tpu.dma_semaphore, #tpu.memory_space<semaphore_mem>>)
      %dma_start3A_137 = arith.constant 2 : i32
      %dma_start3A_138 = arith.constant 2 : i32
      %dma_start3A_139 = arith.constant 0 : i32
      %dma_start3A_140 = arith.constant 0 : i32
      %dma_start3A_141 = tpu.memref_slice %arg10[%dma_start3A_138, %dma_start3A_139, %dma_start3A_140] : memref<4x128x64xf32, #tpu.memory_space<vmem>> -> memref<1x128x64xf32, #tpu.memory_space<vmem>>
      %dma_start3A_142 = tpu.memref_squeeze %dma_start3A_141 : memref<1x128x64xf32, #tpu.memory_space<vmem>> -> memref<128x64xf32, #tpu.memory_space<vmem>>
      %dma_start3A_143 = arith.constant 0 : i32
      %dma_start3A_144 = tpu.memref_slice %arg8[%dma_start3A_137, %dma_start3A_143] : memref<4x128xi32, #tpu.memory_space<vmem>> -> memref<1x128xi32, #tpu.memory_space<vmem>>
      %dma_start3A_145 = tpu.memref_squeeze %dma_start3A_144 : memref<1x128xi32, #tpu.memory_space<vmem>> -> memref<128xi32, #tpu.memory_space<vmem>>
      %dma_start3A_146 = arith.constant 0 : i32
      %dma_start3A_147 = arith.constant 0 : i32
      %dma_start3A_148 = tpu.memref_slice %arg5[%dma_start3A_146, %dma_start3A_147] : memref<1000000x64xf32, #tpu.memory_space<hbm>> -> memref<1000000x64xf32, #tpu.memory_space<hbm>>
      tpu.enqueue_indirect_dma source(%dma_start3A_148 : memref<1000000x64xf32, #tpu.memory_space<hbm>>) target(%dma_start3A_142 : memref<128x64xf32, #tpu.memory_space<vmem>>) offsets(%dma_start3A_145 : memref<128xi32, #tpu.memory_space<vmem>>) semaphore(%arg13 : memref<!tpu.dma_semaphore, #tpu.memory_space<semaphore_mem>>)
      %dma_start3A_149 = arith.constant 3 : i32
      %dma_start3A_150 = arith.constant 3 : i32
      %dma_start3A_151 = arith.constant 0 : i32
      %dma_start3A_152 = arith.constant 0 : i32
      %dma_start3A_153 = tpu.memref_slice %arg10[%dma_start3A_150, %dma_start3A_151, %dma_start3A_152] : memref<4x128x64xf32, #tpu.memory_space<vmem>> -> memref<1x128x64xf32, #tpu.memory_space<vmem>>
      %dma_start3A_154 = tpu.memref_squeeze %dma_start3A_153 : memref<1x128x64xf32, #tpu.memory_space<vmem>> -> memref<128x64xf32, #tpu.memory_space<vmem>>
      %dma_start3A_155 = arith.constant 0 : i32
      %dma_start3A_156 = tpu.memref_slice %arg8[%dma_start3A_149, %dma_start3A_155] : memref<4x128xi32, #tpu.memory_space<vmem>> -> memref<1x128xi32, #tpu.memory_space<vmem>>
      %dma_start3A_157 = tpu.memref_squeeze %dma_start3A_156 : memref<1x128xi32, #tpu.memory_space<vmem>> -> memref<128xi32, #tpu.memory_space<vmem>>
      %dma_start3A_158 = arith.constant 0 : i32
      %dma_start3A_159 = arith.constant 0 : i32
      %dma_start3A_160 = tpu.memref_slice %arg5[%dma_start3A_158, %dma_start3A_159] : memref<1000000x64xf32, #tpu.memory_space<hbm>> -> memref<1000000x64xf32, #tpu.memory_space<hbm>>
      tpu.enqueue_indirect_dma source(%dma_start3A_160 : memref<1000000x64xf32, #tpu.memory_space<hbm>>) target(%dma_start3A_154 : memref<128x64xf32, #tpu.memory_space<vmem>>) offsets(%dma_start3A_157 : memref<128xi32, #tpu.memory_space<vmem>>) semaphore(%arg13 : memref<!tpu.dma_semaphore, #tpu.memory_space<semaphore_mem>>)
      %get3A = arith.constant 0 : i32
      %get3A_161 = arith.index_cast %get3A : i32 to index
      %get3A_162 = arith.constant 0 : index
      %get3A_163 = tpu.vector_load %arg8[%get3A_161, %get3A_162] {strides = array<i32>} : memref<4x128xi32, #tpu.memory_space<vmem>>, vector<1x16xi32>,
      %get3A_164 = vector.shape_cast %get3A_163 : vector<1x16xi32> to vector<16xi32>
      %ne3A = arith.constant 0 : i32
      %ne3A_165 = vector.broadcast %ne3A : i32 to vector<16xi32>
      %ne3A_166 = arith.cmpi ne, %get3A_164, %ne3A_165 : vector<16xi32>
      %jit3A = arith.constant 1.000000e+00 : f32
      %jit3A_167 = arith.constant 0.000000e+00 : f32
      %broadcast_in_dim3A = vector.broadcast %jit3A : f32 to vector<16xf32>
      %broadcast_in_dim3A_168 = vector.broadcast %jit3A_167 : f32 to vector<16xf32>
      %select_n3A = arith.select %ne3A_166, %broadcast_in_dim3A, %broadcast_in_dim3A_168 : vector<16xi1>, vector<16xf32>
      %get3A_169 = arith.constant 1 : i32
      %get3A_170 = arith.index_cast %get3A_169 : i32 to index
      %get3A_171 = arith.constant 0 : index
      %get3A_172 = tpu.vector_load %arg8[%get3A_170, %get3A_171] {strides = array<i32>} : memref<4x128xi32, #tpu.memory_space<vmem>>, vector<1x16xi32>,
      %get3A_173 = vector.shape_cast %get3A_172 : vector<1x16xi32> to vector<16xi32>
      %ne3A_174 = arith.constant 0 : i32
      %ne3A_175 = vector.broadcast %ne3A_174 : i32 to vector<16xi32>
      %ne3A_176 = arith.cmpi ne, %get3A_173, %ne3A_175 : vector<16xi32>
      %jit3A_177 = arith.constant 1.000000e+00 : f32
      %jit3A_178 = arith.constant 0.000000e+00 : f32
      %broadcast_in_dim3A_179 = vector.broadcast %jit3A_177 : f32 to vector<16xf32>
      %broadcast_in_dim3A_180 = vector.broadcast %jit3A_178 : f32 to vector<16xf32>
      %select_n3A_181 = arith.select %ne3A_176, %broadcast_in_dim3A_179, %broadcast_in_dim3A_180 : vector<16xi1>, vector<16xf32>
      %get3A_182 = arith.constant 2 : i32
      %get3A_183 = arith.index_cast %get3A_182 : i32 to index
      %get3A_184 = arith.constant 0 : index
      %get3A_185 = tpu.vector_load %arg8[%get3A_183, %get3A_184] {strides = array<i32>} : memref<4x128xi32, #tpu.memory_space<vmem>>, vector<1x16xi32>,
      %get3A_186 = vector.shape_cast %get3A_185 : vector<1x16xi32> to vector<16xi32>
      %ne3A_187 = arith.constant 0 : i32
      %ne3A_188 = vector.broadcast %ne3A_187 : i32 to vector<16xi32>
      %ne3A_189 = arith.cmpi ne, %get3A_186, %ne3A_188 : vector<16xi32>
      %jit3A_190 = arith.constant 1.000000e+00 : f32
      %jit3A_191 = arith.constant 0.000000e+00 : f32
      %broadcast_in_dim3A_192 = vector.broadcast %jit3A_190 : f32 to vector<16xf32>
      %broadcast_in_dim3A_193 = vector.broadcast %jit3A_191 : f32 to vector<16xf32>
      %select_n3A_194 = arith.select %ne3A_189, %broadcast_in_dim3A_192, %broadcast_in_dim3A_193 : vector<16xi1>, vector<16xf32>
      %get3A_195 = arith.constant 3 : i32
      %get3A_196 = arith.index_cast %get3A_195 : i32 to index
      %get3A_197 = arith.constant 0 : index
      %get3A_198 = tpu.vector_load %arg8[%get3A_196, %get3A_197] {strides = array<i32>} : memref<4x128xi32, #tpu.memory_space<vmem>>, vector<1x16xi32>,
      %get3A_199 = vector.shape_cast %get3A_198 : vector<1x16xi32> to vector<16xi32>
      %ne3A_200 = arith.constant 0 : i32
      %ne3A_201 = vector.broadcast %ne3A_200 : i32 to vector<16xi32>
      %ne3A_202 = arith.cmpi ne, %get3A_199, %ne3A_201 : vector<16xi32>
      %jit3A_203 = arith.constant 1.000000e+00 : f32
      %jit3A_204 = arith.constant 0.000000e+00 : f32
      %broadcast_in_dim3A_205 = vector.broadcast %jit3A_203 : f32 to vector<16xf32>
      %broadcast_in_dim3A_206 = vector.broadcast %jit3A_204 : f32 to vector<16xf32>
      %select_n3A_207 = arith.select %ne3A_202, %broadcast_in_dim3A_205, %broadcast_in_dim3A_206 : vector<16xi1>, vector<16xf32>
      %add3A_208 = arith.addf %select_n3A, %select_n3A_181 : vector<16xf32>
      %add3A_209 = arith.addf %add3A_208, %select_n3A_194 : vector<16xf32>
      %add3A_210 = arith.addf %add3A_209, %select_n3A_207 : vector<16xf32>
      %add3A_211 = arith.constant 1.000000e-10 : f32
      %add3A_212 = vector.broadcast %add3A_211 : f32 to vector<16xf32>
      %add3A_213 = arith.addf %add3A_210, %add3A_212 : vector<16xf32>
      %div3A = arith.divf %select_n3A, %add3A_213 : vector<16xf32>
      %swap3A = arith.constant 0 : i32
      %swap3A_214 = arith.index_cast %swap3A : i32 to index
      %swap3A_215 = arith.constant 0 : index
      %swap3A_216 = tpu.vector_load %arg9[%swap3A_214, %swap3A_215] {strides = array<i32>} : memref<4x128xf32, #tpu.memory_space<vmem>>, vector<1x16xf32>,
      %swap3A_217 = vector.shape_cast %swap3A_216 : vector<1x16xf32> to vector<16xf32>
      %swap3A_218 = vector.shape_cast %div3A : vector<16xf32> to vector<1x16xf32>
      tpu.vector_store %arg9[%swap3A_214, %swap3A_215], %swap3A_218 {strides = array<i32>} : memref<4x128xf32, #tpu.memory_space<vmem>>, vector<1x16xf32>,
      %div3A_219 = arith.divf %select_n3A_181, %add3A_213 : vector<16xf32>
      %swap3A_220 = arith.constant 1 : i32
      %swap3A_221 = arith.index_cast %swap3A_220 : i32 to index
      %swap3A_222 = arith.constant 0 : index
      %swap3A_223 = tpu.vector_load %arg9[%swap3A_221, %swap3A_222] {strides = array<i32>} : memref<4x128xf32, #tpu.memory_space<vmem>>, vector<1x16xf32>,
      %swap3A_224 = vector.shape_cast %swap3A_223 : vector<1x16xf32> to vector<16xf32>
      %swap3A_225 = vector.shape_cast %div3A_219 : vector<16xf32> to vector<1x16xf32>
      tpu.vector_store %arg9[%swap3A_221, %swap3A_222], %swap3A_225 {strides = array<i32>} : memref<4x128xf32, #tpu.memory_space<vmem>>, vector<1x16xf32>,
      %div3A_226 = arith.divf %select_n3A_194, %add3A_213 : vector<16xf32>
      %swap3A_227 = arith.constant 2 : i32
      %swap3A_228 = arith.index_cast %swap3A_227 : i32 to index
      %swap3A_229 = arith.constant 0 : index
      %swap3A_230 = tpu.vector_load %arg9[%swap3A_228, %swap3A_229] {strides = array<i32>} : memref<4x128xf32, #tpu.memory_space<vmem>>, vector<1x16xf32>,
      %swap3A_231 = vector.shape_cast %swap3A_230 : vector<1x16xf32> to vector<16xf32>
      %swap3A_232 = vector.shape_cast %div3A_226 : vector<16xf32> to vector<1x16xf32>
      tpu.vector_store %arg9[%swap3A_228, %swap3A_229], %swap3A_232 {strides = array<i32>} : memref<4x128xf32, #tpu.memory_space<vmem>>, vector<1x16xf32>,
      %div3A_233 = arith.divf %select_n3A_207, %add3A_213 : vector<16xf32>
      %swap3A_234 = arith.constant 3 : i32
      %swap3A_235 = arith.index_cast %swap3A_234 : i32 to index
      %swap3A_236 = arith.constant 0 : index
      %swap3A_237 = tpu.vector_load %arg9[%swap3A_235, %swap3A_236] {strides = array<i32>} : memref<4x128xf32, #tpu.memory_space<vmem>>, vector<1x16xf32>,
      %swap3A_238 = vector.shape_cast %swap3A_237 : vector<1x16xf32> to vector<16xf32>
      %swap3A_239 = vector.shape_cast %div3A_233 : vector<16xf32> to vector<1x16xf32>
      tpu.vector_store %arg9[%swap3A_235, %swap3A_236], %swap3A_239 {strides = array<i32>} : memref<4x128xf32, #tpu.memory_space<vmem>>, vector<1x16xf32>,
      %get3A_240 = arith.constant 0 : i32
      %get3A_241 = arith.index_cast %get3A_240 : i32 to index
      %get3A_242 = arith.constant 16 : index
      %get3A_243 = tpu.vector_load %arg8[%get3A_241, %get3A_242] {strides = array<i32>} : memref<4x128xi32, #tpu.memory_space<vmem>>, vector<1x16xi32>,
      %get3A_244 = vector.shape_cast %get3A_243 : vector<1x16xi32> to vector<16xi32>
      %ne3A_245 = arith.constant 0 : i32
      %ne3A_246 = vector.broadcast %ne3A_245 : i32 to vector<16xi32>
      %ne3A_247 = arith.cmpi ne, %get3A_244, %ne3A_246 : vector<16xi32>
      %jit3A_248 = arith.constant 1.000000e+00 : f32
      %jit3A_249 = arith.constant 0.000000e+00 : f32
      %broadcast_in_dim3A_250 = vector.broadcast %jit3A_248 : f32 to vector<16xf32>
      %broadcast_in_dim3A_251 = vector.broadcast %jit3A_249 : f32 to vector<16xf32>
      %select_n3A_252 = arith.select %ne3A_247, %broadcast_in_dim3A_250, %broadcast_in_dim3A_251 : vector<16xi1>, vector<16xf32>
      %get3A_253 = arith.constant 1 : i32
      %get3A_254 = arith.index_cast %get3A_253 : i32 to index
      %get3A_255 = arith.constant 16 : index
      %get3A_256 = tpu.vector_load %arg8[%get3A_254, %get3A_255] {strides = array<i32>} : memref<4x128xi32, #tpu.memory_space<vmem>>, vector<1x16xi32>,
      %get3A_257 = vector.shape_cast %get3A_256 : vector<1x16xi32> to vector<16xi32>
      %ne3A_258 = arith.constant 0 : i32
      %ne3A_259 = vector.broadcast %ne3A_258 : i32 to vector<16xi32>
      %ne3A_260 = arith.cmpi ne, %get3A_257, %ne3A_259 : vector<16xi32>
      %jit3A_261 = arith.constant 1.000000e+00 : f32
      %jit3A_262 = arith.constant 0.000000e+00 : f32
      %broadcast_in_dim3A_263 = vector.broadcast %jit3A_261 : f32 to vector<16xf32>
      %broadcast_in_dim3A_264 = vector.broadcast %jit3A_262 : f32 to vector<16xf32>
      %select_n3A_265 = arith.select %ne3A_260, %broadcast_in_dim3A_263, %broadcast_in_dim3A_264 : vector<16xi1>, vector<16xf32>
      %get3A_266 = arith.constant 2 : i32
      %get3A_267 = arith.index_cast %get3A_266 : i32 to index
      %get3A_268 = arith.constant 16 : index
      %get3A_269 = tpu.vector_load %arg8[%get3A_267, %get3A_268] {strides = array<i32>} : memref<4x128xi32, #tpu.memory_space<vmem>>, vector<1x16xi32>,
      %get3A_270 = vector.shape_cast %get3A_269 : vector<1x16xi32> to vector<16xi32>
      %ne3A_271 = arith.constant 0 : i32
      %ne3A_272 = vector.broadcast %ne3A_271 : i32 to vector<16xi32>
      %ne3A_273 = arith.cmpi ne, %get3A_270, %ne3A_272 : vector<16xi32>
      %jit3A_274 = arith.constant 1.000000e+00 : f32
      %jit3A_275 = arith.constant 0.000000e+00 : f32
      %broadcast_in_dim3A_276 = vector.broadcast %jit3A_274 : f32 to vector<16xf32>
      %broadcast_in_dim3A_277 = vector.broadcast %jit3A_275 : f32 to vector<16xf32>
      %select_n3A_278 = arith.select %ne3A_273, %broadcast_in_dim3A_276, %broadcast_in_dim3A_277 : vector<16xi1>, vector<16xf32>
      %get3A_279 = arith.constant 3 : i32
      %get3A_280 = arith.index_cast %get3A_279 : i32 to index
      %get3A_281 = arith.constant 16 : index
      %get3A_282 = tpu.vector_load %arg8[%get3A_280, %get3A_281] {strides = array<i32>} : memref<4x128xi32, #tpu.memory_space<vmem>>, vector<1x16xi32>,
      %get3A_283 = vector.shape_cast %get3A_282 : vector<1x16xi32> to vector<16xi32>
      %ne3A_284 = arith.constant 0 : i32
      %ne3A_285 = vector.broadcast %ne3A_284 : i32 to vector<16xi32>
      %ne3A_286 = arith.cmpi ne, %get3A_283, %ne3A_285 : vector<16xi32>
      %jit3A_287 = arith.constant 1.000000e+00 : f32
      %jit3A_288 = arith.constant 0.000000e+00 : f32
      %broadcast_in_dim3A_289 = vector.broadcast %jit3A_287 : f32 to vector<16xf32>
      %broadcast_in_dim3A_290 = vector.broadcast %jit3A_288 : f32 to vector<16xf32>
      %select_n3A_291 = arith.select %ne3A_286, %broadcast_in_dim3A_289, %broadcast_in_dim3A_290 : vector<16xi1>, vector<16xf32>
      %add3A_292 = arith.addf %select_n3A_252, %select_n3A_265 : vector<16xf32>
      %add3A_293 = arith.addf %add3A_292, %select_n3A_278 : vector<16xf32>
      %add3A_294 = arith.addf %add3A_293, %select_n3A_291 : vector<16xf32>
      %add3A_295 = arith.constant 1.000000e-10 : f32
      %add3A_296 = vector.broadcast %add3A_295 : f32 to vector<16xf32>
      %add3A_297 = arith.addf %add3A_294, %add3A_296 : vector<16xf32>
      %div3A_298 = arith.divf %select_n3A_252, %add3A_297 : vector<16xf32>
      %swap3A_299 = arith.constant 0 : i32
      %swap3A_300 = arith.index_cast %swap3A_299 : i32 to index
      %swap3A_301 = arith.constant 16 : index
      %swap3A_302 = tpu.vector_load %arg9[%swap3A_300, %swap3A_301] {strides = array<i32>} : memref<4x128xf32, #tpu.memory_space<vmem>>, vector<1x16xf32>,
      %swap3A_303 = vector.shape_cast %swap3A_302 : vector<1x16xf32> to vector<16xf32>
      %swap3A_304 = vector.shape_cast %div3A_298 : vector<16xf32> to vector<1x16xf32>
      tpu.vector_store %arg9[%swap3A_300, %swap3A_301], %swap3A_304 {strides = array<i32>} : memref<4x128xf32, #tpu.memory_space<vmem>>, vector<1x16xf32>,
      %div3A_305 = arith.divf %select_n3A_265, %add3A_297 : vector<16xf32>
      %swap3A_306 = arith.constant 1 : i32
      %swap3A_307 = arith.index_cast %swap3A_306 : i32 to index
      %swap3A_308 = arith.constant 16 : index
      %swap3A_309 = tpu.vector_load %arg9[%swap3A_307, %swap3A_308] {strides = array<i32>} : memref<4x128xf32, #tpu.memory_space<vmem>>, vector<1x16xf32>,
      %swap3A_310 = vector.shape_cast %swap3A_309 : vector<1x16xf32> to vector<16xf32>
      %swap3A_311 = vector.shape_cast %div3A_305 : vector<16xf32> to vector<1x16xf32>
      tpu.vector_store %arg9[%swap3A_307, %swap3A_308], %swap3A_311 {strides = array<i32>} : memref<4x128xf32, #tpu.memory_space<vmem>>, vector<1x16xf32>,
      %div3A_312 = arith.divf %select_n3A_278, %add3A_297 : vector<16xf32>
      %swap3A_313 = arith.constant 2 : i32
      %swap3A_314 = arith.index_cast %swap3A_313 : i32 to index
      %swap3A_315 = arith.constant 16 : index
      %swap3A_316 = tpu.vector_load %arg9[%swap3A_314, %swap3A_315] {strides = array<i32>} : memref<4x128xf32, #tpu.memory_space<vmem>>, vector<1x16xf32>,
      %swap3A_317 = vector.shape_cast %swap3A_316 : vector<1x16xf32> to vector<16xf32>
      %swap3A_318 = vector.shape_cast %div3A_312 : vector<16xf32> to vector<1x16xf32>
      tpu.vector_store %arg9[%swap3A_314, %swap3A_315], %swap3A_318 {strides = array<i32>} : memref<4x128xf32, #tpu.memory_space<vmem>>, vector<1x16xf32>,
      %div3A_319 = arith.divf %select_n3A_291, %add3A_297 : vector<16xf32>
      %swap3A_320 = arith.constant 3 : i32
      %swap3A_321 = arith.index_cast %swap3A_320 : i32 to index
      %swap3A_322 = arith.constant 16 : index
      %swap3A_323 = tpu.vector_load %arg9[%swap3A_321, %swap3A_322] {strides = array<i32>} : memref<4x128xf32, #tpu.memory_space<vmem>>, vector<1x16xf32>,
      %swap3A_324 = vector.shape_cast %swap3A_323 : vector<1x16xf32> to vector<16xf32>
      %swap3A_325 = vector.shape_cast %div3A_319 : vector<16xf32> to vector<1x16xf32>
      tpu.vector_store %arg9[%swap3A_321, %swap3A_322], %swap3A_325 {strides = array<i32>} : memref<4x128xf32, #tpu.memory_space<vmem>>, vector<1x16xf32>,
      %get3A_326 = arith.constant 0 : i32
      %get3A_327 = arith.index_cast %get3A_326 : i32 to index
      %get3A_328 = arith.constant 32 : index
      %get3A_329 = tpu.vector_load %arg8[%get3A_327, %get3A_328] {strides = array<i32>} : memref<4x128xi32, #tpu.memory_space<vmem>>, vector<1x16xi32>,
      %get3A_330 = vector.shape_cast %get3A_329 : vector<1x16xi32> to vector<16xi32>
      %ne3A_331 = arith.constant 0 : i32
      %ne3A_332 = vector.broadcast %ne3A_331 : i32 to vector<16xi32>
      %ne3A_333 = arith.cmpi ne, %get3A_330, %ne3A_332 : vector<16xi32>
      %jit3A_334 = arith.constant 1.000000e+00 : f32
      %jit3A_335 = arith.constant 0.000000e+00 : f32
      %broadcast_in_dim3A_336 = vector.broadcast %jit3A_334 : f32 to vector<16xf32>
      %broadcast_in_dim3A_337 = vector.broadcast %jit3A_335 : f32 to vector<16xf32>
      %select_n3A_338 = arith.select %ne3A_333, %broadcast_in_dim3A_336, %broadcast_in_dim3A_337 : vector<16xi1>, vector<16xf32>
      %get3A_339 = arith.constant 1 : i32
      %get3A_340 = arith.index_cast %get3A_339 : i32 to index
      %get3A_341 = arith.constant 32 : index
      %get3A_342 = tpu.vector_load %arg8[%get3A_340, %get3A_341] {strides = array<i32>} : memref<4x128xi32, #tpu.memory_space<vmem>>, vector<1x16xi32>,
      %get3A_343 = vector.shape_cast %get3A_342 : vector<1x16xi32> to vector<16xi32>
      %ne3A_344 = arith.constant 0 : i32
      %ne3A_345 = vector.broadcast %ne3A_344 : i32 to vector<16xi32>
      %ne3A_346 = arith.cmpi ne, %get3A_343, %ne3A_345 : vector<16xi32>
      %jit3A_347 = arith.constant 1.000000e+00 : f32
      %jit3A_348 = arith.constant 0.000000e+00 : f32
      %broadcast_in_dim3A_349 = vector.broadcast %jit3A_347 : f32 to vector<16xf32>
      %broadcast_in_dim3A_350 = vector.broadcast %jit3A_348 : f32 to vector<16xf32>
      %select_n3A_351 = arith.select %ne3A_346, %broadcast_in_dim3A_349, %broadcast_in_dim3A_350 : vector<16xi1>, vector<16xf32>
      %get3A_352 = arith.constant 2 : i32
      %get3A_353 = arith.index_cast %get3A_352 : i32 to index
      %get3A_354 = arith.constant 32 : index
      %get3A_355 = tpu.vector_load %arg8[%get3A_353, %get3A_354] {strides = array<i32>} : memref<4x128xi32, #tpu.memory_space<vmem>>, vector<1x16xi32>,
      %get3A_356 = vector.shape_cast %get3A_355 : vector<1x16xi32> to vector<16xi32>
      %ne3A_357 = arith.constant 0 : i32
      %ne3A_358 = vector.broadcast %ne3A_357 : i32 to vector<16xi32>
      %ne3A_359 = arith.cmpi ne, %get3A_356, %ne3A_358 : vector<16xi32>
      %jit3A_360 = arith.constant 1.000000e+00 : f32
      %jit3A_361 = arith.constant 0.000000e+00 : f32
      %broadcast_in_dim3A_362 = vector.broadcast %jit3A_360 : f32 to vector<16xf32>
      %broadcast_in_dim3A_363 = vector.broadcast %jit3A_361 : f32 to vector<16xf32>
      %select_n3A_364 = arith.select %ne3A_359, %broadcast_in_dim3A_362, %broadcast_in_dim3A_363 : vector<16xi1>, vector<16xf32>
      %get3A_365 = arith.constant 3 : i32
      %get3A_366 = arith.index_cast %get3A_365 : i32 to index
      %get3A_367 = arith.constant 32 : index
      %get3A_368 = tpu.vector_load %arg8[%get3A_366, %get3A_367] {strides = array<i32>} : memref<4x128xi32, #tpu.memory_space<vmem>>, vector<1x16xi32>,
      %get3A_369 = vector.shape_cast %get3A_368 : vector<1x16xi32> to vector<16xi32>
      %ne3A_370 = arith.constant 0 : i32
      %ne3A_371 = vector.broadcast %ne3A_370 : i32 to vector<16xi32>
      %ne3A_372 = arith.cmpi ne, %get3A_369, %ne3A_371 : vector<16xi32>
      %jit3A_373 = arith.constant 1.000000e+00 : f32
      %jit3A_374 = arith.constant 0.000000e+00 : f32
      %broadcast_in_dim3A_375 = vector.broadcast %jit3A_373 : f32 to vector<16xf32>
      %broadcast_in_dim3A_376 = vector.broadcast %jit3A_374 : f32 to vector<16xf32>
      %select_n3A_377 = arith.select %ne3A_372, %broadcast_in_dim3A_375, %broadcast_in_dim3A_376 : vector<16xi1>, vector<16xf32>
      %add3A_378 = arith.addf %select_n3A_338, %select_n3A_351 : vector<16xf32>
      %add3A_379 = arith.addf %add3A_378, %select_n3A_364 : vector<16xf32>
      %add3A_380 = arith.addf %add3A_379, %select_n3A_377 : vector<16xf32>
      %add3A_381 = arith.constant 1.000000e-10 : f32
      %add3A_382 = vector.broadcast %add3A_381 : f32 to vector<16xf32>
      %add3A_383 = arith.addf %add3A_380, %add3A_382 : vector<16xf32>
      %div3A_384 = arith.divf %select_n3A_338, %add3A_383 : vector<16xf32>
      %swap3A_385 = arith.constant 0 : i32
      %swap3A_386 = arith.index_cast %swap3A_385 : i32 to index
      %swap3A_387 = arith.constant 32 : index
      %swap3A_388 = tpu.vector_load %arg9[%swap3A_386, %swap3A_387] {strides = array<i32>} : memref<4x128xf32, #tpu.memory_space<vmem>>, vector<1x16xf32>,
      %swap3A_389 = vector.shape_cast %swap3A_388 : vector<1x16xf32> to vector<16xf32>
      %swap3A_390 = vector.shape_cast %div3A_384 : vector<16xf32> to vector<1x16xf32>
      tpu.vector_store %arg9[%swap3A_386, %swap3A_387], %swap3A_390 {strides = array<i32>} : memref<4x128xf32, #tpu.memory_space<vmem>>, vector<1x16xf32>,
      %div3A_391 = arith.divf %select_n3A_351, %add3A_383 : vector<16xf32>
      %swap3A_392 = arith.constant 1 : i32
      %swap3A_393 = arith.index_cast %swap3A_392 : i32 to index
      %swap3A_394 = arith.constant 32 : index
      %swap3A_395 = tpu.vector_load %arg9[%swap3A_393, %swap3A_394] {strides = array<i32>} : memref<4x128xf32, #tpu.memory_space<vmem>>, vector<1x16xf32>,
      %swap3A_396 = vector.shape_cast %swap3A_395 : vector<1x16xf32> to vector<16xf32>
      %swap3A_397 = vector.shape_cast %div3A_391 : vector<16xf32> to vector<1x16xf32>
      tpu.vector_store %arg9[%swap3A_393, %swap3A_394], %swap3A_397 {strides = array<i32>} : memref<4x128xf32, #tpu.memory_space<vmem>>, vector<1x16xf32>,
      %div3A_398 = arith.divf %select_n3A_364, %add3A_383 : vector<16xf32>
      %swap3A_399 = arith.constant 2 : i32
      %swap3A_400 = arith.index_cast %swap3A_399 : i32 to index
      %swap3A_401 = arith.constant 32 : index
      %swap3A_402 = tpu.vector_load %arg9[%swap3A_400, %swap3A_401] {strides = array<i32>} : memref<4x128xf32, #tpu.memory_space<vmem>>, vector<1x16xf32>,
      %swap3A_403 = vector.shape_cast %swap3A_402 : vector<1x16xf32> to vector<16xf32>
      %swap3A_404 = vector.shape_cast %div3A_398 : vector<16xf32> to vector<1x16xf32>
      tpu.vector_store %arg9[%swap3A_400, %swap3A_401], %swap3A_404 {strides = array<i32>} : memref<4x128xf32, #tpu.memory_space<vmem>>, vector<1x16xf32>,
      %div3A_405 = arith.divf %select_n3A_377, %add3A_383 : vector<16xf32>
      %swap3A_406 = arith.constant 3 : i32
      %swap3A_407 = arith.index_cast %swap3A_406 : i32 to index
      %swap3A_408 = arith.constant 32 : index
      %swap3A_409 = tpu.vector_load %arg9[%swap3A_407, %swap3A_408] {strides = array<i32>} : memref<4x128xf32, #tpu.memory_space<vmem>>, vector<1x16xf32>,
      %swap3A_410 = vector.shape_cast %swap3A_409 : vector<1x16xf32> to vector<16xf32>
      %swap3A_411 = vector.shape_cast %div3A_405 : vector<16xf32> to vector<1x16xf32>
      tpu.vector_store %arg9[%swap3A_407, %swap3A_408], %swap3A_411 {strides = array<i32>} : memref<4x128xf32, #tpu.memory_space<vmem>>, vector<1x16xf32>,
      %get3A_412 = arith.constant 0 : i32
      %get3A_413 = arith.index_cast %get3A_412 : i32 to index
      %get3A_414 = arith.constant 48 : index
      %get3A_415 = tpu.vector_load %arg8[%get3A_413, %get3A_414] {strides = array<i32>} : memref<4x128xi32, #tpu.memory_space<vmem>>, vector<1x16xi32>,
      %get3A_416 = vector.shape_cast %get3A_415 : vector<1x16xi32> to vector<16xi32>
      %ne3A_417 = arith.constant 0 : i32
      %ne3A_418 = vector.broadcast %ne3A_417 : i32 to vector<16xi32>
      %ne3A_419 = arith.cmpi ne, %get3A_416, %ne3A_418 : vector<16xi32>
      %jit3A_420 = arith.constant 1.000000e+00 : f32
      %jit3A_421 = arith.constant 0.000000e+00 : f32
      %broadcast_in_dim3A_422 = vector.broadcast %jit3A_420 : f32 to vector<16xf32>
      %broadcast_in_dim3A_423 = vector.broadcast %jit3A_421 : f32 to vector<16xf32>
      %select_n3A_424 = arith.select %ne3A_419, %broadcast_in_dim3A_422, %broadcast_in_dim3A_423 : vector<16xi1>, vector<16xf32>
      %get3A_425 = arith.constant 1 : i32
      %get3A_426 = arith.index_cast %get3A_425 : i32 to index
      %get3A_427 = arith.constant 48 : index
      %get3A_428 = tpu.vector_load %arg8[%get3A_426, %get3A_427] {strides = array<i32>} : memref<4x128xi32, #tpu.memory_space<vmem>>, vector<1x16xi32>,
      %get3A_429 = vector.shape_cast %get3A_428 : vector<1x16xi32> to vector<16xi32>
      %ne3A_430 = arith.constant 0 : i32
      %ne3A_431 = vector.broadcast %ne3A_430 : i32 to vector<16xi32>
      %ne3A_432 = arith.cmpi ne, %get3A_429, %ne3A_431 : vector<16xi32>
      %jit3A_433 = arith.constant 1.000000e+00 : f32
      %jit3A_434 = arith.constant 0.000000e+00 : f32
      %broadcast_in_dim3A_435 = vector.broadcast %jit3A_433 : f32 to vector<16xf32>
      %broadcast_in_dim3A_436 = vector.broadcast %jit3A_434 : f32 to vector<16xf32>
      %select_n3A_437 = arith.select %ne3A_432, %broadcast_in_dim3A_435, %broadcast_in_dim3A_436 : vector<16xi1>, vector<16xf32>
      %get3A_438 = arith.constant 2 : i32
      %get3A_439 = arith.index_cast %get3A_438 : i32 to index
      %get3A_440 = arith.constant 48 : index
      %get3A_441 = tpu.vector_load %arg8[%get3A_439, %get3A_440] {strides = array<i32>} : memref<4x128xi32, #tpu.memory_space<vmem>>, vector<1x16xi32>,
      %get3A_442 = vector.shape_cast %get3A_441 : vector<1x16xi32> to vector<16xi32>
      %ne3A_443 = arith.constant 0 : i32
      %ne3A_444 = vector.broadcast %ne3A_443 : i32 to vector<16xi32>
      %ne3A_445 = arith.cmpi ne, %get3A_442, %ne3A_444 : vector<16xi32>
      %jit3A_446 = arith.constant 1.000000e+00 : f32
      %jit3A_447 = arith.constant 0.000000e+00 : f32
      %broadcast_in_dim3A_448 = vector.broadcast %jit3A_446 : f32 to vector<16xf32>
      %broadcast_in_dim3A_449 = vector.broadcast %jit3A_447 : f32 to vector<16xf32>
      %select_n3A_450 = arith.select %ne3A_445, %broadcast_in_dim3A_448, %broadcast_in_dim3A_449 : vector<16xi1>, vector<16xf32>
      %get3A_451 = arith.constant 3 : i32
      %get3A_452 = arith.index_cast %get3A_451 : i32 to index
      %get3A_453 = arith.constant 48 : index
      %get3A_454 = tpu.vector_load %arg8[%get3A_452, %get3A_453] {strides = array<i32>} : memref<4x128xi32, #tpu.memory_space<vmem>>, vector<1x16xi32>,
      %get3A_455 = vector.shape_cast %get3A_454 : vector<1x16xi32> to vector<16xi32>
      %ne3A_456 = arith.constant 0 : i32
      %ne3A_457 = vector.broadcast %ne3A_456 : i32 to vector<16xi32>
      %ne3A_458 = arith.cmpi ne, %get3A_455, %ne3A_457 : vector<16xi32>
      %jit3A_459 = arith.constant 1.000000e+00 : f32
      %jit3A_460 = arith.constant 0.000000e+00 : f32
      %broadcast_in_dim3A_461 = vector.broadcast %jit3A_459 : f32 to vector<16xf32>
      %broadcast_in_dim3A_462 = vector.broadcast %jit3A_460 : f32 to vector<16xf32>
      %select_n3A_463 = arith.select %ne3A_458, %broadcast_in_dim3A_461, %broadcast_in_dim3A_462 : vector<16xi1>, vector<16xf32>
      %add3A_464 = arith.addf %select_n3A_424, %select_n3A_437 : vector<16xf32>
      %add3A_465 = arith.addf %add3A_464, %select_n3A_450 : vector<16xf32>
      %add3A_466 = arith.addf %add3A_465, %select_n3A_463 : vector<16xf32>
      %add3A_467 = arith.constant 1.000000e-10 : f32
      %add3A_468 = vector.broadcast %add3A_467 : f32 to vector<16xf32>
      %add3A_469 = arith.addf %add3A_466, %add3A_468 : vector<16xf32>
      %div3A_470 = arith.divf %select_n3A_424, %add3A_469 : vector<16xf32>
      %swap3A_471 = arith.constant 0 : i32
      %swap3A_472 = arith.index_cast %swap3A_471 : i32 to index
      %swap3A_473 = arith.constant 48 : index
      %swap3A_474 = tpu.vector_load %arg9[%swap3A_472, %swap3A_473] {strides = array<i32>} : memref<4x128xf32, #tpu.memory_space<vmem>>, vector<1x16xf32>,
      %swap3A_475 = vector.shape_cast %swap3A_474 : vector<1x16xf32> to vector<16xf32>
      %swap3A_476 = vector.shape_cast %div3A_470 : vector<16xf32> to vector<1x16xf32>
      tpu.vector_store %arg9[%swap3A_472, %swap3A_473], %swap3A_476 {strides = array<i32>} : memref<4x128xf32, #tpu.memory_space<vmem>>, vector<1x16xf32>,
      %div3A_477 = arith.divf %select_n3A_437, %add3A_469 : vector<16xf32>
      %swap3A_478 = arith.constant 1 : i32
      %swap3A_479 = arith.index_cast %swap3A_478 : i32 to index
      %swap3A_480 = arith.constant 48 : index
      %swap3A_481 = tpu.vector_load %arg9[%swap3A_479, %swap3A_480] {strides = array<i32>} : memref<4x128xf32, #tpu.memory_space<vmem>>, vector<1x16xf32>,
      %swap3A_482 = vector.shape_cast %swap3A_481 : vector<1x16xf32> to vector<16xf32>
      %swap3A_483 = vector.shape_cast %div3A_477 : vector<16xf32> to vector<1x16xf32>
      tpu.vector_store %arg9[%swap3A_479, %swap3A_480], %swap3A_483 {strides = array<i32>} : memref<4x128xf32, #tpu.memory_space<vmem>>, vector<1x16xf32>,
      %div3A_484 = arith.divf %select_n3A_450, %add3A_469 : vector<16xf32>
      %swap3A_485 = arith.constant 2 : i32
      %swap3A_486 = arith.index_cast %swap3A_485 : i32 to index
      %swap3A_487 = arith.constant 48 : index
      %swap3A_488 = tpu.vector_load %arg9[%swap3A_486, %swap3A_487] {strides = array<i32>} : memref<4x128xf32, #tpu.memory_space<vmem>>, vector<1x16xf32>,
      %swap3A_489 = vector.shape_cast %swap3A_488 : vector<1x16xf32> to vector<16xf32>
      %swap3A_490 = vector.shape_cast %div3A_484 : vector<16xf32> to vector<1x16xf32>
      tpu.vector_store %arg9[%swap3A_486, %swap3A_487], %swap3A_490 {strides = array<i32>} : memref<4x128xf32, #tpu.memory_space<vmem>>, vector<1x16xf32>,
      %div3A_491 = arith.divf %select_n3A_463, %add3A_469 : vector<16xf32>
      %swap3A_492 = arith.constant 3 : i32
      %swap3A_493 = arith.index_cast %swap3A_492 : i32 to index
      %swap3A_494 = arith.constant 48 : index
      %swap3A_495 = tpu.vector_load %arg9[%swap3A_493, %swap3A_494] {strides = array<i32>} : memref<4x128xf32, #tpu.memory_space<vmem>>, vector<1x16xf32>,
      %swap3A_496 = vector.shape_cast %swap3A_495 : vector<1x16xf32> to vector<16xf32>
      %swap3A_497 = vector.shape_cast %div3A_491 : vector<16xf32> to vector<1x16xf32>
      tpu.vector_store %arg9[%swap3A_493, %swap3A_494], %swap3A_497 {strides = array<i32>} : memref<4x128xf32, #tpu.memory_space<vmem>>, vector<1x16xf32>,
      %get3A_498 = arith.constant 0 : i32
      %get3A_499 = arith.index_cast %get3A_498 : i32 to index
      %get3A_500 = arith.constant 64 : index
      %get3A_501 = tpu.vector_load %arg8[%get3A_499, %get3A_500] {strides = array<i32>} : memref<4x128xi32, #tpu.memory_space<vmem>>, vector<1x16xi32>,
      %get3A_502 = vector.shape_cast %get3A_501 : vector<1x16xi32> to vector<16xi32>
      %ne3A_503 = arith.constant 0 : i32
      %ne3A_504 = vector.broadcast %ne3A_503 : i32 to vector<16xi32>
      %ne3A_505 = arith.cmpi ne, %get3A_502, %ne3A_504 : vector<16xi32>
      %jit3A_506 = arith.constant 1.000000e+00 : f32
      %jit3A_507 = arith.constant 0.000000e+00 : f32
      %broadcast_in_dim3A_508 = vector.broadcast %jit3A_506 : f32 to vector<16xf32>
      %broadcast_in_dim3A_509 = vector.broadcast %jit3A_507 : f32 to vector<16xf32>
      %select_n3A_510 = arith.select %ne3A_505, %broadcast_in_dim3A_508, %broadcast_in_dim3A_509 : vector<16xi1>, vector<16xf32>
      %get3A_511 = arith.constant 1 : i32
      %get3A_512 = arith.index_cast %get3A_511 : i32 to index
      %get3A_513 = arith.constant 64 : index
      %get3A_514 = tpu.vector_load %arg8[%get3A_512, %get3A_513] {strides = array<i32>} : memref<4x128xi32, #tpu.memory_space<vmem>>, vector<1x16xi32>,
      %get3A_515 = vector.shape_cast %get3A_514 : vector<1x16xi32> to vector<16xi32>
      %ne3A_516 = arith.constant 0 : i32
      %ne3A_517 = vector.broadcast %ne3A_516 : i32 to vector<16xi32>
      %ne3A_518 = arith.cmpi ne, %get3A_515, %ne3A_517 : vector<16xi32>
      %jit3A_519 = arith.constant 1.000000e+00 : f32
      %jit3A_520 = arith.constant 0.000000e+00 : f32
      %broadcast_in_dim3A_521 = vector.broadcast %jit3A_519 : f32 to vector<16xf32>
      %broadcast_in_dim3A_522 = vector.broadcast %jit3A_520 : f32 to vector<16xf32>
      %select_n3A_523 = arith.select %ne3A_518, %broadcast_in_dim3A_521, %broadcast_in_dim3A_522 : vector<16xi1>, vector<16xf32>
      %get3A_524 = arith.constant 2 : i32
      %get3A_525 = arith.index_cast %get3A_524 : i32 to index
      %get3A_526 = arith.constant 64 : index
      %get3A_527 = tpu.vector_load %arg8[%get3A_525, %get3A_526] {strides = array<i32>} : memref<4x128xi32, #tpu.memory_space<vmem>>, vector<1x16xi32>,
      %get3A_528 = vector.shape_cast %get3A_527 : vector<1x16xi32> to vector<16xi32>
      %ne3A_529 = arith.constant 0 : i32
      %ne3A_530 = vector.broadcast %ne3A_529 : i32 to vector<16xi32>
      %ne3A_531 = arith.cmpi ne, %get3A_528, %ne3A_530 : vector<16xi32>
      %jit3A_532 = arith.constant 1.000000e+00 : f32
      %jit3A_533 = arith.constant 0.000000e+00 : f32
      %broadcast_in_dim3A_534 = vector.broadcast %jit3A_532 : f32 to vector<16xf32>
      %broadcast_in_dim3A_535 = vector.broadcast %jit3A_533 : f32 to vector<16xf32>
      %select_n3A_536 = arith.select %ne3A_531, %broadcast_in_dim3A_534, %broadcast_in_dim3A_535 : vector<16xi1>, vector<16xf32>
      %get3A_537 = arith.constant 3 : i32
      %get3A_538 = arith.index_cast %get3A_537 : i32 to index
      %get3A_539 = arith.constant 64 : index
      %get3A_540 = tpu.vector_load %arg8[%get3A_538, %get3A_539] {strides = array<i32>} : memref<4x128xi32, #tpu.memory_space<vmem>>, vector<1x16xi32>,
      %get3A_541 = vector.shape_cast %get3A_540 : vector<1x16xi32> to vector<16xi32>
      %ne3A_542 = arith.constant 0 : i32
      %ne3A_543 = vector.broadcast %ne3A_542 : i32 to vector<16xi32>
      %ne3A_544 = arith.cmpi ne, %get3A_541, %ne3A_543 : vector<16xi32>
      %jit3A_545 = arith.constant 1.000000e+00 : f32
      %jit3A_546 = arith.constant 0.000000e+00 : f32
      %broadcast_in_dim3A_547 = vector.broadcast %jit3A_545 : f32 to vector<16xf32>
      %broadcast_in_dim3A_548 = vector.broadcast %jit3A_546 : f32 to vector<16xf32>
      %select_n3A_549 = arith.select %ne3A_544, %broadcast_in_dim3A_547, %broadcast_in_dim3A_548 : vector<16xi1>, vector<16xf32>
      %add3A_550 = arith.addf %select_n3A_510, %select_n3A_523 : vector<16xf32>
      %add3A_551 = arith.addf %add3A_550, %select_n3A_536 : vector<16xf32>
      %add3A_552 = arith.addf %add3A_551, %select_n3A_549 : vector<16xf32>
      %add3A_553 = arith.constant 1.000000e-10 : f32
      %add3A_554 = vector.broadcast %add3A_553 : f32 to vector<16xf32>
      %add3A_555 = arith.addf %add3A_552, %add3A_554 : vector<16xf32>
      %div3A_556 = arith.divf %select_n3A_510, %add3A_555 : vector<16xf32>
      %swap3A_557 = arith.constant 0 : i32
      %swap3A_558 = arith.index_cast %swap3A_557 : i32 to index
      %swap3A_559 = arith.constant 64 : index
      %swap3A_560 = tpu.vector_load %arg9[%swap3A_558, %swap3A_559] {strides = array<i32>} : memref<4x128xf32, #tpu.memory_space<vmem>>, vector<1x16xf32>,
      %swap3A_561 = vector.shape_cast %swap3A_560 : vector<1x16xf32> to vector<16xf32>
      %swap3A_562 = vector.shape_cast %div3A_556 : vector<16xf32> to vector<1x16xf32>
      tpu.vector_store %arg9[%swap3A_558, %swap3A_559], %swap3A_562 {strides = array<i32>} : memref<4x128xf32, #tpu.memory_space<vmem>>, vector<1x16xf32>,
      %div3A_563 = arith.divf %select_n3A_523, %add3A_555 : vector<16xf32>
      %swap3A_564 = arith.constant 1 : i32
      %swap3A_565 = arith.index_cast %swap3A_564 : i32 to index
      %swap3A_566 = arith.constant 64 : index
      %swap3A_567 = tpu.vector_load %arg9[%swap3A_565, %swap3A_566] {strides = array<i32>} : memref<4x128xf32, #tpu.memory_space<vmem>>, vector<1x16xf32>,
      %swap3A_568 = vector.shape_cast %swap3A_567 : vector<1x16xf32> to vector<16xf32>
      %swap3A_569 = vector.shape_cast %div3A_563 : vector<16xf32> to vector<1x16xf32>
      tpu.vector_store %arg9[%swap3A_565, %swap3A_566], %swap3A_569 {strides = array<i32>} : memref<4x128xf32, #tpu.memory_space<vmem>>, vector<1x16xf32>,
      %div3A_570 = arith.divf %select_n3A_536, %add3A_555 : vector<16xf32>
      %swap3A_571 = arith.constant 2 : i32
      %swap3A_572 = arith.index_cast %swap3A_571 : i32 to index
      %swap3A_573 = arith.constant 64 : index
      %swap3A_574 = tpu.vector_load %arg9[%swap3A_572, %swap3A_573] {strides = array<i32>} : memref<4x128xf32, #tpu.memory_space<vmem>>, vector<1x16xf32>,
      %swap3A_575 = vector.shape_cast %swap3A_574 : vector<1x16xf32> to vector<16xf32>
      %swap3A_576 = vector.shape_cast %div3A_570 : vector<16xf32> to vector<1x16xf32>
      tpu.vector_store %arg9[%swap3A_572, %swap3A_573], %swap3A_576 {strides = array<i32>} : memref<4x128xf32, #tpu.memory_space<vmem>>, vector<1x16xf32>,
      %div3A_577 = arith.divf %select_n3A_549, %add3A_555 : vector<16xf32>
      %swap3A_578 = arith.constant 3 : i32
      %swap3A_579 = arith.index_cast %swap3A_578 : i32 to index
      %swap3A_580 = arith.constant 64 : index
      %swap3A_581 = tpu.vector_load %arg9[%swap3A_579, %swap3A_580] {strides = array<i32>} : memref<4x128xf32, #tpu.memory_space<vmem>>, vector<1x16xf32>,
      %swap3A_582 = vector.shape_cast %swap3A_581 : vector<1x16xf32> to vector<16xf32>
      %swap3A_583 = vector.shape_cast %div3A_577 : vector<16xf32> to vector<1x16xf32>
      tpu.vector_store %arg9[%swap3A_579, %swap3A_580], %swap3A_583 {strides = array<i32>} : memref<4x128xf32, #tpu.memory_space<vmem>>, vector<1x16xf32>,
      %get3A_584 = arith.constant 0 : i32
      %get3A_585 = arith.index_cast %get3A_584 : i32 to index
      %get3A_586 = arith.constant 80 : index
      %get3A_587 = tpu.vector_load %arg8[%get3A_585, %get3A_586] {strides = array<i32>} : memref<4x128xi32, #tpu.memory_space<vmem>>, vector<1x16xi32>,
      %get3A_588 = vector.shape_cast %get3A_587 : vector<1x16xi32> to vector<16xi32>
      %ne3A_589 = arith.constant 0 : i32
      %ne3A_590 = vector.broadcast %ne3A_589 : i32 to vector<16xi32>
      %ne3A_591 = arith.cmpi ne, %get3A_588, %ne3A_590 : vector<16xi32>
      %jit3A_592 = arith.constant 1.000000e+00 : f32
      %jit3A_593 = arith.constant 0.000000e+00 : f32
      %broadcast_in_dim3A_594 = vector.broadcast %jit3A_592 : f32 to vector<16xf32>
      %broadcast_in_dim3A_595 = vector.broadcast %jit3A_593 : f32 to vector<16xf32>
      %select_n3A_596 = arith.select %ne3A_591, %broadcast_in_dim3A_594, %broadcast_in_dim3A_595 : vector<16xi1>, vector<16xf32>
      %get3A_597 = arith.constant 1 : i32
      %get3A_598 = arith.index_cast %get3A_597 : i32 to index
      %get3A_599 = arith.constant 80 : index
      %get3A_600 = tpu.vector_load %arg8[%get3A_598, %get3A_599] {strides = array<i32>} : memref<4x128xi32, #tpu.memory_space<vmem>>, vector<1x16xi32>,
      %get3A_601 = vector.shape_cast %get3A_600 : vector<1x16xi32> to vector<16xi32>
      %ne3A_602 = arith.constant 0 : i32
      %ne3A_603 = vector.broadcast %ne3A_602 : i32 to vector<16xi32>
      %ne3A_604 = arith.cmpi ne, %get3A_601, %ne3A_603 : vector<16xi32>
      %jit3A_605 = arith.constant 1.000000e+00 : f32
      %jit3A_606 = arith.constant 0.000000e+00 : f32
      %broadcast_in_dim3A_607 = vector.broadcast %jit3A_605 : f32 to vector<16xf32>
      %broadcast_in_dim3A_608 = vector.broadcast %jit3A_606 : f32 to vector<16xf32>
      %select_n3A_609 = arith.select %ne3A_604, %broadcast_in_dim3A_607, %broadcast_in_dim3A_608 : vector<16xi1>, vector<16xf32>
      %get3A_610 = arith.constant 2 : i32
      %get3A_611 = arith.index_cast %get3A_610 : i32 to index
      %get3A_612 = arith.constant 80 : index
      %get3A_613 = tpu.vector_load %arg8[%get3A_611, %get3A_612] {strides = array<i32>} : memref<4x128xi32, #tpu.memory_space<vmem>>, vector<1x16xi32>,
      %get3A_614 = vector.shape_cast %get3A_613 : vector<1x16xi32> to vector<16xi32>
      %ne3A_615 = arith.constant 0 : i32
      %ne3A_616 = vector.broadcast %ne3A_615 : i32 to vector<16xi32>
      %ne3A_617 = arith.cmpi ne, %get3A_614, %ne3A_616 : vector<16xi32>
      %jit3A_618 = arith.constant 1.000000e+00 : f32
      %jit3A_619 = arith.constant 0.000000e+00 : f32
      %broadcast_in_dim3A_620 = vector.broadcast %jit3A_618 : f32 to vector<16xf32>
      %broadcast_in_dim3A_621 = vector.broadcast %jit3A_619 : f32 to vector<16xf32>
      %select_n3A_622 = arith.select %ne3A_617, %broadcast_in_dim3A_620, %broadcast_in_dim3A_621 : vector<16xi1>, vector<16xf32>
      %get3A_623 = arith.constant 3 : i32
      %get3A_624 = arith.index_cast %get3A_623 : i32 to index
      %get3A_625 = arith.constant 80 : index
      %get3A_626 = tpu.vector_load %arg8[%get3A_624, %get3A_625] {strides = array<i32>} : memref<4x128xi32, #tpu.memory_space<vmem>>, vector<1x16xi32>,
      %get3A_627 = vector.shape_cast %get3A_626 : vector<1x16xi32> to vector<16xi32>
      %ne3A_628 = arith.constant 0 : i32
      %ne3A_629 = vector.broadcast %ne3A_628 : i32 to vector<16xi32>
      %ne3A_630 = arith.cmpi ne, %get3A_627, %ne3A_629 : vector<16xi32>
      %jit3A_631 = arith.constant 1.000000e+00 : f32
      %jit3A_632 = arith.constant 0.000000e+00 : f32
      %broadcast_in_dim3A_633 = vector.broadcast %jit3A_631 : f32 to vector<16xf32>
      %broadcast_in_dim3A_634 = vector.broadcast %jit3A_632 : f32 to vector<16xf32>
      %select_n3A_635 = arith.select %ne3A_630, %broadcast_in_dim3A_633, %broadcast_in_dim3A_634 : vector<16xi1>, vector<16xf32>
      %add3A_636 = arith.addf %select_n3A_596, %select_n3A_609 : vector<16xf32>
      %add3A_637 = arith.addf %add3A_636, %select_n3A_622 : vector<16xf32>
      %add3A_638 = arith.addf %add3A_637, %select_n3A_635 : vector<16xf32>
      %add3A_639 = arith.constant 1.000000e-10 : f32
      %add3A_640 = vector.broadcast %add3A_639 : f32 to vector<16xf32>
      %add3A_641 = arith.addf %add3A_638, %add3A_640 : vector<16xf32>
      %div3A_642 = arith.divf %select_n3A_596, %add3A_641 : vector<16xf32>
      %swap3A_643 = arith.constant 0 : i32
      %swap3A_644 = arith.index_cast %swap3A_643 : i32 to index
      %swap3A_645 = arith.constant 80 : index
      %swap3A_646 = tpu.vector_load %arg9[%swap3A_644, %swap3A_645] {strides = array<i32>} : memref<4x128xf32, #tpu.memory_space<vmem>>, vector<1x16xf32>,
      %swap3A_647 = vector.shape_cast %swap3A_646 : vector<1x16xf32> to vector<16xf32>
      %swap3A_648 = vector.shape_cast %div3A_642 : vector<16xf32> to vector<1x16xf32>
      tpu.vector_store %arg9[%swap3A_644, %swap3A_645], %swap3A_648 {strides = array<i32>} : memref<4x128xf32, #tpu.memory_space<vmem>>, vector<1x16xf32>,
      %div3A_649 = arith.divf %select_n3A_609, %add3A_641 : vector<16xf32>
      %swap3A_650 = arith.constant 1 : i32
      %swap3A_651 = arith.index_cast %swap3A_650 : i32 to index
      %swap3A_652 = arith.constant 80 : index
      %swap3A_653 = tpu.vector_load %arg9[%swap3A_651, %swap3A_652] {strides = array<i32>} : memref<4x128xf32, #tpu.memory_space<vmem>>, vector<1x16xf32>,
      %swap3A_654 = vector.shape_cast %swap3A_653 : vector<1x16xf32> to vector<16xf32>
      %swap3A_655 = vector.shape_cast %div3A_649 : vector<16xf32> to vector<1x16xf32>
      tpu.vector_store %arg9[%swap3A_651, %swap3A_652], %swap3A_655 {strides = array<i32>} : memref<4x128xf32, #tpu.memory_space<vmem>>, vector<1x16xf32>,
      %div3A_656 = arith.divf %select_n3A_622, %add3A_641 : vector<16xf32>
      %swap3A_657 = arith.constant 2 : i32
      %swap3A_658 = arith.index_cast %swap3A_657 : i32 to index
      %swap3A_659 = arith.constant 80 : index
      %swap3A_660 = tpu.vector_load %arg9[%swap3A_658, %swap3A_659] {strides = array<i32>} : memref<4x128xf32, #tpu.memory_space<vmem>>, vector<1x16xf32>,
      %swap3A_661 = vector.shape_cast %swap3A_660 : vector<1x16xf32> to vector<16xf32>
      %swap3A_662 = vector.shape_cast %div3A_656 : vector<16xf32> to vector<1x16xf32>
      tpu.vector_store %arg9[%swap3A_658, %swap3A_659], %swap3A_662 {strides = array<i32>} : memref<4x128xf32, #tpu.memory_space<vmem>>, vector<1x16xf32>,
      %div3A_663 = arith.divf %select_n3A_635, %add3A_641 : vector<16xf32>
      %swap3A_664 = arith.constant 3 : i32
      %swap3A_665 = arith.index_cast %swap3A_664 : i32 to index
      %swap3A_666 = arith.constant 80 : index
      %swap3A_667 = tpu.vector_load %arg9[%swap3A_665, %swap3A_666] {strides = array<i32>} : memref<4x128xf32, #tpu.memory_space<vmem>>, vector<1x16xf32>,
      %swap3A_668 = vector.shape_cast %swap3A_667 : vector<1x16xf32> to vector<16xf32>
      %swap3A_669 = vector.shape_cast %div3A_663 : vector<16xf32> to vector<1x16xf32>
      tpu.vector_store %arg9[%swap3A_665, %swap3A_666], %swap3A_669 {strides = array<i32>} : memref<4x128xf32, #tpu.memory_space<vmem>>, vector<1x16xf32>,
      %get3A_670 = arith.constant 0 : i32
      %get3A_671 = arith.index_cast %get3A_670 : i32 to index
      %get3A_672 = arith.constant 96 : index
      %get3A_673 = tpu.vector_load %arg8[%get3A_671, %get3A_672] {strides = array<i32>} : memref<4x128xi32, #tpu.memory_space<vmem>>, vector<1x16xi32>,
      %get3A_674 = vector.shape_cast %get3A_673 : vector<1x16xi32> to vector<16xi32>
      %ne3A_675 = arith.constant 0 : i32
      %ne3A_676 = vector.broadcast %ne3A_675 : i32 to vector<16xi32>
      %ne3A_677 = arith.cmpi ne, %get3A_674, %ne3A_676 : vector<16xi32>
      %jit3A_678 = arith.constant 1.000000e+00 : f32
      %jit3A_679 = arith.constant 0.000000e+00 : f32
      %broadcast_in_dim3A_680 = vector.broadcast %jit3A_678 : f32 to vector<16xf32>
      %broadcast_in_dim3A_681 = vector.broadcast %jit3A_679 : f32 to vector<16xf32>
      %select_n3A_682 = arith.select %ne3A_677, %broadcast_in_dim3A_680, %broadcast_in_dim3A_681 : vector<16xi1>, vector<16xf32>
      %get3A_683 = arith.constant 1 : i32
      %get3A_684 = arith.index_cast %get3A_683 : i32 to index
      %get3A_685 = arith.constant 96 : index
      %get3A_686 = tpu.vector_load %arg8[%get3A_684, %get3A_685] {strides = array<i32>} : memref<4x128xi32, #tpu.memory_space<vmem>>, vector<1x16xi32>,
      %get3A_687 = vector.shape_cast %get3A_686 : vector<1x16xi32> to vector<16xi32>
      %ne3A_688 = arith.constant 0 : i32
      %ne3A_689 = vector.broadcast %ne3A_688 : i32 to vector<16xi32>
      %ne3A_690 = arith.cmpi ne, %get3A_687, %ne3A_689 : vector<16xi32>
      %jit3A_691 = arith.constant 1.000000e+00 : f32
      %jit3A_692 = arith.constant 0.000000e+00 : f32
      %broadcast_in_dim3A_693 = vector.broadcast %jit3A_691 : f32 to vector<16xf32>
      %broadcast_in_dim3A_694 = vector.broadcast %jit3A_692 : f32 to vector<16xf32>
      %select_n3A_695 = arith.select %ne3A_690, %broadcast_in_dim3A_693, %broadcast_in_dim3A_694 : vector<16xi1>, vector<16xf32>
      %get3A_696 = arith.constant 2 : i32
      %get3A_697 = arith.index_cast %get3A_696 : i32 to index
      %get3A_698 = arith.constant 96 : index
      %get3A_699 = tpu.vector_load %arg8[%get3A_697, %get3A_698] {strides = array<i32>} : memref<4x128xi32, #tpu.memory_space<vmem>>, vector<1x16xi32>,
      %get3A_700 = vector.shape_cast %get3A_699 : vector<1x16xi32> to vector<16xi32>
      %ne3A_701 = arith.constant 0 : i32
      %ne3A_702 = vector.broadcast %ne3A_701 : i32 to vector<16xi32>
      %ne3A_703 = arith.cmpi ne, %get3A_700, %ne3A_702 : vector<16xi32>
      %jit3A_704 = arith.constant 1.000000e+00 : f32
      %jit3A_705 = arith.constant 0.000000e+00 : f32
      %broadcast_in_dim3A_706 = vector.broadcast %jit3A_704 : f32 to vector<16xf32>
      %broadcast_in_dim3A_707 = vector.broadcast %jit3A_705 : f32 to vector<16xf32>
      %select_n3A_708 = arith.select %ne3A_703, %broadcast_in_dim3A_706, %broadcast_in_dim3A_707 : vector<16xi1>, vector<16xf32>
      %get3A_709 = arith.constant 3 : i32
      %get3A_710 = arith.index_cast %get3A_709 : i32 to index
      %get3A_711 = arith.constant 96 : index
      %get3A_712 = tpu.vector_load %arg8[%get3A_710, %get3A_711] {strides = array<i32>} : memref<4x128xi32, #tpu.memory_space<vmem>>, vector<1x16xi32>,
      %get3A_713 = vector.shape_cast %get3A_712 : vector<1x16xi32> to vector<16xi32>
      %ne3A_714 = arith.constant 0 : i32
      %ne3A_715 = vector.broadcast %ne3A_714 : i32 to vector<16xi32>
      %ne3A_716 = arith.cmpi ne, %get3A_713, %ne3A_715 : vector<16xi32>
      %jit3A_717 = arith.constant 1.000000e+00 : f32
      %jit3A_718 = arith.constant 0.000000e+00 : f32
      %broadcast_in_dim3A_719 = vector.broadcast %jit3A_717 : f32 to vector<16xf32>
      %broadcast_in_dim3A_720 = vector.broadcast %jit3A_718 : f32 to vector<16xf32>
      %select_n3A_721 = arith.select %ne3A_716, %broadcast_in_dim3A_719, %broadcast_in_dim3A_720 : vector<16xi1>, vector<16xf32>
      %add3A_722 = arith.addf %select_n3A_682, %select_n3A_695 : vector<16xf32>
      %add3A_723 = arith.addf %add3A_722, %select_n3A_708 : vector<16xf32>
      %add3A_724 = arith.addf %add3A_723, %select_n3A_721 : vector<16xf32>
      %add3A_725 = arith.constant 1.000000e-10 : f32
      %add3A_726 = vector.broadcast %add3A_725 : f32 to vector<16xf32>
      %add3A_727 = arith.addf %add3A_724, %add3A_726 : vector<16xf32>
      %div3A_728 = arith.divf %select_n3A_682, %add3A_727 : vector<16xf32>
      %swap3A_729 = arith.constant 0 : i32
      %swap3A_730 = arith.index_cast %swap3A_729 : i32 to index
      %swap3A_731 = arith.constant 96 : index
      %swap3A_732 = tpu.vector_load %arg9[%swap3A_730, %swap3A_731] {strides = array<i32>} : memref<4x128xf32, #tpu.memory_space<vmem>>, vector<1x16xf32>,
      %swap3A_733 = vector.shape_cast %swap3A_732 : vector<1x16xf32> to vector<16xf32>
      %swap3A_734 = vector.shape_cast %div3A_728 : vector<16xf32> to vector<1x16xf32>
      tpu.vector_store %arg9[%swap3A_730, %swap3A_731], %swap3A_734 {strides = array<i32>} : memref<4x128xf32, #tpu.memory_space<vmem>>, vector<1x16xf32>,
      %div3A_735 = arith.divf %select_n3A_695, %add3A_727 : vector<16xf32>
      %swap3A_736 = arith.constant 1 : i32
      %swap3A_737 = arith.index_cast %swap3A_736 : i32 to index
      %swap3A_738 = arith.constant 96 : index
      %swap3A_739 = tpu.vector_load %arg9[%swap3A_737, %swap3A_738] {strides = array<i32>} : memref<4x128xf32, #tpu.memory_space<vmem>>, vector<1x16xf32>,
      %swap3A_740 = vector.shape_cast %swap3A_739 : vector<1x16xf32> to vector<16xf32>
      %swap3A_741 = vector.shape_cast %div3A_735 : vector<16xf32> to vector<1x16xf32>
      tpu.vector_store %arg9[%swap3A_737, %swap3A_738], %swap3A_741 {strides = array<i32>} : memref<4x128xf32, #tpu.memory_space<vmem>>, vector<1x16xf32>,
      %div3A_742 = arith.divf %select_n3A_708, %add3A_727 : vector<16xf32>
      %swap3A_743 = arith.constant 2 : i32
      %swap3A_744 = arith.index_cast %swap3A_743 : i32 to index
      %swap3A_745 = arith.constant 96 : index
      %swap3A_746 = tpu.vector_load %arg9[%swap3A_744, %swap3A_745] {strides = array<i32>} : memref<4x128xf32, #tpu.memory_space<vmem>>, vector<1x16xf32>,
      %swap3A_747 = vector.shape_cast %swap3A_746 : vector<1x16xf32> to vector<16xf32>
      %swap3A_748 = vector.shape_cast %div3A_742 : vector<16xf32> to vector<1x16xf32>
      tpu.vector_store %arg9[%swap3A_744, %swap3A_745], %swap3A_748 {strides = array<i32>} : memref<4x128xf32, #tpu.memory_space<vmem>>, vector<1x16xf32>,
      %div3A_749 = arith.divf %select_n3A_721, %add3A_727 : vector<16xf32>
      %swap3A_750 = arith.constant 3 : i32
      %swap3A_751 = arith.index_cast %swap3A_750 : i32 to index
      %swap3A_752 = arith.constant 96 : index
      %swap3A_753 = tpu.vector_load %arg9[%swap3A_751, %swap3A_752] {strides = array<i32>} : memref<4x128xf32, #tpu.memory_space<vmem>>, vector<1x16xf32>,
      %swap3A_754 = vector.shape_cast %swap3A_753 : vector<1x16xf32> to vector<16xf32>
      %swap3A_755 = vector.shape_cast %div3A_749 : vector<16xf32> to vector<1x16xf32>
      tpu.vector_store %arg9[%swap3A_751, %swap3A_752], %swap3A_755 {strides = array<i32>} : memref<4x128xf32, #tpu.memory_space<vmem>>, vector<1x16xf32>,
      %get3A_756 = arith.constant 0 : i32
      %get3A_757 = arith.index_cast %get3A_756 : i32 to index
      %get3A_758 = arith.constant 112 : index
      %get3A_759 = tpu.vector_load %arg8[%get3A_757, %get3A_758] {strides = array<i32>} : memref<4x128xi32, #tpu.memory_space<vmem>>, vector<1x16xi32>,
      %get3A_760 = vector.shape_cast %get3A_759 : vector<1x16xi32> to vector<16xi32>
      %ne3A_761 = arith.constant 0 : i32
      %ne3A_762 = vector.broadcast %ne3A_761 : i32 to vector<16xi32>
      %ne3A_763 = arith.cmpi ne, %get3A_760, %ne3A_762 : vector<16xi32>
      %jit3A_764 = arith.constant 1.000000e+00 : f32
      %jit3A_765 = arith.constant 0.000000e+00 : f32
      %broadcast_in_dim3A_766 = vector.broadcast %jit3A_764 : f32 to vector<16xf32>
      %broadcast_in_dim3A_767 = vector.broadcast %jit3A_765 : f32 to vector<16xf32>
      %select_n3A_768 = arith.select %ne3A_763, %broadcast_in_dim3A_766, %broadcast_in_dim3A_767 : vector<16xi1>, vector<16xf32>
      %get3A_769 = arith.constant 1 : i32
      %get3A_770 = arith.index_cast %get3A_769 : i32 to index
      %get3A_771 = arith.constant 112 : index
      %get3A_772 = tpu.vector_load %arg8[%get3A_770, %get3A_771] {strides = array<i32>} : memref<4x128xi32, #tpu.memory_space<vmem>>, vector<1x16xi32>,
      %get3A_773 = vector.shape_cast %get3A_772 : vector<1x16xi32> to vector<16xi32>
      %ne3A_774 = arith.constant 0 : i32
      %ne3A_775 = vector.broadcast %ne3A_774 : i32 to vector<16xi32>
      %ne3A_776 = arith.cmpi ne, %get3A_773, %ne3A_775 : vector<16xi32>
      %jit3A_777 = arith.constant 1.000000e+00 : f32
      %jit3A_778 = arith.constant 0.000000e+00 : f32
      %broadcast_in_dim3A_779 = vector.broadcast %jit3A_777 : f32 to vector<16xf32>
      %broadcast_in_dim3A_780 = vector.broadcast %jit3A_778 : f32 to vector<16xf32>
      %select_n3A_781 = arith.select %ne3A_776, %broadcast_in_dim3A_779, %broadcast_in_dim3A_780 : vector<16xi1>, vector<16xf32>
      %get3A_782 = arith.constant 2 : i32
      %get3A_783 = arith.index_cast %get3A_782 : i32 to index
      %get3A_784 = arith.constant 112 : index
      %get3A_785 = tpu.vector_load %arg8[%get3A_783, %get3A_784] {strides = array<i32>} : memref<4x128xi32, #tpu.memory_space<vmem>>, vector<1x16xi32>,
      %get3A_786 = vector.shape_cast %get3A_785 : vector<1x16xi32> to vector<16xi32>
      %ne3A_787 = arith.constant 0 : i32
      %ne3A_788 = vector.broadcast %ne3A_787 : i32 to vector<16xi32>
      %ne3A_789 = arith.cmpi ne, %get3A_786, %ne3A_788 : vector<16xi32>
      %jit3A_790 = arith.constant 1.000000e+00 : f32
      %jit3A_791 = arith.constant 0.000000e+00 : f32
      %broadcast_in_dim3A_792 = vector.broadcast %jit3A_790 : f32 to vector<16xf32>
      %broadcast_in_dim3A_793 = vector.broadcast %jit3A_791 : f32 to vector<16xf32>
      %select_n3A_794 = arith.select %ne3A_789, %broadcast_in_dim3A_792, %broadcast_in_dim3A_793 : vector<16xi1>, vector<16xf32>
      %get3A_795 = arith.constant 3 : i32
      %get3A_796 = arith.index_cast %get3A_795 : i32 to index
      %get3A_797 = arith.constant 112 : index
      %get3A_798 = tpu.vector_load %arg8[%get3A_796, %get3A_797] {strides = array<i32>} : memref<4x128xi32, #tpu.memory_space<vmem>>, vector<1x16xi32>,
      %get3A_799 = vector.shape_cast %get3A_798 : vector<1x16xi32> to vector<16xi32>
      %ne3A_800 = arith.constant 0 : i32
      %ne3A_801 = vector.broadcast %ne3A_800 : i32 to vector<16xi32>
      %ne3A_802 = arith.cmpi ne, %get3A_799, %ne3A_801 : vector<16xi32>
      %jit3A_803 = arith.constant 1.000000e+00 : f32
      %jit3A_804 = arith.constant 0.000000e+00 : f32
      %broadcast_in_dim3A_805 = vector.broadcast %jit3A_803 : f32 to vector<16xf32>
      %broadcast_in_dim3A_806 = vector.broadcast %jit3A_804 : f32 to vector<16xf32>
      %select_n3A_807 = arith.select %ne3A_802, %broadcast_in_dim3A_805, %broadcast_in_dim3A_806 : vector<16xi1>, vector<16xf32>
      %add3A_808 = arith.addf %select_n3A_768, %select_n3A_781 : vector<16xf32>
      %add3A_809 = arith.addf %add3A_808, %select_n3A_794 : vector<16xf32>
      %add3A_810 = arith.addf %add3A_809, %select_n3A_807 : vector<16xf32>
      %add3A_811 = arith.constant 1.000000e-10 : f32
      %add3A_812 = vector.broadcast %add3A_811 : f32 to vector<16xf32>
      %add3A_813 = arith.addf %add3A_810, %add3A_812 : vector<16xf32>
      %div3A_814 = arith.divf %select_n3A_768, %add3A_813 : vector<16xf32>
      %swap3A_815 = arith.constant 0 : i32
      %swap3A_816 = arith.index_cast %swap3A_815 : i32 to index
      %swap3A_817 = arith.constant 112 : index
      %swap3A_818 = tpu.vector_load %arg9[%swap3A_816, %swap3A_817] {strides = array<i32>} : memref<4x128xf32, #tpu.memory_space<vmem>>, vector<1x16xf32>,
      %swap3A_819 = vector.shape_cast %swap3A_818 : vector<1x16xf32> to vector<16xf32>
      %swap3A_820 = vector.shape_cast %div3A_814 : vector<16xf32> to vector<1x16xf32>
      tpu.vector_store %arg9[%swap3A_816, %swap3A_817], %swap3A_820 {strides = array<i32>} : memref<4x128xf32, #tpu.memory_space<vmem>>, vector<1x16xf32>,
      %div3A_821 = arith.divf %select_n3A_781, %add3A_813 : vector<16xf32>
      %swap3A_822 = arith.constant 1 : i32
      %swap3A_823 = arith.index_cast %swap3A_822 : i32 to index
      %swap3A_824 = arith.constant 112 : index
      %swap3A_825 = tpu.vector_load %arg9[%swap3A_823, %swap3A_824] {strides = array<i32>} : memref<4x128xf32, #tpu.memory_space<vmem>>, vector<1x16xf32>,
      %swap3A_826 = vector.shape_cast %swap3A_825 : vector<1x16xf32> to vector<16xf32>
      %swap3A_827 = vector.shape_cast %div3A_821 : vector<16xf32> to vector<1x16xf32>
      tpu.vector_store %arg9[%swap3A_823, %swap3A_824], %swap3A_827 {strides = array<i32>} : memref<4x128xf32, #tpu.memory_space<vmem>>, vector<1x16xf32>,
      %div3A_828 = arith.divf %select_n3A_794, %add3A_813 : vector<16xf32>
      %swap3A_829 = arith.constant 2 : i32
      %swap3A_830 = arith.index_cast %swap3A_829 : i32 to index
      %swap3A_831 = arith.constant 112 : index
      %swap3A_832 = tpu.vector_load %arg9[%swap3A_830, %swap3A_831] {strides = array<i32>} : memref<4x128xf32, #tpu.memory_space<vmem>>, vector<1x16xf32>,
      %swap3A_833 = vector.shape_cast %swap3A_832 : vector<1x16xf32> to vector<16xf32>
      %swap3A_834 = vector.shape_cast %div3A_828 : vector<16xf32> to vector<1x16xf32>
      tpu.vector_store %arg9[%swap3A_830, %swap3A_831], %swap3A_834 {strides = array<i32>} : memref<4x128xf32, #tpu.memory_space<vmem>>, vector<1x16xf32>,
      %div3A_835 = arith.divf %select_n3A_807, %add3A_813 : vector<16xf32>
      %swap3A_836 = arith.constant 3 : i32
      %swap3A_837 = arith.index_cast %swap3A_836 : i32 to index
      %swap3A_838 = arith.constant 112 : index
      %swap3A_839 = tpu.vector_load %arg9[%swap3A_837, %swap3A_838] {strides = array<i32>} : memref<4x128xf32, #tpu.memory_space<vmem>>, vector<1x16xf32>,
      %swap3A_840 = vector.shape_cast %swap3A_839 : vector<1x16xf32> to vector<16xf32>
      %swap3A_841 = vector.shape_cast %div3A_835 : vector<16xf32> to vector<1x16xf32>
      tpu.vector_store %arg9[%swap3A_837, %swap3A_838], %swap3A_841 {strides = array<i32>} : memref<4x128xf32, #tpu.memory_space<vmem>>, vector<1x16xf32>,
      %dma_wait3A_842 = arith.constant 0 : i32
      %dma_wait3A_843 = arith.constant 0 : i32
      %dma_wait3A_844 = tpu.memref_slice %arg4[%dma_wait3A_842, %dma_wait3A_843] : memref<1000x64xf32, #tpu.memory_space<hbm>> -> memref<1000x64xf32, #tpu.memory_space<hbm>>
      tpu.wait_indirect_dma semaphore(%arg13 : memref<!tpu.dma_semaphore, #tpu.memory_space<semaphore_mem>>) src(%dma_wait3A_844 : memref<1000x64xf32, #tpu.memory_space<hbm>>) dst(%arg11 : memref<128x64xf32, #tpu.memory_space<vmem>>)
      %dma_wait3A_845 = arith.constant 0 : i32
      %dma_wait3A_846 = arith.constant 0 : i32
      %dma_wait3A_847 = arith.constant 0 : i32
      %dma_wait3A_848 = arith.constant 0 : i32
      %dma_wait3A_849 = tpu.memref_slice %arg10[%dma_wait3A_846, %dma_wait3A_847, %dma_wait3A_848] : memref<4x128x64xf32, #tpu.memory_space<vmem>> -> memref<1x128x64xf32, #tpu.memory_space<vmem>>
      %dma_wait3A_850 = tpu.memref_squeeze %dma_wait3A_849 : memref<1x128x64xf32, #tpu.memory_space<vmem>> -> memref<128x64xf32, #tpu.memory_space<vmem>>
      %dma_wait3A_851 = arith.constant 0 : i32
      %dma_wait3A_852 = tpu.memref_slice %arg8[%dma_wait3A_845, %dma_wait3A_851] : memref<4x128xi32, #tpu.memory_space<vmem>> -> memref<1x128xi32, #tpu.memory_space<vmem>>
      %dma_wait3A_853 = tpu.memref_squeeze %dma_wait3A_852 : memref<1x128xi32, #tpu.memory_space<vmem>> -> memref<128xi32, #tpu.memory_space<vmem>>
      %dma_wait3A_854 = arith.constant 0 : i32
      %dma_wait3A_855 = arith.constant 0 : i32
      %dma_wait3A_856 = tpu.memref_slice %arg5[%dma_wait3A_854, %dma_wait3A_855] : memref<1000000x64xf32, #tpu.memory_space<hbm>> -> memref<1000000x64xf32, #tpu.memory_space<hbm>>
      tpu.wait_indirect_dma semaphore(%arg13 : memref<!tpu.dma_semaphore, #tpu.memory_space<semaphore_mem>>) src(%dma_wait3A_856 : memref<1000000x64xf32, #tpu.memory_space<hbm>>) dst(%dma_wait3A_850 : memref<128x64xf32, #tpu.memory_space<vmem>>)
      %dma_wait3A_857 = arith.constant 1 : i32
      %dma_wait3A_858 = arith.constant 1 : i32
      %dma_wait3A_859 = arith.constant 0 : i32
      %dma_wait3A_860 = arith.constant 0 : i32
      %dma_wait3A_861 = tpu.memref_slice %arg10[%dma_wait3A_858, %dma_wait3A_859, %dma_wait3A_860] : memref<4x128x64xf32, #tpu.memory_space<vmem>> -> memref<1x128x64xf32, #tpu.memory_space<vmem>>
      %dma_wait3A_862 = tpu.memref_squeeze %dma_wait3A_861 : memref<1x128x64xf32, #tpu.memory_space<vmem>> -> memref<128x64xf32, #tpu.memory_space<vmem>>
      %dma_wait3A_863 = arith.constant 0 : i32
      %dma_wait3A_864 = tpu.memref_slice %arg8[%dma_wait3A_857, %dma_wait3A_863] : memref<4x128xi32, #tpu.memory_space<vmem>> -> memref<1x128xi32, #tpu.memory_space<vmem>>
      %dma_wait3A_865 = tpu.memref_squeeze %dma_wait3A_864 : memref<1x128xi32, #tpu.memory_space<vmem>> -> memref<128xi32, #tpu.memory_space<vmem>>
      %dma_wait3A_866 = arith.constant 0 : i32
      %dma_wait3A_867 = arith.constant 0 : i32
      %dma_wait3A_868 = tpu.memref_slice %arg5[%dma_wait3A_866, %dma_wait3A_867] : memref<1000000x64xf32, #tpu.memory_space<hbm>> -> memref<1000000x64xf32, #tpu.memory_space<hbm>>
      tpu.wait_indirect_dma semaphore(%arg13 : memref<!tpu.dma_semaphore, #tpu.memory_space<semaphore_mem>>) src(%dma_wait3A_868 : memref<1000000x64xf32, #tpu.memory_space<hbm>>) dst(%dma_wait3A_862 : memref<128x64xf32, #tpu.memory_space<vmem>>)
      %dma_wait3A_869 = arith.constant 2 : i32
      %dma_wait3A_870 = arith.constant 2 : i32
      %dma_wait3A_871 = arith.constant 0 : i32
      %dma_wait3A_872 = arith.constant 0 : i32
      %dma_wait3A_873 = tpu.memref_slice %arg10[%dma_wait3A_870, %dma_wait3A_871, %dma_wait3A_872] : memref<4x128x64xf32, #tpu.memory_space<vmem>> -> memref<1x128x64xf32, #tpu.memory_space<vmem>>
      %dma_wait3A_874 = tpu.memref_squeeze %dma_wait3A_873 : memref<1x128x64xf32, #tpu.memory_space<vmem>> -> memref<128x64xf32, #tpu.memory_space<vmem>>
      %dma_wait3A_875 = arith.constant 0 : i32
      %dma_wait3A_876 = tpu.memref_slice %arg8[%dma_wait3A_869, %dma_wait3A_875] : memref<4x128xi32, #tpu.memory_space<vmem>> -> memref<1x128xi32, #tpu.memory_space<vmem>>
      %dma_wait3A_877 = tpu.memref_squeeze %dma_wait3A_876 : memref<1x128xi32, #tpu.memory_space<vmem>> -> memref<128xi32, #tpu.memory_space<vmem>>
      %dma_wait3A_878 = arith.constant 0 : i32
      %dma_wait3A_879 = arith.constant 0 : i32
      %dma_wait3A_880 = tpu.memref_slice %arg5[%dma_wait3A_878, %dma_wait3A_879] : memref<1000000x64xf32, #tpu.memory_space<hbm>> -> memref<1000000x64xf32, #tpu.memory_space<hbm>>
      tpu.wait_indirect_dma semaphore(%arg13 : memref<!tpu.dma_semaphore, #tpu.memory_space<semaphore_mem>>) src(%dma_wait3A_880 : memref<1000000x64xf32, #tpu.memory_space<hbm>>) dst(%dma_wait3A_874 : memref<128x64xf32, #tpu.memory_space<vmem>>)
      %dma_wait3A_881 = arith.constant 3 : i32
      %dma_wait3A_882 = arith.constant 3 : i32
      %dma_wait3A_883 = arith.constant 0 : i32
      %dma_wait3A_884 = arith.constant 0 : i32
      %dma_wait3A_885 = tpu.memref_slice %arg10[%dma_wait3A_882, %dma_wait3A_883, %dma_wait3A_884] : memref<4x128x64xf32, #tpu.memory_space<vmem>> -> memref<1x128x64xf32, #tpu.memory_space<vmem>>
      %dma_wait3A_886 = tpu.memref_squeeze %dma_wait3A_885 : memref<1x128x64xf32, #tpu.memory_space<vmem>> -> memref<128x64xf32, #tpu.memory_space<vmem>>
      %dma_wait3A_887 = arith.constant 0 : i32
      %dma_wait3A_888 = tpu.memref_slice %arg8[%dma_wait3A_881, %dma_wait3A_887] : memref<4x128xi32, #tpu.memory_space<vmem>> -> memref<1x128xi32, #tpu.memory_space<vmem>>
      %dma_wait3A_889 = tpu.memref_squeeze %dma_wait3A_888 : memref<1x128xi32, #tpu.memory_space<vmem>> -> memref<128xi32, #tpu.memory_space<vmem>>
      %dma_wait3A_890 = arith.constant 0 : i32
      %dma_wait3A_891 = arith.constant 0 : i32
      %dma_wait3A_892 = tpu.memref_slice %arg5[%dma_wait3A_890, %dma_wait3A_891] : memref<1000000x64xf32, #tpu.memory_space<hbm>> -> memref<1000000x64xf32, #tpu.memory_space<hbm>>
      tpu.wait_indirect_dma semaphore(%arg13 : memref<!tpu.dma_semaphore, #tpu.memory_space<semaphore_mem>>) src(%dma_wait3A_892 : memref<1000000x64xf32, #tpu.memory_space<hbm>>) dst(%dma_wait3A_886 : memref<128x64xf32, #tpu.memory_space<vmem>>)
      %scan3A_893 = arith.constant 0 : i32
      %scan3A_894 = arith.constant 0 : i32
      %scan3A_895 = arith.constant 8 : i32
      %scan3A_896 = arith.addi %scan3A_894, %scan3A_895 : i32
      %scan3A_897 = arith.constant 1 : i32
      scf.for %scan3A_899 = %scan3A_894 to %scan3A_896 step %scan3A_897  : i32 {
        %mul3A_900 = arith.constant 16 : i32
        %mul3A_901 = arith.muli %scan3A_899, %mul3A_900 : i32
        %get3A_902 = arith.constant 0 : i32
        %get3A_903 = arith.index_cast %get3A_902 : i32 to index
        %get3A_904 = arith.index_cast %mul3A_901 : i32 to index
        %get3A_905 = tpu.vector_load %arg9[%get3A_903, %get3A_904] {strides = array<i32>} : memref<4x128xf32, #tpu.memory_space<vmem>>, vector<1x16xf32>,
        %get3A_906 = vector.shape_cast %get3A_905 : vector<1x16xf32> to vector<16xf32>
        %get3A_907 = arith.constant 1 : i32
        %get3A_908 = arith.index_cast %get3A_907 : i32 to index
        %get3A_909 = arith.index_cast %mul3A_901 : i32 to index
        %get3A_910 = tpu.vector_load %arg9[%get3A_908, %get3A_909] {strides = array<i32>} : memref<4x128xf32, #tpu.memory_space<vmem>>, vector<1x16xf32>,
        %get3A_911 = vector.shape_cast %get3A_910 : vector<1x16xf32> to vector<16xf32>
        %get3A_912 = arith.constant 2 : i32
        %get3A_913 = arith.index_cast %get3A_912 : i32 to index
        %get3A_914 = arith.index_cast %mul3A_901 : i32 to index
        %get3A_915 = tpu.vector_load %arg9[%get3A_913, %get3A_914] {strides = array<i32>} : memref<4x128xf32, #tpu.memory_space<vmem>>, vector<1x16xf32>,
        %get3A_916 = vector.shape_cast %get3A_915 : vector<1x16xf32> to vector<16xf32>
        %get3A_917 = arith.constant 3 : i32
        %get3A_918 = arith.index_cast %get3A_917 : i32 to index
        %get3A_919 = arith.index_cast %mul3A_901 : i32 to index
        %get3A_920 = tpu.vector_load %arg9[%get3A_918, %get3A_919] {strides = array<i32>} : memref<4x128xf32, #tpu.memory_space<vmem>>, vector<1x16xf32>,
        %get3A_921 = vector.shape_cast %get3A_920 : vector<1x16xf32> to vector<16xf32>
        %add3A_922 = arith.constant 0 : i32
        %add3A_923 = arith.addi %mul3A_901, %add3A_922 : i32
        %slice3A = vector.extract_strided_slice %get3A_906 {offsets = [0], sizes = [1], strides = [1]} : vector<16xf32> to vector<1xf32>
        %squeeze3A = vector.extract %slice3A[0] : f32 from vector<1xf32>
        %slice3A_924 = vector.extract_strided_slice %get3A_911 {offsets = [0], sizes = [1], strides = [1]} : vector<16xf32> to vector<1xf32>
        %squeeze3A_925 = vector.extract %slice3A_924[0] : f32 from vector<1xf32>
        %slice3A_926 = vector.extract_strided_slice %get3A_916 {offsets = [0], sizes = [1], strides = [1]} : vector<16xf32> to vector<1xf32>
        %squeeze3A_927 = vector.extract %slice3A_926[0] : f32 from vector<1xf32>
        %slice3A_928 = vector.extract_strided_slice %get3A_921 {offsets = [0], sizes = [1], strides = [1]} : vector<16xf32> to vector<1xf32>
        %squeeze3A_929 = vector.extract %slice3A_928[0] : f32 from vector<1xf32>
        %get3A_930 = arith.constant 0 : i32
        %get3A_931 = arith.index_cast %get3A_930 : i32 to index
        %get3A_932 = arith.index_cast %add3A_923 : i32 to index
        %get3A_933 = arith.constant 0 : index
        %get3A_934 = tpu.vector_load %arg10[%get3A_931, %get3A_932, %get3A_933] {strides = array<i32>} : memref<4x128x64xf32, #tpu.memory_space<vmem>>, vector<1x1x16xf32>,
        %get3A_935 = vector.shape_cast %get3A_934 : vector<1x1x16xf32> to vector<16xf32>
        %mul3A_936 = vector.broadcast %squeeze3A : f32 to vector<16xf32>
        %mul3A_937 = arith.mulf %mul3A_936, %get3A_935 : vector<16xf32>
        %get3A_938 = arith.constant 1 : i32
        %get3A_939 = arith.index_cast %get3A_938 : i32 to index
        %get3A_940 = arith.index_cast %add3A_923 : i32 to index
        %get3A_941 = arith.constant 0 : index
        %get3A_942 = tpu.vector_load %arg10[%get3A_939, %get3A_940, %get3A_941] {strides = array<i32>} : memref<4x128x64xf32, #tpu.memory_space<vmem>>, vector<1x1x16xf32>,
        %get3A_943 = vector.shape_cast %get3A_942 : vector<1x1x16xf32> to vector<16xf32>
        %mul3A_944 = vector.broadcast %squeeze3A_925 : f32 to vector<16xf32>
        %mul3A_945 = arith.mulf %mul3A_944, %get3A_943 : vector<16xf32>
        %add3A_946 = arith.addf %mul3A_937, %mul3A_945 : vector<16xf32>
        %get3A_947 = arith.constant 2 : i32
        %get3A_948 = arith.index_cast %get3A_947 : i32 to index
        %get3A_949 = arith.index_cast %add3A_923 : i32 to index
        %get3A_950 = arith.constant 0 : index
        %get3A_951 = tpu.vector_load %arg10[%get3A_948, %get3A_949, %get3A_950] {strides = array<i32>} : memref<4x128x64xf32, #tpu.memory_space<vmem>>, vector<1x1x16xf32>,
        %get3A_952 = vector.shape_cast %get3A_951 : vector<1x1x16xf32> to vector<16xf32>
        %mul3A_953 = vector.broadcast %squeeze3A_927 : f32 to vector<16xf32>
        %mul3A_954 = arith.mulf %mul3A_953, %get3A_952 : vector<16xf32>
        %add3A_955 = arith.addf %add3A_946, %mul3A_954 : vector<16xf32>
        %get3A_956 = arith.constant 3 : i32
        %get3A_957 = arith.index_cast %get3A_956 : i32 to index
        %get3A_958 = arith.index_cast %add3A_923 : i32 to index
        %get3A_959 = arith.constant 0 : index
        %get3A_960 = tpu.vector_load %arg10[%get3A_957, %get3A_958, %get3A_959] {strides = array<i32>} : memref<4x128x64xf32, #tpu.memory_space<vmem>>, vector<1x1x16xf32>,
        %get3A_961 = vector.shape_cast %get3A_960 : vector<1x1x16xf32> to vector<16xf32>
        %mul3A_962 = vector.broadcast %squeeze3A_929 : f32 to vector<16xf32>
        %mul3A_963 = arith.mulf %mul3A_962, %get3A_961 : vector<16xf32>
        %add3A_964 = arith.addf %add3A_955, %mul3A_963 : vector<16xf32>
        %swap3A_965 = arith.index_cast %add3A_923 : i32 to index
        %swap3A_966 = arith.constant 0 : index
        %swap3A_967 = tpu.vector_load %arg11[%swap3A_965, %swap3A_966] {strides = array<i32>} : memref<128x64xf32, #tpu.memory_space<vmem>>, vector<1x16xf32>,
        %swap3A_968 = vector.shape_cast %swap3A_967 : vector<1x16xf32> to vector<16xf32>
        %swap3A_969 = vector.shape_cast %add3A_964 : vector<16xf32> to vector<1x16xf32>
        tpu.vector_store %arg11[%swap3A_965, %swap3A_966], %swap3A_969 {add = true, strides = array<i32>} : memref<128x64xf32, #tpu.memory_space<vmem>>, vector<1x16xf32>,
        %get3A_970 = arith.constant 0 : i32
        %get3A_971 = arith.index_cast %get3A_970 : i32 to index
        %get3A_972 = arith.index_cast %add3A_923 : i32 to index
        %get3A_973 = arith.constant 16 : index
        %get3A_974 = tpu.vector_load %arg10[%get3A_971, %get3A_972, %get3A_973] {strides = array<i32>} : memref<4x128x64xf32, #tpu.memory_space<vmem>>, vector<1x1x16xf32>,
        %get3A_975 = vector.shape_cast %get3A_974 : vector<1x1x16xf32> to vector<16xf32>
        %mul3A_976 = vector.broadcast %squeeze3A : f32 to vector<16xf32>
        %mul3A_977 = arith.mulf %mul3A_976, %get3A_975 : vector<16xf32>
        %get3A_978 = arith.constant 1 : i32
        %get3A_979 = arith.index_cast %get3A_978 : i32 to index
        %get3A_980 = arith.index_cast %add3A_923 : i32 to index
        %get3A_981 = arith.constant 16 : index
        %get3A_982 = tpu.vector_load %arg10[%get3A_979, %get3A_980, %get3A_981] {strides = array<i32>} : memref<4x128x64xf32, #tpu.memory_space<vmem>>, vector<1x1x16xf32>,
        %get3A_983 = vector.shape_cast %get3A_982 : vector<1x1x16xf32> to vector<16xf32>
        %mul3A_984 = vector.broadcast %squeeze3A_925 : f32 to vector<16xf32>
        %mul3A_985 = arith.mulf %mul3A_984, %get3A_983 : vector<16xf32>
        %add3A_986 = arith.addf %mul3A_977, %mul3A_985 : vector<16xf32>
        %get3A_987 = arith.constant 2 : i32
        %get3A_988 = arith.index_cast %get3A_987 : i32 to index
        %get3A_989 = arith.index_cast %add3A_923 : i32 to index
        %get3A_990 = arith.constant 16 : index
        %get3A_991 = tpu.vector_load %arg10[%get3A_988, %get3A_989, %get3A_990] {strides = array<i32>} : memref<4x128x64xf32, #tpu.memory_space<vmem>>, vector<1x1x16xf32>,
        %get3A_992 = vector.shape_cast %get3A_991 : vector<1x1x16xf32> to vector<16xf32>
        %mul3A_993 = vector.broadcast %squeeze3A_927 : f32 to vector<16xf32>
        %mul3A_994 = arith.mulf %mul3A_993, %get3A_992 : vector<16xf32>
        %add3A_995 = arith.addf %add3A_986, %mul3A_994 : vector<16xf32>
        %get3A_996 = arith.constant 3 : i32
        %get3A_997 = arith.index_cast %get3A_996 : i32 to index
        %get3A_998 = arith.index_cast %add3A_923 : i32 to index
        %get3A_999 = arith.constant 16 : index
        %get3A_1000 = tpu.vector_load %arg10[%get3A_997, %get3A_998, %get3A_999] {strides = array<i32>} : memref<4x128x64xf32, #tpu.memory_space<vmem>>, vector<1x1x16xf32>,
        %get3A_1001 = vector.shape_cast %get3A_1000 : vector<1x1x16xf32> to vector<16xf32>
        %mul3A_1002 = vector.broadcast %squeeze3A_929 : f32 to vector<16xf32>
        %mul3A_1003 = arith.mulf %mul3A_1002, %get3A_1001 : vector<16xf32>
        %add3A_1004 = arith.addf %add3A_995, %mul3A_1003 : vector<16xf32>
        %swap3A_1005 = arith.index_cast %add3A_923 : i32 to index
        %swap3A_1006 = arith.constant 16 : index
        %swap3A_1007 = tpu.vector_load %arg11[%swap3A_1005, %swap3A_1006] {strides = array<i32>} : memref<128x64xf32, #tpu.memory_space<vmem>>, vector<1x16xf32>,
        %swap3A_1008 = vector.shape_cast %swap3A_1007 : vector<1x16xf32> to vector<16xf32>
        %swap3A_1009 = vector.shape_cast %add3A_1004 : vector<16xf32> to vector<1x16xf32>
        tpu.vector_store %arg11[%swap3A_1005, %swap3A_1006], %swap3A_1009 {add = true, strides = array<i32>} : memref<128x64xf32, #tpu.memory_space<vmem>>, vector<1x16xf32>,
        %get3A_1010 = arith.constant 0 : i32
        %get3A_1011 = arith.index_cast %get3A_1010 : i32 to index
        %get3A_1012 = arith.index_cast %add3A_923 : i32 to index
        %get3A_1013 = arith.constant 32 : index
        %get3A_1014 = tpu.vector_load %arg10[%get3A_1011, %get3A_1012, %get3A_1013] {strides = array<i32>} : memref<4x128x64xf32, #tpu.memory_space<vmem>>, vector<1x1x16xf32>,
        %get3A_1015 = vector.shape_cast %get3A_1014 : vector<1x1x16xf32> to vector<16xf32>
        %mul3A_1016 = vector.broadcast %squeeze3A : f32 to vector<16xf32>
        %mul3A_1017 = arith.mulf %mul3A_1016, %get3A_1015 : vector<16xf32>
        %get3A_1018 = arith.constant 1 : i32
        %get3A_1019 = arith.index_cast %get3A_1018 : i32 to index
        %get3A_1020 = arith.index_cast %add3A_923 : i32 to index
        %get3A_1021 = arith.constant 32 : index
        %get3A_1022 = tpu.vector_load %arg10[%get3A_1019, %get3A_1020, %get3A_1021] {strides = array<i32>} : memref<4x128x64xf32, #tpu.memory_space<vmem>>, vector<1x1x16xf32>,
        %get3A_1023 = vector.shape_cast %get3A_1022 : vector<1x1x16xf32> to vector<16xf32>
        %mul3A_1024 = vector.broadcast %squeeze3A_925 : f32 to vector<16xf32>
        %mul3A_1025 = arith.mulf %mul3A_1024, %get3A_1023 : vector<16xf32>
        %add3A_1026 = arith.addf %mul3A_1017, %mul3A_1025 : vector<16xf32>
        %get3A_1027 = arith.constant 2 : i32
        %get3A_1028 = arith.index_cast %get3A_1027 : i32 to index
        %get3A_1029 = arith.index_cast %add3A_923 : i32 to index
        %get3A_1030 = arith.constant 32 : index
        %get3A_1031 = tpu.vector_load %arg10[%get3A_1028, %get3A_1029, %get3A_1030] {strides = array<i32>} : memref<4x128x64xf32, #tpu.memory_space<vmem>>, vector<1x1x16xf32>,
        %get3A_1032 = vector.shape_cast %get3A_1031 : vector<1x1x16xf32> to vector<16xf32>
        %mul3A_1033 = vector.broadcast %squeeze3A_927 : f32 to vector<16xf32>
        %mul3A_1034 = arith.mulf %mul3A_1033, %get3A_1032 : vector<16xf32>
        %add3A_1035 = arith.addf %add3A_1026, %mul3A_1034 : vector<16xf32>
        %get3A_1036 = arith.constant 3 : i32
        %get3A_1037 = arith.index_cast %get3A_1036 : i32 to index
        %get3A_1038 = arith.index_cast %add3A_923 : i32 to index
        %get3A_1039 = arith.constant 32 : index
        %get3A_1040 = tpu.vector_load %arg10[%get3A_1037, %get3A_1038, %get3A_1039] {strides = array<i32>} : memref<4x128x64xf32, #tpu.memory_space<vmem>>, vector<1x1x16xf32>,
        %get3A_1041 = vector.shape_cast %get3A_1040 : vector<1x1x16xf32> to vector<16xf32>
        %mul3A_1042 = vector.broadcast %squeeze3A_929 : f32 to vector<16xf32>
        %mul3A_1043 = arith.mulf %mul3A_1042, %get3A_1041 : vector<16xf32>
        %add3A_1044 = arith.addf %add3A_1035, %mul3A_1043 : vector<16xf32>
        %swap3A_1045 = arith.index_cast %add3A_923 : i32 to index
        %swap3A_1046 = arith.constant 32 : index
        %swap3A_1047 = tpu.vector_load %arg11[%swap3A_1045, %swap3A_1046] {strides = array<i32>} : memref<128x64xf32, #tpu.memory_space<vmem>>, vector<1x16xf32>,
        %swap3A_1048 = vector.shape_cast %swap3A_1047 : vector<1x16xf32> to vector<16xf32>
        %swap3A_1049 = vector.shape_cast %add3A_1044 : vector<16xf32> to vector<1x16xf32>
        tpu.vector_store %arg11[%swap3A_1045, %swap3A_1046], %swap3A_1049 {add = true, strides = array<i32>} : memref<128x64xf32, #tpu.memory_space<vmem>>, vector<1x16xf32>,
        %get3A_1050 = arith.constant 0 : i32
        %get3A_1051 = arith.index_cast %get3A_1050 : i32 to index
        %get3A_1052 = arith.index_cast %add3A_923 : i32 to index
        %get3A_1053 = arith.constant 48 : index
        %get3A_1054 = tpu.vector_load %arg10[%get3A_1051, %get3A_1052, %get3A_1053] {strides = array<i32>} : memref<4x128x64xf32, #tpu.memory_space<vmem>>, vector<1x1x16xf32>,
        %get3A_1055 = vector.shape_cast %get3A_1054 : vector<1x1x16xf32> to vector<16xf32>
        %mul3A_1056 = vector.broadcast %squeeze3A : f32 to vector<16xf32>
        %mul3A_1057 = arith.mulf %mul3A_1056, %get3A_1055 : vector<16xf32>
        %get3A_1058 = arith.constant 1 : i32
        %get3A_1059 = arith.index_cast %get3A_1058 : i32 to index
        %get3A_1060 = arith.index_cast %add3A_923 : i32 to index
        %get3A_1061 = arith.constant 48 : index
        %get3A_1062 = tpu.vector_load %arg10[%get3A_1059, %get3A_1060, %get3A_1061] {strides = array<i32>} : memref<4x128x64xf32, #tpu.memory_space<vmem>>, vector<1x1x16xf32>,
        %get3A_1063 = vector.shape_cast %get3A_1062 : vector<1x1x16xf32> to vector<16xf32>
        %mul3A_1064 = vector.broadcast %squeeze3A_925 : f32 to vector<16xf32>
        %mul3A_1065 = arith.mulf %mul3A_1064, %get3A_1063 : vector<16xf32>
        %add3A_1066 = arith.addf %mul3A_1057, %mul3A_1065 : vector<16xf32>
        %get3A_1067 = arith.constant 2 : i32
        %get3A_1068 = arith.index_cast %get3A_1067 : i32 to index
        %get3A_1069 = arith.index_cast %add3A_923 : i32 to index
        %get3A_1070 = arith.constant 48 : index
        %get3A_1071 = tpu.vector_load %arg10[%get3A_1068, %get3A_1069, %get3A_1070] {strides = array<i32>} : memref<4x128x64xf32, #tpu.memory_space<vmem>>, vector<1x1x16xf32>,
        %get3A_1072 = vector.shape_cast %get3A_1071 : vector<1x1x16xf32> to vector<16xf32>
        %mul3A_1073 = vector.broadcast %squeeze3A_927 : f32 to vector<16xf32>
        %mul3A_1074 = arith.mulf %mul3A_1073, %get3A_1072 : vector<16xf32>
        %add3A_1075 = arith.addf %add3A_1066, %mul3A_1074 : vector<16xf32>
        %get3A_1076 = arith.constant 3 : i32
        %get3A_1077 = arith.index_cast %get3A_1076 : i32 to index
        %get3A_1078 = arith.index_cast %add3A_923 : i32 to index
        %get3A_1079 = arith.constant 48 : index
        %get3A_1080 = tpu.vector_load %arg10[%get3A_1077, %get3A_1078, %get3A_1079] {strides = array<i32>} : memref<4x128x64xf32, #tpu.memory_space<vmem>>, vector<1x1x16xf32>,
        %get3A_1081 = vector.shape_cast %get3A_1080 : vector<1x1x16xf32> to vector<16xf32>
        %mul3A_1082 = vector.broadcast %squeeze3A_929 : f32 to vector<16xf32>
        %mul3A_1083 = arith.mulf %mul3A_1082, %get3A_1081 : vector<16xf32>
        %add3A_1084 = arith.addf %add3A_1075, %mul3A_1083 : vector<16xf32>
        %swap3A_1085 = arith.index_cast %add3A_923 : i32 to index
        %swap3A_1086 = arith.constant 48 : index
        %swap3A_1087 = tpu.vector_load %arg11[%swap3A_1085, %swap3A_1086] {strides = array<i32>} : memref<128x64xf32, #tpu.memory_space<vmem>>, vector<1x16xf32>,
        %swap3A_1088 = vector.shape_cast %swap3A_1087 : vector<1x16xf32> to vector<16xf32>
        %swap3A_1089 = vector.shape_cast %add3A_1084 : vector<16xf32> to vector<1x16xf32>
        tpu.vector_store %arg11[%swap3A_1085, %swap3A_1086], %swap3A_1089 {add = true, strides = array<i32>} : memref<128x64xf32, #tpu.memory_space<vmem>>, vector<1x16xf32>,
        %add3A_1090 = arith.constant 1 : i32
        %add3A_1091 = arith.addi %mul3A_901, %add3A_1090 : i32
        %slice3A_1092 = vector.extract_strided_slice %get3A_906 {offsets = [1], sizes = [1], strides = [1]} : vector<16xf32> to vector<1xf32>
        %squeeze3A_1093 = vector.extract %slice3A_1092[0] : f32 from vector<1xf32>
        %slice3A_1094 = vector.extract_strided_slice %get3A_911 {offsets = [1], sizes = [1], strides = [1]} : vector<16xf32> to vector<1xf32>
        %squeeze3A_1095 = vector.extract %slice3A_1094[0] : f32 from vector<1xf32>
        %slice3A_1096 = vector.extract_strided_slice %get3A_916 {offsets = [1], sizes = [1], strides = [1]} : vector<16xf32> to vector<1xf32>
        %squeeze3A_1097 = vector.extract %slice3A_1096[0] : f32 from vector<1xf32>
        %slice3A_1098 = vector.extract_strided_slice %get3A_921 {offsets = [1], sizes = [1], strides = [1]} : vector<16xf32> to vector<1xf32>
        %squeeze3A_1099 = vector.extract %slice3A_1098[0] : f32 from vector<1xf32>
        %get3A_1100 = arith.constant 0 : i32
        %get3A_1101 = arith.index_cast %get3A_1100 : i32 to index
        %get3A_1102 = arith.index_cast %add3A_1091 : i32 to index
        %get3A_1103 = arith.constant 0 : index
        %get3A_1104 = tpu.vector_load %arg10[%get3A_1101, %get3A_1102, %get3A_1103] {strides = array<i32>} : memref<4x128x64xf32, #tpu.memory_space<vmem>>, vector<1x1x16xf32>,
        %get3A_1105 = vector.shape_cast %get3A_1104 : vector<1x1x16xf32> to vector<16xf32>
        %mul3A_1106 = vector.broadcast %squeeze3A_1093 : f32 to vector<16xf32>
        %mul3A_1107 = arith.mulf %mul3A_1106, %get3A_1105 : vector<16xf32>
        %get3A_1108 = arith.constant 1 : i32
        %get3A_1109 = arith.index_cast %get3A_1108 : i32 to index
        %get3A_1110 = arith.index_cast %add3A_1091 : i32 to index
        %get3A_1111 = arith.constant 0 : index
        %get3A_1112 = tpu.vector_load %arg10[%get3A_1109, %get3A_1110, %get3A_1111] {strides = array<i32>} : memref<4x128x64xf32, #tpu.memory_space<vmem>>, vector<1x1x16xf32>,
        %get3A_1113 = vector.shape_cast %get3A_1112 : vector<1x1x16xf32> to vector<16xf32>
        %mul3A_1114 = vector.broadcast %squeeze3A_1095 : f32 to vector<16xf32>
        %mul3A_1115 = arith.mulf %mul3A_1114, %get3A_1113 : vector<16xf32>
        %add3A_1116 = arith.addf %mul3A_1107, %mul3A_1115 : vector<16xf32>
        %get3A_1117 = arith.constant 2 : i32
        %get3A_1118 = arith.index_cast %get3A_1117 : i32 to index
        %get3A_1119 = arith.index_cast %add3A_1091 : i32 to index
        %get3A_1120 = arith.constant 0 : index
        %get3A_1121 = tpu.vector_load %arg10[%get3A_1118, %get3A_1119, %get3A_1120] {strides = array<i32>} : memref<4x128x64xf32, #tpu.memory_space<vmem>>, vector<1x1x16xf32>,
        %get3A_1122 = vector.shape_cast %get3A_1121 : vector<1x1x16xf32> to vector<16xf32>
        %mul3A_1123 = vector.broadcast %squeeze3A_1097 : f32 to vector<16xf32>
        %mul3A_1124 = arith.mulf %mul3A_1123, %get3A_1122 : vector<16xf32>
        %add3A_1125 = arith.addf %add3A_1116, %mul3A_1124 : vector<16xf32>
        %get3A_1126 = arith.constant 3 : i32
        %get3A_1127 = arith.index_cast %get3A_1126 : i32 to index
        %get3A_1128 = arith.index_cast %add3A_1091 : i32 to index
        %get3A_1129 = arith.constant 0 : index
        %get3A_1130 = tpu.vector_load %arg10[%get3A_1127, %get3A_1128, %get3A_1129] {strides = array<i32>} : memref<4x128x64xf32, #tpu.memory_space<vmem>>, vector<1x1x16xf32>,
        %get3A_1131 = vector.shape_cast %get3A_1130 : vector<1x1x16xf32> to vector<16xf32>
        %mul3A_1132 = vector.broadcast %squeeze3A_1099 : f32 to vector<16xf32>
        %mul3A_1133 = arith.mulf %mul3A_1132, %get3A_1131 : vector<16xf32>
        %add3A_1134 = arith.addf %add3A_1125, %mul3A_1133 : vector<16xf32>
        %swap3A_1135 = arith.index_cast %add3A_1091 : i32 to index
        %swap3A_1136 = arith.constant 0 : index
        %swap3A_1137 = tpu.vector_load %arg11[%swap3A_1135, %swap3A_1136] {strides = array<i32>} : memref<128x64xf32, #tpu.memory_space<vmem>>, vector<1x16xf32>,
        %swap3A_1138 = vector.shape_cast %swap3A_1137 : vector<1x16xf32> to vector<16xf32>
        %swap3A_1139 = vector.shape_cast %add3A_1134 : vector<16xf32> to vector<1x16xf32>
        tpu.vector_store %arg11[%swap3A_1135, %swap3A_1136], %swap3A_1139 {add = true, strides = array<i32>} : memref<128x64xf32, #tpu.memory_space<vmem>>, vector<1x16xf32>,
        %get3A_1140 = arith.constant 0 : i32
        %get3A_1141 = arith.index_cast %get3A_1140 : i32 to index
        %get3A_1142 = arith.index_cast %add3A_1091 : i32 to index
        %get3A_1143 = arith.constant 16 : index
        %get3A_1144 = tpu.vector_load %arg10[%get3A_1141, %get3A_1142, %get3A_1143] {strides = array<i32>} : memref<4x128x64xf32, #tpu.memory_space<vmem>>, vector<1x1x16xf32>,
        %get3A_1145 = vector.shape_cast %get3A_1144 : vector<1x1x16xf32> to vector<16xf32>
        %mul3A_1146 = vector.broadcast %squeeze3A_1093 : f32 to vector<16xf32>
        %mul3A_1147 = arith.mulf %mul3A_1146, %get3A_1145 : vector<16xf32>
        %get3A_1148 = arith.constant 1 : i32
        %get3A_1149 = arith.index_cast %get3A_1148 : i32 to index
        %get3A_1150 = arith.index_cast %add3A_1091 : i32 to index
        %get3A_1151 = arith.constant 16 : index
        %get3A_1152 = tpu.vector_load %arg10[%get3A_1149, %get3A_1150, %get3A_1151] {strides = array<i32>} : memref<4x128x64xf32, #tpu.memory_space<vmem>>, vector<1x1x16xf32>,
        %get3A_1153 = vector.shape_cast %get3A_1152 : vector<1x1x16xf32> to vector<16xf32>
        %mul3A_1154 = vector.broadcast %squeeze3A_1095 : f32 to vector<16xf32>
        %mul3A_1155 = arith.mulf %mul3A_1154, %get3A_1153 : vector<16xf32>
        %add3A_1156 = arith.addf %mul3A_1147, %mul3A_1155 : vector<16xf32>
        %get3A_1157 = arith.constant 2 : i32
        %get3A_1158 = arith.index_cast %get3A_1157 : i32 to index
        %get3A_1159 = arith.index_cast %add3A_1091 : i32 to index
        %get3A_1160 = arith.constant 16 : index
        %get3A_1161 = tpu.vector_load %arg10[%get3A_1158, %get3A_1159, %get3A_1160] {strides = array<i32>} : memref<4x128x64xf32, #tpu.memory_space<vmem>>, vector<1x1x16xf32>,
        %get3A_1162 = vector.shape_cast %get3A_1161 : vector<1x1x16xf32> to vector<16xf32>
        %mul3A_1163 = vector.broadcast %squeeze3A_1097 : f32 to vector<16xf32>
        %mul3A_1164 = arith.mulf %mul3A_1163, %get3A_1162 : vector<16xf32>
        %add3A_1165 = arith.addf %add3A_1156, %mul3A_1164 : vector<16xf32>
        %get3A_1166 = arith.constant 3 : i32
        %get3A_1167 = arith.index_cast %get3A_1166 : i32 to index
        %get3A_1168 = arith.index_cast %add3A_1091 : i32 to index
        %get3A_1169 = arith.constant 16 : index
        %get3A_1170 = tpu.vector_load %arg10[%get3A_1167, %get3A_1168, %get3A_1169] {strides = array<i32>} : memref<4x128x64xf32, #tpu.memory_space<vmem>>, vector<1x1x16xf32>,
        %get3A_1171 = vector.shape_cast %get3A_1170 : vector<1x1x16xf32> to vector<16xf32>
        %mul3A_1172 = vector.broadcast %squeeze3A_1099 : f32 to vector<16xf32>
        %mul3A_1173 = arith.mulf %mul3A_1172, %get3A_1171 : vector<16xf32>
        %add3A_1174 = arith.addf %add3A_1165, %mul3A_1173 : vector<16xf32>
        %swap3A_1175 = arith.index_cast %add3A_1091 : i32 to index
        %swap3A_1176 = arith.constant 16 : index
        %swap3A_1177 = tpu.vector_load %arg11[%swap3A_1175, %swap3A_1176] {strides = array<i32>} : memref<128x64xf32, #tpu.memory_space<vmem>>, vector<1x16xf32>,
        %swap3A_1178 = vector.shape_cast %swap3A_1177 : vector<1x16xf32> to vector<16xf32>
        %swap3A_1179 = vector.shape_cast %add3A_1174 : vector<16xf32> to vector<1x16xf32>
        tpu.vector_store %arg11[%swap3A_1175, %swap3A_1176], %swap3A_1179 {add = true, strides = array<i32>} : memref<128x64xf32, #tpu.memory_space<vmem>>, vector<1x16xf32>,
        %get3A_1180 = arith.constant 0 : i32
        %get3A_1181 = arith.index_cast %get3A_1180 : i32 to index
        %get3A_1182 = arith.index_cast %add3A_1091 : i32 to index
        %get3A_1183 = arith.constant 32 : index
        %get3A_1184 = tpu.vector_load %arg10[%get3A_1181, %get3A_1182, %get3A_1183] {strides = array<i32>} : memref<4x128x64xf32, #tpu.memory_space<vmem>>, vector<1x1x16xf32>,
        %get3A_1185 = vector.shape_cast %get3A_1184 : vector<1x1x16xf32> to vector<16xf32>
        %mul3A_1186 = vector.broadcast %squeeze3A_1093 : f32 to vector<16xf32>
        %mul3A_1187 = arith.mulf %mul3A_1186, %get3A_1185 : vector<16xf32>
        %get3A_1188 = arith.constant 1 : i32
        %get3A_1189 = arith.index_cast %get3A_1188 : i32 to index
        %get3A_1190 = arith.index_cast %add3A_1091 : i32 to index
        %get3A_1191 = arith.constant 32 : index
        %get3A_1192 = tpu.vector_load %arg10[%get3A_1189, %get3A_1190, %get3A_1191] {strides = array<i32>} : memref<4x128x64xf32, #tpu.memory_space<vmem>>, vector<1x1x16xf32>,
        %get3A_1193 = vector.shape_cast %get3A_1192 : vector<1x1x16xf32> to vector<16xf32>
        %mul3A_1194 = vector.broadcast %squeeze3A_1095 : f32 to vector<16xf32>
        %mul3A_1195 = arith.mulf %mul3A_1194, %get3A_1193 : vector<16xf32>
        %add3A_1196 = arith.addf %mul3A_1187, %mul3A_1195 : vector<16xf32>
        %get3A_1197 = arith.constant 2 : i32
        %get3A_1198 = arith.index_cast %get3A_1197 : i32 to index
        %get3A_1199 = arith.index_cast %add3A_1091 : i32 to index
        %get3A_1200 = arith.constant 32 : index
        %get3A_1201 = tpu.vector_load %arg10[%get3A_1198, %get3A_1199, %get3A_1200] {strides = array<i32>} : memref<4x128x64xf32, #tpu.memory_space<vmem>>, vector<1x1x16xf32>,
        %get3A_1202 = vector.shape_cast %get3A_1201 : vector<1x1x16xf32> to vector<16xf32>
        %mul3A_1203 = vector.broadcast %squeeze3A_1097 : f32 to vector<16xf32>
        %mul3A_1204 = arith.mulf %mul3A_1203, %get3A_1202 : vector<16xf32>
        %add3A_1205 = arith.addf %add3A_1196, %mul3A_1204 : vector<16xf32>
        %get3A_1206 = arith.constant 3 : i32
        %get3A_1207 = arith.index_cast %get3A_1206 : i32 to index
        %get3A_1208 = arith.index_cast %add3A_1091 : i32 to index
        %get3A_1209 = arith.constant 32 : index
        %get3A_1210 = tpu.vector_load %arg10[%get3A_1207, %get3A_1208, %get3A_1209] {strides = array<i32>} : memref<4x128x64xf32, #tpu.memory_space<vmem>>, vector<1x1x16xf32>,
        %get3A_1211 = vector.shape_cast %get3A_1210 : vector<1x1x16xf32> to vector<16xf32>
        %mul3A_1212 = vector.broadcast %squeeze3A_1099 : f32 to vector<16xf32>
        %mul3A_1213 = arith.mulf %mul3A_1212, %get3A_1211 : vector<16xf32>
        %add3A_1214 = arith.addf %add3A_1205, %mul3A_1213 : vector<16xf32>
        %swap3A_1215 = arith.index_cast %add3A_1091 : i32 to index
        %swap3A_1216 = arith.constant 32 : index
        %swap3A_1217 = tpu.vector_load %arg11[%swap3A_1215, %swap3A_1216] {strides = array<i32>} : memref<128x64xf32, #tpu.memory_space<vmem>>, vector<1x16xf32>,
        %swap3A_1218 = vector.shape_cast %swap3A_1217 : vector<1x16xf32> to vector<16xf32>
        %swap3A_1219 = vector.shape_cast %add3A_1214 : vector<16xf32> to vector<1x16xf32>
        tpu.vector_store %arg11[%swap3A_1215, %swap3A_1216], %swap3A_1219 {add = true, strides = array<i32>} : memref<128x64xf32, #tpu.memory_space<vmem>>, vector<1x16xf32>,
        %get3A_1220 = arith.constant 0 : i32
        %get3A_1221 = arith.index_cast %get3A_1220 : i32 to index
        %get3A_1222 = arith.index_cast %add3A_1091 : i32 to index
        %get3A_1223 = arith.constant 48 : index
        %get3A_1224 = tpu.vector_load %arg10[%get3A_1221, %get3A_1222, %get3A_1223] {strides = array<i32>} : memref<4x128x64xf32, #tpu.memory_space<vmem>>, vector<1x1x16xf32>,
        %get3A_1225 = vector.shape_cast %get3A_1224 : vector<1x1x16xf32> to vector<16xf32>
        %mul3A_1226 = vector.broadcast %squeeze3A_1093 : f32 to vector<16xf32>
        %mul3A_1227 = arith.mulf %mul3A_1226, %get3A_1225 : vector<16xf32>
        %get3A_1228 = arith.constant 1 : i32
        %get3A_1229 = arith.index_cast %get3A_1228 : i32 to index
        %get3A_1230 = arith.index_cast %add3A_1091 : i32 to index
        %get3A_1231 = arith.constant 48 : index
        %get3A_1232 = tpu.vector_load %arg10[%get3A_1229, %get3A_1230, %get3A_1231] {strides = array<i32>} : memref<4x128x64xf32, #tpu.memory_space<vmem>>, vector<1x1x16xf32>,
        %get3A_1233 = vector.shape_cast %get3A_1232 : vector<1x1x16xf32> to vector<16xf32>
        %mul3A_1234 = vector.broadcast %squeeze3A_1095 : f32 to vector<16xf32>
        %mul3A_1235 = arith.mulf %mul3A_1234, %get3A_1233 : vector<16xf32>
        %add3A_1236 = arith.addf %mul3A_1227, %mul3A_1235 : vector<16xf32>
        %get3A_1237 = arith.constant 2 : i32
        %get3A_1238 = arith.index_cast %get3A_1237 : i32 to index
        %get3A_1239 = arith.index_cast %add3A_1091 : i32 to index
        %get3A_1240 = arith.constant 48 : index
        %get3A_1241 = tpu.vector_load %arg10[%get3A_1238, %get3A_1239, %get3A_1240] {strides = array<i32>} : memref<4x128x64xf32, #tpu.memory_space<vmem>>, vector<1x1x16xf32>,
        %get3A_1242 = vector.shape_cast %get3A_1241 : vector<1x1x16xf32> to vector<16xf32>
        %mul3A_1243 = vector.broadcast %squeeze3A_1097 : f32 to vector<16xf32>
        %mul3A_1244 = arith.mulf %mul3A_1243, %get3A_1242 : vector<16xf32>
        %add3A_1245 = arith.addf %add3A_1236, %mul3A_1244 : vector<16xf32>
        %get3A_1246 = arith.constant 3 : i32
        %get3A_1247 = arith.index_cast %get3A_1246 : i32 to index
        %get3A_1248 = arith.index_cast %add3A_1091 : i32 to index
        %get3A_1249 = arith.constant 48 : index
        %get3A_1250 = tpu.vector_load %arg10[%get3A_1247, %get3A_1248, %get3A_1249] {strides = array<i32>} : memref<4x128x64xf32, #tpu.memory_space<vmem>>, vector<1x1x16xf32>,
        %get3A_1251 = vector.shape_cast %get3A_1250 : vector<1x1x16xf32> to vector<16xf32>
        %mul3A_1252 = vector.broadcast %squeeze3A_1099 : f32 to vector<16xf32>
        %mul3A_1253 = arith.mulf %mul3A_1252, %get3A_1251 : vector<16xf32>
        %add3A_1254 = arith.addf %add3A_1245, %mul3A_1253 : vector<16xf32>
        %swap3A_1255 = arith.index_cast %add3A_1091 : i32 to index
        %swap3A_1256 = arith.constant 48 : index
        %swap3A_1257 = tpu.vector_load %arg11[%swap3A_1255, %swap3A_1256] {strides = array<i32>} : memref<128x64xf32, #tpu.memory_space<vmem>>, vector<1x16xf32>,
        %swap3A_1258 = vector.shape_cast %swap3A_1257 : vector<1x16xf32> to vector<16xf32>
        %swap3A_1259 = vector.shape_cast %add3A_1254 : vector<16xf32> to vector<1x16xf32>
        tpu.vector_store %arg11[%swap3A_1255, %swap3A_1256], %swap3A_1259 {add = true, strides = array<i32>} : memref<128x64xf32, #tpu.memory_space<vmem>>, vector<1x16xf32>,
        %add3A_1260 = arith.constant 2 : i32
        %add3A_1261 = arith.addi %mul3A_901, %add3A_1260 : i32
        %slice3A_1262 = vector.extract_strided_slice %get3A_906 {offsets = [2], sizes = [1], strides = [1]} : vector<16xf32> to vector<1xf32>
        %squeeze3A_1263 = vector.extract %slice3A_1262[0] : f32 from vector<1xf32>
        %slice3A_1264 = vector.extract_strided_slice %get3A_911 {offsets = [2], sizes = [1], strides = [1]} : vector<16xf32> to vector<1xf32>
        %squeeze3A_1265 = vector.extract %slice3A_1264[0] : f32 from vector<1xf32>
        %slice3A_1266 = vector.extract_strided_slice %get3A_916 {offsets = [2], sizes = [1], strides = [1]} : vector<16xf32> to vector<1xf32>
        %squeeze3A_1267 = vector.extract %slice3A_1266[0] : f32 from vector<1xf32>
        %slice3A_1268 = vector.extract_strided_slice %get3A_921 {offsets = [2], sizes = [1], strides = [1]} : vector<16xf32> to vector<1xf32>
        %squeeze3A_1269 = vector.extract %slice3A_1268[0] : f32 from vector<1xf32>
        %get3A_1270 = arith.constant 0 : i32
        %get3A_1271 = arith.index_cast %get3A_1270 : i32 to index
        %get3A_1272 = arith.index_cast %add3A_1261 : i32 to index
        %get3A_1273 = arith.constant 0 : index
        %get3A_1274 = tpu.vector_load %arg10[%get3A_1271, %get3A_1272, %get3A_1273] {strides = array<i32>} : memref<4x128x64xf32, #tpu.memory_space<vmem>>, vector<1x1x16xf32>,
        %get3A_1275 = vector.shape_cast %get3A_1274 : vector<1x1x16xf32> to vector<16xf32>
        %mul3A_1276 = vector.broadcast %squeeze3A_1263 : f32 to vector<16xf32>
        %mul3A_1277 = arith.mulf %mul3A_1276, %get3A_1275 : vector<16xf32>
        %get3A_1278 = arith.constant 1 : i32
        %get3A_1279 = arith.index_cast %get3A_1278 : i32 to index
        %get3A_1280 = arith.index_cast %add3A_1261 : i32 to index
        %get3A_1281 = arith.constant 0 : index
        %get3A_1282 = tpu.vector_load %arg10[%get3A_1279, %get3A_1280, %get3A_1281] {strides = array<i32>} : memref<4x128x64xf32, #tpu.memory_space<vmem>>, vector<1x1x16xf32>,
        %get3A_1283 = vector.shape_cast %get3A_1282 : vector<1x1x16xf32> to vector<16xf32>
        %mul3A_1284 = vector.broadcast %squeeze3A_1265 : f32 to vector<16xf32>
        %mul3A_1285 = arith.mulf %mul3A_1284, %get3A_1283 : vector<16xf32>
        %add3A_1286 = arith.addf %mul3A_1277, %mul3A_1285 : vector<16xf32>
        %get3A_1287 = arith.constant 2 : i32
        %get3A_1288 = arith.index_cast %get3A_1287 : i32 to index
        %get3A_1289 = arith.index_cast %add3A_1261 : i32 to index
        %get3A_1290 = arith.constant 0 : index
        %get3A_1291 = tpu.vector_load %arg10[%get3A_1288, %get3A_1289, %get3A_1290] {strides = array<i32>} : memref<4x128x64xf32, #tpu.memory_space<vmem>>, vector<1x1x16xf32>,
        %get3A_1292 = vector.shape_cast %get3A_1291 : vector<1x1x16xf32> to vector<16xf32>
        %mul3A_1293 = vector.broadcast %squeeze3A_1267 : f32 to vector<16xf32>
        %mul3A_1294 = arith.mulf %mul3A_1293, %get3A_1292 : vector<16xf32>
        %add3A_1295 = arith.addf %add3A_1286, %mul3A_1294 : vector<16xf32>
        %get3A_1296 = arith.constant 3 : i32
        %get3A_1297 = arith.index_cast %get3A_1296 : i32 to index
        %get3A_1298 = arith.index_cast %add3A_1261 : i32 to index
        %get3A_1299 = arith.constant 0 : index
        %get3A_1300 = tpu.vector_load %arg10[%get3A_1297, %get3A_1298, %get3A_1299] {strides = array<i32>} : memref<4x128x64xf32, #tpu.memory_space<vmem>>, vector<1x1x16xf32>,
        %get3A_1301 = vector.shape_cast %get3A_1300 : vector<1x1x16xf32> to vector<16xf32>
        %mul3A_1302 = vector.broadcast %squeeze3A_1269 : f32 to vector<16xf32>
        %mul3A_1303 = arith.mulf %mul3A_1302, %get3A_1301 : vector<16xf32>
        %add3A_1304 = arith.addf %add3A_1295, %mul3A_1303 : vector<16xf32>
        %swap3A_1305 = arith.index_cast %add3A_1261 : i32 to index
        %swap3A_1306 = arith.constant 0 : index
        %swap3A_1307 = tpu.vector_load %arg11[%swap3A_1305, %swap3A_1306] {strides = array<i32>} : memref<128x64xf32, #tpu.memory_space<vmem>>, vector<1x16xf32>,
        %swap3A_1308 = vector.shape_cast %swap3A_1307 : vector<1x16xf32> to vector<16xf32>
        %swap3A_1309 = vector.shape_cast %add3A_1304 : vector<16xf32> to vector<1x16xf32>
        tpu.vector_store %arg11[%swap3A_1305, %swap3A_1306], %swap3A_1309 {add = true, strides = array<i32>} : memref<128x64xf32, #tpu.memory_space<vmem>>, vector<1x16xf32>,
        %get3A_1310 = arith.constant 0 : i32
        %get3A_1311 = arith.index_cast %get3A_1310 : i32 to index
        %get3A_1312 = arith.index_cast %add3A_1261 : i32 to index
        %get3A_1313 = arith.constant 16 : index
        %get3A_1314 = tpu.vector_load %arg10[%get3A_1311, %get3A_1312, %get3A_1313] {strides = array<i32>} : memref<4x128x64xf32, #tpu.memory_space<vmem>>, vector<1x1x16xf32>,
        %get3A_1315 = vector.shape_cast %get3A_1314 : vector<1x1x16xf32> to vector<16xf32>
        %mul3A_1316 = vector.broadcast %squeeze3A_1263 : f32 to vector<16xf32>
        %mul3A_1317 = arith.mulf %mul3A_1316, %get3A_1315 : vector<16xf32>
        %get3A_1318 = arith.constant 1 : i32
        %get3A_1319 = arith.index_cast %get3A_1318 : i32 to index
        %get3A_1320 = arith.index_cast %add3A_1261 : i32 to index
        %get3A_1321 = arith.constant 16 : index
        %get3A_1322 = tpu.vector_load %arg10[%get3A_1319, %get3A_1320, %get3A_1321] {strides = array<i32>} : memref<4x128x64xf32, #tpu.memory_space<vmem>>, vector<1x1x16xf32>,
        %get3A_1323 = vector.shape_cast %get3A_1322 : vector<1x1x16xf32> to vector<16xf32>
        %mul3A_1324 = vector.broadcast %squeeze3A_1265 : f32 to vector<16xf32>
        %mul3A_1325 = arith.mulf %mul3A_1324, %get3A_1323 : vector<16xf32>
        %add3A_1326 = arith.addf %mul3A_1317, %mul3A_1325 : vector<16xf32>
        %get3A_1327 = arith.constant 2 : i32
        %get3A_1328 = arith.index_cast %get3A_1327 : i32 to index
        %get3A_1329 = arith.index_cast %add3A_1261 : i32 to index
        %get3A_1330 = arith.constant 16 : index
        %get3A_1331 = tpu.vector_load %arg10[%get3A_1328, %get3A_1329, %get3A_1330] {strides = array<i32>} : memref<4x128x64xf32, #tpu.memory_space<vmem>>, vector<1x1x16xf32>,
        %get3A_1332 = vector.shape_cast %get3A_1331 : vector<1x1x16xf32> to vector<16xf32>
        %mul3A_1333 = vector.broadcast %squeeze3A_1267 : f32 to vector<16xf32>
        %mul3A_1334 = arith.mulf %mul3A_1333, %get3A_1332 : vector<16xf32>
        %add3A_1335 = arith.addf %add3A_1326, %mul3A_1334 : vector<16xf32>
        %get3A_1336 = arith.constant 3 : i32
        %get3A_1337 = arith.index_cast %get3A_1336 : i32 to index
        %get3A_1338 = arith.index_cast %add3A_1261 : i32 to index
        %get3A_1339 = arith.constant 16 : index
        %get3A_1340 = tpu.vector_load %arg10[%get3A_1337, %get3A_1338, %get3A_1339] {strides = array<i32>} : memref<4x128x64xf32, #tpu.memory_space<vmem>>, vector<1x1x16xf32>,
        %get3A_1341 = vector.shape_cast %get3A_1340 : vector<1x1x16xf32> to vector<16xf32>
        %mul3A_1342 = vector.broadcast %squeeze3A_1269 : f32 to vector<16xf32>
        %mul3A_1343 = arith.mulf %mul3A_1342, %get3A_1341 : vector<16xf32>
        %add3A_1344 = arith.addf %add3A_1335, %mul3A_1343 : vector<16xf32>
        %swap3A_1345 = arith.index_cast %add3A_1261 : i32 to index
        %swap3A_1346 = arith.constant 16 : index
        %swap3A_1347 = tpu.vector_load %arg11[%swap3A_1345, %swap3A_1346] {strides = array<i32>} : memref<128x64xf32, #tpu.memory_space<vmem>>, vector<1x16xf32>,
        %swap3A_1348 = vector.shape_cast %swap3A_1347 : vector<1x16xf32> to vector<16xf32>
        %swap3A_1349 = vector.shape_cast %add3A_1344 : vector<16xf32> to vector<1x16xf32>
        tpu.vector_store %arg11[%swap3A_1345, %swap3A_1346], %swap3A_1349 {add = true, strides = array<i32>} : memref<128x64xf32, #tpu.memory_space<vmem>>, vector<1x16xf32>,
        %get3A_1350 = arith.constant 0 : i32
        %get3A_1351 = arith.index_cast %get3A_1350 : i32 to index
        %get3A_1352 = arith.index_cast %add3A_1261 : i32 to index
        %get3A_1353 = arith.constant 32 : index
        %get3A_1354 = tpu.vector_load %arg10[%get3A_1351, %get3A_1352, %get3A_1353] {strides = array<i32>} : memref<4x128x64xf32, #tpu.memory_space<vmem>>, vector<1x1x16xf32>,
        %get3A_1355 = vector.shape_cast %get3A_1354 : vector<1x1x16xf32> to vector<16xf32>
        %mul3A_1356 = vector.broadcast %squeeze3A_1263 : f32 to vector<16xf32>
        %mul3A_1357 = arith.mulf %mul3A_1356, %get3A_1355 : vector<16xf32>
        %get3A_1358 = arith.constant 1 : i32
        %get3A_1359 = arith.index_cast %get3A_1358 : i32 to index
        %get3A_1360 = arith.index_cast %add3A_1261 : i32 to index
        %get3A_1361 = arith.constant 32 : index
        %get3A_1362 = tpu.vector_load %arg10[%get3A_1359, %get3A_1360, %get3A_1361] {strides = array<i32>} : memref<4x128x64xf32, #tpu.memory_space<vmem>>, vector<1x1x16xf32>,
        %get3A_1363 = vector.shape_cast %get3A_1362 : vector<1x1x16xf32> to vector<16xf32>
        %mul3A_1364 = vector.broadcast %squeeze3A_1265 : f32 to vector<16xf32>
        %mul3A_1365 = arith.mulf %mul3A_1364, %get3A_1363 : vector<16xf32>
        %add3A_1366 = arith.addf %mul3A_1357, %mul3A_1365 : vector<16xf32>
        %get3A_1367 = arith.constant 2 : i32
        %get3A_1368 = arith.index_cast %get3A_1367 : i32 to index
        %get3A_1369 = arith.index_cast %add3A_1261 : i32 to index
        %get3A_1370 = arith.constant 32 : index
        %get3A_1371 = tpu.vector_load %arg10[%get3A_1368, %get3A_1369, %get3A_1370] {strides = array<i32>} : memref<4x128x64xf32, #tpu.memory_space<vmem>>, vector<1x1x16xf32>,
        %get3A_1372 = vector.shape_cast %get3A_1371 : vector<1x1x16xf32> to vector<16xf32>
        %mul3A_1373 = vector.broadcast %squeeze3A_1267 : f32 to vector<16xf32>
        %mul3A_1374 = arith.mulf %mul3A_1373, %get3A_1372 : vector<16xf32>
        %add3A_1375 = arith.addf %add3A_1366, %mul3A_1374 : vector<16xf32>
        %get3A_1376 = arith.constant 3 : i32
        %get3A_1377 = arith.index_cast %get3A_1376 : i32 to index
        %get3A_1378 = arith.index_cast %add3A_1261 : i32 to index
        %get3A_1379 = arith.constant 32 : index
        %get3A_1380 = tpu.vector_load %arg10[%get3A_1377, %get3A_1378, %get3A_1379] {strides = array<i32>} : memref<4x128x64xf32, #tpu.memory_space<vmem>>, vector<1x1x16xf32>,
        %get3A_1381 = vector.shape_cast %get3A_1380 : vector<1x1x16xf32> to vector<16xf32>
        %mul3A_1382 = vector.broadcast %squeeze3A_1269 : f32 to vector<16xf32>
        %mul3A_1383 = arith.mulf %mul3A_1382, %get3A_1381 : vector<16xf32>
        %add3A_1384 = arith.addf %add3A_1375, %mul3A_1383 : vector<16xf32>
        %swap3A_1385 = arith.index_cast %add3A_1261 : i32 to index
        %swap3A_1386 = arith.constant 32 : index
        %swap3A_1387 = tpu.vector_load %arg11[%swap3A_1385, %swap3A_1386] {strides = array<i32>} : memref<128x64xf32, #tpu.memory_space<vmem>>, vector<1x16xf32>,
        %swap3A_1388 = vector.shape_cast %swap3A_1387 : vector<1x16xf32> to vector<16xf32>
        %swap3A_1389 = vector.shape_cast %add3A_1384 : vector<16xf32> to vector<1x16xf32>
        tpu.vector_store %arg11[%swap3A_1385, %swap3A_1386], %swap3A_1389 {add = true, strides = array<i32>} : memref<128x64xf32, #tpu.memory_space<vmem>>, vector<1x16xf32>,
        %get3A_1390 = arith.constant 0 : i32
        %get3A_1391 = arith.index_cast %get3A_1390 : i32 to index
        %get3A_1392 = arith.index_cast %add3A_1261 : i32 to index
        %get3A_1393 = arith.constant 48 : index
        %get3A_1394 = tpu.vector_load %arg10[%get3A_1391, %get3A_1392, %get3A_1393] {strides = array<i32>} : memref<4x128x64xf32, #tpu.memory_space<vmem>>, vector<1x1x16xf32>,
        %get3A_1395 = vector.shape_cast %get3A_1394 : vector<1x1x16xf32> to vector<16xf32>
        %mul3A_1396 = vector.broadcast %squeeze3A_1263 : f32 to vector<16xf32>
        %mul3A_1397 = arith.mulf %mul3A_1396, %get3A_1395 : vector<16xf32>
        %get3A_1398 = arith.constant 1 : i32
        %get3A_1399 = arith.index_cast %get3A_1398 : i32 to index
        %get3A_1400 = arith.index_cast %add3A_1261 : i32 to index
        %get3A_1401 = arith.constant 48 : index
        %get3A_1402 = tpu.vector_load %arg10[%get3A_1399, %get3A_1400, %get3A_1401] {strides = array<i32>} : memref<4x128x64xf32, #tpu.memory_space<vmem>>, vector<1x1x16xf32>,
        %get3A_1403 = vector.shape_cast %get3A_1402 : vector<1x1x16xf32> to vector<16xf32>
        %mul3A_1404 = vector.broadcast %squeeze3A_1265 : f32 to vector<16xf32>
        %mul3A_1405 = arith.mulf %mul3A_1404, %get3A_1403 : vector<16xf32>
        %add3A_1406 = arith.addf %mul3A_1397, %mul3A_1405 : vector<16xf32>
        %get3A_1407 = arith.constant 2 : i32
        %get3A_1408 = arith.index_cast %get3A_1407 : i32 to index
        %get3A_1409 = arith.index_cast %add3A_1261 : i32 to index
        %get3A_1410 = arith.constant 48 : index
        %get3A_1411 = tpu.vector_load %arg10[%get3A_1408, %get3A_1409, %get3A_1410] {strides = array<i32>} : memref<4x128x64xf32, #tpu.memory_space<vmem>>, vector<1x1x16xf32>,
        %get3A_1412 = vector.shape_cast %get3A_1411 : vector<1x1x16xf32> to vector<16xf32>
        %mul3A_1413 = vector.broadcast %squeeze3A_1267 : f32 to vector<16xf32>
        %mul3A_1414 = arith.mulf %mul3A_1413, %get3A_1412 : vector<16xf32>
        %add3A_1415 = arith.addf %add3A_1406, %mul3A_1414 : vector<16xf32>
        %get3A_1416 = arith.constant 3 : i32
        %get3A_1417 = arith.index_cast %get3A_1416 : i32 to index
        %get3A_1418 = arith.index_cast %add3A_1261 : i32 to index
        %get3A_1419 = arith.constant 48 : index
        %get3A_1420 = tpu.vector_load %arg10[%get3A_1417, %get3A_1418, %get3A_1419] {strides = array<i32>} : memref<4x128x64xf32, #tpu.memory_space<vmem>>, vector<1x1x16xf32>,
        %get3A_1421 = vector.shape_cast %get3A_1420 : vector<1x1x16xf32> to vector<16xf32>
        %mul3A_1422 = vector.broadcast %squeeze3A_1269 : f32 to vector<16xf32>
        %mul3A_1423 = arith.mulf %mul3A_1422, %get3A_1421 : vector<16xf32>
        %add3A_1424 = arith.addf %add3A_1415, %mul3A_1423 : vector<16xf32>
        %swap3A_1425 = arith.index_cast %add3A_1261 : i32 to index
        %swap3A_1426 = arith.constant 48 : index
        %swap3A_1427 = tpu.vector_load %arg11[%swap3A_1425, %swap3A_1426] {strides = array<i32>} : memref<128x64xf32, #tpu.memory_space<vmem>>, vector<1x16xf32>,
        %swap3A_1428 = vector.shape_cast %swap3A_1427 : vector<1x16xf32> to vector<16xf32>
        %swap3A_1429 = vector.shape_cast %add3A_1424 : vector<16xf32> to vector<1x16xf32>
        tpu.vector_store %arg11[%swap3A_1425, %swap3A_1426], %swap3A_1429 {add = true, strides = array<i32>} : memref<128x64xf32, #tpu.memory_space<vmem>>, vector<1x16xf32>,
        %add3A_1430 = arith.constant 3 : i32
        %add3A_1431 = arith.addi %mul3A_901, %add3A_1430 : i32
        %slice3A_1432 = vector.extract_strided_slice %get3A_906 {offsets = [3], sizes = [1], strides = [1]} : vector<16xf32> to vector<1xf32>
        %squeeze3A_1433 = vector.extract %slice3A_1432[0] : f32 from vector<1xf32>
        %slice3A_1434 = vector.extract_strided_slice %get3A_911 {offsets = [3], sizes = [1], strides = [1]} : vector<16xf32> to vector<1xf32>
        %squeeze3A_1435 = vector.extract %slice3A_1434[0] : f32 from vector<1xf32>
        %slice3A_1436 = vector.extract_strided_slice %get3A_916 {offsets = [3], sizes = [1], strides = [1]} : vector<16xf32> to vector<1xf32>
        %squeeze3A_1437 = vector.extract %slice3A_1436[0] : f32 from vector<1xf32>
        %slice3A_1438 = vector.extract_strided_slice %get3A_921 {offsets = [3], sizes = [1], strides = [1]} : vector<16xf32> to vector<1xf32>
        %squeeze3A_1439 = vector.extract %slice3A_1438[0] : f32 from vector<1xf32>
        %get3A_1440 = arith.constant 0 : i32
        %get3A_1441 = arith.index_cast %get3A_1440 : i32 to index
        %get3A_1442 = arith.index_cast %add3A_1431 : i32 to index
        %get3A_1443 = arith.constant 0 : index
        %get3A_1444 = tpu.vector_load %arg10[%get3A_1441, %get3A_1442, %get3A_1443] {strides = array<i32>} : memref<4x128x64xf32, #tpu.memory_space<vmem>>, vector<1x1x16xf32>,
        %get3A_1445 = vector.shape_cast %get3A_1444 : vector<1x1x16xf32> to vector<16xf32>
        %mul3A_1446 = vector.broadcast %squeeze3A_1433 : f32 to vector<16xf32>
        %mul3A_1447 = arith.mulf %mul3A_1446, %get3A_1445 : vector<16xf32>
        %get3A_1448 = arith.constant 1 : i32
        %get3A_1449 = arith.index_cast %get3A_1448 : i32 to index
        %get3A_1450 = arith.index_cast %add3A_1431 : i32 to index
        %get3A_1451 = arith.constant 0 : index
        %get3A_1452 = tpu.vector_load %arg10[%get3A_1449, %get3A_1450, %get3A_1451] {strides = array<i32>} : memref<4x128x64xf32, #tpu.memory_space<vmem>>, vector<1x1x16xf32>,
        %get3A_1453 = vector.shape_cast %get3A_1452 : vector<1x1x16xf32> to vector<16xf32>
        %mul3A_1454 = vector.broadcast %squeeze3A_1435 : f32 to vector<16xf32>
        %mul3A_1455 = arith.mulf %mul3A_1454, %get3A_1453 : vector<16xf32>
        %add3A_1456 = arith.addf %mul3A_1447, %mul3A_1455 : vector<16xf32>
        %get3A_1457 = arith.constant 2 : i32
        %get3A_1458 = arith.index_cast %get3A_1457 : i32 to index
        %get3A_1459 = arith.index_cast %add3A_1431 : i32 to index
        %get3A_1460 = arith.constant 0 : index
        %get3A_1461 = tpu.vector_load %arg10[%get3A_1458, %get3A_1459, %get3A_1460] {strides = array<i32>} : memref<4x128x64xf32, #tpu.memory_space<vmem>>, vector<1x1x16xf32>,
        %get3A_1462 = vector.shape_cast %get3A_1461 : vector<1x1x16xf32> to vector<16xf32>
        %mul3A_1463 = vector.broadcast %squeeze3A_1437 : f32 to vector<16xf32>
        %mul3A_1464 = arith.mulf %mul3A_1463, %get3A_1462 : vector<16xf32>
        %add3A_1465 = arith.addf %add3A_1456, %mul3A_1464 : vector<16xf32>
        %get3A_1466 = arith.constant 3 : i32
        %get3A_1467 = arith.index_cast %get3A_1466 : i32 to index
        %get3A_1468 = arith.index_cast %add3A_1431 : i32 to index
        %get3A_1469 = arith.constant 0 : index
        %get3A_1470 = tpu.vector_load %arg10[%get3A_1467, %get3A_1468, %get3A_1469] {strides = array<i32>} : memref<4x128x64xf32, #tpu.memory_space<vmem>>, vector<1x1x16xf32>,
        %get3A_1471 = vector.shape_cast %get3A_1470 : vector<1x1x16xf32> to vector<16xf32>
        %mul3A_1472 = vector.broadcast %squeeze3A_1439 : f32 to vector<16xf32>
        %mul3A_1473 = arith.mulf %mul3A_1472, %get3A_1471 : vector<16xf32>
        %add3A_1474 = arith.addf %add3A_1465, %mul3A_1473 : vector<16xf32>
        %swap3A_1475 = arith.index_cast %add3A_1431 : i32 to index
        %swap3A_1476 = arith.constant 0 : index
        %swap3A_1477 = tpu.vector_load %arg11[%swap3A_1475, %swap3A_1476] {strides = array<i32>} : memref<128x64xf32, #tpu.memory_space<vmem>>, vector<1x16xf32>,
        %swap3A_1478 = vector.shape_cast %swap3A_1477 : vector<1x16xf32> to vector<16xf32>
        %swap3A_1479 = vector.shape_cast %add3A_1474 : vector<16xf32> to vector<1x16xf32>
        tpu.vector_store %arg11[%swap3A_1475, %swap3A_1476], %swap3A_1479 {add = true, strides = array<i32>} : memref<128x64xf32, #tpu.memory_space<vmem>>, vector<1x16xf32>,
        %get3A_1480 = arith.constant 0 : i32
        %get3A_1481 = arith.index_cast %get3A_1480 : i32 to index
        %get3A_1482 = arith.index_cast %add3A_1431 : i32 to index
        %get3A_1483 = arith.constant 16 : index
        %get3A_1484 = tpu.vector_load %arg10[%get3A_1481, %get3A_1482, %get3A_1483] {strides = array<i32>} : memref<4x128x64xf32, #tpu.memory_space<vmem>>, vector<1x1x16xf32>,
        %get3A_1485 = vector.shape_cast %get3A_1484 : vector<1x1x16xf32> to vector<16xf32>
        %mul3A_1486 = vector.broadcast %squeeze3A_1433 : f32 to vector<16xf32>
        %mul3A_1487 = arith.mulf %mul3A_1486, %get3A_1485 : vector<16xf32>
        %get3A_1488 = arith.constant 1 : i32
        %get3A_1489 = arith.index_cast %get3A_1488 : i32 to index
        %get3A_1490 = arith.index_cast %add3A_1431 : i32 to index
        %get3A_1491 = arith.constant 16 : index
        %get3A_1492 = tpu.vector_load %arg10[%get3A_1489, %get3A_1490, %get3A_1491] {strides = array<i32>} : memref<4x128x64xf32, #tpu.memory_space<vmem>>, vector<1x1x16xf32>,
        %get3A_1493 = vector.shape_cast %get3A_1492 : vector<1x1x16xf32> to vector<16xf32>
        %mul3A_1494 = vector.broadcast %squeeze3A_1435 : f32 to vector<16xf32>
        %mul3A_1495 = arith.mulf %mul3A_1494, %get3A_1493 : vector<16xf32>
        %add3A_1496 = arith.addf %mul3A_1487, %mul3A_1495 : vector<16xf32>
        %get3A_1497 = arith.constant 2 : i32
        %get3A_1498 = arith.index_cast %get3A_1497 : i32 to index
        %get3A_1499 = arith.index_cast %add3A_1431 : i32 to index
        %get3A_1500 = arith.constant 16 : index
        %get3A_1501 = tpu.vector_load %arg10[%get3A_1498, %get3A_1499, %get3A_1500] {strides = array<i32>} : memref<4x128x64xf32, #tpu.memory_space<vmem>>, vector<1x1x16xf32>,
        %get3A_1502 = vector.shape_cast %get3A_1501 : vector<1x1x16xf32> to vector<16xf32>
        %mul3A_1503 = vector.broadcast %squeeze3A_1437 : f32 to vector<16xf32>
        %mul3A_1504 = arith.mulf %mul3A_1503, %get3A_1502 : vector<16xf32>
        %add3A_1505 = arith.addf %add3A_1496, %mul3A_1504 : vector<16xf32>
        %get3A_1506 = arith.constant 3 : i32
        %get3A_1507 = arith.index_cast %get3A_1506 : i32 to index
        %get3A_1508 = arith.index_cast %add3A_1431 : i32 to index
        %get3A_1509 = arith.constant 16 : index
        %get3A_1510 = tpu.vector_load %arg10[%get3A_1507, %get3A_1508, %get3A_1509] {strides = array<i32>} : memref<4x128x64xf32, #tpu.memory_space<vmem>>, vector<1x1x16xf32>,
        %get3A_1511 = vector.shape_cast %get3A_1510 : vector<1x1x16xf32> to vector<16xf32>
        %mul3A_1512 = vector.broadcast %squeeze3A_1439 : f32 to vector<16xf32>
        %mul3A_1513 = arith.mulf %mul3A_1512, %get3A_1511 : vector<16xf32>
        %add3A_1514 = arith.addf %add3A_1505, %mul3A_1513 : vector<16xf32>
        %swap3A_1515 = arith.index_cast %add3A_1431 : i32 to index
        %swap3A_1516 = arith.constant 16 : index
        %swap3A_1517 = tpu.vector_load %arg11[%swap3A_1515, %swap3A_1516] {strides = array<i32>} : memref<128x64xf32, #tpu.memory_space<vmem>>, vector<1x16xf32>,
        %swap3A_1518 = vector.shape_cast %swap3A_1517 : vector<1x16xf32> to vector<16xf32>
        %swap3A_1519 = vector.shape_cast %add3A_1514 : vector<16xf32> to vector<1x16xf32>
        tpu.vector_store %arg11[%swap3A_1515, %swap3A_1516], %swap3A_1519 {add = true, strides = array<i32>} : memref<128x64xf32, #tpu.memory_space<vmem>>, vector<1x16xf32>,
        %get3A_1520 = arith.constant 0 : i32
        %get3A_1521 = arith.index_cast %get3A_1520 : i32 to index
        %get3A_1522 = arith.index_cast %add3A_1431 : i32 to index
        %get3A_1523 = arith.constant 32 : index
        %get3A_1524 = tpu.vector_load %arg10[%get3A_1521, %get3A_1522, %get3A_1523] {strides = array<i32>} : memref<4x128x64xf32, #tpu.memory_space<vmem>>, vector<1x1x16xf32>,
        %get3A_1525 = vector.shape_cast %get3A_1524 : vector<1x1x16xf32> to vector<16xf32>
        %mul3A_1526 = vector.broadcast %squeeze3A_1433 : f32 to vector<16xf32>
        %mul3A_1527 = arith.mulf %mul3A_1526, %get3A_1525 : vector<16xf32>
        %get3A_1528 = arith.constant 1 : i32
        %get3A_1529 = arith.index_cast %get3A_1528 : i32 to index
        %get3A_1530 = arith.index_cast %add3A_1431 : i32 to index
        %get3A_1531 = arith.constant 32 : index
        %get3A_1532 = tpu.vector_load %arg10[%get3A_1529, %get3A_1530, %get3A_1531] {strides = array<i32>} : memref<4x128x64xf32, #tpu.memory_space<vmem>>, vector<1x1x16xf32>,
        %get3A_1533 = vector.shape_cast %get3A_1532 : vector<1x1x16xf32> to vector<16xf32>
        %mul3A_1534 = vector.broadcast %squeeze3A_1435 : f32 to vector<16xf32>
        %mul3A_1535 = arith.mulf %mul3A_1534, %get3A_1533 : vector<16xf32>
        %add3A_1536 = arith.addf %mul3A_1527, %mul3A_1535 : vector<16xf32>
        %get3A_1537 = arith.constant 2 : i32
        %get3A_1538 = arith.index_cast %get3A_1537 : i32 to index
        %get3A_1539 = arith.index_cast %add3A_1431 : i32 to index
        %get3A_1540 = arith.constant 32 : index
        %get3A_1541 = tpu.vector_load %arg10[%get3A_1538, %get3A_1539, %get3A_1540] {strides = array<i32>} : memref<4x128x64xf32, #tpu.memory_space<vmem>>, vector<1x1x16xf32>,
        %get3A_1542 = vector.shape_cast %get3A_1541 : vector<1x1x16xf32> to vector<16xf32>
        %mul3A_1543 = vector.broadcast %squeeze3A_1437 : f32 to vector<16xf32>
        %mul3A_1544 = arith.mulf %mul3A_1543, %get3A_1542 : vector<16xf32>
        %add3A_1545 = arith.addf %add3A_1536, %mul3A_1544 : vector<16xf32>
        %get3A_1546 = arith.constant 3 : i32
        %get3A_1547 = arith.index_cast %get3A_1546 : i32 to index
        %get3A_1548 = arith.index_cast %add3A_1431 : i32 to index
        %get3A_1549 = arith.constant 32 : index
        %get3A_1550 = tpu.vector_load %arg10[%get3A_1547, %get3A_1548, %get3A_1549] {strides = array<i32>} : memref<4x128x64xf32, #tpu.memory_space<vmem>>, vector<1x1x16xf32>,
        %get3A_1551 = vector.shape_cast %get3A_1550 : vector<1x1x16xf32> to vector<16xf32>
        %mul3A_1552 = vector.broadcast %squeeze3A_1439 : f32 to vector<16xf32>
        %mul3A_1553 = arith.mulf %mul3A_1552, %get3A_1551 : vector<16xf32>
        %add3A_1554 = arith.addf %add3A_1545, %mul3A_1553 : vector<16xf32>
        %swap3A_1555 = arith.index_cast %add3A_1431 : i32 to index
        %swap3A_1556 = arith.constant 32 : index
        %swap3A_1557 = tpu.vector_load %arg11[%swap3A_1555, %swap3A_1556] {strides = array<i32>} : memref<128x64xf32, #tpu.memory_space<vmem>>, vector<1x16xf32>,
        %swap3A_1558 = vector.shape_cast %swap3A_1557 : vector<1x16xf32> to vector<16xf32>
        %swap3A_1559 = vector.shape_cast %add3A_1554 : vector<16xf32> to vector<1x16xf32>
        tpu.vector_store %arg11[%swap3A_1555, %swap3A_1556], %swap3A_1559 {add = true, strides = array<i32>} : memref<128x64xf32, #tpu.memory_space<vmem>>, vector<1x16xf32>,
        %get3A_1560 = arith.constant 0 : i32
        %get3A_1561 = arith.index_cast %get3A_1560 : i32 to index
        %get3A_1562 = arith.index_cast %add3A_1431 : i32 to index
        %get3A_1563 = arith.constant 48 : index
        %get3A_1564 = tpu.vector_load %arg10[%get3A_1561, %get3A_1562, %get3A_1563] {strides = array<i32>} : memref<4x128x64xf32, #tpu.memory_space<vmem>>, vector<1x1x16xf32>,
        %get3A_1565 = vector.shape_cast %get3A_1564 : vector<1x1x16xf32> to vector<16xf32>
        %mul3A_1566 = vector.broadcast %squeeze3A_1433 : f32 to vector<16xf32>
        %mul3A_1567 = arith.mulf %mul3A_1566, %get3A_1565 : vector<16xf32>
        %get3A_1568 = arith.constant 1 : i32
        %get3A_1569 = arith.index_cast %get3A_1568 : i32 to index
        %get3A_1570 = arith.index_cast %add3A_1431 : i32 to index
        %get3A_1571 = arith.constant 48 : index
        %get3A_1572 = tpu.vector_load %arg10[%get3A_1569, %get3A_1570, %get3A_1571] {strides = array<i32>} : memref<4x128x64xf32, #tpu.memory_space<vmem>>, vector<1x1x16xf32>,
        %get3A_1573 = vector.shape_cast %get3A_1572 : vector<1x1x16xf32> to vector<16xf32>
        %mul3A_1574 = vector.broadcast %squeeze3A_1435 : f32 to vector<16xf32>
        %mul3A_1575 = arith.mulf %mul3A_1574, %get3A_1573 : vector<16xf32>
        %add3A_1576 = arith.addf %mul3A_1567, %mul3A_1575 : vector<16xf32>
        %get3A_1577 = arith.constant 2 : i32
        %get3A_1578 = arith.index_cast %get3A_1577 : i32 to index
        %get3A_1579 = arith.index_cast %add3A_1431 : i32 to index
        %get3A_1580 = arith.constant 48 : index
        %get3A_1581 = tpu.vector_load %arg10[%get3A_1578, %get3A_1579, %get3A_1580] {strides = array<i32>} : memref<4x128x64xf32, #tpu.memory_space<vmem>>, vector<1x1x16xf32>,
        %get3A_1582 = vector.shape_cast %get3A_1581 : vector<1x1x16xf32> to vector<16xf32>
        %mul3A_1583 = vector.broadcast %squeeze3A_1437 : f32 to vector<16xf32>
        %mul3A_1584 = arith.mulf %mul3A_1583, %get3A_1582 : vector<16xf32>
        %add3A_1585 = arith.addf %add3A_1576, %mul3A_1584 : vector<16xf32>
        %get3A_1586 = arith.constant 3 : i32
        %get3A_1587 = arith.index_cast %get3A_1586 : i32 to index
        %get3A_1588 = arith.index_cast %add3A_1431 : i32 to index
        %get3A_1589 = arith.constant 48 : index
        %get3A_1590 = tpu.vector_load %arg10[%get3A_1587, %get3A_1588, %get3A_1589] {strides = array<i32>} : memref<4x128x64xf32, #tpu.memory_space<vmem>>, vector<1x1x16xf32>,
        %get3A_1591 = vector.shape_cast %get3A_1590 : vector<1x1x16xf32> to vector<16xf32>
        %mul3A_1592 = vector.broadcast %squeeze3A_1439 : f32 to vector<16xf32>
        %mul3A_1593 = arith.mulf %mul3A_1592, %get3A_1591 : vector<16xf32>
        %add3A_1594 = arith.addf %add3A_1585, %mul3A_1593 : vector<16xf32>
        %swap3A_1595 = arith.index_cast %add3A_1431 : i32 to index
        %swap3A_1596 = arith.constant 48 : index
        %swap3A_1597 = tpu.vector_load %arg11[%swap3A_1595, %swap3A_1596] {strides = array<i32>} : memref<128x64xf32, #tpu.memory_space<vmem>>, vector<1x16xf32>,
        %swap3A_1598 = vector.shape_cast %swap3A_1597 : vector<1x16xf32> to vector<16xf32>
        %swap3A_1599 = vector.shape_cast %add3A_1594 : vector<16xf32> to vector<1x16xf32>
        tpu.vector_store %arg11[%swap3A_1595, %swap3A_1596], %swap3A_1599 {add = true, strides = array<i32>} : memref<128x64xf32, #tpu.memory_space<vmem>>, vector<1x16xf32>,
        %add3A_1600 = arith.constant 4 : i32
        %add3A_1601 = arith.addi %mul3A_901, %add3A_1600 : i32
        %slice3A_1602 = vector.extract_strided_slice %get3A_906 {offsets = [4], sizes = [1], strides = [1]} : vector<16xf32> to vector<1xf32>
        %squeeze3A_1603 = vector.extract %slice3A_1602[0] : f32 from vector<1xf32>
        %slice3A_1604 = vector.extract_strided_slice %get3A_911 {offsets = [4], sizes = [1], strides = [1]} : vector<16xf32> to vector<1xf32>
        %squeeze3A_1605 = vector.extract %slice3A_1604[0] : f32 from vector<1xf32>
        %slice3A_1606 = vector.extract_strided_slice %get3A_916 {offsets = [4], sizes = [1], strides = [1]} : vector<16xf32> to vector<1xf32>
        %squeeze3A_1607 = vector.extract %slice3A_1606[0] : f32 from vector<1xf32>
        %slice3A_1608 = vector.extract_strided_slice %get3A_921 {offsets = [4], sizes = [1], strides = [1]} : vector<16xf32> to vector<1xf32>
        %squeeze3A_1609 = vector.extract %slice3A_1608[0] : f32 from vector<1xf32>
        %get3A_1610 = arith.constant 0 : i32
        %get3A_1611 = arith.index_cast %get3A_1610 : i32 to index
        %get3A_1612 = arith.index_cast %add3A_1601 : i32 to index
        %get3A_1613 = arith.constant 0 : index
        %get3A_1614 = tpu.vector_load %arg10[%get3A_1611, %get3A_1612, %get3A_1613] {strides = array<i32>} : memref<4x128x64xf32, #tpu.memory_space<vmem>>, vector<1x1x16xf32>,
        %get3A_1615 = vector.shape_cast %get3A_1614 : vector<1x1x16xf32> to vector<16xf32>
        %mul3A_1616 = vector.broadcast %squeeze3A_1603 : f32 to vector<16xf32>
        %mul3A_1617 = arith.mulf %mul3A_1616, %get3A_1615 : vector<16xf32>
        %get3A_1618 = arith.constant 1 : i32
        %get3A_1619 = arith.index_cast %get3A_1618 : i32 to index
        %get3A_1620 = arith.index_cast %add3A_1601 : i32 to index
        %get3A_1621 = arith.constant 0 : index
        %get3A_1622 = tpu.vector_load %arg10[%get3A_1619, %get3A_1620, %get3A_1621] {strides = array<i32>} : memref<4x128x64xf32, #tpu.memory_space<vmem>>, vector<1x1x16xf32>,
        %get3A_1623 = vector.shape_cast %get3A_1622 : vector<1x1x16xf32> to vector<16xf32>
        %mul3A_1624 = vector.broadcast %squeeze3A_1605 : f32 to vector<16xf32>
        %mul3A_1625 = arith.mulf %mul3A_1624, %get3A_1623 : vector<16xf32>
        %add3A_1626 = arith.addf %mul3A_1617, %mul3A_1625 : vector<16xf32>
        %get3A_1627 = arith.constant 2 : i32
        %get3A_1628 = arith.index_cast %get3A_1627 : i32 to index
        %get3A_1629 = arith.index_cast %add3A_1601 : i32 to index
        %get3A_1630 = arith.constant 0 : index
        %get3A_1631 = tpu.vector_load %arg10[%get3A_1628, %get3A_1629, %get3A_1630] {strides = array<i32>} : memref<4x128x64xf32, #tpu.memory_space<vmem>>, vector<1x1x16xf32>,
        %get3A_1632 = vector.shape_cast %get3A_1631 : vector<1x1x16xf32> to vector<16xf32>
        %mul3A_1633 = vector.broadcast %squeeze3A_1607 : f32 to vector<16xf32>
        %mul3A_1634 = arith.mulf %mul3A_1633, %get3A_1632 : vector<16xf32>
        %add3A_1635 = arith.addf %add3A_1626, %mul3A_1634 : vector<16xf32>
        %get3A_1636 = arith.constant 3 : i32
        %get3A_1637 = arith.index_cast %get3A_1636 : i32 to index
        %get3A_1638 = arith.index_cast %add3A_1601 : i32 to index
        %get3A_1639 = arith.constant 0 : index
        %get3A_1640 = tpu.vector_load %arg10[%get3A_1637, %get3A_1638, %get3A_1639] {strides = array<i32>} : memref<4x128x64xf32, #tpu.memory_space<vmem>>, vector<1x1x16xf32>,
        %get3A_1641 = vector.shape_cast %get3A_1640 : vector<1x1x16xf32> to vector<16xf32>
        %mul3A_1642 = vector.broadcast %squeeze3A_1609 : f32 to vector<16xf32>
        %mul3A_1643 = arith.mulf %mul3A_1642, %get3A_1641 : vector<16xf32>
        %add3A_1644 = arith.addf %add3A_1635, %mul3A_1643 : vector<16xf32>
        %swap3A_1645 = arith.index_cast %add3A_1601 : i32 to index
        %swap3A_1646 = arith.constant 0 : index
        %swap3A_1647 = tpu.vector_load %arg11[%swap3A_1645, %swap3A_1646] {strides = array<i32>} : memref<128x64xf32, #tpu.memory_space<vmem>>, vector<1x16xf32>,
        %swap3A_1648 = vector.shape_cast %swap3A_1647 : vector<1x16xf32> to vector<16xf32>
        %swap3A_1649 = vector.shape_cast %add3A_1644 : vector<16xf32> to vector<1x16xf32>
        tpu.vector_store %arg11[%swap3A_1645, %swap3A_1646], %swap3A_1649 {add = true, strides = array<i32>} : memref<128x64xf32, #tpu.memory_space<vmem>>, vector<1x16xf32>,
        %get3A_1650 = arith.constant 0 : i32
        %get3A_1651 = arith.index_cast %get3A_1650 : i32 to index
        %get3A_1652 = arith.index_cast %add3A_1601 : i32 to index
        %get3A_1653 = arith.constant 16 : index
        %get3A_1654 = tpu.vector_load %arg10[%get3A_1651, %get3A_1652, %get3A_1653] {strides = array<i32>} : memref<4x128x64xf32, #tpu.memory_space<vmem>>, vector<1x1x16xf32>,
        %get3A_1655 = vector.shape_cast %get3A_1654 : vector<1x1x16xf32> to vector<16xf32>
        %mul3A_1656 = vector.broadcast %squeeze3A_1603 : f32 to vector<16xf32>
        %mul3A_1657 = arith.mulf %mul3A_1656, %get3A_1655 : vector<16xf32>
        %get3A_1658 = arith.constant 1 : i32
        %get3A_1659 = arith.index_cast %get3A_1658 : i32 to index
        %get3A_1660 = arith.index_cast %add3A_1601 : i32 to index
        %get3A_1661 = arith.constant 16 : index
        %get3A_1662 = tpu.vector_load %arg10[%get3A_1659, %get3A_1660, %get3A_1661] {strides = array<i32>} : memref<4x128x64xf32, #tpu.memory_space<vmem>>, vector<1x1x16xf32>,
        %get3A_1663 = vector.shape_cast %get3A_1662 : vector<1x1x16xf32> to vector<16xf32>
        %mul3A_1664 = vector.broadcast %squeeze3A_1605 : f32 to vector<16xf32>
        %mul3A_1665 = arith.mulf %mul3A_1664, %get3A_1663 : vector<16xf32>
        %add3A_1666 = arith.addf %mul3A_1657, %mul3A_1665 : vector<16xf32>
        %get3A_1667 = arith.constant 2 : i32
        %get3A_1668 = arith.index_cast %get3A_1667 : i32 to index
        %get3A_1669 = arith.index_cast %add3A_1601 : i32 to index
        %get3A_1670 = arith.constant 16 : index
        %get3A_1671 = tpu.vector_load %arg10[%get3A_1668, %get3A_1669, %get3A_1670] {strides = array<i32>} : memref<4x128x64xf32, #tpu.memory_space<vmem>>, vector<1x1x16xf32>,
        %get3A_1672 = vector.shape_cast %get3A_1671 : vector<1x1x16xf32> to vector<16xf32>
        %mul3A_1673 = vector.broadcast %squeeze3A_1607 : f32 to vector<16xf32>
        %mul3A_1674 = arith.mulf %mul3A_1673, %get3A_1672 : vector<16xf32>
        %add3A_1675 = arith.addf %add3A_1666, %mul3A_1674 : vector<16xf32>
        %get3A_1676 = arith.constant 3 : i32
        %get3A_1677 = arith.index_cast %get3A_1676 : i32 to index
        %get3A_1678 = arith.index_cast %add3A_1601 : i32 to index
        %get3A_1679 = arith.constant 16 : index
        %get3A_1680 = tpu.vector_load %arg10[%get3A_1677, %get3A_1678, %get3A_1679] {strides = array<i32>} : memref<4x128x64xf32, #tpu.memory_space<vmem>>, vector<1x1x16xf32>,
        %get3A_1681 = vector.shape_cast %get3A_1680 : vector<1x1x16xf32> to vector<16xf32>
        %mul3A_1682 = vector.broadcast %squeeze3A_1609 : f32 to vector<16xf32>
        %mul3A_1683 = arith.mulf %mul3A_1682, %get3A_1681 : vector<16xf32>
        %add3A_1684 = arith.addf %add3A_1675, %mul3A_1683 : vector<16xf32>
        %swap3A_1685 = arith.index_cast %add3A_1601 : i32 to index
        %swap3A_1686 = arith.constant 16 : index
        %swap3A_1687 = tpu.vector_load %arg11[%swap3A_1685, %swap3A_1686] {strides = array<i32>} : memref<128x64xf32, #tpu.memory_space<vmem>>, vector<1x16xf32>,
        %swap3A_1688 = vector.shape_cast %swap3A_1687 : vector<1x16xf32> to vector<16xf32>
        %swap3A_1689 = vector.shape_cast %add3A_1684 : vector<16xf32> to vector<1x16xf32>
        tpu.vector_store %arg11[%swap3A_1685, %swap3A_1686], %swap3A_1689 {add = true, strides = array<i32>} : memref<128x64xf32, #tpu.memory_space<vmem>>, vector<1x16xf32>,
        %get3A_1690 = arith.constant 0 : i32
        %get3A_1691 = arith.index_cast %get3A_1690 : i32 to index
        %get3A_1692 = arith.index_cast %add3A_1601 : i32 to index
        %get3A_1693 = arith.constant 32 : index
        %get3A_1694 = tpu.vector_load %arg10[%get3A_1691, %get3A_1692, %get3A_1693] {strides = array<i32>} : memref<4x128x64xf32, #tpu.memory_space<vmem>>, vector<1x1x16xf32>,
        %get3A_1695 = vector.shape_cast %get3A_1694 : vector<1x1x16xf32> to vector<16xf32>
        %mul3A_1696 = vector.broadcast %squeeze3A_1603 : f32 to vector<16xf32>
        %mul3A_1697 = arith.mulf %mul3A_1696, %get3A_1695 : vector<16xf32>
        %get3A_1698 = arith.constant 1 : i32
        %get3A_1699 = arith.index_cast %get3A_1698 : i32 to index
        %get3A_1700 = arith.index_cast %add3A_1601 : i32 to index
        %get3A_1701 = arith.constant 32 : index
        %get3A_1702 = tpu.vector_load %arg10[%get3A_1699, %get3A_1700, %get3A_1701] {strides = array<i32>} : memref<4x128x64xf32, #tpu.memory_space<vmem>>, vector<1x1x16xf32>,
        %get3A_1703 = vector.shape_cast %get3A_1702 : vector<1x1x16xf32> to vector<16xf32>
        %mul3A_1704 = vector.broadcast %squeeze3A_1605 : f32 to vector<16xf32>
        %mul3A_1705 = arith.mulf %mul3A_1704, %get3A_1703 : vector<16xf32>
        %add3A_1706 = arith.addf %mul3A_1697, %mul3A_1705 : vector<16xf32>
        %get3A_1707 = arith.constant 2 : i32
        %get3A_1708 = arith.index_cast %get3A_1707 : i32 to index
        %get3A_1709 = arith.index_cast %add3A_1601 : i32 to index
        %get3A_1710 = arith.constant 32 : index
        %get3A_1711 = tpu.vector_load %arg10[%get3A_1708, %get3A_1709, %get3A_1710] {strides = array<i32>} : memref<4x128x64xf32, #tpu.memory_space<vmem>>, vector<1x1x16xf32>,
        %get3A_1712 = vector.shape_cast %get3A_1711 : vector<1x1x16xf32> to vector<16xf32>
        %mul3A_1713 = vector.broadcast %squeeze3A_1607 : f32 to vector<16xf32>
        %mul3A_1714 = arith.mulf %mul3A_1713, %get3A_1712 : vector<16xf32>
        %add3A_1715 = arith.addf %add3A_1706, %mul3A_1714 : vector<16xf32>
        %get3A_1716 = arith.constant 3 : i32
        %get3A_1717 = arith.index_cast %get3A_1716 : i32 to index
        %get3A_1718 = arith.index_cast %add3A_1601 : i32 to index
        %get3A_1719 = arith.constant 32 : index
        %get3A_1720 = tpu.vector_load %arg10[%get3A_1717, %get3A_1718, %get3A_1719] {strides = array<i32>} : memref<4x128x64xf32, #tpu.memory_space<vmem>>, vector<1x1x16xf32>,
        %get3A_1721 = vector.shape_cast %get3A_1720 : vector<1x1x16xf32> to vector<16xf32>
        %mul3A_1722 = vector.broadcast %squeeze3A_1609 : f32 to vector<16xf32>
        %mul3A_1723 = arith.mulf %mul3A_1722, %get3A_1721 : vector<16xf32>
        %add3A_1724 = arith.addf %add3A_1715, %mul3A_1723 : vector<16xf32>
        %swap3A_1725 = arith.index_cast %add3A_1601 : i32 to index
        %swap3A_1726 = arith.constant 32 : index
        %swap3A_1727 = tpu.vector_load %arg11[%swap3A_1725, %swap3A_1726] {strides = array<i32>} : memref<128x64xf32, #tpu.memory_space<vmem>>, vector<1x16xf32>,
        %swap3A_1728 = vector.shape_cast %swap3A_1727 : vector<1x16xf32> to vector<16xf32>
        %swap3A_1729 = vector.shape_cast %add3A_1724 : vector<16xf32> to vector<1x16xf32>
        tpu.vector_store %arg11[%swap3A_1725, %swap3A_1726], %swap3A_1729 {add = true, strides = array<i32>} : memref<128x64xf32, #tpu.memory_space<vmem>>, vector<1x16xf32>,
        %get3A_1730 = arith.constant 0 : i32
        %get3A_1731 = arith.index_cast %get3A_1730 : i32 to index
        %get3A_1732 = arith.index_cast %add3A_1601 : i32 to index
        %get3A_1733 = arith.constant 48 : index
        %get3A_1734 = tpu.vector_load %arg10[%get3A_1731, %get3A_1732, %get3A_1733] {strides = array<i32>} : memref<4x128x64xf32, #tpu.memory_space<vmem>>, vector<1x1x16xf32>,
        %get3A_1735 = vector.shape_cast %get3A_1734 : vector<1x1x16xf32> to vector<16xf32>
        %mul3A_1736 = vector.broadcast %squeeze3A_1603 : f32 to vector<16xf32>
        %mul3A_1737 = arith.mulf %mul3A_1736, %get3A_1735 : vector<16xf32>
        %get3A_1738 = arith.constant 1 : i32
        %get3A_1739 = arith.index_cast %get3A_1738 : i32 to index
        %get3A_1740 = arith.index_cast %add3A_1601 : i32 to index
        %get3A_1741 = arith.constant 48 : index
        %get3A_1742 = tpu.vector_load %arg10[%get3A_1739, %get3A_1740, %get3A_1741] {strides = array<i32>} : memref<4x128x64xf32, #tpu.memory_space<vmem>>, vector<1x1x16xf32>,
        %get3A_1743 = vector.shape_cast %get3A_1742 : vector<1x1x16xf32> to vector<16xf32>
        %mul3A_1744 = vector.broadcast %squeeze3A_1605 : f32 to vector<16xf32>
        %mul3A_1745 = arith.mulf %mul3A_1744, %get3A_1743 : vector<16xf32>
        %add3A_1746 = arith.addf %mul3A_1737, %mul3A_1745 : vector<16xf32>
        %get3A_1747 = arith.constant 2 : i32
        %get3A_1748 = arith.index_cast %get3A_1747 : i32 to index
        %get3A_1749 = arith.index_cast %add3A_1601 : i32 to index
        %get3A_1750 = arith.constant 48 : index
        %get3A_1751 = tpu.vector_load %arg10[%get3A_1748, %get3A_1749, %get3A_1750] {strides = array<i32>} : memref<4x128x64xf32, #tpu.memory_space<vmem>>, vector<1x1x16xf32>,
        %get3A_1752 = vector.shape_cast %get3A_1751 : vector<1x1x16xf32> to vector<16xf32>
        %mul3A_1753 = vector.broadcast %squeeze3A_1607 : f32 to vector<16xf32>
        %mul3A_1754 = arith.mulf %mul3A_1753, %get3A_1752 : vector<16xf32>
        %add3A_1755 = arith.addf %add3A_1746, %mul3A_1754 : vector<16xf32>
        %get3A_1756 = arith.constant 3 : i32
        %get3A_1757 = arith.index_cast %get3A_1756 : i32 to index
        %get3A_1758 = arith.index_cast %add3A_1601 : i32 to index
        %get3A_1759 = arith.constant 48 : index
        %get3A_1760 = tpu.vector_load %arg10[%get3A_1757, %get3A_1758, %get3A_1759] {strides = array<i32>} : memref<4x128x64xf32, #tpu.memory_space<vmem>>, vector<1x1x16xf32>,
        %get3A_1761 = vector.shape_cast %get3A_1760 : vector<1x1x16xf32> to vector<16xf32>
        %mul3A_1762 = vector.broadcast %squeeze3A_1609 : f32 to vector<16xf32>
        %mul3A_1763 = arith.mulf %mul3A_1762, %get3A_1761 : vector<16xf32>
        %add3A_1764 = arith.addf %add3A_1755, %mul3A_1763 : vector<16xf32>
        %swap3A_1765 = arith.index_cast %add3A_1601 : i32 to index
        %swap3A_1766 = arith.constant 48 : index
        %swap3A_1767 = tpu.vector_load %arg11[%swap3A_1765, %swap3A_1766] {strides = array<i32>} : memref<128x64xf32, #tpu.memory_space<vmem>>, vector<1x16xf32>,
        %swap3A_1768 = vector.shape_cast %swap3A_1767 : vector<1x16xf32> to vector<16xf32>
        %swap3A_1769 = vector.shape_cast %add3A_1764 : vector<16xf32> to vector<1x16xf32>
        tpu.vector_store %arg11[%swap3A_1765, %swap3A_1766], %swap3A_1769 {add = true, strides = array<i32>} : memref<128x64xf32, #tpu.memory_space<vmem>>, vector<1x16xf32>,
        %add3A_1770 = arith.constant 5 : i32
        %add3A_1771 = arith.addi %mul3A_901, %add3A_1770 : i32
        %slice3A_1772 = vector.extract_strided_slice %get3A_906 {offsets = [5], sizes = [1], strides = [1]} : vector<16xf32> to vector<1xf32>
        %squeeze3A_1773 = vector.extract %slice3A_1772[0] : f32 from vector<1xf32>
        %slice3A_1774 = vector.extract_strided_slice %get3A_911 {offsets = [5], sizes = [1], strides = [1]} : vector<16xf32> to vector<1xf32>
        %squeeze3A_1775 = vector.extract %slice3A_1774[0] : f32 from vector<1xf32>
        %slice3A_1776 = vector.extract_strided_slice %get3A_916 {offsets = [5], sizes = [1], strides = [1]} : vector<16xf32> to vector<1xf32>
        %squeeze3A_1777 = vector.extract %slice3A_1776[0] : f32 from vector<1xf32>
        %slice3A_1778 = vector.extract_strided_slice %get3A_921 {offsets = [5], sizes = [1], strides = [1]} : vector<16xf32> to vector<1xf32>
        %squeeze3A_1779 = vector.extract %slice3A_1778[0] : f32 from vector<1xf32>
        %get3A_1780 = arith.constant 0 : i32
        %get3A_1781 = arith.index_cast %get3A_1780 : i32 to index
        %get3A_1782 = arith.index_cast %add3A_1771 : i32 to index
        %get3A_1783 = arith.constant 0 : index
        %get3A_1784 = tpu.vector_load %arg10[%get3A_1781, %get3A_1782, %get3A_1783] {strides = array<i32>} : memref<4x128x64xf32, #tpu.memory_space<vmem>>, vector<1x1x16xf32>,
        %get3A_1785 = vector.shape_cast %get3A_1784 : vector<1x1x16xf32> to vector<16xf32>
        %mul3A_1786 = vector.broadcast %squeeze3A_1773 : f32 to vector<16xf32>
        %mul3A_1787 = arith.mulf %mul3A_1786, %get3A_1785 : vector<16xf32>
        %get3A_1788 = arith.constant 1 : i32
        %get3A_1789 = arith.index_cast %get3A_1788 : i32 to index
        %get3A_1790 = arith.index_cast %add3A_1771 : i32 to index
        %get3A_1791 = arith.constant 0 : index
        %get3A_1792 = tpu.vector_load %arg10[%get3A_1789, %get3A_1790, %get3A_1791] {strides = array<i32>} : memref<4x128x64xf32, #tpu.memory_space<vmem>>, vector<1x1x16xf32>,
        %get3A_1793 = vector.shape_cast %get3A_1792 : vector<1x1x16xf32> to vector<16xf32>
        %mul3A_1794 = vector.broadcast %squeeze3A_1775 : f32 to vector<16xf32>
        %mul3A_1795 = arith.mulf %mul3A_1794, %get3A_1793 : vector<16xf32>
        %add3A_1796 = arith.addf %mul3A_1787, %mul3A_1795 : vector<16xf32>
        %get3A_1797 = arith.constant 2 : i32
        %get3A_1798 = arith.index_cast %get3A_1797 : i32 to index
        %get3A_1799 = arith.index_cast %add3A_1771 : i32 to index
        %get3A_1800 = arith.constant 0 : index
        %get3A_1801 = tpu.vector_load %arg10[%get3A_1798, %get3A_1799, %get3A_1800] {strides = array<i32>} : memref<4x128x64xf32, #tpu.memory_space<vmem>>, vector<1x1x16xf32>,
        %get3A_1802 = vector.shape_cast %get3A_1801 : vector<1x1x16xf32> to vector<16xf32>
        %mul3A_1803 = vector.broadcast %squeeze3A_1777 : f32 to vector<16xf32>
        %mul3A_1804 = arith.mulf %mul3A_1803, %get3A_1802 : vector<16xf32>
        %add3A_1805 = arith.addf %add3A_1796, %mul3A_1804 : vector<16xf32>
        %get3A_1806 = arith.constant 3 : i32
        %get3A_1807 = arith.index_cast %get3A_1806 : i32 to index
        %get3A_1808 = arith.index_cast %add3A_1771 : i32 to index
        %get3A_1809 = arith.constant 0 : index
        %get3A_1810 = tpu.vector_load %arg10[%get3A_1807, %get3A_1808, %get3A_1809] {strides = array<i32>} : memref<4x128x64xf32, #tpu.memory_space<vmem>>, vector<1x1x16xf32>,
        %get3A_1811 = vector.shape_cast %get3A_1810 : vector<1x1x16xf32> to vector<16xf32>
        %mul3A_1812 = vector.broadcast %squeeze3A_1779 : f32 to vector<16xf32>
        %mul3A_1813 = arith.mulf %mul3A_1812, %get3A_1811 : vector<16xf32>
        %add3A_1814 = arith.addf %add3A_1805, %mul3A_1813 : vector<16xf32>
        %swap3A_1815 = arith.index_cast %add3A_1771 : i32 to index
        %swap3A_1816 = arith.constant 0 : index
        %swap3A_1817 = tpu.vector_load %arg11[%swap3A_1815, %swap3A_1816] {strides = array<i32>} : memref<128x64xf32, #tpu.memory_space<vmem>>, vector<1x16xf32>,
        %swap3A_1818 = vector.shape_cast %swap3A_1817 : vector<1x16xf32> to vector<16xf32>
        %swap3A_1819 = vector.shape_cast %add3A_1814 : vector<16xf32> to vector<1x16xf32>
        tpu.vector_store %arg11[%swap3A_1815, %swap3A_1816], %swap3A_1819 {add = true, strides = array<i32>} : memref<128x64xf32, #tpu.memory_space<vmem>>, vector<1x16xf32>,
        %get3A_1820 = arith.constant 0 : i32
        %get3A_1821 = arith.index_cast %get3A_1820 : i32 to index
        %get3A_1822 = arith.index_cast %add3A_1771 : i32 to index
        %get3A_1823 = arith.constant 16 : index
        %get3A_1824 = tpu.vector_load %arg10[%get3A_1821, %get3A_1822, %get3A_1823] {strides = array<i32>} : memref<4x128x64xf32, #tpu.memory_space<vmem>>, vector<1x1x16xf32>,
        %get3A_1825 = vector.shape_cast %get3A_1824 : vector<1x1x16xf32> to vector<16xf32>
        %mul3A_1826 = vector.broadcast %squeeze3A_1773 : f32 to vector<16xf32>
        %mul3A_1827 = arith.mulf %mul3A_1826, %get3A_1825 : vector<16xf32>
        %get3A_1828 = arith.constant 1 : i32
        %get3A_1829 = arith.index_cast %get3A_1828 : i32 to index
        %get3A_1830 = arith.index_cast %add3A_1771 : i32 to index
        %get3A_1831 = arith.constant 16 : index
        %get3A_1832 = tpu.vector_load %arg10[%get3A_1829, %get3A_1830, %get3A_1831] {strides = array<i32>} : memref<4x128x64xf32, #tpu.memory_space<vmem>>, vector<1x1x16xf32>,
        %get3A_1833 = vector.shape_cast %get3A_1832 : vector<1x1x16xf32> to vector<16xf32>
        %mul3A_1834 = vector.broadcast %squeeze3A_1775 : f32 to vector<16xf32>
        %mul3A_1835 = arith.mulf %mul3A_1834, %get3A_1833 : vector<16xf32>
        %add3A_1836 = arith.addf %mul3A_1827, %mul3A_1835 : vector<16xf32>
        %get3A_1837 = arith.constant 2 : i32
        %get3A_1838 = arith.index_cast %get3A_1837 : i32 to index
        %get3A_1839 = arith.index_cast %add3A_1771 : i32 to index
        %get3A_1840 = arith.constant 16 : index
        %get3A_1841 = tpu.vector_load %arg10[%get3A_1838, %get3A_1839, %get3A_1840] {strides = array<i32>} : memref<4x128x64xf32, #tpu.memory_space<vmem>>, vector<1x1x16xf32>,
        %get3A_1842 = vector.shape_cast %get3A_1841 : vector<1x1x16xf32> to vector<16xf32>
        %mul3A_1843 = vector.broadcast %squeeze3A_1777 : f32 to vector<16xf32>
        %mul3A_1844 = arith.mulf %mul3A_1843, %get3A_1842 : vector<16xf32>
        %add3A_1845 = arith.addf %add3A_1836, %mul3A_1844 : vector<16xf32>
        %get3A_1846 = arith.constant 3 : i32
        %get3A_1847 = arith.index_cast %get3A_1846 : i32 to index
        %get3A_1848 = arith.index_cast %add3A_1771 : i32 to index
        %get3A_1849 = arith.constant 16 : index
        %get3A_1850 = tpu.vector_load %arg10[%get3A_1847, %get3A_1848, %get3A_1849] {strides = array<i32>} : memref<4x128x64xf32, #tpu.memory_space<vmem>>, vector<1x1x16xf32>,
        %get3A_1851 = vector.shape_cast %get3A_1850 : vector<1x1x16xf32> to vector<16xf32>
        %mul3A_1852 = vector.broadcast %squeeze3A_1779 : f32 to vector<16xf32>
        %mul3A_1853 = arith.mulf %mul3A_1852, %get3A_1851 : vector<16xf32>
        %add3A_1854 = arith.addf %add3A_1845, %mul3A_1853 : vector<16xf32>
        %swap3A_1855 = arith.index_cast %add3A_1771 : i32 to index
        %swap3A_1856 = arith.constant 16 : index
        %swap3A_1857 = tpu.vector_load %arg11[%swap3A_1855, %swap3A_1856] {strides = array<i32>} : memref<128x64xf32, #tpu.memory_space<vmem>>, vector<1x16xf32>,
        %swap3A_1858 = vector.shape_cast %swap3A_1857 : vector<1x16xf32> to vector<16xf32>
        %swap3A_1859 = vector.shape_cast %add3A_1854 : vector<16xf32> to vector<1x16xf32>
        tpu.vector_store %arg11[%swap3A_1855, %swap3A_1856], %swap3A_1859 {add = true, strides = array<i32>} : memref<128x64xf32, #tpu.memory_space<vmem>>, vector<1x16xf32>,
        %get3A_1860 = arith.constant 0 : i32
        %get3A_1861 = arith.index_cast %get3A_1860 : i32 to index
        %get3A_1862 = arith.index_cast %add3A_1771 : i32 to index
        %get3A_1863 = arith.constant 32 : index
        %get3A_1864 = tpu.vector_load %arg10[%get3A_1861, %get3A_1862, %get3A_1863] {strides = array<i32>} : memref<4x128x64xf32, #tpu.memory_space<vmem>>, vector<1x1x16xf32>,
        %get3A_1865 = vector.shape_cast %get3A_1864 : vector<1x1x16xf32> to vector<16xf32>
        %mul3A_1866 = vector.broadcast %squeeze3A_1773 : f32 to vector<16xf32>
        %mul3A_1867 = arith.mulf %mul3A_1866, %get3A_1865 : vector<16xf32>
        %get3A_1868 = arith.constant 1 : i32
        %get3A_1869 = arith.index_cast %get3A_1868 : i32 to index
        %get3A_1870 = arith.index_cast %add3A_1771 : i32 to index
        %get3A_1871 = arith.constant 32 : index
        %get3A_1872 = tpu.vector_load %arg10[%get3A_1869, %get3A_1870, %get3A_1871] {strides = array<i32>} : memref<4x128x64xf32, #tpu.memory_space<vmem>>, vector<1x1x16xf32>,
        %get3A_1873 = vector.shape_cast %get3A_1872 : vector<1x1x16xf32> to vector<16xf32>
        %mul3A_1874 = vector.broadcast %squeeze3A_1775 : f32 to vector<16xf32>
        %mul3A_1875 = arith.mulf %mul3A_1874, %get3A_1873 : vector<16xf32>
        %add3A_1876 = arith.addf %mul3A_1867, %mul3A_1875 : vector<16xf32>
        %get3A_1877 = arith.constant 2 : i32
        %get3A_1878 = arith.index_cast %get3A_1877 : i32 to index
        %get3A_1879 = arith.index_cast %add3A_1771 : i32 to index
        %get3A_1880 = arith.constant 32 : index
        %get3A_1881 = tpu.vector_load %arg10[%get3A_1878, %get3A_1879, %get3A_1880] {strides = array<i32>} : memref<4x128x64xf32, #tpu.memory_space<vmem>>, vector<1x1x16xf32>,
        %get3A_1882 = vector.shape_cast %get3A_1881 : vector<1x1x16xf32> to vector<16xf32>
        %mul3A_1883 = vector.broadcast %squeeze3A_1777 : f32 to vector<16xf32>
        %mul3A_1884 = arith.mulf %mul3A_1883, %get3A_1882 : vector<16xf32>
        %add3A_1885 = arith.addf %add3A_1876, %mul3A_1884 : vector<16xf32>
        %get3A_1886 = arith.constant 3 : i32
        %get3A_1887 = arith.index_cast %get3A_1886 : i32 to index
        %get3A_1888 = arith.index_cast %add3A_1771 : i32 to index
        %get3A_1889 = arith.constant 32 : index
        %get3A_1890 = tpu.vector_load %arg10[%get3A_1887, %get3A_1888, %get3A_1889] {strides = array<i32>} : memref<4x128x64xf32, #tpu.memory_space<vmem>>, vector<1x1x16xf32>,
        %get3A_1891 = vector.shape_cast %get3A_1890 : vector<1x1x16xf32> to vector<16xf32>
        %mul3A_1892 = vector.broadcast %squeeze3A_1779 : f32 to vector<16xf32>
        %mul3A_1893 = arith.mulf %mul3A_1892, %get3A_1891 : vector<16xf32>
        %add3A_1894 = arith.addf %add3A_1885, %mul3A_1893 : vector<16xf32>
        %swap3A_1895 = arith.index_cast %add3A_1771 : i32 to index
        %swap3A_1896 = arith.constant 32 : index
        %swap3A_1897 = tpu.vector_load %arg11[%swap3A_1895, %swap3A_1896] {strides = array<i32>} : memref<128x64xf32, #tpu.memory_space<vmem>>, vector<1x16xf32>,
        %swap3A_1898 = vector.shape_cast %swap3A_1897 : vector<1x16xf32> to vector<16xf32>
        %swap3A_1899 = vector.shape_cast %add3A_1894 : vector<16xf32> to vector<1x16xf32>
        tpu.vector_store %arg11[%swap3A_1895, %swap3A_1896], %swap3A_1899 {add = true, strides = array<i32>} : memref<128x64xf32, #tpu.memory_space<vmem>>, vector<1x16xf32>,
        %get3A_1900 = arith.constant 0 : i32
        %get3A_1901 = arith.index_cast %get3A_1900 : i32 to index
        %get3A_1902 = arith.index_cast %add3A_1771 : i32 to index
        %get3A_1903 = arith.constant 48 : index
        %get3A_1904 = tpu.vector_load %arg10[%get3A_1901, %get3A_1902, %get3A_1903] {strides = array<i32>} : memref<4x128x64xf32, #tpu.memory_space<vmem>>, vector<1x1x16xf32>,
        %get3A_1905 = vector.shape_cast %get3A_1904 : vector<1x1x16xf32> to vector<16xf32>
        %mul3A_1906 = vector.broadcast %squeeze3A_1773 : f32 to vector<16xf32>
        %mul3A_1907 = arith.mulf %mul3A_1906, %get3A_1905 : vector<16xf32>
        %get3A_1908 = arith.constant 1 : i32
        %get3A_1909 = arith.index_cast %get3A_1908 : i32 to index
        %get3A_1910 = arith.index_cast %add3A_1771 : i32 to index
        %get3A_1911 = arith.constant 48 : index
        %get3A_1912 = tpu.vector_load %arg10[%get3A_1909, %get3A_1910, %get3A_1911] {strides = array<i32>} : memref<4x128x64xf32, #tpu.memory_space<vmem>>, vector<1x1x16xf32>,
        %get3A_1913 = vector.shape_cast %get3A_1912 : vector<1x1x16xf32> to vector<16xf32>
        %mul3A_1914 = vector.broadcast %squeeze3A_1775 : f32 to vector<16xf32>
        %mul3A_1915 = arith.mulf %mul3A_1914, %get3A_1913 : vector<16xf32>
        %add3A_1916 = arith.addf %mul3A_1907, %mul3A_1915 : vector<16xf32>
        %get3A_1917 = arith.constant 2 : i32
        %get3A_1918 = arith.index_cast %get3A_1917 : i32 to index
        %get3A_1919 = arith.index_cast %add3A_1771 : i32 to index
        %get3A_1920 = arith.constant 48 : index
        %get3A_1921 = tpu.vector_load %arg10[%get3A_1918, %get3A_1919, %get3A_1920] {strides = array<i32>} : memref<4x128x64xf32, #tpu.memory_space<vmem>>, vector<1x1x16xf32>,
        %get3A_1922 = vector.shape_cast %get3A_1921 : vector<1x1x16xf32> to vector<16xf32>
        %mul3A_1923 = vector.broadcast %squeeze3A_1777 : f32 to vector<16xf32>
        %mul3A_1924 = arith.mulf %mul3A_1923, %get3A_1922 : vector<16xf32>
        %add3A_1925 = arith.addf %add3A_1916, %mul3A_1924 : vector<16xf32>
        %get3A_1926 = arith.constant 3 : i32
        %get3A_1927 = arith.index_cast %get3A_1926 : i32 to index
        %get3A_1928 = arith.index_cast %add3A_1771 : i32 to index
        %get3A_1929 = arith.constant 48 : index
        %get3A_1930 = tpu.vector_load %arg10[%get3A_1927, %get3A_1928, %get3A_1929] {strides = array<i32>} : memref<4x128x64xf32, #tpu.memory_space<vmem>>, vector<1x1x16xf32>,
        %get3A_1931 = vector.shape_cast %get3A_1930 : vector<1x1x16xf32> to vector<16xf32>
        %mul3A_1932 = vector.broadcast %squeeze3A_1779 : f32 to vector<16xf32>
        %mul3A_1933 = arith.mulf %mul3A_1932, %get3A_1931 : vector<16xf32>
        %add3A_1934 = arith.addf %add3A_1925, %mul3A_1933 : vector<16xf32>
        %swap3A_1935 = arith.index_cast %add3A_1771 : i32 to index
        %swap3A_1936 = arith.constant 48 : index
        %swap3A_1937 = tpu.vector_load %arg11[%swap3A_1935, %swap3A_1936] {strides = array<i32>} : memref<128x64xf32, #tpu.memory_space<vmem>>, vector<1x16xf32>,
        %swap3A_1938 = vector.shape_cast %swap3A_1937 : vector<1x16xf32> to vector<16xf32>
        %swap3A_1939 = vector.shape_cast %add3A_1934 : vector<16xf32> to vector<1x16xf32>
        tpu.vector_store %arg11[%swap3A_1935, %swap3A_1936], %swap3A_1939 {add = true, strides = array<i32>} : memref<128x64xf32, #tpu.memory_space<vmem>>, vector<1x16xf32>,
        %add3A_1940 = arith.constant 6 : i32
        %add3A_1941 = arith.addi %mul3A_901, %add3A_1940 : i32
        %slice3A_1942 = vector.extract_strided_slice %get3A_906 {offsets = [6], sizes = [1], strides = [1]} : vector<16xf32> to vector<1xf32>
        %squeeze3A_1943 = vector.extract %slice3A_1942[0] : f32 from vector<1xf32>
        %slice3A_1944 = vector.extract_strided_slice %get3A_911 {offsets = [6], sizes = [1], strides = [1]} : vector<16xf32> to vector<1xf32>
        %squeeze3A_1945 = vector.extract %slice3A_1944[0] : f32 from vector<1xf32>
        %slice3A_1946 = vector.extract_strided_slice %get3A_916 {offsets = [6], sizes = [1], strides = [1]} : vector<16xf32> to vector<1xf32>
        %squeeze3A_1947 = vector.extract %slice3A_1946[0] : f32 from vector<1xf32>
        %slice3A_1948 = vector.extract_strided_slice %get3A_921 {offsets = [6], sizes = [1], strides = [1]} : vector<16xf32> to vector<1xf32>
        %squeeze3A_1949 = vector.extract %slice3A_1948[0] : f32 from vector<1xf32>
        %get3A_1950 = arith.constant 0 : i32
        %get3A_1951 = arith.index_cast %get3A_1950 : i32 to index
        %get3A_1952 = arith.index_cast %add3A_1941 : i32 to index
        %get3A_1953 = arith.constant 0 : index
        %get3A_1954 = tpu.vector_load %arg10[%get3A_1951, %get3A_1952, %get3A_1953] {strides = array<i32>} : memref<4x128x64xf32, #tpu.memory_space<vmem>>, vector<1x1x16xf32>,
        %get3A_1955 = vector.shape_cast %get3A_1954 : vector<1x1x16xf32> to vector<16xf32>
        %mul3A_1956 = vector.broadcast %squeeze3A_1943 : f32 to vector<16xf32>
        %mul3A_1957 = arith.mulf %mul3A_1956, %get3A_1955 : vector<16xf32>
        %get3A_1958 = arith.constant 1 : i32
        %get3A_1959 = arith.index_cast %get3A_1958 : i32 to index
        %get3A_1960 = arith.index_cast %add3A_1941 : i32 to index
        %get3A_1961 = arith.constant 0 : index
        %get3A_1962 = tpu.vector_load %arg10[%get3A_1959, %get3A_1960, %get3A_1961] {strides = array<i32>} : memref<4x128x64xf32, #tpu.memory_space<vmem>>, vector<1x1x16xf32>,
        %get3A_1963 = vector.shape_cast %get3A_1962 : vector<1x1x16xf32> to vector<16xf32>
        %mul3A_1964 = vector.broadcast %squeeze3A_1945 : f32 to vector<16xf32>
        %mul3A_1965 = arith.mulf %mul3A_1964, %get3A_1963 : vector<16xf32>
        %add3A_1966 = arith.addf %mul3A_1957, %mul3A_1965 : vector<16xf32>
        %get3A_1967 = arith.constant 2 : i32
        %get3A_1968 = arith.index_cast %get3A_1967 : i32 to index
        %get3A_1969 = arith.index_cast %add3A_1941 : i32 to index
        %get3A_1970 = arith.constant 0 : index
        %get3A_1971 = tpu.vector_load %arg10[%get3A_1968, %get3A_1969, %get3A_1970] {strides = array<i32>} : memref<4x128x64xf32, #tpu.memory_space<vmem>>, vector<1x1x16xf32>,
        %get3A_1972 = vector.shape_cast %get3A_1971 : vector<1x1x16xf32> to vector<16xf32>
        %mul3A_1973 = vector.broadcast %squeeze3A_1947 : f32 to vector<16xf32>
        %mul3A_1974 = arith.mulf %mul3A_1973, %get3A_1972 : vector<16xf32>
        %add3A_1975 = arith.addf %add3A_1966, %mul3A_1974 : vector<16xf32>
        %get3A_1976 = arith.constant 3 : i32
        %get3A_1977 = arith.index_cast %get3A_1976 : i32 to index
        %get3A_1978 = arith.index_cast %add3A_1941 : i32 to index
        %get3A_1979 = arith.constant 0 : index
        %get3A_1980 = tpu.vector_load %arg10[%get3A_1977, %get3A_1978, %get3A_1979] {strides = array<i32>} : memref<4x128x64xf32, #tpu.memory_space<vmem>>, vector<1x1x16xf32>,
        %get3A_1981 = vector.shape_cast %get3A_1980 : vector<1x1x16xf32> to vector<16xf32>
        %mul3A_1982 = vector.broadcast %squeeze3A_1949 : f32 to vector<16xf32>
        %mul3A_1983 = arith.mulf %mul3A_1982, %get3A_1981 : vector<16xf32>
        %add3A_1984 = arith.addf %add3A_1975, %mul3A_1983 : vector<16xf32>
        %swap3A_1985 = arith.index_cast %add3A_1941 : i32 to index
        %swap3A_1986 = arith.constant 0 : index
        %swap3A_1987 = tpu.vector_load %arg11[%swap3A_1985, %swap3A_1986] {strides = array<i32>} : memref<128x64xf32, #tpu.memory_space<vmem>>, vector<1x16xf32>,
        %swap3A_1988 = vector.shape_cast %swap3A_1987 : vector<1x16xf32> to vector<16xf32>
        %swap3A_1989 = vector.shape_cast %add3A_1984 : vector<16xf32> to vector<1x16xf32>
        tpu.vector_store %arg11[%swap3A_1985, %swap3A_1986], %swap3A_1989 {add = true, strides = array<i32>} : memref<128x64xf32, #tpu.memory_space<vmem>>, vector<1x16xf32>,
        %get3A_1990 = arith.constant 0 : i32
        %get3A_1991 = arith.index_cast %get3A_1990 : i32 to index
        %get3A_1992 = arith.index_cast %add3A_1941 : i32 to index
        %get3A_1993 = arith.constant 16 : index
        %get3A_1994 = tpu.vector_load %arg10[%get3A_1991, %get3A_1992, %get3A_1993] {strides = array<i32>} : memref<4x128x64xf32, #tpu.memory_space<vmem>>, vector<1x1x16xf32>,
        %get3A_1995 = vector.shape_cast %get3A_1994 : vector<1x1x16xf32> to vector<16xf32>
        %mul3A_1996 = vector.broadcast %squeeze3A_1943 : f32 to vector<16xf32>
        %mul3A_1997 = arith.mulf %mul3A_1996, %get3A_1995 : vector<16xf32>
        %get3A_1998 = arith.constant 1 : i32
        %get3A_1999 = arith.index_cast %get3A_1998 : i32 to index
        %get3A_2000 = arith.index_cast %add3A_1941 : i32 to index
        %get3A_2001 = arith.constant 16 : index
        %get3A_2002 = tpu.vector_load %arg10[%get3A_1999, %get3A_2000, %get3A_2001] {strides = array<i32>} : memref<4x128x64xf32, #tpu.memory_space<vmem>>, vector<1x1x16xf32>,
        %get3A_2003 = vector.shape_cast %get3A_2002 : vector<1x1x16xf32> to vector<16xf32>
        %mul3A_2004 = vector.broadcast %squeeze3A_1945 : f32 to vector<16xf32>
        %mul3A_2005 = arith.mulf %mul3A_2004, %get3A_2003 : vector<16xf32>
        %add3A_2006 = arith.addf %mul3A_1997, %mul3A_2005 : vector<16xf32>
        %get3A_2007 = arith.constant 2 : i32
        %get3A_2008 = arith.index_cast %get3A_2007 : i32 to index
        %get3A_2009 = arith.index_cast %add3A_1941 : i32 to index
        %get3A_2010 = arith.constant 16 : index
        %get3A_2011 = tpu.vector_load %arg10[%get3A_2008, %get3A_2009, %get3A_2010] {strides = array<i32>} : memref<4x128x64xf32, #tpu.memory_space<vmem>>, vector<1x1x16xf32>,
        %get3A_2012 = vector.shape_cast %get3A_2011 : vector<1x1x16xf32> to vector<16xf32>
        %mul3A_2013 = vector.broadcast %squeeze3A_1947 : f32 to vector<16xf32>
        %mul3A_2014 = arith.mulf %mul3A_2013, %get3A_2012 : vector<16xf32>
        %add3A_2015 = arith.addf %add3A_2006, %mul3A_2014 : vector<16xf32>
        %get3A_2016 = arith.constant 3 : i32
        %get3A_2017 = arith.index_cast %get3A_2016 : i32 to index
        %get3A_2018 = arith.index_cast %add3A_1941 : i32 to index
        %get3A_2019 = arith.constant 16 : index
        %get3A_2020 = tpu.vector_load %arg10[%get3A_2017, %get3A_2018, %get3A_2019] {strides = array<i32>} : memref<4x128x64xf32, #tpu.memory_space<vmem>>, vector<1x1x16xf32>,
        %get3A_2021 = vector.shape_cast %get3A_2020 : vector<1x1x16xf32> to vector<16xf32>
        %mul3A_2022 = vector.broadcast %squeeze3A_1949 : f32 to vector<16xf32>
        %mul3A_2023 = arith.mulf %mul3A_2022, %get3A_2021 : vector<16xf32>
        %add3A_2024 = arith.addf %add3A_2015, %mul3A_2023 : vector<16xf32>
        %swap3A_2025 = arith.index_cast %add3A_1941 : i32 to index
        %swap3A_2026 = arith.constant 16 : index
        %swap3A_2027 = tpu.vector_load %arg11[%swap3A_2025, %swap3A_2026] {strides = array<i32>} : memref<128x64xf32, #tpu.memory_space<vmem>>, vector<1x16xf32>,
        %swap3A_2028 = vector.shape_cast %swap3A_2027 : vector<1x16xf32> to vector<16xf32>
        %swap3A_2029 = vector.shape_cast %add3A_2024 : vector<16xf32> to vector<1x16xf32>
        tpu.vector_store %arg11[%swap3A_2025, %swap3A_2026], %swap3A_2029 {add = true, strides = array<i32>} : memref<128x64xf32, #tpu.memory_space<vmem>>, vector<1x16xf32>,
        %get3A_2030 = arith.constant 0 : i32
        %get3A_2031 = arith.index_cast %get3A_2030 : i32 to index
        %get3A_2032 = arith.index_cast %add3A_1941 : i32 to index
        %get3A_2033 = arith.constant 32 : index
        %get3A_2034 = tpu.vector_load %arg10[%get3A_2031, %get3A_2032, %get3A_2033] {strides = array<i32>} : memref<4x128x64xf32, #tpu.memory_space<vmem>>, vector<1x1x16xf32>,
        %get3A_2035 = vector.shape_cast %get3A_2034 : vector<1x1x16xf32> to vector<16xf32>
        %mul3A_2036 = vector.broadcast %squeeze3A_1943 : f32 to vector<16xf32>
        %mul3A_2037 = arith.mulf %mul3A_2036, %get3A_2035 : vector<16xf32>
        %get3A_2038 = arith.constant 1 : i32
        %get3A_2039 = arith.index_cast %get3A_2038 : i32 to index
        %get3A_2040 = arith.index_cast %add3A_1941 : i32 to index
        %get3A_2041 = arith.constant 32 : index
        %get3A_2042 = tpu.vector_load %arg10[%get3A_2039, %get3A_2040, %get3A_2041] {strides = array<i32>} : memref<4x128x64xf32, #tpu.memory_space<vmem>>, vector<1x1x16xf32>,
        %get3A_2043 = vector.shape_cast %get3A_2042 : vector<1x1x16xf32> to vector<16xf32>
        %mul3A_2044 = vector.broadcast %squeeze3A_1945 : f32 to vector<16xf32>
        %mul3A_2045 = arith.mulf %mul3A_2044, %get3A_2043 : vector<16xf32>
        %add3A_2046 = arith.addf %mul3A_2037, %mul3A_2045 : vector<16xf32>
        %get3A_2047 = arith.constant 2 : i32
        %get3A_2048 = arith.index_cast %get3A_2047 : i32 to index
        %get3A_2049 = arith.index_cast %add3A_1941 : i32 to index
        %get3A_2050 = arith.constant 32 : index
        %get3A_2051 = tpu.vector_load %arg10[%get3A_2048, %get3A_2049, %get3A_2050] {strides = array<i32>} : memref<4x128x64xf32, #tpu.memory_space<vmem>>, vector<1x1x16xf32>,
        %get3A_2052 = vector.shape_cast %get3A_2051 : vector<1x1x16xf32> to vector<16xf32>
        %mul3A_2053 = vector.broadcast %squeeze3A_1947 : f32 to vector<16xf32>
        %mul3A_2054 = arith.mulf %mul3A_2053, %get3A_2052 : vector<16xf32>
        %add3A_2055 = arith.addf %add3A_2046, %mul3A_2054 : vector<16xf32>
        %get3A_2056 = arith.constant 3 : i32
        %get3A_2057 = arith.index_cast %get3A_2056 : i32 to index
        %get3A_2058 = arith.index_cast %add3A_1941 : i32 to index
        %get3A_2059 = arith.constant 32 : index
        %get3A_2060 = tpu.vector_load %arg10[%get3A_2057, %get3A_2058, %get3A_2059] {strides = array<i32>} : memref<4x128x64xf32, #tpu.memory_space<vmem>>, vector<1x1x16xf32>,
        %get3A_2061 = vector.shape_cast %get3A_2060 : vector<1x1x16xf32> to vector<16xf32>
        %mul3A_2062 = vector.broadcast %squeeze3A_1949 : f32 to vector<16xf32>
        %mul3A_2063 = arith.mulf %mul3A_2062, %get3A_2061 : vector<16xf32>
        %add3A_2064 = arith.addf %add3A_2055, %mul3A_2063 : vector<16xf32>
        %swap3A_2065 = arith.index_cast %add3A_1941 : i32 to index
        %swap3A_2066 = arith.constant 32 : index
        %swap3A_2067 = tpu.vector_load %arg11[%swap3A_2065, %swap3A_2066] {strides = array<i32>} : memref<128x64xf32, #tpu.memory_space<vmem>>, vector<1x16xf32>,
        %swap3A_2068 = vector.shape_cast %swap3A_2067 : vector<1x16xf32> to vector<16xf32>
        %swap3A_2069 = vector.shape_cast %add3A_2064 : vector<16xf32> to vector<1x16xf32>
        tpu.vector_store %arg11[%swap3A_2065, %swap3A_2066], %swap3A_2069 {add = true, strides = array<i32>} : memref<128x64xf32, #tpu.memory_space<vmem>>, vector<1x16xf32>,
        %get3A_2070 = arith.constant 0 : i32
        %get3A_2071 = arith.index_cast %get3A_2070 : i32 to index
        %get3A_2072 = arith.index_cast %add3A_1941 : i32 to index
        %get3A_2073 = arith.constant 48 : index
        %get3A_2074 = tpu.vector_load %arg10[%get3A_2071, %get3A_2072, %get3A_2073] {strides = array<i32>} : memref<4x128x64xf32, #tpu.memory_space<vmem>>, vector<1x1x16xf32>,
        %get3A_2075 = vector.shape_cast %get3A_2074 : vector<1x1x16xf32> to vector<16xf32>
        %mul3A_2076 = vector.broadcast %squeeze3A_1943 : f32 to vector<16xf32>
        %mul3A_2077 = arith.mulf %mul3A_2076, %get3A_2075 : vector<16xf32>
        %get3A_2078 = arith.constant 1 : i32
        %get3A_2079 = arith.index_cast %get3A_2078 : i32 to index
        %get3A_2080 = arith.index_cast %add3A_1941 : i32 to index
        %get3A_2081 = arith.constant 48 : index
        %get3A_2082 = tpu.vector_load %arg10[%get3A_2079, %get3A_2080, %get3A_2081] {strides = array<i32>} : memref<4x128x64xf32, #tpu.memory_space<vmem>>, vector<1x1x16xf32>,
        %get3A_2083 = vector.shape_cast %get3A_2082 : vector<1x1x16xf32> to vector<16xf32>
        %mul3A_2084 = vector.broadcast %squeeze3A_1945 : f32 to vector<16xf32>
        %mul3A_2085 = arith.mulf %mul3A_2084, %get3A_2083 : vector<16xf32>
        %add3A_2086 = arith.addf %mul3A_2077, %mul3A_2085 : vector<16xf32>
        %get3A_2087 = arith.constant 2 : i32
        %get3A_2088 = arith.index_cast %get3A_2087 : i32 to index
        %get3A_2089 = arith.index_cast %add3A_1941 : i32 to index
        %get3A_2090 = arith.constant 48 : index
        %get3A_2091 = tpu.vector_load %arg10[%get3A_2088, %get3A_2089, %get3A_2090] {strides = array<i32>} : memref<4x128x64xf32, #tpu.memory_space<vmem>>, vector<1x1x16xf32>,
        %get3A_2092 = vector.shape_cast %get3A_2091 : vector<1x1x16xf32> to vector<16xf32>
        %mul3A_2093 = vector.broadcast %squeeze3A_1947 : f32 to vector<16xf32>
        %mul3A_2094 = arith.mulf %mul3A_2093, %get3A_2092 : vector<16xf32>
        %add3A_2095 = arith.addf %add3A_2086, %mul3A_2094 : vector<16xf32>
        %get3A_2096 = arith.constant 3 : i32
        %get3A_2097 = arith.index_cast %get3A_2096 : i32 to index
        %get3A_2098 = arith.index_cast %add3A_1941 : i32 to index
        %get3A_2099 = arith.constant 48 : index
        %get3A_2100 = tpu.vector_load %arg10[%get3A_2097, %get3A_2098, %get3A_2099] {strides = array<i32>} : memref<4x128x64xf32, #tpu.memory_space<vmem>>, vector<1x1x16xf32>,
        %get3A_2101 = vector.shape_cast %get3A_2100 : vector<1x1x16xf32> to vector<16xf32>
        %mul3A_2102 = vector.broadcast %squeeze3A_1949 : f32 to vector<16xf32>
        %mul3A_2103 = arith.mulf %mul3A_2102, %get3A_2101 : vector<16xf32>
        %add3A_2104 = arith.addf %add3A_2095, %mul3A_2103 : vector<16xf32>
        %swap3A_2105 = arith.index_cast %add3A_1941 : i32 to index
        %swap3A_2106 = arith.constant 48 : index
        %swap3A_2107 = tpu.vector_load %arg11[%swap3A_2105, %swap3A_2106] {strides = array<i32>} : memref<128x64xf32, #tpu.memory_space<vmem>>, vector<1x16xf32>,
        %swap3A_2108 = vector.shape_cast %swap3A_2107 : vector<1x16xf32> to vector<16xf32>
        %swap3A_2109 = vector.shape_cast %add3A_2104 : vector<16xf32> to vector<1x16xf32>
        tpu.vector_store %arg11[%swap3A_2105, %swap3A_2106], %swap3A_2109 {add = true, strides = array<i32>} : memref<128x64xf32, #tpu.memory_space<vmem>>, vector<1x16xf32>,
        %add3A_2110 = arith.constant 7 : i32
        %add3A_2111 = arith.addi %mul3A_901, %add3A_2110 : i32
        %slice3A_2112 = vector.extract_strided_slice %get3A_906 {offsets = [7], sizes = [1], strides = [1]} : vector<16xf32> to vector<1xf32>
        %squeeze3A_2113 = vector.extract %slice3A_2112[0] : f32 from vector<1xf32>
        %slice3A_2114 = vector.extract_strided_slice %get3A_911 {offsets = [7], sizes = [1], strides = [1]} : vector<16xf32> to vector<1xf32>
        %squeeze3A_2115 = vector.extract %slice3A_2114[0] : f32 from vector<1xf32>
        %slice3A_2116 = vector.extract_strided_slice %get3A_916 {offsets = [7], sizes = [1], strides = [1]} : vector<16xf32> to vector<1xf32>
        %squeeze3A_2117 = vector.extract %slice3A_2116[0] : f32 from vector<1xf32>
        %slice3A_2118 = vector.extract_strided_slice %get3A_921 {offsets = [7], sizes = [1], strides = [1]} : vector<16xf32> to vector<1xf32>
        %squeeze3A_2119 = vector.extract %slice3A_2118[0] : f32 from vector<1xf32>
        %get3A_2120 = arith.constant 0 : i32
        %get3A_2121 = arith.index_cast %get3A_2120 : i32 to index
        %get3A_2122 = arith.index_cast %add3A_2111 : i32 to index
        %get3A_2123 = arith.constant 0 : index
        %get3A_2124 = tpu.vector_load %arg10[%get3A_2121, %get3A_2122, %get3A_2123] {strides = array<i32>} : memref<4x128x64xf32, #tpu.memory_space<vmem>>, vector<1x1x16xf32>,
        %get3A_2125 = vector.shape_cast %get3A_2124 : vector<1x1x16xf32> to vector<16xf32>
        %mul3A_2126 = vector.broadcast %squeeze3A_2113 : f32 to vector<16xf32>
        %mul3A_2127 = arith.mulf %mul3A_2126, %get3A_2125 : vector<16xf32>
        %get3A_2128 = arith.constant 1 : i32
        %get3A_2129 = arith.index_cast %get3A_2128 : i32 to index
        %get3A_2130 = arith.index_cast %add3A_2111 : i32 to index
        %get3A_2131 = arith.constant 0 : index
        %get3A_2132 = tpu.vector_load %arg10[%get3A_2129, %get3A_2130, %get3A_2131] {strides = array<i32>} : memref<4x128x64xf32, #tpu.memory_space<vmem>>, vector<1x1x16xf32>,
        %get3A_2133 = vector.shape_cast %get3A_2132 : vector<1x1x16xf32> to vector<16xf32>
        %mul3A_2134 = vector.broadcast %squeeze3A_2115 : f32 to vector<16xf32>
        %mul3A_2135 = arith.mulf %mul3A_2134, %get3A_2133 : vector<16xf32>
        %add3A_2136 = arith.addf %mul3A_2127, %mul3A_2135 : vector<16xf32>
        %get3A_2137 = arith.constant 2 : i32
        %get3A_2138 = arith.index_cast %get3A_2137 : i32 to index
        %get3A_2139 = arith.index_cast %add3A_2111 : i32 to index
        %get3A_2140 = arith.constant 0 : index
        %get3A_2141 = tpu.vector_load %arg10[%get3A_2138, %get3A_2139, %get3A_2140] {strides = array<i32>} : memref<4x128x64xf32, #tpu.memory_space<vmem>>, vector<1x1x16xf32>,
        %get3A_2142 = vector.shape_cast %get3A_2141 : vector<1x1x16xf32> to vector<16xf32>
        %mul3A_2143 = vector.broadcast %squeeze3A_2117 : f32 to vector<16xf32>
        %mul3A_2144 = arith.mulf %mul3A_2143, %get3A_2142 : vector<16xf32>
        %add3A_2145 = arith.addf %add3A_2136, %mul3A_2144 : vector<16xf32>
        %get3A_2146 = arith.constant 3 : i32
        %get3A_2147 = arith.index_cast %get3A_2146 : i32 to index
        %get3A_2148 = arith.index_cast %add3A_2111 : i32 to index
        %get3A_2149 = arith.constant 0 : index
        %get3A_2150 = tpu.vector_load %arg10[%get3A_2147, %get3A_2148, %get3A_2149] {strides = array<i32>} : memref<4x128x64xf32, #tpu.memory_space<vmem>>, vector<1x1x16xf32>,
        %get3A_2151 = vector.shape_cast %get3A_2150 : vector<1x1x16xf32> to vector<16xf32>
        %mul3A_2152 = vector.broadcast %squeeze3A_2119 : f32 to vector<16xf32>
        %mul3A_2153 = arith.mulf %mul3A_2152, %get3A_2151 : vector<16xf32>
        %add3A_2154 = arith.addf %add3A_2145, %mul3A_2153 : vector<16xf32>
        %swap3A_2155 = arith.index_cast %add3A_2111 : i32 to index
        %swap3A_2156 = arith.constant 0 : index
        %swap3A_2157 = tpu.vector_load %arg11[%swap3A_2155, %swap3A_2156] {strides = array<i32>} : memref<128x64xf32, #tpu.memory_space<vmem>>, vector<1x16xf32>,
        %swap3A_2158 = vector.shape_cast %swap3A_2157 : vector<1x16xf32> to vector<16xf32>
        %swap3A_2159 = vector.shape_cast %add3A_2154 : vector<16xf32> to vector<1x16xf32>
        tpu.vector_store %arg11[%swap3A_2155, %swap3A_2156], %swap3A_2159 {add = true, strides = array<i32>} : memref<128x64xf32, #tpu.memory_space<vmem>>, vector<1x16xf32>,
        %get3A_2160 = arith.constant 0 : i32
        %get3A_2161 = arith.index_cast %get3A_2160 : i32 to index
        %get3A_2162 = arith.index_cast %add3A_2111 : i32 to index
        %get3A_2163 = arith.constant 16 : index
        %get3A_2164 = tpu.vector_load %arg10[%get3A_2161, %get3A_2162, %get3A_2163] {strides = array<i32>} : memref<4x128x64xf32, #tpu.memory_space<vmem>>, vector<1x1x16xf32>,
        %get3A_2165 = vector.shape_cast %get3A_2164 : vector<1x1x16xf32> to vector<16xf32>
        %mul3A_2166 = vector.broadcast %squeeze3A_2113 : f32 to vector<16xf32>
        %mul3A_2167 = arith.mulf %mul3A_2166, %get3A_2165 : vector<16xf32>
        %get3A_2168 = arith.constant 1 : i32
        %get3A_2169 = arith.index_cast %get3A_2168 : i32 to index
        %get3A_2170 = arith.index_cast %add3A_2111 : i32 to index
        %get3A_2171 = arith.constant 16 : index
        %get3A_2172 = tpu.vector_load %arg10[%get3A_2169, %get3A_2170, %get3A_2171] {strides = array<i32>} : memref<4x128x64xf32, #tpu.memory_space<vmem>>, vector<1x1x16xf32>,
        %get3A_2173 = vector.shape_cast %get3A_2172 : vector<1x1x16xf32> to vector<16xf32>
        %mul3A_2174 = vector.broadcast %squeeze3A_2115 : f32 to vector<16xf32>
        %mul3A_2175 = arith.mulf %mul3A_2174, %get3A_2173 : vector<16xf32>
        %add3A_2176 = arith.addf %mul3A_2167, %mul3A_2175 : vector<16xf32>
        %get3A_2177 = arith.constant 2 : i32
        %get3A_2178 = arith.index_cast %get3A_2177 : i32 to index
        %get3A_2179 = arith.index_cast %add3A_2111 : i32 to index
        %get3A_2180 = arith.constant 16 : index
        %get3A_2181 = tpu.vector_load %arg10[%get3A_2178, %get3A_2179, %get3A_2180] {strides = array<i32>} : memref<4x128x64xf32, #tpu.memory_space<vmem>>, vector<1x1x16xf32>,
        %get3A_2182 = vector.shape_cast %get3A_2181 : vector<1x1x16xf32> to vector<16xf32>
        %mul3A_2183 = vector.broadcast %squeeze3A_2117 : f32 to vector<16xf32>
        %mul3A_2184 = arith.mulf %mul3A_2183, %get3A_2182 : vector<16xf32>
        %add3A_2185 = arith.addf %add3A_2176, %mul3A_2184 : vector<16xf32>
        %get3A_2186 = arith.constant 3 : i32
        %get3A_2187 = arith.index_cast %get3A_2186 : i32 to index
        %get3A_2188 = arith.index_cast %add3A_2111 : i32 to index
        %get3A_2189 = arith.constant 16 : index
        %get3A_2190 = tpu.vector_load %arg10[%get3A_2187, %get3A_2188, %get3A_2189] {strides = array<i32>} : memref<4x128x64xf32, #tpu.memory_space<vmem>>, vector<1x1x16xf32>,
        %get3A_2191 = vector.shape_cast %get3A_2190 : vector<1x1x16xf32> to vector<16xf32>
        %mul3A_2192 = vector.broadcast %squeeze3A_2119 : f32 to vector<16xf32>
        %mul3A_2193 = arith.mulf %mul3A_2192, %get3A_2191 : vector<16xf32>
        %add3A_2194 = arith.addf %add3A_2185, %mul3A_2193 : vector<16xf32>
        %swap3A_2195 = arith.index_cast %add3A_2111 : i32 to index
        %swap3A_2196 = arith.constant 16 : index
        %swap3A_2197 = tpu.vector_load %arg11[%swap3A_2195, %swap3A_2196] {strides = array<i32>} : memref<128x64xf32, #tpu.memory_space<vmem>>, vector<1x16xf32>,
        %swap3A_2198 = vector.shape_cast %swap3A_2197 : vector<1x16xf32> to vector<16xf32>
        %swap3A_2199 = vector.shape_cast %add3A_2194 : vector<16xf32> to vector<1x16xf32>
        tpu.vector_store %arg11[%swap3A_2195, %swap3A_2196], %swap3A_2199 {add = true, strides = array<i32>} : memref<128x64xf32, #tpu.memory_space<vmem>>, vector<1x16xf32>,
        %get3A_2200 = arith.constant 0 : i32
        %get3A_2201 = arith.index_cast %get3A_2200 : i32 to index
        %get3A_2202 = arith.index_cast %add3A_2111 : i32 to index
        %get3A_2203 = arith.constant 32 : index
        %get3A_2204 = tpu.vector_load %arg10[%get3A_2201, %get3A_2202, %get3A_2203] {strides = array<i32>} : memref<4x128x64xf32, #tpu.memory_space<vmem>>, vector<1x1x16xf32>,
        %get3A_2205 = vector.shape_cast %get3A_2204 : vector<1x1x16xf32> to vector<16xf32>
        %mul3A_2206 = vector.broadcast %squeeze3A_2113 : f32 to vector<16xf32>
        %mul3A_2207 = arith.mulf %mul3A_2206, %get3A_2205 : vector<16xf32>
        %get3A_2208 = arith.constant 1 : i32
        %get3A_2209 = arith.index_cast %get3A_2208 : i32 to index
        %get3A_2210 = arith.index_cast %add3A_2111 : i32 to index
        %get3A_2211 = arith.constant 32 : index
        %get3A_2212 = tpu.vector_load %arg10[%get3A_2209, %get3A_2210, %get3A_2211] {strides = array<i32>} : memref<4x128x64xf32, #tpu.memory_space<vmem>>, vector<1x1x16xf32>,
        %get3A_2213 = vector.shape_cast %get3A_2212 : vector<1x1x16xf32> to vector<16xf32>
        %mul3A_2214 = vector.broadcast %squeeze3A_2115 : f32 to vector<16xf32>
        %mul3A_2215 = arith.mulf %mul3A_2214, %get3A_2213 : vector<16xf32>
        %add3A_2216 = arith.addf %mul3A_2207, %mul3A_2215 : vector<16xf32>
        %get3A_2217 = arith.constant 2 : i32
        %get3A_2218 = arith.index_cast %get3A_2217 : i32 to index
        %get3A_2219 = arith.index_cast %add3A_2111 : i32 to index
        %get3A_2220 = arith.constant 32 : index
        %get3A_2221 = tpu.vector_load %arg10[%get3A_2218, %get3A_2219, %get3A_2220] {strides = array<i32>} : memref<4x128x64xf32, #tpu.memory_space<vmem>>, vector<1x1x16xf32>,
        %get3A_2222 = vector.shape_cast %get3A_2221 : vector<1x1x16xf32> to vector<16xf32>
        %mul3A_2223 = vector.broadcast %squeeze3A_2117 : f32 to vector<16xf32>
        %mul3A_2224 = arith.mulf %mul3A_2223, %get3A_2222 : vector<16xf32>
        %add3A_2225 = arith.addf %add3A_2216, %mul3A_2224 : vector<16xf32>
        %get3A_2226 = arith.constant 3 : i32
        %get3A_2227 = arith.index_cast %get3A_2226 : i32 to index
        %get3A_2228 = arith.index_cast %add3A_2111 : i32 to index
        %get3A_2229 = arith.constant 32 : index
        %get3A_2230 = tpu.vector_load %arg10[%get3A_2227, %get3A_2228, %get3A_2229] {strides = array<i32>} : memref<4x128x64xf32, #tpu.memory_space<vmem>>, vector<1x1x16xf32>,
        %get3A_2231 = vector.shape_cast %get3A_2230 : vector<1x1x16xf32> to vector<16xf32>
        %mul3A_2232 = vector.broadcast %squeeze3A_2119 : f32 to vector<16xf32>
        %mul3A_2233 = arith.mulf %mul3A_2232, %get3A_2231 : vector<16xf32>
        %add3A_2234 = arith.addf %add3A_2225, %mul3A_2233 : vector<16xf32>
        %swap3A_2235 = arith.index_cast %add3A_2111 : i32 to index
        %swap3A_2236 = arith.constant 32 : index
        %swap3A_2237 = tpu.vector_load %arg11[%swap3A_2235, %swap3A_2236] {strides = array<i32>} : memref<128x64xf32, #tpu.memory_space<vmem>>, vector<1x16xf32>,
        %swap3A_2238 = vector.shape_cast %swap3A_2237 : vector<1x16xf32> to vector<16xf32>
        %swap3A_2239 = vector.shape_cast %add3A_2234 : vector<16xf32> to vector<1x16xf32>
        tpu.vector_store %arg11[%swap3A_2235, %swap3A_2236], %swap3A_2239 {add = true, strides = array<i32>} : memref<128x64xf32, #tpu.memory_space<vmem>>, vector<1x16xf32>,
        %get3A_2240 = arith.constant 0 : i32
        %get3A_2241 = arith.index_cast %get3A_2240 : i32 to index
        %get3A_2242 = arith.index_cast %add3A_2111 : i32 to index
        %get3A_2243 = arith.constant 48 : index
        %get3A_2244 = tpu.vector_load %arg10[%get3A_2241, %get3A_2242, %get3A_2243] {strides = array<i32>} : memref<4x128x64xf32, #tpu.memory_space<vmem>>, vector<1x1x16xf32>,
        %get3A_2245 = vector.shape_cast %get3A_2244 : vector<1x1x16xf32> to vector<16xf32>
        %mul3A_2246 = vector.broadcast %squeeze3A_2113 : f32 to vector<16xf32>
        %mul3A_2247 = arith.mulf %mul3A_2246, %get3A_2245 : vector<16xf32>
        %get3A_2248 = arith.constant 1 : i32
        %get3A_2249 = arith.index_cast %get3A_2248 : i32 to index
        %get3A_2250 = arith.index_cast %add3A_2111 : i32 to index
        %get3A_2251 = arith.constant 48 : index
        %get3A_2252 = tpu.vector_load %arg10[%get3A_2249, %get3A_2250, %get3A_2251] {strides = array<i32>} : memref<4x128x64xf32, #tpu.memory_space<vmem>>, vector<1x1x16xf32>,
        %get3A_2253 = vector.shape_cast %get3A_2252 : vector<1x1x16xf32> to vector<16xf32>
        %mul3A_2254 = vector.broadcast %squeeze3A_2115 : f32 to vector<16xf32>
        %mul3A_2255 = arith.mulf %mul3A_2254, %get3A_2253 : vector<16xf32>
        %add3A_2256 = arith.addf %mul3A_2247, %mul3A_2255 : vector<16xf32>
        %get3A_2257 = arith.constant 2 : i32
        %get3A_2258 = arith.index_cast %get3A_2257 : i32 to index
        %get3A_2259 = arith.index_cast %add3A_2111 : i32 to index
        %get3A_2260 = arith.constant 48 : index
        %get3A_2261 = tpu.vector_load %arg10[%get3A_2258, %get3A_2259, %get3A_2260] {strides = array<i32>} : memref<4x128x64xf32, #tpu.memory_space<vmem>>, vector<1x1x16xf32>,
        %get3A_2262 = vector.shape_cast %get3A_2261 : vector<1x1x16xf32> to vector<16xf32>
        %mul3A_2263 = vector.broadcast %squeeze3A_2117 : f32 to vector<16xf32>
        %mul3A_2264 = arith.mulf %mul3A_2263, %get3A_2262 : vector<16xf32>
        %add3A_2265 = arith.addf %add3A_2256, %mul3A_2264 : vector<16xf32>
        %get3A_2266 = arith.constant 3 : i32
        %get3A_2267 = arith.index_cast %get3A_2266 : i32 to index
        %get3A_2268 = arith.index_cast %add3A_2111 : i32 to index
        %get3A_2269 = arith.constant 48 : index
        %get3A_2270 = tpu.vector_load %arg10[%get3A_2267, %get3A_2268, %get3A_2269] {strides = array<i32>} : memref<4x128x64xf32, #tpu.memory_space<vmem>>, vector<1x1x16xf32>,
        %get3A_2271 = vector.shape_cast %get3A_2270 : vector<1x1x16xf32> to vector<16xf32>
        %mul3A_2272 = vector.broadcast %squeeze3A_2119 : f32 to vector<16xf32>
        %mul3A_2273 = arith.mulf %mul3A_2272, %get3A_2271 : vector<16xf32>
        %add3A_2274 = arith.addf %add3A_2265, %mul3A_2273 : vector<16xf32>
        %swap3A_2275 = arith.index_cast %add3A_2111 : i32 to index
        %swap3A_2276 = arith.constant 48 : index
        %swap3A_2277 = tpu.vector_load %arg11[%swap3A_2275, %swap3A_2276] {strides = array<i32>} : memref<128x64xf32, #tpu.memory_space<vmem>>, vector<1x16xf32>,
        %swap3A_2278 = vector.shape_cast %swap3A_2277 : vector<1x16xf32> to vector<16xf32>
        %swap3A_2279 = vector.shape_cast %add3A_2274 : vector<16xf32> to vector<1x16xf32>
        tpu.vector_store %arg11[%swap3A_2275, %swap3A_2276], %swap3A_2279 {add = true, strides = array<i32>} : memref<128x64xf32, #tpu.memory_space<vmem>>, vector<1x16xf32>,
        %add3A_2280 = arith.constant 8 : i32
        %add3A_2281 = arith.addi %mul3A_901, %add3A_2280 : i32
        %slice3A_2282 = vector.extract_strided_slice %get3A_906 {offsets = [8], sizes = [1], strides = [1]} : vector<16xf32> to vector<1xf32>
        %squeeze3A_2283 = vector.extract %slice3A_2282[0] : f32 from vector<1xf32>
        %slice3A_2284 = vector.extract_strided_slice %get3A_911 {offsets = [8], sizes = [1], strides = [1]} : vector<16xf32> to vector<1xf32>
        %squeeze3A_2285 = vector.extract %slice3A_2284[0] : f32 from vector<1xf32>
        %slice3A_2286 = vector.extract_strided_slice %get3A_916 {offsets = [8], sizes = [1], strides = [1]} : vector<16xf32> to vector<1xf32>
        %squeeze3A_2287 = vector.extract %slice3A_2286[0] : f32 from vector<1xf32>
        %slice3A_2288 = vector.extract_strided_slice %get3A_921 {offsets = [8], sizes = [1], strides = [1]} : vector<16xf32> to vector<1xf32>
        %squeeze3A_2289 = vector.extract %slice3A_2288[0] : f32 from vector<1xf32>
        %get3A_2290 = arith.constant 0 : i32
        %get3A_2291 = arith.index_cast %get3A_2290 : i32 to index
        %get3A_2292 = arith.index_cast %add3A_2281 : i32 to index
        %get3A_2293 = arith.constant 0 : index
        %get3A_2294 = tpu.vector_load %arg10[%get3A_2291, %get3A_2292, %get3A_2293] {strides = array<i32>} : memref<4x128x64xf32, #tpu.memory_space<vmem>>, vector<1x1x16xf32>,
        %get3A_2295 = vector.shape_cast %get3A_2294 : vector<1x1x16xf32> to vector<16xf32>
        %mul3A_2296 = vector.broadcast %squeeze3A_2283 : f32 to vector<16xf32>
        %mul3A_2297 = arith.mulf %mul3A_2296, %get3A_2295 : vector<16xf32>
        %get3A_2298 = arith.constant 1 : i32
        %get3A_2299 = arith.index_cast %get3A_2298 : i32 to index
        %get3A_2300 = arith.index_cast %add3A_2281 : i32 to index
        %get3A_2301 = arith.constant 0 : index
        %get3A_2302 = tpu.vector_load %arg10[%get3A_2299, %get3A_2300, %get3A_2301] {strides = array<i32>} : memref<4x128x64xf32, #tpu.memory_space<vmem>>, vector<1x1x16xf32>,
        %get3A_2303 = vector.shape_cast %get3A_2302 : vector<1x1x16xf32> to vector<16xf32>
        %mul3A_2304 = vector.broadcast %squeeze3A_2285 : f32 to vector<16xf32>
        %mul3A_2305 = arith.mulf %mul3A_2304, %get3A_2303 : vector<16xf32>
        %add3A_2306 = arith.addf %mul3A_2297, %mul3A_2305 : vector<16xf32>
        %get3A_2307 = arith.constant 2 : i32
        %get3A_2308 = arith.index_cast %get3A_2307 : i32 to index
        %get3A_2309 = arith.index_cast %add3A_2281 : i32 to index
        %get3A_2310 = arith.constant 0 : index
        %get3A_2311 = tpu.vector_load %arg10[%get3A_2308, %get3A_2309, %get3A_2310] {strides = array<i32>} : memref<4x128x64xf32, #tpu.memory_space<vmem>>, vector<1x1x16xf32>,
        %get3A_2312 = vector.shape_cast %get3A_2311 : vector<1x1x16xf32> to vector<16xf32>
        %mul3A_2313 = vector.broadcast %squeeze3A_2287 : f32 to vector<16xf32>
        %mul3A_2314 = arith.mulf %mul3A_2313, %get3A_2312 : vector<16xf32>
        %add3A_2315 = arith.addf %add3A_2306, %mul3A_2314 : vector<16xf32>
        %get3A_2316 = arith.constant 3 : i32
        %get3A_2317 = arith.index_cast %get3A_2316 : i32 to index
        %get3A_2318 = arith.index_cast %add3A_2281 : i32 to index
        %get3A_2319 = arith.constant 0 : index
        %get3A_2320 = tpu.vector_load %arg10[%get3A_2317, %get3A_2318, %get3A_2319] {strides = array<i32>} : memref<4x128x64xf32, #tpu.memory_space<vmem>>, vector<1x1x16xf32>,
        %get3A_2321 = vector.shape_cast %get3A_2320 : vector<1x1x16xf32> to vector<16xf32>
        %mul3A_2322 = vector.broadcast %squeeze3A_2289 : f32 to vector<16xf32>
        %mul3A_2323 = arith.mulf %mul3A_2322, %get3A_2321 : vector<16xf32>
        %add3A_2324 = arith.addf %add3A_2315, %mul3A_2323 : vector<16xf32>
        %swap3A_2325 = arith.index_cast %add3A_2281 : i32 to index
        %swap3A_2326 = arith.constant 0 : index
        %swap3A_2327 = tpu.vector_load %arg11[%swap3A_2325, %swap3A_2326] {strides = array<i32>} : memref<128x64xf32, #tpu.memory_space<vmem>>, vector<1x16xf32>,
        %swap3A_2328 = vector.shape_cast %swap3A_2327 : vector<1x16xf32> to vector<16xf32>
        %swap3A_2329 = vector.shape_cast %add3A_2324 : vector<16xf32> to vector<1x16xf32>
        tpu.vector_store %arg11[%swap3A_2325, %swap3A_2326], %swap3A_2329 {add = true, strides = array<i32>} : memref<128x64xf32, #tpu.memory_space<vmem>>, vector<1x16xf32>,
        %get3A_2330 = arith.constant 0 : i32
        %get3A_2331 = arith.index_cast %get3A_2330 : i32 to index
        %get3A_2332 = arith.index_cast %add3A_2281 : i32 to index
        %get3A_2333 = arith.constant 16 : index
        %get3A_2334 = tpu.vector_load %arg10[%get3A_2331, %get3A_2332, %get3A_2333] {strides = array<i32>} : memref<4x128x64xf32, #tpu.memory_space<vmem>>, vector<1x1x16xf32>,
        %get3A_2335 = vector.shape_cast %get3A_2334 : vector<1x1x16xf32> to vector<16xf32>
        %mul3A_2336 = vector.broadcast %squeeze3A_2283 : f32 to vector<16xf32>
        %mul3A_2337 = arith.mulf %mul3A_2336, %get3A_2335 : vector<16xf32>
        %get3A_2338 = arith.constant 1 : i32
        %get3A_2339 = arith.index_cast %get3A_2338 : i32 to index
        %get3A_2340 = arith.index_cast %add3A_2281 : i32 to index
        %get3A_2341 = arith.constant 16 : index
        %get3A_2342 = tpu.vector_load %arg10[%get3A_2339, %get3A_2340, %get3A_2341] {strides = array<i32>} : memref<4x128x64xf32, #tpu.memory_space<vmem>>, vector<1x1x16xf32>,
        %get3A_2343 = vector.shape_cast %get3A_2342 : vector<1x1x16xf32> to vector<16xf32>
        %mul3A_2344 = vector.broadcast %squeeze3A_2285 : f32 to vector<16xf32>
        %mul3A_2345 = arith.mulf %mul3A_2344, %get3A_2343 : vector<16xf32>
        %add3A_2346 = arith.addf %mul3A_2337, %mul3A_2345 : vector<16xf32>
        %get3A_2347 = arith.constant 2 : i32
        %get3A_2348 = arith.index_cast %get3A_2347 : i32 to index
        %get3A_2349 = arith.index_cast %add3A_2281 : i32 to index
        %get3A_2350 = arith.constant 16 : index
        %get3A_2351 = tpu.vector_load %arg10[%get3A_2348, %get3A_2349, %get3A_2350] {strides = array<i32>} : memref<4x128x64xf32, #tpu.memory_space<vmem>>, vector<1x1x16xf32>,
        %get3A_2352 = vector.shape_cast %get3A_2351 : vector<1x1x16xf32> to vector<16xf32>
        %mul3A_2353 = vector.broadcast %squeeze3A_2287 : f32 to vector<16xf32>
        %mul3A_2354 = arith.mulf %mul3A_2353, %get3A_2352 : vector<16xf32>
        %add3A_2355 = arith.addf %add3A_2346, %mul3A_2354 : vector<16xf32>
        %get3A_2356 = arith.constant 3 : i32
        %get3A_2357 = arith.index_cast %get3A_2356 : i32 to index
        %get3A_2358 = arith.index_cast %add3A_2281 : i32 to index
        %get3A_2359 = arith.constant 16 : index
        %get3A_2360 = tpu.vector_load %arg10[%get3A_2357, %get3A_2358, %get3A_2359] {strides = array<i32>} : memref<4x128x64xf32, #tpu.memory_space<vmem>>, vector<1x1x16xf32>,
        %get3A_2361 = vector.shape_cast %get3A_2360 : vector<1x1x16xf32> to vector<16xf32>
        %mul3A_2362 = vector.broadcast %squeeze3A_2289 : f32 to vector<16xf32>
        %mul3A_2363 = arith.mulf %mul3A_2362, %get3A_2361 : vector<16xf32>
        %add3A_2364 = arith.addf %add3A_2355, %mul3A_2363 : vector<16xf32>
        %swap3A_2365 = arith.index_cast %add3A_2281 : i32 to index
        %swap3A_2366 = arith.constant 16 : index
        %swap3A_2367 = tpu.vector_load %arg11[%swap3A_2365, %swap3A_2366] {strides = array<i32>} : memref<128x64xf32, #tpu.memory_space<vmem>>, vector<1x16xf32>,
        %swap3A_2368 = vector.shape_cast %swap3A_2367 : vector<1x16xf32> to vector<16xf32>
        %swap3A_2369 = vector.shape_cast %add3A_2364 : vector<16xf32> to vector<1x16xf32>
        tpu.vector_store %arg11[%swap3A_2365, %swap3A_2366], %swap3A_2369 {add = true, strides = array<i32>} : memref<128x64xf32, #tpu.memory_space<vmem>>, vector<1x16xf32>,
        %get3A_2370 = arith.constant 0 : i32
        %get3A_2371 = arith.index_cast %get3A_2370 : i32 to index
        %get3A_2372 = arith.index_cast %add3A_2281 : i32 to index
        %get3A_2373 = arith.constant 32 : index
        %get3A_2374 = tpu.vector_load %arg10[%get3A_2371, %get3A_2372, %get3A_2373] {strides = array<i32>} : memref<4x128x64xf32, #tpu.memory_space<vmem>>, vector<1x1x16xf32>,
        %get3A_2375 = vector.shape_cast %get3A_2374 : vector<1x1x16xf32> to vector<16xf32>
        %mul3A_2376 = vector.broadcast %squeeze3A_2283 : f32 to vector<16xf32>
        %mul3A_2377 = arith.mulf %mul3A_2376, %get3A_2375 : vector<16xf32>
        %get3A_2378 = arith.constant 1 : i32
        %get3A_2379 = arith.index_cast %get3A_2378 : i32 to index
        %get3A_2380 = arith.index_cast %add3A_2281 : i32 to index
        %get3A_2381 = arith.constant 32 : index
        %get3A_2382 = tpu.vector_load %arg10[%get3A_2379, %get3A_2380, %get3A_2381] {strides = array<i32>} : memref<4x128x64xf32, #tpu.memory_space<vmem>>, vector<1x1x16xf32>,
        %get3A_2383 = vector.shape_cast %get3A_2382 : vector<1x1x16xf32> to vector<16xf32>
        %mul3A_2384 = vector.broadcast %squeeze3A_2285 : f32 to vector<16xf32>
        %mul3A_2385 = arith.mulf %mul3A_2384, %get3A_2383 : vector<16xf32>
        %add3A_2386 = arith.addf %mul3A_2377, %mul3A_2385 : vector<16xf32>
        %get3A_2387 = arith.constant 2 : i32
        %get3A_2388 = arith.index_cast %get3A_2387 : i32 to index
        %get3A_2389 = arith.index_cast %add3A_2281 : i32 to index
        %get3A_2390 = arith.constant 32 : index
        %get3A_2391 = tpu.vector_load %arg10[%get3A_2388, %get3A_2389, %get3A_2390] {strides = array<i32>} : memref<4x128x64xf32, #tpu.memory_space<vmem>>, vector<1x1x16xf32>,
        %get3A_2392 = vector.shape_cast %get3A_2391 : vector<1x1x16xf32> to vector<16xf32>
        %mul3A_2393 = vector.broadcast %squeeze3A_2287 : f32 to vector<16xf32>
        %mul3A_2394 = arith.mulf %mul3A_2393, %get3A_2392 : vector<16xf32>
        %add3A_2395 = arith.addf %add3A_2386, %mul3A_2394 : vector<16xf32>
        %get3A_2396 = arith.constant 3 : i32
        %get3A_2397 = arith.index_cast %get3A_2396 : i32 to index
        %get3A_2398 = arith.index_cast %add3A_2281 : i32 to index
        %get3A_2399 = arith.constant 32 : index
        %get3A_2400 = tpu.vector_load %arg10[%get3A_2397, %get3A_2398, %get3A_2399] {strides = array<i32>} : memref<4x128x64xf32, #tpu.memory_space<vmem>>, vector<1x1x16xf32>,
        %get3A_2401 = vector.shape_cast %get3A_2400 : vector<1x1x16xf32> to vector<16xf32>
        %mul3A_2402 = vector.broadcast %squeeze3A_2289 : f32 to vector<16xf32>
        %mul3A_2403 = arith.mulf %mul3A_2402, %get3A_2401 : vector<16xf32>
        %add3A_2404 = arith.addf %add3A_2395, %mul3A_2403 : vector<16xf32>
        %swap3A_2405 = arith.index_cast %add3A_2281 : i32 to index
        %swap3A_2406 = arith.constant 32 : index
        %swap3A_2407 = tpu.vector_load %arg11[%swap3A_2405, %swap3A_2406] {strides = array<i32>} : memref<128x64xf32, #tpu.memory_space<vmem>>, vector<1x16xf32>,
        %swap3A_2408 = vector.shape_cast %swap3A_2407 : vector<1x16xf32> to vector<16xf32>
        %swap3A_2409 = vector.shape_cast %add3A_2404 : vector<16xf32> to vector<1x16xf32>
        tpu.vector_store %arg11[%swap3A_2405, %swap3A_2406], %swap3A_2409 {add = true, strides = array<i32>} : memref<128x64xf32, #tpu.memory_space<vmem>>, vector<1x16xf32>,
        %get3A_2410 = arith.constant 0 : i32
        %get3A_2411 = arith.index_cast %get3A_2410 : i32 to index
        %get3A_2412 = arith.index_cast %add3A_2281 : i32 to index
        %get3A_2413 = arith.constant 48 : index
        %get3A_2414 = tpu.vector_load %arg10[%get3A_2411, %get3A_2412, %get3A_2413] {strides = array<i32>} : memref<4x128x64xf32, #tpu.memory_space<vmem>>, vector<1x1x16xf32>,
        %get3A_2415 = vector.shape_cast %get3A_2414 : vector<1x1x16xf32> to vector<16xf32>
        %mul3A_2416 = vector.broadcast %squeeze3A_2283 : f32 to vector<16xf32>
        %mul3A_2417 = arith.mulf %mul3A_2416, %get3A_2415 : vector<16xf32>
        %get3A_2418 = arith.constant 1 : i32
        %get3A_2419 = arith.index_cast %get3A_2418 : i32 to index
        %get3A_2420 = arith.index_cast %add3A_2281 : i32 to index
        %get3A_2421 = arith.constant 48 : index
        %get3A_2422 = tpu.vector_load %arg10[%get3A_2419, %get3A_2420, %get3A_2421] {strides = array<i32>} : memref<4x128x64xf32, #tpu.memory_space<vmem>>, vector<1x1x16xf32>,
        %get3A_2423 = vector.shape_cast %get3A_2422 : vector<1x1x16xf32> to vector<16xf32>
        %mul3A_2424 = vector.broadcast %squeeze3A_2285 : f32 to vector<16xf32>
        %mul3A_2425 = arith.mulf %mul3A_2424, %get3A_2423 : vector<16xf32>
        %add3A_2426 = arith.addf %mul3A_2417, %mul3A_2425 : vector<16xf32>
        %get3A_2427 = arith.constant 2 : i32
        %get3A_2428 = arith.index_cast %get3A_2427 : i32 to index
        %get3A_2429 = arith.index_cast %add3A_2281 : i32 to index
        %get3A_2430 = arith.constant 48 : index
        %get3A_2431 = tpu.vector_load %arg10[%get3A_2428, %get3A_2429, %get3A_2430] {strides = array<i32>} : memref<4x128x64xf32, #tpu.memory_space<vmem>>, vector<1x1x16xf32>,
        %get3A_2432 = vector.shape_cast %get3A_2431 : vector<1x1x16xf32> to vector<16xf32>
        %mul3A_2433 = vector.broadcast %squeeze3A_2287 : f32 to vector<16xf32>
        %mul3A_2434 = arith.mulf %mul3A_2433, %get3A_2432 : vector<16xf32>
        %add3A_2435 = arith.addf %add3A_2426, %mul3A_2434 : vector<16xf32>
        %get3A_2436 = arith.constant 3 : i32
        %get3A_2437 = arith.index_cast %get3A_2436 : i32 to index
        %get3A_2438 = arith.index_cast %add3A_2281 : i32 to index
        %get3A_2439 = arith.constant 48 : index
        %get3A_2440 = tpu.vector_load %arg10[%get3A_2437, %get3A_2438, %get3A_2439] {strides = array<i32>} : memref<4x128x64xf32, #tpu.memory_space<vmem>>, vector<1x1x16xf32>,
        %get3A_2441 = vector.shape_cast %get3A_2440 : vector<1x1x16xf32> to vector<16xf32>
        %mul3A_2442 = vector.broadcast %squeeze3A_2289 : f32 to vector<16xf32>
        %mul3A_2443 = arith.mulf %mul3A_2442, %get3A_2441 : vector<16xf32>
        %add3A_2444 = arith.addf %add3A_2435, %mul3A_2443 : vector<16xf32>
        %swap3A_2445 = arith.index_cast %add3A_2281 : i32 to index
        %swap3A_2446 = arith.constant 48 : index
        %swap3A_2447 = tpu.vector_load %arg11[%swap3A_2445, %swap3A_2446] {strides = array<i32>} : memref<128x64xf32, #tpu.memory_space<vmem>>, vector<1x16xf32>,
        %swap3A_2448 = vector.shape_cast %swap3A_2447 : vector<1x16xf32> to vector<16xf32>
        %swap3A_2449 = vector.shape_cast %add3A_2444 : vector<16xf32> to vector<1x16xf32>
        tpu.vector_store %arg11[%swap3A_2445, %swap3A_2446], %swap3A_2449 {add = true, strides = array<i32>} : memref<128x64xf32, #tpu.memory_space<vmem>>, vector<1x16xf32>,
        %add3A_2450 = arith.constant 9 : i32
        %add3A_2451 = arith.addi %mul3A_901, %add3A_2450 : i32
        %slice3A_2452 = vector.extract_strided_slice %get3A_906 {offsets = [9], sizes = [1], strides = [1]} : vector<16xf32> to vector<1xf32>
        %squeeze3A_2453 = vector.extract %slice3A_2452[0] : f32 from vector<1xf32>
        %slice3A_2454 = vector.extract_strided_slice %get3A_911 {offsets = [9], sizes = [1], strides = [1]} : vector<16xf32> to vector<1xf32>
        %squeeze3A_2455 = vector.extract %slice3A_2454[0] : f32 from vector<1xf32>
        %slice3A_2456 = vector.extract_strided_slice %get3A_916 {offsets = [9], sizes = [1], strides = [1]} : vector<16xf32> to vector<1xf32>
        %squeeze3A_2457 = vector.extract %slice3A_2456[0] : f32 from vector<1xf32>
        %slice3A_2458 = vector.extract_strided_slice %get3A_921 {offsets = [9], sizes = [1], strides = [1]} : vector<16xf32> to vector<1xf32>
        %squeeze3A_2459 = vector.extract %slice3A_2458[0] : f32 from vector<1xf32>
        %get3A_2460 = arith.constant 0 : i32
        %get3A_2461 = arith.index_cast %get3A_2460 : i32 to index
        %get3A_2462 = arith.index_cast %add3A_2451 : i32 to index
        %get3A_2463 = arith.constant 0 : index
        %get3A_2464 = tpu.vector_load %arg10[%get3A_2461, %get3A_2462, %get3A_2463] {strides = array<i32>} : memref<4x128x64xf32, #tpu.memory_space<vmem>>, vector<1x1x16xf32>,
        %get3A_2465 = vector.shape_cast %get3A_2464 : vector<1x1x16xf32> to vector<16xf32>
        %mul3A_2466 = vector.broadcast %squeeze3A_2453 : f32 to vector<16xf32>
        %mul3A_2467 = arith.mulf %mul3A_2466, %get3A_2465 : vector<16xf32>
        %get3A_2468 = arith.constant 1 : i32
        %get3A_2469 = arith.index_cast %get3A_2468 : i32 to index
        %get3A_2470 = arith.index_cast %add3A_2451 : i32 to index
        %get3A_2471 = arith.constant 0 : index
        %get3A_2472 = tpu.vector_load %arg10[%get3A_2469, %get3A_2470, %get3A_2471] {strides = array<i32>} : memref<4x128x64xf32, #tpu.memory_space<vmem>>, vector<1x1x16xf32>,
        %get3A_2473 = vector.shape_cast %get3A_2472 : vector<1x1x16xf32> to vector<16xf32>
        %mul3A_2474 = vector.broadcast %squeeze3A_2455 : f32 to vector<16xf32>
        %mul3A_2475 = arith.mulf %mul3A_2474, %get3A_2473 : vector<16xf32>
        %add3A_2476 = arith.addf %mul3A_2467, %mul3A_2475 : vector<16xf32>
        %get3A_2477 = arith.constant 2 : i32
        %get3A_2478 = arith.index_cast %get3A_2477 : i32 to index
        %get3A_2479 = arith.index_cast %add3A_2451 : i32 to index
        %get3A_2480 = arith.constant 0 : index
        %get3A_2481 = tpu.vector_load %arg10[%get3A_2478, %get3A_2479, %get3A_2480] {strides = array<i32>} : memref<4x128x64xf32, #tpu.memory_space<vmem>>, vector<1x1x16xf32>,
        %get3A_2482 = vector.shape_cast %get3A_2481 : vector<1x1x16xf32> to vector<16xf32>
        %mul3A_2483 = vector.broadcast %squeeze3A_2457 : f32 to vector<16xf32>
        %mul3A_2484 = arith.mulf %mul3A_2483, %get3A_2482 : vector<16xf32>
        %add3A_2485 = arith.addf %add3A_2476, %mul3A_2484 : vector<16xf32>
        %get3A_2486 = arith.constant 3 : i32
        %get3A_2487 = arith.index_cast %get3A_2486 : i32 to index
        %get3A_2488 = arith.index_cast %add3A_2451 : i32 to index
        %get3A_2489 = arith.constant 0 : index
        %get3A_2490 = tpu.vector_load %arg10[%get3A_2487, %get3A_2488, %get3A_2489] {strides = array<i32>} : memref<4x128x64xf32, #tpu.memory_space<vmem>>, vector<1x1x16xf32>,
        %get3A_2491 = vector.shape_cast %get3A_2490 : vector<1x1x16xf32> to vector<16xf32>
        %mul3A_2492 = vector.broadcast %squeeze3A_2459 : f32 to vector<16xf32>
        %mul3A_2493 = arith.mulf %mul3A_2492, %get3A_2491 : vector<16xf32>
        %add3A_2494 = arith.addf %add3A_2485, %mul3A_2493 : vector<16xf32>
        %swap3A_2495 = arith.index_cast %add3A_2451 : i32 to index
        %swap3A_2496 = arith.constant 0 : index
        %swap3A_2497 = tpu.vector_load %arg11[%swap3A_2495, %swap3A_2496] {strides = array<i32>} : memref<128x64xf32, #tpu.memory_space<vmem>>, vector<1x16xf32>,
        %swap3A_2498 = vector.shape_cast %swap3A_2497 : vector<1x16xf32> to vector<16xf32>
        %swap3A_2499 = vector.shape_cast %add3A_2494 : vector<16xf32> to vector<1x16xf32>
        tpu.vector_store %arg11[%swap3A_2495, %swap3A_2496], %swap3A_2499 {add = true, strides = array<i32>} : memref<128x64xf32, #tpu.memory_space<vmem>>, vector<1x16xf32>,
        %get3A_2500 = arith.constant 0 : i32
        %get3A_2501 = arith.index_cast %get3A_2500 : i32 to index
        %get3A_2502 = arith.index_cast %add3A_2451 : i32 to index
        %get3A_2503 = arith.constant 16 : index
        %get3A_2504 = tpu.vector_load %arg10[%get3A_2501, %get3A_2502, %get3A_2503] {strides = array<i32>} : memref<4x128x64xf32, #tpu.memory_space<vmem>>, vector<1x1x16xf32>,
        %get3A_2505 = vector.shape_cast %get3A_2504 : vector<1x1x16xf32> to vector<16xf32>
        %mul3A_2506 = vector.broadcast %squeeze3A_2453 : f32 to vector<16xf32>
        %mul3A_2507 = arith.mulf %mul3A_2506, %get3A_2505 : vector<16xf32>
        %get3A_2508 = arith.constant 1 : i32
        %get3A_2509 = arith.index_cast %get3A_2508 : i32 to index
        %get3A_2510 = arith.index_cast %add3A_2451 : i32 to index
        %get3A_2511 = arith.constant 16 : index
        %get3A_2512 = tpu.vector_load %arg10[%get3A_2509, %get3A_2510, %get3A_2511] {strides = array<i32>} : memref<4x128x64xf32, #tpu.memory_space<vmem>>, vector<1x1x16xf32>,
        %get3A_2513 = vector.shape_cast %get3A_2512 : vector<1x1x16xf32> to vector<16xf32>
        %mul3A_2514 = vector.broadcast %squeeze3A_2455 : f32 to vector<16xf32>
        %mul3A_2515 = arith.mulf %mul3A_2514, %get3A_2513 : vector<16xf32>
        %add3A_2516 = arith.addf %mul3A_2507, %mul3A_2515 : vector<16xf32>
        %get3A_2517 = arith.constant 2 : i32
        %get3A_2518 = arith.index_cast %get3A_2517 : i32 to index
        %get3A_2519 = arith.index_cast %add3A_2451 : i32 to index
        %get3A_2520 = arith.constant 16 : index
        %get3A_2521 = tpu.vector_load %arg10[%get3A_2518, %get3A_2519, %get3A_2520] {strides = array<i32>} : memref<4x128x64xf32, #tpu.memory_space<vmem>>, vector<1x1x16xf32>,
        %get3A_2522 = vector.shape_cast %get3A_2521 : vector<1x1x16xf32> to vector<16xf32>
        %mul3A_2523 = vector.broadcast %squeeze3A_2457 : f32 to vector<16xf32>
        %mul3A_2524 = arith.mulf %mul3A_2523, %get3A_2522 : vector<16xf32>
        %add3A_2525 = arith.addf %add3A_2516, %mul3A_2524 : vector<16xf32>
        %get3A_2526 = arith.constant 3 : i32
        %get3A_2527 = arith.index_cast %get3A_2526 : i32 to index
        %get3A_2528 = arith.index_cast %add3A_2451 : i32 to index
        %get3A_2529 = arith.constant 16 : index
        %get3A_2530 = tpu.vector_load %arg10[%get3A_2527, %get3A_2528, %get3A_2529] {strides = array<i32>} : memref<4x128x64xf32, #tpu.memory_space<vmem>>, vector<1x1x16xf32>,
        %get3A_2531 = vector.shape_cast %get3A_2530 : vector<1x1x16xf32> to vector<16xf32>
        %mul3A_2532 = vector.broadcast %squeeze3A_2459 : f32 to vector<16xf32>
        %mul3A_2533 = arith.mulf %mul3A_2532, %get3A_2531 : vector<16xf32>
        %add3A_2534 = arith.addf %add3A_2525, %mul3A_2533 : vector<16xf32>
        %swap3A_2535 = arith.index_cast %add3A_2451 : i32 to index
        %swap3A_2536 = arith.constant 16 : index
        %swap3A_2537 = tpu.vector_load %arg11[%swap3A_2535, %swap3A_2536] {strides = array<i32>} : memref<128x64xf32, #tpu.memory_space<vmem>>, vector<1x16xf32>,
        %swap3A_2538 = vector.shape_cast %swap3A_2537 : vector<1x16xf32> to vector<16xf32>
        %swap3A_2539 = vector.shape_cast %add3A_2534 : vector<16xf32> to vector<1x16xf32>
        tpu.vector_store %arg11[%swap3A_2535, %swap3A_2536], %swap3A_2539 {add = true, strides = array<i32>} : memref<128x64xf32, #tpu.memory_space<vmem>>, vector<1x16xf32>,
        %get3A_2540 = arith.constant 0 : i32
        %get3A_2541 = arith.index_cast %get3A_2540 : i32 to index
        %get3A_2542 = arith.index_cast %add3A_2451 : i32 to index
        %get3A_2543 = arith.constant 32 : index
        %get3A_2544 = tpu.vector_load %arg10[%get3A_2541, %get3A_2542, %get3A_2543] {strides = array<i32>} : memref<4x128x64xf32, #tpu.memory_space<vmem>>, vector<1x1x16xf32>,
        %get3A_2545 = vector.shape_cast %get3A_2544 : vector<1x1x16xf32> to vector<16xf32>
        %mul3A_2546 = vector.broadcast %squeeze3A_2453 : f32 to vector<16xf32>
        %mul3A_2547 = arith.mulf %mul3A_2546, %get3A_2545 : vector<16xf32>
        %get3A_2548 = arith.constant 1 : i32
        %get3A_2549 = arith.index_cast %get3A_2548 : i32 to index
        %get3A_2550 = arith.index_cast %add3A_2451 : i32 to index
        %get3A_2551 = arith.constant 32 : index
        %get3A_2552 = tpu.vector_load %arg10[%get3A_2549, %get3A_2550, %get3A_2551] {strides = array<i32>} : memref<4x128x64xf32, #tpu.memory_space<vmem>>, vector<1x1x16xf32>,
        %get3A_2553 = vector.shape_cast %get3A_2552 : vector<1x1x16xf32> to vector<16xf32>
        %mul3A_2554 = vector.broadcast %squeeze3A_2455 : f32 to vector<16xf32>
        %mul3A_2555 = arith.mulf %mul3A_2554, %get3A_2553 : vector<16xf32>
        %add3A_2556 = arith.addf %mul3A_2547, %mul3A_2555 : vector<16xf32>
        %get3A_2557 = arith.constant 2 : i32
        %get3A_2558 = arith.index_cast %get3A_2557 : i32 to index
        %get3A_2559 = arith.index_cast %add3A_2451 : i32 to index
        %get3A_2560 = arith.constant 32 : index
        %get3A_2561 = tpu.vector_load %arg10[%get3A_2558, %get3A_2559, %get3A_2560] {strides = array<i32>} : memref<4x128x64xf32, #tpu.memory_space<vmem>>, vector<1x1x16xf32>,
        %get3A_2562 = vector.shape_cast %get3A_2561 : vector<1x1x16xf32> to vector<16xf32>
        %mul3A_2563 = vector.broadcast %squeeze3A_2457 : f32 to vector<16xf32>
        %mul3A_2564 = arith.mulf %mul3A_2563, %get3A_2562 : vector<16xf32>
        %add3A_2565 = arith.addf %add3A_2556, %mul3A_2564 : vector<16xf32>
        %get3A_2566 = arith.constant 3 : i32
        %get3A_2567 = arith.index_cast %get3A_2566 : i32 to index
        %get3A_2568 = arith.index_cast %add3A_2451 : i32 to index
        %get3A_2569 = arith.constant 32 : index
        %get3A_2570 = tpu.vector_load %arg10[%get3A_2567, %get3A_2568, %get3A_2569] {strides = array<i32>} : memref<4x128x64xf32, #tpu.memory_space<vmem>>, vector<1x1x16xf32>,
        %get3A_2571 = vector.shape_cast %get3A_2570 : vector<1x1x16xf32> to vector<16xf32>
        %mul3A_2572 = vector.broadcast %squeeze3A_2459 : f32 to vector<16xf32>
        %mul3A_2573 = arith.mulf %mul3A_2572, %get3A_2571 : vector<16xf32>
        %add3A_2574 = arith.addf %add3A_2565, %mul3A_2573 : vector<16xf32>
        %swap3A_2575 = arith.index_cast %add3A_2451 : i32 to index
        %swap3A_2576 = arith.constant 32 : index
        %swap3A_2577 = tpu.vector_load %arg11[%swap3A_2575, %swap3A_2576] {strides = array<i32>} : memref<128x64xf32, #tpu.memory_space<vmem>>, vector<1x16xf32>,
        %swap3A_2578 = vector.shape_cast %swap3A_2577 : vector<1x16xf32> to vector<16xf32>
        %swap3A_2579 = vector.shape_cast %add3A_2574 : vector<16xf32> to vector<1x16xf32>
        tpu.vector_store %arg11[%swap3A_2575, %swap3A_2576], %swap3A_2579 {add = true, strides = array<i32>} : memref<128x64xf32, #tpu.memory_space<vmem>>, vector<1x16xf32>,
        %get3A_2580 = arith.constant 0 : i32
        %get3A_2581 = arith.index_cast %get3A_2580 : i32 to index
        %get3A_2582 = arith.index_cast %add3A_2451 : i32 to index
        %get3A_2583 = arith.constant 48 : index
        %get3A_2584 = tpu.vector_load %arg10[%get3A_2581, %get3A_2582, %get3A_2583] {strides = array<i32>} : memref<4x128x64xf32, #tpu.memory_space<vmem>>, vector<1x1x16xf32>,
        %get3A_2585 = vector.shape_cast %get3A_2584 : vector<1x1x16xf32> to vector<16xf32>
        %mul3A_2586 = vector.broadcast %squeeze3A_2453 : f32 to vector<16xf32>
        %mul3A_2587 = arith.mulf %mul3A_2586, %get3A_2585 : vector<16xf32>
        %get3A_2588 = arith.constant 1 : i32
        %get3A_2589 = arith.index_cast %get3A_2588 : i32 to index
        %get3A_2590 = arith.index_cast %add3A_2451 : i32 to index
        %get3A_2591 = arith.constant 48 : index
        %get3A_2592 = tpu.vector_load %arg10[%get3A_2589, %get3A_2590, %get3A_2591] {strides = array<i32>} : memref<4x128x64xf32, #tpu.memory_space<vmem>>, vector<1x1x16xf32>,
        %get3A_2593 = vector.shape_cast %get3A_2592 : vector<1x1x16xf32> to vector<16xf32>
        %mul3A_2594 = vector.broadcast %squeeze3A_2455 : f32 to vector<16xf32>
        %mul3A_2595 = arith.mulf %mul3A_2594, %get3A_2593 : vector<16xf32>
        %add3A_2596 = arith.addf %mul3A_2587, %mul3A_2595 : vector<16xf32>
        %get3A_2597 = arith.constant 2 : i32
        %get3A_2598 = arith.index_cast %get3A_2597 : i32 to index
        %get3A_2599 = arith.index_cast %add3A_2451 : i32 to index
        %get3A_2600 = arith.constant 48 : index
        %get3A_2601 = tpu.vector_load %arg10[%get3A_2598, %get3A_2599, %get3A_2600] {strides = array<i32>} : memref<4x128x64xf32, #tpu.memory_space<vmem>>, vector<1x1x16xf32>,
        %get3A_2602 = vector.shape_cast %get3A_2601 : vector<1x1x16xf32> to vector<16xf32>
        %mul3A_2603 = vector.broadcast %squeeze3A_2457 : f32 to vector<16xf32>
        %mul3A_2604 = arith.mulf %mul3A_2603, %get3A_2602 : vector<16xf32>
        %add3A_2605 = arith.addf %add3A_2596, %mul3A_2604 : vector<16xf32>
        %get3A_2606 = arith.constant 3 : i32
        %get3A_2607 = arith.index_cast %get3A_2606 : i32 to index
        %get3A_2608 = arith.index_cast %add3A_2451 : i32 to index
        %get3A_2609 = arith.constant 48 : index
        %get3A_2610 = tpu.vector_load %arg10[%get3A_2607, %get3A_2608, %get3A_2609] {strides = array<i32>} : memref<4x128x64xf32, #tpu.memory_space<vmem>>, vector<1x1x16xf32>,
        %get3A_2611 = vector.shape_cast %get3A_2610 : vector<1x1x16xf32> to vector<16xf32>
        %mul3A_2612 = vector.broadcast %squeeze3A_2459 : f32 to vector<16xf32>
        %mul3A_2613 = arith.mulf %mul3A_2612, %get3A_2611 : vector<16xf32>
        %add3A_2614 = arith.addf %add3A_2605, %mul3A_2613 : vector<16xf32>
        %swap3A_2615 = arith.index_cast %add3A_2451 : i32 to index
        %swap3A_2616 = arith.constant 48 : index
        %swap3A_2617 = tpu.vector_load %arg11[%swap3A_2615, %swap3A_2616] {strides = array<i32>} : memref<128x64xf32, #tpu.memory_space<vmem>>, vector<1x16xf32>,
        %swap3A_2618 = vector.shape_cast %swap3A_2617 : vector<1x16xf32> to vector<16xf32>
        %swap3A_2619 = vector.shape_cast %add3A_2614 : vector<16xf32> to vector<1x16xf32>
        tpu.vector_store %arg11[%swap3A_2615, %swap3A_2616], %swap3A_2619 {add = true, strides = array<i32>} : memref<128x64xf32, #tpu.memory_space<vmem>>, vector<1x16xf32>,
        %add3A_2620 = arith.constant 10 : i32
        %add3A_2621 = arith.addi %mul3A_901, %add3A_2620 : i32
        %slice3A_2622 = vector.extract_strided_slice %get3A_906 {offsets = [10], sizes = [1], strides = [1]} : vector<16xf32> to vector<1xf32>
        %squeeze3A_2623 = vector.extract %slice3A_2622[0] : f32 from vector<1xf32>
        %slice3A_2624 = vector.extract_strided_slice %get3A_911 {offsets = [10], sizes = [1], strides = [1]} : vector<16xf32> to vector<1xf32>
        %squeeze3A_2625 = vector.extract %slice3A_2624[0] : f32 from vector<1xf32>
        %slice3A_2626 = vector.extract_strided_slice %get3A_916 {offsets = [10], sizes = [1], strides = [1]} : vector<16xf32> to vector<1xf32>
        %squeeze3A_2627 = vector.extract %slice3A_2626[0] : f32 from vector<1xf32>
        %slice3A_2628 = vector.extract_strided_slice %get3A_921 {offsets = [10], sizes = [1], strides = [1]} : vector<16xf32> to vector<1xf32>
        %squeeze3A_2629 = vector.extract %slice3A_2628[0] : f32 from vector<1xf32>
        %get3A_2630 = arith.constant 0 : i32
        %get3A_2631 = arith.index_cast %get3A_2630 : i32 to index
        %get3A_2632 = arith.index_cast %add3A_2621 : i32 to index
        %get3A_2633 = arith.constant 0 : index
        %get3A_2634 = tpu.vector_load %arg10[%get3A_2631, %get3A_2632, %get3A_2633] {strides = array<i32>} : memref<4x128x64xf32, #tpu.memory_space<vmem>>, vector<1x1x16xf32>,
        %get3A_2635 = vector.shape_cast %get3A_2634 : vector<1x1x16xf32> to vector<16xf32>
        %mul3A_2636 = vector.broadcast %squeeze3A_2623 : f32 to vector<16xf32>
        %mul3A_2637 = arith.mulf %mul3A_2636, %get3A_2635 : vector<16xf32>
        %get3A_2638 = arith.constant 1 : i32
        %get3A_2639 = arith.index_cast %get3A_2638 : i32 to index
        %get3A_2640 = arith.index_cast %add3A_2621 : i32 to index
        %get3A_2641 = arith.constant 0 : index
        %get3A_2642 = tpu.vector_load %arg10[%get3A_2639, %get3A_2640, %get3A_2641] {strides = array<i32>} : memref<4x128x64xf32, #tpu.memory_space<vmem>>, vector<1x1x16xf32>,
        %get3A_2643 = vector.shape_cast %get3A_2642 : vector<1x1x16xf32> to vector<16xf32>
        %mul3A_2644 = vector.broadcast %squeeze3A_2625 : f32 to vector<16xf32>
        %mul3A_2645 = arith.mulf %mul3A_2644, %get3A_2643 : vector<16xf32>
        %add3A_2646 = arith.addf %mul3A_2637, %mul3A_2645 : vector<16xf32>
        %get3A_2647 = arith.constant 2 : i32
        %get3A_2648 = arith.index_cast %get3A_2647 : i32 to index
        %get3A_2649 = arith.index_cast %add3A_2621 : i32 to index
        %get3A_2650 = arith.constant 0 : index
        %get3A_2651 = tpu.vector_load %arg10[%get3A_2648, %get3A_2649, %get3A_2650] {strides = array<i32>} : memref<4x128x64xf32, #tpu.memory_space<vmem>>, vector<1x1x16xf32>,
        %get3A_2652 = vector.shape_cast %get3A_2651 : vector<1x1x16xf32> to vector<16xf32>
        %mul3A_2653 = vector.broadcast %squeeze3A_2627 : f32 to vector<16xf32>
        %mul3A_2654 = arith.mulf %mul3A_2653, %get3A_2652 : vector<16xf32>
        %add3A_2655 = arith.addf %add3A_2646, %mul3A_2654 : vector<16xf32>
        %get3A_2656 = arith.constant 3 : i32
        %get3A_2657 = arith.index_cast %get3A_2656 : i32 to index
        %get3A_2658 = arith.index_cast %add3A_2621 : i32 to index
        %get3A_2659 = arith.constant 0 : index
        %get3A_2660 = tpu.vector_load %arg10[%get3A_2657, %get3A_2658, %get3A_2659] {strides = array<i32>} : memref<4x128x64xf32, #tpu.memory_space<vmem>>, vector<1x1x16xf32>,
        %get3A_2661 = vector.shape_cast %get3A_2660 : vector<1x1x16xf32> to vector<16xf32>
        %mul3A_2662 = vector.broadcast %squeeze3A_2629 : f32 to vector<16xf32>
        %mul3A_2663 = arith.mulf %mul3A_2662, %get3A_2661 : vector<16xf32>
        %add3A_2664 = arith.addf %add3A_2655, %mul3A_2663 : vector<16xf32>
        %swap3A_2665 = arith.index_cast %add3A_2621 : i32 to index
        %swap3A_2666 = arith.constant 0 : index
        %swap3A_2667 = tpu.vector_load %arg11[%swap3A_2665, %swap3A_2666] {strides = array<i32>} : memref<128x64xf32, #tpu.memory_space<vmem>>, vector<1x16xf32>,
        %swap3A_2668 = vector.shape_cast %swap3A_2667 : vector<1x16xf32> to vector<16xf32>
        %swap3A_2669 = vector.shape_cast %add3A_2664 : vector<16xf32> to vector<1x16xf32>
        tpu.vector_store %arg11[%swap3A_2665, %swap3A_2666], %swap3A_2669 {add = true, strides = array<i32>} : memref<128x64xf32, #tpu.memory_space<vmem>>, vector<1x16xf32>,
        %get3A_2670 = arith.constant 0 : i32
        %get3A_2671 = arith.index_cast %get3A_2670 : i32 to index
        %get3A_2672 = arith.index_cast %add3A_2621 : i32 to index
        %get3A_2673 = arith.constant 16 : index
        %get3A_2674 = tpu.vector_load %arg10[%get3A_2671, %get3A_2672, %get3A_2673] {strides = array<i32>} : memref<4x128x64xf32, #tpu.memory_space<vmem>>, vector<1x1x16xf32>,
        %get3A_2675 = vector.shape_cast %get3A_2674 : vector<1x1x16xf32> to vector<16xf32>
        %mul3A_2676 = vector.broadcast %squeeze3A_2623 : f32 to vector<16xf32>
        %mul3A_2677 = arith.mulf %mul3A_2676, %get3A_2675 : vector<16xf32>
        %get3A_2678 = arith.constant 1 : i32
        %get3A_2679 = arith.index_cast %get3A_2678 : i32 to index
        %get3A_2680 = arith.index_cast %add3A_2621 : i32 to index
        %get3A_2681 = arith.constant 16 : index
        %get3A_2682 = tpu.vector_load %arg10[%get3A_2679, %get3A_2680, %get3A_2681] {strides = array<i32>} : memref<4x128x64xf32, #tpu.memory_space<vmem>>, vector<1x1x16xf32>,
        %get3A_2683 = vector.shape_cast %get3A_2682 : vector<1x1x16xf32> to vector<16xf32>
        %mul3A_2684 = vector.broadcast %squeeze3A_2625 : f32 to vector<16xf32>
        %mul3A_2685 = arith.mulf %mul3A_2684, %get3A_2683 : vector<16xf32>
        %add3A_2686 = arith.addf %mul3A_2677, %mul3A_2685 : vector<16xf32>
        %get3A_2687 = arith.constant 2 : i32
        %get3A_2688 = arith.index_cast %get3A_2687 : i32 to index
        %get3A_2689 = arith.index_cast %add3A_2621 : i32 to index
        %get3A_2690 = arith.constant 16 : index
        %get3A_2691 = tpu.vector_load %arg10[%get3A_2688, %get3A_2689, %get3A_2690] {strides = array<i32>} : memref<4x128x64xf32, #tpu.memory_space<vmem>>, vector<1x1x16xf32>,
        %get3A_2692 = vector.shape_cast %get3A_2691 : vector<1x1x16xf32> to vector<16xf32>
        %mul3A_2693 = vector.broadcast %squeeze3A_2627 : f32 to vector<16xf32>
        %mul3A_2694 = arith.mulf %mul3A_2693, %get3A_2692 : vector<16xf32>
        %add3A_2695 = arith.addf %add3A_2686, %mul3A_2694 : vector<16xf32>
        %get3A_2696 = arith.constant 3 : i32
        %get3A_2697 = arith.index_cast %get3A_2696 : i32 to index
        %get3A_2698 = arith.index_cast %add3A_2621 : i32 to index
        %get3A_2699 = arith.constant 16 : index
        %get3A_2700 = tpu.vector_load %arg10[%get3A_2697, %get3A_2698, %get3A_2699] {strides = array<i32>} : memref<4x128x64xf32, #tpu.memory_space<vmem>>, vector<1x1x16xf32>,
        %get3A_2701 = vector.shape_cast %get3A_2700 : vector<1x1x16xf32> to vector<16xf32>
        %mul3A_2702 = vector.broadcast %squeeze3A_2629 : f32 to vector<16xf32>
        %mul3A_2703 = arith.mulf %mul3A_2702, %get3A_2701 : vector<16xf32>
        %add3A_2704 = arith.addf %add3A_2695, %mul3A_2703 : vector<16xf32>
        %swap3A_2705 = arith.index_cast %add3A_2621 : i32 to index
        %swap3A_2706 = arith.constant 16 : index
        %swap3A_2707 = tpu.vector_load %arg11[%swap3A_2705, %swap3A_2706] {strides = array<i32>} : memref<128x64xf32, #tpu.memory_space<vmem>>, vector<1x16xf32>,
        %swap3A_2708 = vector.shape_cast %swap3A_2707 : vector<1x16xf32> to vector<16xf32>
        %swap3A_2709 = vector.shape_cast %add3A_2704 : vector<16xf32> to vector<1x16xf32>
        tpu.vector_store %arg11[%swap3A_2705, %swap3A_2706], %swap3A_2709 {add = true, strides = array<i32>} : memref<128x64xf32, #tpu.memory_space<vmem>>, vector<1x16xf32>,
        %get3A_2710 = arith.constant 0 : i32
        %get3A_2711 = arith.index_cast %get3A_2710 : i32 to index
        %get3A_2712 = arith.index_cast %add3A_2621 : i32 to index
        %get3A_2713 = arith.constant 32 : index
        %get3A_2714 = tpu.vector_load %arg10[%get3A_2711, %get3A_2712, %get3A_2713] {strides = array<i32>} : memref<4x128x64xf32, #tpu.memory_space<vmem>>, vector<1x1x16xf32>,
        %get3A_2715 = vector.shape_cast %get3A_2714 : vector<1x1x16xf32> to vector<16xf32>
        %mul3A_2716 = vector.broadcast %squeeze3A_2623 : f32 to vector<16xf32>
        %mul3A_2717 = arith.mulf %mul3A_2716, %get3A_2715 : vector<16xf32>
        %get3A_2718 = arith.constant 1 : i32
        %get3A_2719 = arith.index_cast %get3A_2718 : i32 to index
        %get3A_2720 = arith.index_cast %add3A_2621 : i32 to index
        %get3A_2721 = arith.constant 32 : index
        %get3A_2722 = tpu.vector_load %arg10[%get3A_2719, %get3A_2720, %get3A_2721] {strides = array<i32>} : memref<4x128x64xf32, #tpu.memory_space<vmem>>, vector<1x1x16xf32>,
        %get3A_2723 = vector.shape_cast %get3A_2722 : vector<1x1x16xf32> to vector<16xf32>
        %mul3A_2724 = vector.broadcast %squeeze3A_2625 : f32 to vector<16xf32>
        %mul3A_2725 = arith.mulf %mul3A_2724, %get3A_2723 : vector<16xf32>
        %add3A_2726 = arith.addf %mul3A_2717, %mul3A_2725 : vector<16xf32>
        %get3A_2727 = arith.constant 2 : i32
        %get3A_2728 = arith.index_cast %get3A_2727 : i32 to index
        %get3A_2729 = arith.index_cast %add3A_2621 : i32 to index
        %get3A_2730 = arith.constant 32 : index
        %get3A_2731 = tpu.vector_load %arg10[%get3A_2728, %get3A_2729, %get3A_2730] {strides = array<i32>} : memref<4x128x64xf32, #tpu.memory_space<vmem>>, vector<1x1x16xf32>,
        %get3A_2732 = vector.shape_cast %get3A_2731 : vector<1x1x16xf32> to vector<16xf32>
        %mul3A_2733 = vector.broadcast %squeeze3A_2627 : f32 to vector<16xf32>
        %mul3A_2734 = arith.mulf %mul3A_2733, %get3A_2732 : vector<16xf32>
        %add3A_2735 = arith.addf %add3A_2726, %mul3A_2734 : vector<16xf32>
        %get3A_2736 = arith.constant 3 : i32
        %get3A_2737 = arith.index_cast %get3A_2736 : i32 to index
        %get3A_2738 = arith.index_cast %add3A_2621 : i32 to index
        %get3A_2739 = arith.constant 32 : index
        %get3A_2740 = tpu.vector_load %arg10[%get3A_2737, %get3A_2738, %get3A_2739] {strides = array<i32>} : memref<4x128x64xf32, #tpu.memory_space<vmem>>, vector<1x1x16xf32>,
        %get3A_2741 = vector.shape_cast %get3A_2740 : vector<1x1x16xf32> to vector<16xf32>
        %mul3A_2742 = vector.broadcast %squeeze3A_2629 : f32 to vector<16xf32>
        %mul3A_2743 = arith.mulf %mul3A_2742, %get3A_2741 : vector<16xf32>
        %add3A_2744 = arith.addf %add3A_2735, %mul3A_2743 : vector<16xf32>
        %swap3A_2745 = arith.index_cast %add3A_2621 : i32 to index
        %swap3A_2746 = arith.constant 32 : index
        %swap3A_2747 = tpu.vector_load %arg11[%swap3A_2745, %swap3A_2746] {strides = array<i32>} : memref<128x64xf32, #tpu.memory_space<vmem>>, vector<1x16xf32>,
        %swap3A_2748 = vector.shape_cast %swap3A_2747 : vector<1x16xf32> to vector<16xf32>
        %swap3A_2749 = vector.shape_cast %add3A_2744 : vector<16xf32> to vector<1x16xf32>
        tpu.vector_store %arg11[%swap3A_2745, %swap3A_2746], %swap3A_2749 {add = true, strides = array<i32>} : memref<128x64xf32, #tpu.memory_space<vmem>>, vector<1x16xf32>,
        %get3A_2750 = arith.constant 0 : i32
        %get3A_2751 = arith.index_cast %get3A_2750 : i32 to index
        %get3A_2752 = arith.index_cast %add3A_2621 : i32 to index
        %get3A_2753 = arith.constant 48 : index
        %get3A_2754 = tpu.vector_load %arg10[%get3A_2751, %get3A_2752, %get3A_2753] {strides = array<i32>} : memref<4x128x64xf32, #tpu.memory_space<vmem>>, vector<1x1x16xf32>,
        %get3A_2755 = vector.shape_cast %get3A_2754 : vector<1x1x16xf32> to vector<16xf32>
        %mul3A_2756 = vector.broadcast %squeeze3A_2623 : f32 to vector<16xf32>
        %mul3A_2757 = arith.mulf %mul3A_2756, %get3A_2755 : vector<16xf32>
        %get3A_2758 = arith.constant 1 : i32
        %get3A_2759 = arith.index_cast %get3A_2758 : i32 to index
        %get3A_2760 = arith.index_cast %add3A_2621 : i32 to index
        %get3A_2761 = arith.constant 48 : index
        %get3A_2762 = tpu.vector_load %arg10[%get3A_2759, %get3A_2760, %get3A_2761] {strides = array<i32>} : memref<4x128x64xf32, #tpu.memory_space<vmem>>, vector<1x1x16xf32>,
        %get3A_2763 = vector.shape_cast %get3A_2762 : vector<1x1x16xf32> to vector<16xf32>
        %mul3A_2764 = vector.broadcast %squeeze3A_2625 : f32 to vector<16xf32>
        %mul3A_2765 = arith.mulf %mul3A_2764, %get3A_2763 : vector<16xf32>
        %add3A_2766 = arith.addf %mul3A_2757, %mul3A_2765 : vector<16xf32>
        %get3A_2767 = arith.constant 2 : i32
        %get3A_2768 = arith.index_cast %get3A_2767 : i32 to index
        %get3A_2769 = arith.index_cast %add3A_2621 : i32 to index
        %get3A_2770 = arith.constant 48 : index
        %get3A_2771 = tpu.vector_load %arg10[%get3A_2768, %get3A_2769, %get3A_2770] {strides = array<i32>} : memref<4x128x64xf32, #tpu.memory_space<vmem>>, vector<1x1x16xf32>,
        %get3A_2772 = vector.shape_cast %get3A_2771 : vector<1x1x16xf32> to vector<16xf32>
        %mul3A_2773 = vector.broadcast %squeeze3A_2627 : f32 to vector<16xf32>
        %mul3A_2774 = arith.mulf %mul3A_2773, %get3A_2772 : vector<16xf32>
        %add3A_2775 = arith.addf %add3A_2766, %mul3A_2774 : vector<16xf32>
        %get3A_2776 = arith.constant 3 : i32
        %get3A_2777 = arith.index_cast %get3A_2776 : i32 to index
        %get3A_2778 = arith.index_cast %add3A_2621 : i32 to index
        %get3A_2779 = arith.constant 48 : index
        %get3A_2780 = tpu.vector_load %arg10[%get3A_2777, %get3A_2778, %get3A_2779] {strides = array<i32>} : memref<4x128x64xf32, #tpu.memory_space<vmem>>, vector<1x1x16xf32>,
        %get3A_2781 = vector.shape_cast %get3A_2780 : vector<1x1x16xf32> to vector<16xf32>
        %mul3A_2782 = vector.broadcast %squeeze3A_2629 : f32 to vector<16xf32>
        %mul3A_2783 = arith.mulf %mul3A_2782, %get3A_2781 : vector<16xf32>
        %add3A_2784 = arith.addf %add3A_2775, %mul3A_2783 : vector<16xf32>
        %swap3A_2785 = arith.index_cast %add3A_2621 : i32 to index
        %swap3A_2786 = arith.constant 48 : index
        %swap3A_2787 = tpu.vector_load %arg11[%swap3A_2785, %swap3A_2786] {strides = array<i32>} : memref<128x64xf32, #tpu.memory_space<vmem>>, vector<1x16xf32>,
        %swap3A_2788 = vector.shape_cast %swap3A_2787 : vector<1x16xf32> to vector<16xf32>
        %swap3A_2789 = vector.shape_cast %add3A_2784 : vector<16xf32> to vector<1x16xf32>
        tpu.vector_store %arg11[%swap3A_2785, %swap3A_2786], %swap3A_2789 {add = true, strides = array<i32>} : memref<128x64xf32, #tpu.memory_space<vmem>>, vector<1x16xf32>,
        %add3A_2790 = arith.constant 11 : i32
        %add3A_2791 = arith.addi %mul3A_901, %add3A_2790 : i32
        %slice3A_2792 = vector.extract_strided_slice %get3A_906 {offsets = [11], sizes = [1], strides = [1]} : vector<16xf32> to vector<1xf32>
        %squeeze3A_2793 = vector.extract %slice3A_2792[0] : f32 from vector<1xf32>
        %slice3A_2794 = vector.extract_strided_slice %get3A_911 {offsets = [11], sizes = [1], strides = [1]} : vector<16xf32> to vector<1xf32>
        %squeeze3A_2795 = vector.extract %slice3A_2794[0] : f32 from vector<1xf32>
        %slice3A_2796 = vector.extract_strided_slice %get3A_916 {offsets = [11], sizes = [1], strides = [1]} : vector<16xf32> to vector<1xf32>
        %squeeze3A_2797 = vector.extract %slice3A_2796[0] : f32 from vector<1xf32>
        %slice3A_2798 = vector.extract_strided_slice %get3A_921 {offsets = [11], sizes = [1], strides = [1]} : vector<16xf32> to vector<1xf32>
        %squeeze3A_2799 = vector.extract %slice3A_2798[0] : f32 from vector<1xf32>
        %get3A_2800 = arith.constant 0 : i32
        %get3A_2801 = arith.index_cast %get3A_2800 : i32 to index
        %get3A_2802 = arith.index_cast %add3A_2791 : i32 to index
        %get3A_2803 = arith.constant 0 : index
        %get3A_2804 = tpu.vector_load %arg10[%get3A_2801, %get3A_2802, %get3A_2803] {strides = array<i32>} : memref<4x128x64xf32, #tpu.memory_space<vmem>>, vector<1x1x16xf32>,
        %get3A_2805 = vector.shape_cast %get3A_2804 : vector<1x1x16xf32> to vector<16xf32>
        %mul3A_2806 = vector.broadcast %squeeze3A_2793 : f32 to vector<16xf32>
        %mul3A_2807 = arith.mulf %mul3A_2806, %get3A_2805 : vector<16xf32>
        %get3A_2808 = arith.constant 1 : i32
        %get3A_2809 = arith.index_cast %get3A_2808 : i32 to index
        %get3A_2810 = arith.index_cast %add3A_2791 : i32 to index
        %get3A_2811 = arith.constant 0 : index
        %get3A_2812 = tpu.vector_load %arg10[%get3A_2809, %get3A_2810, %get3A_2811] {strides = array<i32>} : memref<4x128x64xf32, #tpu.memory_space<vmem>>, vector<1x1x16xf32>,
        %get3A_2813 = vector.shape_cast %get3A_2812 : vector<1x1x16xf32> to vector<16xf32>
        %mul3A_2814 = vector.broadcast %squeeze3A_2795 : f32 to vector<16xf32>
        %mul3A_2815 = arith.mulf %mul3A_2814, %get3A_2813 : vector<16xf32>
        %add3A_2816 = arith.addf %mul3A_2807, %mul3A_2815 : vector<16xf32>
        %get3A_2817 = arith.constant 2 : i32
        %get3A_2818 = arith.index_cast %get3A_2817 : i32 to index
        %get3A_2819 = arith.index_cast %add3A_2791 : i32 to index
        %get3A_2820 = arith.constant 0 : index
        %get3A_2821 = tpu.vector_load %arg10[%get3A_2818, %get3A_2819, %get3A_2820] {strides = array<i32>} : memref<4x128x64xf32, #tpu.memory_space<vmem>>, vector<1x1x16xf32>,
        %get3A_2822 = vector.shape_cast %get3A_2821 : vector<1x1x16xf32> to vector<16xf32>
        %mul3A_2823 = vector.broadcast %squeeze3A_2797 : f32 to vector<16xf32>
        %mul3A_2824 = arith.mulf %mul3A_2823, %get3A_2822 : vector<16xf32>
        %add3A_2825 = arith.addf %add3A_2816, %mul3A_2824 : vector<16xf32>
        %get3A_2826 = arith.constant 3 : i32
        %get3A_2827 = arith.index_cast %get3A_2826 : i32 to index
        %get3A_2828 = arith.index_cast %add3A_2791 : i32 to index
        %get3A_2829 = arith.constant 0 : index
        %get3A_2830 = tpu.vector_load %arg10[%get3A_2827, %get3A_2828, %get3A_2829] {strides = array<i32>} : memref<4x128x64xf32, #tpu.memory_space<vmem>>, vector<1x1x16xf32>,
        %get3A_2831 = vector.shape_cast %get3A_2830 : vector<1x1x16xf32> to vector<16xf32>
        %mul3A_2832 = vector.broadcast %squeeze3A_2799 : f32 to vector<16xf32>
        %mul3A_2833 = arith.mulf %mul3A_2832, %get3A_2831 : vector<16xf32>
        %add3A_2834 = arith.addf %add3A_2825, %mul3A_2833 : vector<16xf32>
        %swap3A_2835 = arith.index_cast %add3A_2791 : i32 to index
        %swap3A_2836 = arith.constant 0 : index
        %swap3A_2837 = tpu.vector_load %arg11[%swap3A_2835, %swap3A_2836] {strides = array<i32>} : memref<128x64xf32, #tpu.memory_space<vmem>>, vector<1x16xf32>,
        %swap3A_2838 = vector.shape_cast %swap3A_2837 : vector<1x16xf32> to vector<16xf32>
        %swap3A_2839 = vector.shape_cast %add3A_2834 : vector<16xf32> to vector<1x16xf32>
        tpu.vector_store %arg11[%swap3A_2835, %swap3A_2836], %swap3A_2839 {add = true, strides = array<i32>} : memref<128x64xf32, #tpu.memory_space<vmem>>, vector<1x16xf32>,
        %get3A_2840 = arith.constant 0 : i32
        %get3A_2841 = arith.index_cast %get3A_2840 : i32 to index
        %get3A_2842 = arith.index_cast %add3A_2791 : i32 to index
        %get3A_2843 = arith.constant 16 : index
        %get3A_2844 = tpu.vector_load %arg10[%get3A_2841, %get3A_2842, %get3A_2843] {strides = array<i32>} : memref<4x128x64xf32, #tpu.memory_space<vmem>>, vector<1x1x16xf32>,
        %get3A_2845 = vector.shape_cast %get3A_2844 : vector<1x1x16xf32> to vector<16xf32>
        %mul3A_2846 = vector.broadcast %squeeze3A_2793 : f32 to vector<16xf32>
        %mul3A_2847 = arith.mulf %mul3A_2846, %get3A_2845 : vector<16xf32>
        %get3A_2848 = arith.constant 1 : i32
        %get3A_2849 = arith.index_cast %get3A_2848 : i32 to index
        %get3A_2850 = arith.index_cast %add3A_2791 : i32 to index
        %get3A_2851 = arith.constant 16 : index
        %get3A_2852 = tpu.vector_load %arg10[%get3A_2849, %get3A_2850, %get3A_2851] {strides = array<i32>} : memref<4x128x64xf32, #tpu.memory_space<vmem>>, vector<1x1x16xf32>,
        %get3A_2853 = vector.shape_cast %get3A_2852 : vector<1x1x16xf32> to vector<16xf32>
        %mul3A_2854 = vector.broadcast %squeeze3A_2795 : f32 to vector<16xf32>
        %mul3A_2855 = arith.mulf %mul3A_2854, %get3A_2853 : vector<16xf32>
        %add3A_2856 = arith.addf %mul3A_2847, %mul3A_2855 : vector<16xf32>
        %get3A_2857 = arith.constant 2 : i32
        %get3A_2858 = arith.index_cast %get3A_2857 : i32 to index
        %get3A_2859 = arith.index_cast %add3A_2791 : i32 to index
        %get3A_2860 = arith.constant 16 : index
        %get3A_2861 = tpu.vector_load %arg10[%get3A_2858, %get3A_2859, %get3A_2860] {strides = array<i32>} : memref<4x128x64xf32, #tpu.memory_space<vmem>>, vector<1x1x16xf32>,
        %get3A_2862 = vector.shape_cast %get3A_2861 : vector<1x1x16xf32> to vector<16xf32>
        %mul3A_2863 = vector.broadcast %squeeze3A_2797 : f32 to vector<16xf32>
        %mul3A_2864 = arith.mulf %mul3A_2863, %get3A_2862 : vector<16xf32>
        %add3A_2865 = arith.addf %add3A_2856, %mul3A_2864 : vector<16xf32>
        %get3A_2866 = arith.constant 3 : i32
        %get3A_2867 = arith.index_cast %get3A_2866 : i32 to index
        %get3A_2868 = arith.index_cast %add3A_2791 : i32 to index
        %get3A_2869 = arith.constant 16 : index
        %get3A_2870 = tpu.vector_load %arg10[%get3A_2867, %get3A_2868, %get3A_2869] {strides = array<i32>} : memref<4x128x64xf32, #tpu.memory_space<vmem>>, vector<1x1x16xf32>,
        %get3A_2871 = vector.shape_cast %get3A_2870 : vector<1x1x16xf32> to vector<16xf32>
        %mul3A_2872 = vector.broadcast %squeeze3A_2799 : f32 to vector<16xf32>
        %mul3A_2873 = arith.mulf %mul3A_2872, %get3A_2871 : vector<16xf32>
        %add3A_2874 = arith.addf %add3A_2865, %mul3A_2873 : vector<16xf32>
        %swap3A_2875 = arith.index_cast %add3A_2791 : i32 to index
        %swap3A_2876 = arith.constant 16 : index
        %swap3A_2877 = tpu.vector_load %arg11[%swap3A_2875, %swap3A_2876] {strides = array<i32>} : memref<128x64xf32, #tpu.memory_space<vmem>>, vector<1x16xf32>,
        %swap3A_2878 = vector.shape_cast %swap3A_2877 : vector<1x16xf32> to vector<16xf32>
        %swap3A_2879 = vector.shape_cast %add3A_2874 : vector<16xf32> to vector<1x16xf32>
        tpu.vector_store %arg11[%swap3A_2875, %swap3A_2876], %swap3A_2879 {add = true, strides = array<i32>} : memref<128x64xf32, #tpu.memory_space<vmem>>, vector<1x16xf32>,
        %get3A_2880 = arith.constant 0 : i32
        %get3A_2881 = arith.index_cast %get3A_2880 : i32 to index
        %get3A_2882 = arith.index_cast %add3A_2791 : i32 to index
        %get3A_2883 = arith.constant 32 : index
        %get3A_2884 = tpu.vector_load %arg10[%get3A_2881, %get3A_2882, %get3A_2883] {strides = array<i32>} : memref<4x128x64xf32, #tpu.memory_space<vmem>>, vector<1x1x16xf32>,
        %get3A_2885 = vector.shape_cast %get3A_2884 : vector<1x1x16xf32> to vector<16xf32>
        %mul3A_2886 = vector.broadcast %squeeze3A_2793 : f32 to vector<16xf32>
        %mul3A_2887 = arith.mulf %mul3A_2886, %get3A_2885 : vector<16xf32>
        %get3A_2888 = arith.constant 1 : i32
        %get3A_2889 = arith.index_cast %get3A_2888 : i32 to index
        %get3A_2890 = arith.index_cast %add3A_2791 : i32 to index
        %get3A_2891 = arith.constant 32 : index
        %get3A_2892 = tpu.vector_load %arg10[%get3A_2889, %get3A_2890, %get3A_2891] {strides = array<i32>} : memref<4x128x64xf32, #tpu.memory_space<vmem>>, vector<1x1x16xf32>,
        %get3A_2893 = vector.shape_cast %get3A_2892 : vector<1x1x16xf32> to vector<16xf32>
        %mul3A_2894 = vector.broadcast %squeeze3A_2795 : f32 to vector<16xf32>
        %mul3A_2895 = arith.mulf %mul3A_2894, %get3A_2893 : vector<16xf32>
        %add3A_2896 = arith.addf %mul3A_2887, %mul3A_2895 : vector<16xf32>
        %get3A_2897 = arith.constant 2 : i32
        %get3A_2898 = arith.index_cast %get3A_2897 : i32 to index
        %get3A_2899 = arith.index_cast %add3A_2791 : i32 to index
        %get3A_2900 = arith.constant 32 : index
        %get3A_2901 = tpu.vector_load %arg10[%get3A_2898, %get3A_2899, %get3A_2900] {strides = array<i32>} : memref<4x128x64xf32, #tpu.memory_space<vmem>>, vector<1x1x16xf32>,
        %get3A_2902 = vector.shape_cast %get3A_2901 : vector<1x1x16xf32> to vector<16xf32>
        %mul3A_2903 = vector.broadcast %squeeze3A_2797 : f32 to vector<16xf32>
        %mul3A_2904 = arith.mulf %mul3A_2903, %get3A_2902 : vector<16xf32>
        %add3A_2905 = arith.addf %add3A_2896, %mul3A_2904 : vector<16xf32>
        %get3A_2906 = arith.constant 3 : i32
        %get3A_2907 = arith.index_cast %get3A_2906 : i32 to index
        %get3A_2908 = arith.index_cast %add3A_2791 : i32 to index
        %get3A_2909 = arith.constant 32 : index
        %get3A_2910 = tpu.vector_load %arg10[%get3A_2907, %get3A_2908, %get3A_2909] {strides = array<i32>} : memref<4x128x64xf32, #tpu.memory_space<vmem>>, vector<1x1x16xf32>,
        %get3A_2911 = vector.shape_cast %get3A_2910 : vector<1x1x16xf32> to vector<16xf32>
        %mul3A_2912 = vector.broadcast %squeeze3A_2799 : f32 to vector<16xf32>
        %mul3A_2913 = arith.mulf %mul3A_2912, %get3A_2911 : vector<16xf32>
        %add3A_2914 = arith.addf %add3A_2905, %mul3A_2913 : vector<16xf32>
        %swap3A_2915 = arith.index_cast %add3A_2791 : i32 to index
        %swap3A_2916 = arith.constant 32 : index
        %swap3A_2917 = tpu.vector_load %arg11[%swap3A_2915, %swap3A_2916] {strides = array<i32>} : memref<128x64xf32, #tpu.memory_space<vmem>>, vector<1x16xf32>,
        %swap3A_2918 = vector.shape_cast %swap3A_2917 : vector<1x16xf32> to vector<16xf32>
        %swap3A_2919 = vector.shape_cast %add3A_2914 : vector<16xf32> to vector<1x16xf32>
        tpu.vector_store %arg11[%swap3A_2915, %swap3A_2916], %swap3A_2919 {add = true, strides = array<i32>} : memref<128x64xf32, #tpu.memory_space<vmem>>, vector<1x16xf32>,
        %get3A_2920 = arith.constant 0 : i32
        %get3A_2921 = arith.index_cast %get3A_2920 : i32 to index
        %get3A_2922 = arith.index_cast %add3A_2791 : i32 to index
        %get3A_2923 = arith.constant 48 : index
        %get3A_2924 = tpu.vector_load %arg10[%get3A_2921, %get3A_2922, %get3A_2923] {strides = array<i32>} : memref<4x128x64xf32, #tpu.memory_space<vmem>>, vector<1x1x16xf32>,
        %get3A_2925 = vector.shape_cast %get3A_2924 : vector<1x1x16xf32> to vector<16xf32>
        %mul3A_2926 = vector.broadcast %squeeze3A_2793 : f32 to vector<16xf32>
        %mul3A_2927 = arith.mulf %mul3A_2926, %get3A_2925 : vector<16xf32>
        %get3A_2928 = arith.constant 1 : i32
        %get3A_2929 = arith.index_cast %get3A_2928 : i32 to index
        %get3A_2930 = arith.index_cast %add3A_2791 : i32 to index
        %get3A_2931 = arith.constant 48 : index
        %get3A_2932 = tpu.vector_load %arg10[%get3A_2929, %get3A_2930, %get3A_2931] {strides = array<i32>} : memref<4x128x64xf32, #tpu.memory_space<vmem>>, vector<1x1x16xf32>,
        %get3A_2933 = vector.shape_cast %get3A_2932 : vector<1x1x16xf32> to vector<16xf32>
        %mul3A_2934 = vector.broadcast %squeeze3A_2795 : f32 to vector<16xf32>
        %mul3A_2935 = arith.mulf %mul3A_2934, %get3A_2933 : vector<16xf32>
        %add3A_2936 = arith.addf %mul3A_2927, %mul3A_2935 : vector<16xf32>
        %get3A_2937 = arith.constant 2 : i32
        %get3A_2938 = arith.index_cast %get3A_2937 : i32 to index
        %get3A_2939 = arith.index_cast %add3A_2791 : i32 to index
        %get3A_2940 = arith.constant 48 : index
        %get3A_2941 = tpu.vector_load %arg10[%get3A_2938, %get3A_2939, %get3A_2940] {strides = array<i32>} : memref<4x128x64xf32, #tpu.memory_space<vmem>>, vector<1x1x16xf32>,
        %get3A_2942 = vector.shape_cast %get3A_2941 : vector<1x1x16xf32> to vector<16xf32>
        %mul3A_2943 = vector.broadcast %squeeze3A_2797 : f32 to vector<16xf32>
        %mul3A_2944 = arith.mulf %mul3A_2943, %get3A_2942 : vector<16xf32>
        %add3A_2945 = arith.addf %add3A_2936, %mul3A_2944 : vector<16xf32>
        %get3A_2946 = arith.constant 3 : i32
        %get3A_2947 = arith.index_cast %get3A_2946 : i32 to index
        %get3A_2948 = arith.index_cast %add3A_2791 : i32 to index
        %get3A_2949 = arith.constant 48 : index
        %get3A_2950 = tpu.vector_load %arg10[%get3A_2947, %get3A_2948, %get3A_2949] {strides = array<i32>} : memref<4x128x64xf32, #tpu.memory_space<vmem>>, vector<1x1x16xf32>,
        %get3A_2951 = vector.shape_cast %get3A_2950 : vector<1x1x16xf32> to vector<16xf32>
        %mul3A_2952 = vector.broadcast %squeeze3A_2799 : f32 to vector<16xf32>
        %mul3A_2953 = arith.mulf %mul3A_2952, %get3A_2951 : vector<16xf32>
        %add3A_2954 = arith.addf %add3A_2945, %mul3A_2953 : vector<16xf32>
        %swap3A_2955 = arith.index_cast %add3A_2791 : i32 to index
        %swap3A_2956 = arith.constant 48 : index
        %swap3A_2957 = tpu.vector_load %arg11[%swap3A_2955, %swap3A_2956] {strides = array<i32>} : memref<128x64xf32, #tpu.memory_space<vmem>>, vector<1x16xf32>,
        %swap3A_2958 = vector.shape_cast %swap3A_2957 : vector<1x16xf32> to vector<16xf32>
        %swap3A_2959 = vector.shape_cast %add3A_2954 : vector<16xf32> to vector<1x16xf32>
        tpu.vector_store %arg11[%swap3A_2955, %swap3A_2956], %swap3A_2959 {add = true, strides = array<i32>} : memref<128x64xf32, #tpu.memory_space<vmem>>, vector<1x16xf32>,
        %add3A_2960 = arith.constant 12 : i32
        %add3A_2961 = arith.addi %mul3A_901, %add3A_2960 : i32
        %slice3A_2962 = vector.extract_strided_slice %get3A_906 {offsets = [12], sizes = [1], strides = [1]} : vector<16xf32> to vector<1xf32>
        %squeeze3A_2963 = vector.extract %slice3A_2962[0] : f32 from vector<1xf32>
        %slice3A_2964 = vector.extract_strided_slice %get3A_911 {offsets = [12], sizes = [1], strides = [1]} : vector<16xf32> to vector<1xf32>
        %squeeze3A_2965 = vector.extract %slice3A_2964[0] : f32 from vector<1xf32>
        %slice3A_2966 = vector.extract_strided_slice %get3A_916 {offsets = [12], sizes = [1], strides = [1]} : vector<16xf32> to vector<1xf32>
        %squeeze3A_2967 = vector.extract %slice3A_2966[0] : f32 from vector<1xf32>
        %slice3A_2968 = vector.extract_strided_slice %get3A_921 {offsets = [12], sizes = [1], strides = [1]} : vector<16xf32> to vector<1xf32>
        %squeeze3A_2969 = vector.extract %slice3A_2968[0] : f32 from vector<1xf32>
        %get3A_2970 = arith.constant 0 : i32
        %get3A_2971 = arith.index_cast %get3A_2970 : i32 to index
        %get3A_2972 = arith.index_cast %add3A_2961 : i32 to index
        %get3A_2973 = arith.constant 0 : index
        %get3A_2974 = tpu.vector_load %arg10[%get3A_2971, %get3A_2972, %get3A_2973] {strides = array<i32>} : memref<4x128x64xf32, #tpu.memory_space<vmem>>, vector<1x1x16xf32>,
        %get3A_2975 = vector.shape_cast %get3A_2974 : vector<1x1x16xf32> to vector<16xf32>
        %mul3A_2976 = vector.broadcast %squeeze3A_2963 : f32 to vector<16xf32>
        %mul3A_2977 = arith.mulf %mul3A_2976, %get3A_2975 : vector<16xf32>
        %get3A_2978 = arith.constant 1 : i32
        %get3A_2979 = arith.index_cast %get3A_2978 : i32 to index
        %get3A_2980 = arith.index_cast %add3A_2961 : i32 to index
        %get3A_2981 = arith.constant 0 : index
        %get3A_2982 = tpu.vector_load %arg10[%get3A_2979, %get3A_2980, %get3A_2981] {strides = array<i32>} : memref<4x128x64xf32, #tpu.memory_space<vmem>>, vector<1x1x16xf32>,
        %get3A_2983 = vector.shape_cast %get3A_2982 : vector<1x1x16xf32> to vector<16xf32>
        %mul3A_2984 = vector.broadcast %squeeze3A_2965 : f32 to vector<16xf32>
        %mul3A_2985 = arith.mulf %mul3A_2984, %get3A_2983 : vector<16xf32>
        %add3A_2986 = arith.addf %mul3A_2977, %mul3A_2985 : vector<16xf32>
        %get3A_2987 = arith.constant 2 : i32
        %get3A_2988 = arith.index_cast %get3A_2987 : i32 to index
        %get3A_2989 = arith.index_cast %add3A_2961 : i32 to index
        %get3A_2990 = arith.constant 0 : index
        %get3A_2991 = tpu.vector_load %arg10[%get3A_2988, %get3A_2989, %get3A_2990] {strides = array<i32>} : memref<4x128x64xf32, #tpu.memory_space<vmem>>, vector<1x1x16xf32>,
        %get3A_2992 = vector.shape_cast %get3A_2991 : vector<1x1x16xf32> to vector<16xf32>
        %mul3A_2993 = vector.broadcast %squeeze3A_2967 : f32 to vector<16xf32>
        %mul3A_2994 = arith.mulf %mul3A_2993, %get3A_2992 : vector<16xf32>
        %add3A_2995 = arith.addf %add3A_2986, %mul3A_2994 : vector<16xf32>
        %get3A_2996 = arith.constant 3 : i32
        %get3A_2997 = arith.index_cast %get3A_2996 : i32 to index
        %get3A_2998 = arith.index_cast %add3A_2961 : i32 to index
        %get3A_2999 = arith.constant 0 : index
        %get3A_3000 = tpu.vector_load %arg10[%get3A_2997, %get3A_2998, %get3A_2999] {strides = array<i32>} : memref<4x128x64xf32, #tpu.memory_space<vmem>>, vector<1x1x16xf32>,
        %get3A_3001 = vector.shape_cast %get3A_3000 : vector<1x1x16xf32> to vector<16xf32>
        %mul3A_3002 = vector.broadcast %squeeze3A_2969 : f32 to vector<16xf32>
        %mul3A_3003 = arith.mulf %mul3A_3002, %get3A_3001 : vector<16xf32>
        %add3A_3004 = arith.addf %add3A_2995, %mul3A_3003 : vector<16xf32>
        %swap3A_3005 = arith.index_cast %add3A_2961 : i32 to index
        %swap3A_3006 = arith.constant 0 : index
        %swap3A_3007 = tpu.vector_load %arg11[%swap3A_3005, %swap3A_3006] {strides = array<i32>} : memref<128x64xf32, #tpu.memory_space<vmem>>, vector<1x16xf32>,
        %swap3A_3008 = vector.shape_cast %swap3A_3007 : vector<1x16xf32> to vector<16xf32>
        %swap3A_3009 = vector.shape_cast %add3A_3004 : vector<16xf32> to vector<1x16xf32>
        tpu.vector_store %arg11[%swap3A_3005, %swap3A_3006], %swap3A_3009 {add = true, strides = array<i32>} : memref<128x64xf32, #tpu.memory_space<vmem>>, vector<1x16xf32>,
        %get3A_3010 = arith.constant 0 : i32
        %get3A_3011 = arith.index_cast %get3A_3010 : i32 to index
        %get3A_3012 = arith.index_cast %add3A_2961 : i32 to index
        %get3A_3013 = arith.constant 16 : index
        %get3A_3014 = tpu.vector_load %arg10[%get3A_3011, %get3A_3012, %get3A_3013] {strides = array<i32>} : memref<4x128x64xf32, #tpu.memory_space<vmem>>, vector<1x1x16xf32>,
        %get3A_3015 = vector.shape_cast %get3A_3014 : vector<1x1x16xf32> to vector<16xf32>
        %mul3A_3016 = vector.broadcast %squeeze3A_2963 : f32 to vector<16xf32>
        %mul3A_3017 = arith.mulf %mul3A_3016, %get3A_3015 : vector<16xf32>
        %get3A_3018 = arith.constant 1 : i32
        %get3A_3019 = arith.index_cast %get3A_3018 : i32 to index
        %get3A_3020 = arith.index_cast %add3A_2961 : i32 to index
        %get3A_3021 = arith.constant 16 : index
        %get3A_3022 = tpu.vector_load %arg10[%get3A_3019, %get3A_3020, %get3A_3021] {strides = array<i32>} : memref<4x128x64xf32, #tpu.memory_space<vmem>>, vector<1x1x16xf32>,
        %get3A_3023 = vector.shape_cast %get3A_3022 : vector<1x1x16xf32> to vector<16xf32>
        %mul3A_3024 = vector.broadcast %squeeze3A_2965 : f32 to vector<16xf32>
        %mul3A_3025 = arith.mulf %mul3A_3024, %get3A_3023 : vector<16xf32>
        %add3A_3026 = arith.addf %mul3A_3017, %mul3A_3025 : vector<16xf32>
        %get3A_3027 = arith.constant 2 : i32
        %get3A_3028 = arith.index_cast %get3A_3027 : i32 to index
        %get3A_3029 = arith.index_cast %add3A_2961 : i32 to index
        %get3A_3030 = arith.constant 16 : index
        %get3A_3031 = tpu.vector_load %arg10[%get3A_3028, %get3A_3029, %get3A_3030] {strides = array<i32>} : memref<4x128x64xf32, #tpu.memory_space<vmem>>, vector<1x1x16xf32>,
        %get3A_3032 = vector.shape_cast %get3A_3031 : vector<1x1x16xf32> to vector<16xf32>
        %mul3A_3033 = vector.broadcast %squeeze3A_2967 : f32 to vector<16xf32>
        %mul3A_3034 = arith.mulf %mul3A_3033, %get3A_3032 : vector<16xf32>
        %add3A_3035 = arith.addf %add3A_3026, %mul3A_3034 : vector<16xf32>
        %get3A_3036 = arith.constant 3 : i32
        %get3A_3037 = arith.index_cast %get3A_3036 : i32 to index
        %get3A_3038 = arith.index_cast %add3A_2961 : i32 to index
        %get3A_3039 = arith.constant 16 : index
        %get3A_3040 = tpu.vector_load %arg10[%get3A_3037, %get3A_3038, %get3A_3039] {strides = array<i32>} : memref<4x128x64xf32, #tpu.memory_space<vmem>>, vector<1x1x16xf32>,
        %get3A_3041 = vector.shape_cast %get3A_3040 : vector<1x1x16xf32> to vector<16xf32>
        %mul3A_3042 = vector.broadcast %squeeze3A_2969 : f32 to vector<16xf32>
        %mul3A_3043 = arith.mulf %mul3A_3042, %get3A_3041 : vector<16xf32>
        %add3A_3044 = arith.addf %add3A_3035, %mul3A_3043 : vector<16xf32>
        %swap3A_3045 = arith.index_cast %add3A_2961 : i32 to index
        %swap3A_3046 = arith.constant 16 : index
        %swap3A_3047 = tpu.vector_load %arg11[%swap3A_3045, %swap3A_3046] {strides = array<i32>} : memref<128x64xf32, #tpu.memory_space<vmem>>, vector<1x16xf32>,
        %swap3A_3048 = vector.shape_cast %swap3A_3047 : vector<1x16xf32> to vector<16xf32>
        %swap3A_3049 = vector.shape_cast %add3A_3044 : vector<16xf32> to vector<1x16xf32>
        tpu.vector_store %arg11[%swap3A_3045, %swap3A_3046], %swap3A_3049 {add = true, strides = array<i32>} : memref<128x64xf32, #tpu.memory_space<vmem>>, vector<1x16xf32>,
        %get3A_3050 = arith.constant 0 : i32
        %get3A_3051 = arith.index_cast %get3A_3050 : i32 to index
        %get3A_3052 = arith.index_cast %add3A_2961 : i32 to index
        %get3A_3053 = arith.constant 32 : index
        %get3A_3054 = tpu.vector_load %arg10[%get3A_3051, %get3A_3052, %get3A_3053] {strides = array<i32>} : memref<4x128x64xf32, #tpu.memory_space<vmem>>, vector<1x1x16xf32>,
        %get3A_3055 = vector.shape_cast %get3A_3054 : vector<1x1x16xf32> to vector<16xf32>
        %mul3A_3056 = vector.broadcast %squeeze3A_2963 : f32 to vector<16xf32>
        %mul3A_3057 = arith.mulf %mul3A_3056, %get3A_3055 : vector<16xf32>
        %get3A_3058 = arith.constant 1 : i32
        %get3A_3059 = arith.index_cast %get3A_3058 : i32 to index
        %get3A_3060 = arith.index_cast %add3A_2961 : i32 to index
        %get3A_3061 = arith.constant 32 : index
        %get3A_3062 = tpu.vector_load %arg10[%get3A_3059, %get3A_3060, %get3A_3061] {strides = array<i32>} : memref<4x128x64xf32, #tpu.memory_space<vmem>>, vector<1x1x16xf32>,
        %get3A_3063 = vector.shape_cast %get3A_3062 : vector<1x1x16xf32> to vector<16xf32>
        %mul3A_3064 = vector.broadcast %squeeze3A_2965 : f32 to vector<16xf32>
        %mul3A_3065 = arith.mulf %mul3A_3064, %get3A_3063 : vector<16xf32>
        %add3A_3066 = arith.addf %mul3A_3057, %mul3A_3065 : vector<16xf32>
        %get3A_3067 = arith.constant 2 : i32
        %get3A_3068 = arith.index_cast %get3A_3067 : i32 to index
        %get3A_3069 = arith.index_cast %add3A_2961 : i32 to index
        %get3A_3070 = arith.constant 32 : index
        %get3A_3071 = tpu.vector_load %arg10[%get3A_3068, %get3A_3069, %get3A_3070] {strides = array<i32>} : memref<4x128x64xf32, #tpu.memory_space<vmem>>, vector<1x1x16xf32>,
        %get3A_3072 = vector.shape_cast %get3A_3071 : vector<1x1x16xf32> to vector<16xf32>
        %mul3A_3073 = vector.broadcast %squeeze3A_2967 : f32 to vector<16xf32>
        %mul3A_3074 = arith.mulf %mul3A_3073, %get3A_3072 : vector<16xf32>
        %add3A_3075 = arith.addf %add3A_3066, %mul3A_3074 : vector<16xf32>
        %get3A_3076 = arith.constant 3 : i32
        %get3A_3077 = arith.index_cast %get3A_3076 : i32 to index
        %get3A_3078 = arith.index_cast %add3A_2961 : i32 to index
        %get3A_3079 = arith.constant 32 : index
        %get3A_3080 = tpu.vector_load %arg10[%get3A_3077, %get3A_3078, %get3A_3079] {strides = array<i32>} : memref<4x128x64xf32, #tpu.memory_space<vmem>>, vector<1x1x16xf32>,
        %get3A_3081 = vector.shape_cast %get3A_3080 : vector<1x1x16xf32> to vector<16xf32>
        %mul3A_3082 = vector.broadcast %squeeze3A_2969 : f32 to vector<16xf32>
        %mul3A_3083 = arith.mulf %mul3A_3082, %get3A_3081 : vector<16xf32>
        %add3A_3084 = arith.addf %add3A_3075, %mul3A_3083 : vector<16xf32>
        %swap3A_3085 = arith.index_cast %add3A_2961 : i32 to index
        %swap3A_3086 = arith.constant 32 : index
        %swap3A_3087 = tpu.vector_load %arg11[%swap3A_3085, %swap3A_3086] {strides = array<i32>} : memref<128x64xf32, #tpu.memory_space<vmem>>, vector<1x16xf32>,
        %swap3A_3088 = vector.shape_cast %swap3A_3087 : vector<1x16xf32> to vector<16xf32>
        %swap3A_3089 = vector.shape_cast %add3A_3084 : vector<16xf32> to vector<1x16xf32>
        tpu.vector_store %arg11[%swap3A_3085, %swap3A_3086], %swap3A_3089 {add = true, strides = array<i32>} : memref<128x64xf32, #tpu.memory_space<vmem>>, vector<1x16xf32>,
        %get3A_3090 = arith.constant 0 : i32
        %get3A_3091 = arith.index_cast %get3A_3090 : i32 to index
        %get3A_3092 = arith.index_cast %add3A_2961 : i32 to index
        %get3A_3093 = arith.constant 48 : index
        %get3A_3094 = tpu.vector_load %arg10[%get3A_3091, %get3A_3092, %get3A_3093] {strides = array<i32>} : memref<4x128x64xf32, #tpu.memory_space<vmem>>, vector<1x1x16xf32>,
        %get3A_3095 = vector.shape_cast %get3A_3094 : vector<1x1x16xf32> to vector<16xf32>
        %mul3A_3096 = vector.broadcast %squeeze3A_2963 : f32 to vector<16xf32>
        %mul3A_3097 = arith.mulf %mul3A_3096, %get3A_3095 : vector<16xf32>
        %get3A_3098 = arith.constant 1 : i32
        %get3A_3099 = arith.index_cast %get3A_3098 : i32 to index
        %get3A_3100 = arith.index_cast %add3A_2961 : i32 to index
        %get3A_3101 = arith.constant 48 : index
        %get3A_3102 = tpu.vector_load %arg10[%get3A_3099, %get3A_3100, %get3A_3101] {strides = array<i32>} : memref<4x128x64xf32, #tpu.memory_space<vmem>>, vector<1x1x16xf32>,
        %get3A_3103 = vector.shape_cast %get3A_3102 : vector<1x1x16xf32> to vector<16xf32>
        %mul3A_3104 = vector.broadcast %squeeze3A_2965 : f32 to vector<16xf32>
        %mul3A_3105 = arith.mulf %mul3A_3104, %get3A_3103 : vector<16xf32>
        %add3A_3106 = arith.addf %mul3A_3097, %mul3A_3105 : vector<16xf32>
        %get3A_3107 = arith.constant 2 : i32
        %get3A_3108 = arith.index_cast %get3A_3107 : i32 to index
        %get3A_3109 = arith.index_cast %add3A_2961 : i32 to index
        %get3A_3110 = arith.constant 48 : index
        %get3A_3111 = tpu.vector_load %arg10[%get3A_3108, %get3A_3109, %get3A_3110] {strides = array<i32>} : memref<4x128x64xf32, #tpu.memory_space<vmem>>, vector<1x1x16xf32>,
        %get3A_3112 = vector.shape_cast %get3A_3111 : vector<1x1x16xf32> to vector<16xf32>
        %mul3A_3113 = vector.broadcast %squeeze3A_2967 : f32 to vector<16xf32>
        %mul3A_3114 = arith.mulf %mul3A_3113, %get3A_3112 : vector<16xf32>
        %add3A_3115 = arith.addf %add3A_3106, %mul3A_3114 : vector<16xf32>
        %get3A_3116 = arith.constant 3 : i32
        %get3A_3117 = arith.index_cast %get3A_3116 : i32 to index
        %get3A_3118 = arith.index_cast %add3A_2961 : i32 to index
        %get3A_3119 = arith.constant 48 : index
        %get3A_3120 = tpu.vector_load %arg10[%get3A_3117, %get3A_3118, %get3A_3119] {strides = array<i32>} : memref<4x128x64xf32, #tpu.memory_space<vmem>>, vector<1x1x16xf32>,
        %get3A_3121 = vector.shape_cast %get3A_3120 : vector<1x1x16xf32> to vector<16xf32>
        %mul3A_3122 = vector.broadcast %squeeze3A_2969 : f32 to vector<16xf32>
        %mul3A_3123 = arith.mulf %mul3A_3122, %get3A_3121 : vector<16xf32>
        %add3A_3124 = arith.addf %add3A_3115, %mul3A_3123 : vector<16xf32>
        %swap3A_3125 = arith.index_cast %add3A_2961 : i32 to index
        %swap3A_3126 = arith.constant 48 : index
        %swap3A_3127 = tpu.vector_load %arg11[%swap3A_3125, %swap3A_3126] {strides = array<i32>} : memref<128x64xf32, #tpu.memory_space<vmem>>, vector<1x16xf32>,
        %swap3A_3128 = vector.shape_cast %swap3A_3127 : vector<1x16xf32> to vector<16xf32>
        %swap3A_3129 = vector.shape_cast %add3A_3124 : vector<16xf32> to vector<1x16xf32>
        tpu.vector_store %arg11[%swap3A_3125, %swap3A_3126], %swap3A_3129 {add = true, strides = array<i32>} : memref<128x64xf32, #tpu.memory_space<vmem>>, vector<1x16xf32>,
        %add3A_3130 = arith.constant 13 : i32
        %add3A_3131 = arith.addi %mul3A_901, %add3A_3130 : i32
        %slice3A_3132 = vector.extract_strided_slice %get3A_906 {offsets = [13], sizes = [1], strides = [1]} : vector<16xf32> to vector<1xf32>
        %squeeze3A_3133 = vector.extract %slice3A_3132[0] : f32 from vector<1xf32>
        %slice3A_3134 = vector.extract_strided_slice %get3A_911 {offsets = [13], sizes = [1], strides = [1]} : vector<16xf32> to vector<1xf32>
        %squeeze3A_3135 = vector.extract %slice3A_3134[0] : f32 from vector<1xf32>
        %slice3A_3136 = vector.extract_strided_slice %get3A_916 {offsets = [13], sizes = [1], strides = [1]} : vector<16xf32> to vector<1xf32>
        %squeeze3A_3137 = vector.extract %slice3A_3136[0] : f32 from vector<1xf32>
        %slice3A_3138 = vector.extract_strided_slice %get3A_921 {offsets = [13], sizes = [1], strides = [1]} : vector<16xf32> to vector<1xf32>
        %squeeze3A_3139 = vector.extract %slice3A_3138[0] : f32 from vector<1xf32>
        %get3A_3140 = arith.constant 0 : i32
        %get3A_3141 = arith.index_cast %get3A_3140 : i32 to index
        %get3A_3142 = arith.index_cast %add3A_3131 : i32 to index
        %get3A_3143 = arith.constant 0 : index
        %get3A_3144 = tpu.vector_load %arg10[%get3A_3141, %get3A_3142, %get3A_3143] {strides = array<i32>} : memref<4x128x64xf32, #tpu.memory_space<vmem>>, vector<1x1x16xf32>,
        %get3A_3145 = vector.shape_cast %get3A_3144 : vector<1x1x16xf32> to vector<16xf32>
        %mul3A_3146 = vector.broadcast %squeeze3A_3133 : f32 to vector<16xf32>
        %mul3A_3147 = arith.mulf %mul3A_3146, %get3A_3145 : vector<16xf32>
        %get3A_3148 = arith.constant 1 : i32
        %get3A_3149 = arith.index_cast %get3A_3148 : i32 to index
        %get3A_3150 = arith.index_cast %add3A_3131 : i32 to index
        %get3A_3151 = arith.constant 0 : index
        %get3A_3152 = tpu.vector_load %arg10[%get3A_3149, %get3A_3150, %get3A_3151] {strides = array<i32>} : memref<4x128x64xf32, #tpu.memory_space<vmem>>, vector<1x1x16xf32>,
        %get3A_3153 = vector.shape_cast %get3A_3152 : vector<1x1x16xf32> to vector<16xf32>
        %mul3A_3154 = vector.broadcast %squeeze3A_3135 : f32 to vector<16xf32>
        %mul3A_3155 = arith.mulf %mul3A_3154, %get3A_3153 : vector<16xf32>
        %add3A_3156 = arith.addf %mul3A_3147, %mul3A_3155 : vector<16xf32>
        %get3A_3157 = arith.constant 2 : i32
        %get3A_3158 = arith.index_cast %get3A_3157 : i32 to index
        %get3A_3159 = arith.index_cast %add3A_3131 : i32 to index
        %get3A_3160 = arith.constant 0 : index
        %get3A_3161 = tpu.vector_load %arg10[%get3A_3158, %get3A_3159, %get3A_3160] {strides = array<i32>} : memref<4x128x64xf32, #tpu.memory_space<vmem>>, vector<1x1x16xf32>,
        %get3A_3162 = vector.shape_cast %get3A_3161 : vector<1x1x16xf32> to vector<16xf32>
        %mul3A_3163 = vector.broadcast %squeeze3A_3137 : f32 to vector<16xf32>
        %mul3A_3164 = arith.mulf %mul3A_3163, %get3A_3162 : vector<16xf32>
        %add3A_3165 = arith.addf %add3A_3156, %mul3A_3164 : vector<16xf32>
        %get3A_3166 = arith.constant 3 : i32
        %get3A_3167 = arith.index_cast %get3A_3166 : i32 to index
        %get3A_3168 = arith.index_cast %add3A_3131 : i32 to index
        %get3A_3169 = arith.constant 0 : index
        %get3A_3170 = tpu.vector_load %arg10[%get3A_3167, %get3A_3168, %get3A_3169] {strides = array<i32>} : memref<4x128x64xf32, #tpu.memory_space<vmem>>, vector<1x1x16xf32>,
        %get3A_3171 = vector.shape_cast %get3A_3170 : vector<1x1x16xf32> to vector<16xf32>
        %mul3A_3172 = vector.broadcast %squeeze3A_3139 : f32 to vector<16xf32>
        %mul3A_3173 = arith.mulf %mul3A_3172, %get3A_3171 : vector<16xf32>
        %add3A_3174 = arith.addf %add3A_3165, %mul3A_3173 : vector<16xf32>
        %swap3A_3175 = arith.index_cast %add3A_3131 : i32 to index
        %swap3A_3176 = arith.constant 0 : index
        %swap3A_3177 = tpu.vector_load %arg11[%swap3A_3175, %swap3A_3176] {strides = array<i32>} : memref<128x64xf32, #tpu.memory_space<vmem>>, vector<1x16xf32>,
        %swap3A_3178 = vector.shape_cast %swap3A_3177 : vector<1x16xf32> to vector<16xf32>
        %swap3A_3179 = vector.shape_cast %add3A_3174 : vector<16xf32> to vector<1x16xf32>
        tpu.vector_store %arg11[%swap3A_3175, %swap3A_3176], %swap3A_3179 {add = true, strides = array<i32>} : memref<128x64xf32, #tpu.memory_space<vmem>>, vector<1x16xf32>,
        %get3A_3180 = arith.constant 0 : i32
        %get3A_3181 = arith.index_cast %get3A_3180 : i32 to index
        %get3A_3182 = arith.index_cast %add3A_3131 : i32 to index
        %get3A_3183 = arith.constant 16 : index
        %get3A_3184 = tpu.vector_load %arg10[%get3A_3181, %get3A_3182, %get3A_3183] {strides = array<i32>} : memref<4x128x64xf32, #tpu.memory_space<vmem>>, vector<1x1x16xf32>,
        %get3A_3185 = vector.shape_cast %get3A_3184 : vector<1x1x16xf32> to vector<16xf32>
        %mul3A_3186 = vector.broadcast %squeeze3A_3133 : f32 to vector<16xf32>
        %mul3A_3187 = arith.mulf %mul3A_3186, %get3A_3185 : vector<16xf32>
        %get3A_3188 = arith.constant 1 : i32
        %get3A_3189 = arith.index_cast %get3A_3188 : i32 to index
        %get3A_3190 = arith.index_cast %add3A_3131 : i32 to index
        %get3A_3191 = arith.constant 16 : index
        %get3A_3192 = tpu.vector_load %arg10[%get3A_3189, %get3A_3190, %get3A_3191] {strides = array<i32>} : memref<4x128x64xf32, #tpu.memory_space<vmem>>, vector<1x1x16xf32>,
        %get3A_3193 = vector.shape_cast %get3A_3192 : vector<1x1x16xf32> to vector<16xf32>
        %mul3A_3194 = vector.broadcast %squeeze3A_3135 : f32 to vector<16xf32>
        %mul3A_3195 = arith.mulf %mul3A_3194, %get3A_3193 : vector<16xf32>
        %add3A_3196 = arith.addf %mul3A_3187, %mul3A_3195 : vector<16xf32>
        %get3A_3197 = arith.constant 2 : i32
        %get3A_3198 = arith.index_cast %get3A_3197 : i32 to index
        %get3A_3199 = arith.index_cast %add3A_3131 : i32 to index
        %get3A_3200 = arith.constant 16 : index
        %get3A_3201 = tpu.vector_load %arg10[%get3A_3198, %get3A_3199, %get3A_3200] {strides = array<i32>} : memref<4x128x64xf32, #tpu.memory_space<vmem>>, vector<1x1x16xf32>,
        %get3A_3202 = vector.shape_cast %get3A_3201 : vector<1x1x16xf32> to vector<16xf32>
        %mul3A_3203 = vector.broadcast %squeeze3A_3137 : f32 to vector<16xf32>
        %mul3A_3204 = arith.mulf %mul3A_3203, %get3A_3202 : vector<16xf32>
        %add3A_3205 = arith.addf %add3A_3196, %mul3A_3204 : vector<16xf32>
        %get3A_3206 = arith.constant 3 : i32
        %get3A_3207 = arith.index_cast %get3A_3206 : i32 to index
        %get3A_3208 = arith.index_cast %add3A_3131 : i32 to index
        %get3A_3209 = arith.constant 16 : index
        %get3A_3210 = tpu.vector_load %arg10[%get3A_3207, %get3A_3208, %get3A_3209] {strides = array<i32>} : memref<4x128x64xf32, #tpu.memory_space<vmem>>, vector<1x1x16xf32>,
        %get3A_3211 = vector.shape_cast %get3A_3210 : vector<1x1x16xf32> to vector<16xf32>
        %mul3A_3212 = vector.broadcast %squeeze3A_3139 : f32 to vector<16xf32>
        %mul3A_3213 = arith.mulf %mul3A_3212, %get3A_3211 : vector<16xf32>
        %add3A_3214 = arith.addf %add3A_3205, %mul3A_3213 : vector<16xf32>
        %swap3A_3215 = arith.index_cast %add3A_3131 : i32 to index
        %swap3A_3216 = arith.constant 16 : index
        %swap3A_3217 = tpu.vector_load %arg11[%swap3A_3215, %swap3A_3216] {strides = array<i32>} : memref<128x64xf32, #tpu.memory_space<vmem>>, vector<1x16xf32>,
        %swap3A_3218 = vector.shape_cast %swap3A_3217 : vector<1x16xf32> to vector<16xf32>
        %swap3A_3219 = vector.shape_cast %add3A_3214 : vector<16xf32> to vector<1x16xf32>
        tpu.vector_store %arg11[%swap3A_3215, %swap3A_3216], %swap3A_3219 {add = true, strides = array<i32>} : memref<128x64xf32, #tpu.memory_space<vmem>>, vector<1x16xf32>,
        %get3A_3220 = arith.constant 0 : i32
        %get3A_3221 = arith.index_cast %get3A_3220 : i32 to index
        %get3A_3222 = arith.index_cast %add3A_3131 : i32 to index
        %get3A_3223 = arith.constant 32 : index
        %get3A_3224 = tpu.vector_load %arg10[%get3A_3221, %get3A_3222, %get3A_3223] {strides = array<i32>} : memref<4x128x64xf32, #tpu.memory_space<vmem>>, vector<1x1x16xf32>,
        %get3A_3225 = vector.shape_cast %get3A_3224 : vector<1x1x16xf32> to vector<16xf32>
        %mul3A_3226 = vector.broadcast %squeeze3A_3133 : f32 to vector<16xf32>
        %mul3A_3227 = arith.mulf %mul3A_3226, %get3A_3225 : vector<16xf32>
        %get3A_3228 = arith.constant 1 : i32
        %get3A_3229 = arith.index_cast %get3A_3228 : i32 to index
        %get3A_3230 = arith.index_cast %add3A_3131 : i32 to index
        %get3A_3231 = arith.constant 32 : index
        %get3A_3232 = tpu.vector_load %arg10[%get3A_3229, %get3A_3230, %get3A_3231] {strides = array<i32>} : memref<4x128x64xf32, #tpu.memory_space<vmem>>, vector<1x1x16xf32>,
        %get3A_3233 = vector.shape_cast %get3A_3232 : vector<1x1x16xf32> to vector<16xf32>
        %mul3A_3234 = vector.broadcast %squeeze3A_3135 : f32 to vector<16xf32>
        %mul3A_3235 = arith.mulf %mul3A_3234, %get3A_3233 : vector<16xf32>
        %add3A_3236 = arith.addf %mul3A_3227, %mul3A_3235 : vector<16xf32>
        %get3A_3237 = arith.constant 2 : i32
        %get3A_3238 = arith.index_cast %get3A_3237 : i32 to index
        %get3A_3239 = arith.index_cast %add3A_3131 : i32 to index
        %get3A_3240 = arith.constant 32 : index
        %get3A_3241 = tpu.vector_load %arg10[%get3A_3238, %get3A_3239, %get3A_3240] {strides = array<i32>} : memref<4x128x64xf32, #tpu.memory_space<vmem>>, vector<1x1x16xf32>,
        %get3A_3242 = vector.shape_cast %get3A_3241 : vector<1x1x16xf32> to vector<16xf32>
        %mul3A_3243 = vector.broadcast %squeeze3A_3137 : f32 to vector<16xf32>
        %mul3A_3244 = arith.mulf %mul3A_3243, %get3A_3242 : vector<16xf32>
        %add3A_3245 = arith.addf %add3A_3236, %mul3A_3244 : vector<16xf32>
        %get3A_3246 = arith.constant 3 : i32
        %get3A_3247 = arith.index_cast %get3A_3246 : i32 to index
        %get3A_3248 = arith.index_cast %add3A_3131 : i32 to index
        %get3A_3249 = arith.constant 32 : index
        %get3A_3250 = tpu.vector_load %arg10[%get3A_3247, %get3A_3248, %get3A_3249] {strides = array<i32>} : memref<4x128x64xf32, #tpu.memory_space<vmem>>, vector<1x1x16xf32>,
        %get3A_3251 = vector.shape_cast %get3A_3250 : vector<1x1x16xf32> to vector<16xf32>
        %mul3A_3252 = vector.broadcast %squeeze3A_3139 : f32 to vector<16xf32>
        %mul3A_3253 = arith.mulf %mul3A_3252, %get3A_3251 : vector<16xf32>
        %add3A_3254 = arith.addf %add3A_3245, %mul3A_3253 : vector<16xf32>
        %swap3A_3255 = arith.index_cast %add3A_3131 : i32 to index
        %swap3A_3256 = arith.constant 32 : index
        %swap3A_3257 = tpu.vector_load %arg11[%swap3A_3255, %swap3A_3256] {strides = array<i32>} : memref<128x64xf32, #tpu.memory_space<vmem>>, vector<1x16xf32>,
        %swap3A_3258 = vector.shape_cast %swap3A_3257 : vector<1x16xf32> to vector<16xf32>
        %swap3A_3259 = vector.shape_cast %add3A_3254 : vector<16xf32> to vector<1x16xf32>
        tpu.vector_store %arg11[%swap3A_3255, %swap3A_3256], %swap3A_3259 {add = true, strides = array<i32>} : memref<128x64xf32, #tpu.memory_space<vmem>>, vector<1x16xf32>,
        %get3A_3260 = arith.constant 0 : i32
        %get3A_3261 = arith.index_cast %get3A_3260 : i32 to index
        %get3A_3262 = arith.index_cast %add3A_3131 : i32 to index
        %get3A_3263 = arith.constant 48 : index
        %get3A_3264 = tpu.vector_load %arg10[%get3A_3261, %get3A_3262, %get3A_3263] {strides = array<i32>} : memref<4x128x64xf32, #tpu.memory_space<vmem>>, vector<1x1x16xf32>,
        %get3A_3265 = vector.shape_cast %get3A_3264 : vector<1x1x16xf32> to vector<16xf32>
        %mul3A_3266 = vector.broadcast %squeeze3A_3133 : f32 to vector<16xf32>
        %mul3A_3267 = arith.mulf %mul3A_3266, %get3A_3265 : vector<16xf32>
        %get3A_3268 = arith.constant 1 : i32
        %get3A_3269 = arith.index_cast %get3A_3268 : i32 to index
        %get3A_3270 = arith.index_cast %add3A_3131 : i32 to index
        %get3A_3271 = arith.constant 48 : index
        %get3A_3272 = tpu.vector_load %arg10[%get3A_3269, %get3A_3270, %get3A_3271] {strides = array<i32>} : memref<4x128x64xf32, #tpu.memory_space<vmem>>, vector<1x1x16xf32>,
        %get3A_3273 = vector.shape_cast %get3A_3272 : vector<1x1x16xf32> to vector<16xf32>
        %mul3A_3274 = vector.broadcast %squeeze3A_3135 : f32 to vector<16xf32>
        %mul3A_3275 = arith.mulf %mul3A_3274, %get3A_3273 : vector<16xf32>
        %add3A_3276 = arith.addf %mul3A_3267, %mul3A_3275 : vector<16xf32>
        %get3A_3277 = arith.constant 2 : i32
        %get3A_3278 = arith.index_cast %get3A_3277 : i32 to index
        %get3A_3279 = arith.index_cast %add3A_3131 : i32 to index
        %get3A_3280 = arith.constant 48 : index
        %get3A_3281 = tpu.vector_load %arg10[%get3A_3278, %get3A_3279, %get3A_3280] {strides = array<i32>} : memref<4x128x64xf32, #tpu.memory_space<vmem>>, vector<1x1x16xf32>,
        %get3A_3282 = vector.shape_cast %get3A_3281 : vector<1x1x16xf32> to vector<16xf32>
        %mul3A_3283 = vector.broadcast %squeeze3A_3137 : f32 to vector<16xf32>
        %mul3A_3284 = arith.mulf %mul3A_3283, %get3A_3282 : vector<16xf32>
        %add3A_3285 = arith.addf %add3A_3276, %mul3A_3284 : vector<16xf32>
        %get3A_3286 = arith.constant 3 : i32
        %get3A_3287 = arith.index_cast %get3A_3286 : i32 to index
        %get3A_3288 = arith.index_cast %add3A_3131 : i32 to index
        %get3A_3289 = arith.constant 48 : index
        %get3A_3290 = tpu.vector_load %arg10[%get3A_3287, %get3A_3288, %get3A_3289] {strides = array<i32>} : memref<4x128x64xf32, #tpu.memory_space<vmem>>, vector<1x1x16xf32>,
        %get3A_3291 = vector.shape_cast %get3A_3290 : vector<1x1x16xf32> to vector<16xf32>
        %mul3A_3292 = vector.broadcast %squeeze3A_3139 : f32 to vector<16xf32>
        %mul3A_3293 = arith.mulf %mul3A_3292, %get3A_3291 : vector<16xf32>
        %add3A_3294 = arith.addf %add3A_3285, %mul3A_3293 : vector<16xf32>
        %swap3A_3295 = arith.index_cast %add3A_3131 : i32 to index
        %swap3A_3296 = arith.constant 48 : index
        %swap3A_3297 = tpu.vector_load %arg11[%swap3A_3295, %swap3A_3296] {strides = array<i32>} : memref<128x64xf32, #tpu.memory_space<vmem>>, vector<1x16xf32>,
        %swap3A_3298 = vector.shape_cast %swap3A_3297 : vector<1x16xf32> to vector<16xf32>
        %swap3A_3299 = vector.shape_cast %add3A_3294 : vector<16xf32> to vector<1x16xf32>
        tpu.vector_store %arg11[%swap3A_3295, %swap3A_3296], %swap3A_3299 {add = true, strides = array<i32>} : memref<128x64xf32, #tpu.memory_space<vmem>>, vector<1x16xf32>,
        %add3A_3300 = arith.constant 14 : i32
        %add3A_3301 = arith.addi %mul3A_901, %add3A_3300 : i32
        %slice3A_3302 = vector.extract_strided_slice %get3A_906 {offsets = [14], sizes = [1], strides = [1]} : vector<16xf32> to vector<1xf32>
        %squeeze3A_3303 = vector.extract %slice3A_3302[0] : f32 from vector<1xf32>
        %slice3A_3304 = vector.extract_strided_slice %get3A_911 {offsets = [14], sizes = [1], strides = [1]} : vector<16xf32> to vector<1xf32>
        %squeeze3A_3305 = vector.extract %slice3A_3304[0] : f32 from vector<1xf32>
        %slice3A_3306 = vector.extract_strided_slice %get3A_916 {offsets = [14], sizes = [1], strides = [1]} : vector<16xf32> to vector<1xf32>
        %squeeze3A_3307 = vector.extract %slice3A_3306[0] : f32 from vector<1xf32>
        %slice3A_3308 = vector.extract_strided_slice %get3A_921 {offsets = [14], sizes = [1], strides = [1]} : vector<16xf32> to vector<1xf32>
        %squeeze3A_3309 = vector.extract %slice3A_3308[0] : f32 from vector<1xf32>
        %get3A_3310 = arith.constant 0 : i32
        %get3A_3311 = arith.index_cast %get3A_3310 : i32 to index
        %get3A_3312 = arith.index_cast %add3A_3301 : i32 to index
        %get3A_3313 = arith.constant 0 : index
        %get3A_3314 = tpu.vector_load %arg10[%get3A_3311, %get3A_3312, %get3A_3313] {strides = array<i32>} : memref<4x128x64xf32, #tpu.memory_space<vmem>>, vector<1x1x16xf32>,
        %get3A_3315 = vector.shape_cast %get3A_3314 : vector<1x1x16xf32> to vector<16xf32>
        %mul3A_3316 = vector.broadcast %squeeze3A_3303 : f32 to vector<16xf32>
        %mul3A_3317 = arith.mulf %mul3A_3316, %get3A_3315 : vector<16xf32>
        %get3A_3318 = arith.constant 1 : i32
        %get3A_3319 = arith.index_cast %get3A_3318 : i32 to index
        %get3A_3320 = arith.index_cast %add3A_3301 : i32 to index
        %get3A_3321 = arith.constant 0 : index
        %get3A_3322 = tpu.vector_load %arg10[%get3A_3319, %get3A_3320, %get3A_3321] {strides = array<i32>} : memref<4x128x64xf32, #tpu.memory_space<vmem>>, vector<1x1x16xf32>,
        %get3A_3323 = vector.shape_cast %get3A_3322 : vector<1x1x16xf32> to vector<16xf32>
        %mul3A_3324 = vector.broadcast %squeeze3A_3305 : f32 to vector<16xf32>
        %mul3A_3325 = arith.mulf %mul3A_3324, %get3A_3323 : vector<16xf32>
        %add3A_3326 = arith.addf %mul3A_3317, %mul3A_3325 : vector<16xf32>
        %get3A_3327 = arith.constant 2 : i32
        %get3A_3328 = arith.index_cast %get3A_3327 : i32 to index
        %get3A_3329 = arith.index_cast %add3A_3301 : i32 to index
        %get3A_3330 = arith.constant 0 : index
        %get3A_3331 = tpu.vector_load %arg10[%get3A_3328, %get3A_3329, %get3A_3330] {strides = array<i32>} : memref<4x128x64xf32, #tpu.memory_space<vmem>>, vector<1x1x16xf32>,
        %get3A_3332 = vector.shape_cast %get3A_3331 : vector<1x1x16xf32> to vector<16xf32>
        %mul3A_3333 = vector.broadcast %squeeze3A_3307 : f32 to vector<16xf32>
        %mul3A_3334 = arith.mulf %mul3A_3333, %get3A_3332 : vector<16xf32>
        %add3A_3335 = arith.addf %add3A_3326, %mul3A_3334 : vector<16xf32>
        %get3A_3336 = arith.constant 3 : i32
        %get3A_3337 = arith.index_cast %get3A_3336 : i32 to index
        %get3A_3338 = arith.index_cast %add3A_3301 : i32 to index
        %get3A_3339 = arith.constant 0 : index
        %get3A_3340 = tpu.vector_load %arg10[%get3A_3337, %get3A_3338, %get3A_3339] {strides = array<i32>} : memref<4x128x64xf32, #tpu.memory_space<vmem>>, vector<1x1x16xf32>,
        %get3A_3341 = vector.shape_cast %get3A_3340 : vector<1x1x16xf32> to vector<16xf32>
        %mul3A_3342 = vector.broadcast %squeeze3A_3309 : f32 to vector<16xf32>
        %mul3A_3343 = arith.mulf %mul3A_3342, %get3A_3341 : vector<16xf32>
        %add3A_3344 = arith.addf %add3A_3335, %mul3A_3343 : vector<16xf32>
        %swap3A_3345 = arith.index_cast %add3A_3301 : i32 to index
        %swap3A_3346 = arith.constant 0 : index
        %swap3A_3347 = tpu.vector_load %arg11[%swap3A_3345, %swap3A_3346] {strides = array<i32>} : memref<128x64xf32, #tpu.memory_space<vmem>>, vector<1x16xf32>,
        %swap3A_3348 = vector.shape_cast %swap3A_3347 : vector<1x16xf32> to vector<16xf32>
        %swap3A_3349 = vector.shape_cast %add3A_3344 : vector<16xf32> to vector<1x16xf32>
        tpu.vector_store %arg11[%swap3A_3345, %swap3A_3346], %swap3A_3349 {add = true, strides = array<i32>} : memref<128x64xf32, #tpu.memory_space<vmem>>, vector<1x16xf32>,
        %get3A_3350 = arith.constant 0 : i32
        %get3A_3351 = arith.index_cast %get3A_3350 : i32 to index
        %get3A_3352 = arith.index_cast %add3A_3301 : i32 to index
        %get3A_3353 = arith.constant 16 : index
        %get3A_3354 = tpu.vector_load %arg10[%get3A_3351, %get3A_3352, %get3A_3353] {strides = array<i32>} : memref<4x128x64xf32, #tpu.memory_space<vmem>>, vector<1x1x16xf32>,
        %get3A_3355 = vector.shape_cast %get3A_3354 : vector<1x1x16xf32> to vector<16xf32>
        %mul3A_3356 = vector.broadcast %squeeze3A_3303 : f32 to vector<16xf32>
        %mul3A_3357 = arith.mulf %mul3A_3356, %get3A_3355 : vector<16xf32>
        %get3A_3358 = arith.constant 1 : i32
        %get3A_3359 = arith.index_cast %get3A_3358 : i32 to index
        %get3A_3360 = arith.index_cast %add3A_3301 : i32 to index
        %get3A_3361 = arith.constant 16 : index
        %get3A_3362 = tpu.vector_load %arg10[%get3A_3359, %get3A_3360, %get3A_3361] {strides = array<i32>} : memref<4x128x64xf32, #tpu.memory_space<vmem>>, vector<1x1x16xf32>,
        %get3A_3363 = vector.shape_cast %get3A_3362 : vector<1x1x16xf32> to vector<16xf32>
        %mul3A_3364 = vector.broadcast %squeeze3A_3305 : f32 to vector<16xf32>
        %mul3A_3365 = arith.mulf %mul3A_3364, %get3A_3363 : vector<16xf32>
        %add3A_3366 = arith.addf %mul3A_3357, %mul3A_3365 : vector<16xf32>
        %get3A_3367 = arith.constant 2 : i32
        %get3A_3368 = arith.index_cast %get3A_3367 : i32 to index
        %get3A_3369 = arith.index_cast %add3A_3301 : i32 to index
        %get3A_3370 = arith.constant 16 : index
        %get3A_3371 = tpu.vector_load %arg10[%get3A_3368, %get3A_3369, %get3A_3370] {strides = array<i32>} : memref<4x128x64xf32, #tpu.memory_space<vmem>>, vector<1x1x16xf32>,
        %get3A_3372 = vector.shape_cast %get3A_3371 : vector<1x1x16xf32> to vector<16xf32>
        %mul3A_3373 = vector.broadcast %squeeze3A_3307 : f32 to vector<16xf32>
        %mul3A_3374 = arith.mulf %mul3A_3373, %get3A_3372 : vector<16xf32>
        %add3A_3375 = arith.addf %add3A_3366, %mul3A_3374 : vector<16xf32>
        %get3A_3376 = arith.constant 3 : i32
        %get3A_3377 = arith.index_cast %get3A_3376 : i32 to index
        %get3A_3378 = arith.index_cast %add3A_3301 : i32 to index
        %get3A_3379 = arith.constant 16 : index
        %get3A_3380 = tpu.vector_load %arg10[%get3A_3377, %get3A_3378, %get3A_3379] {strides = array<i32>} : memref<4x128x64xf32, #tpu.memory_space<vmem>>, vector<1x1x16xf32>,
        %get3A_3381 = vector.shape_cast %get3A_3380 : vector<1x1x16xf32> to vector<16xf32>
        %mul3A_3382 = vector.broadcast %squeeze3A_3309 : f32 to vector<16xf32>
        %mul3A_3383 = arith.mulf %mul3A_3382, %get3A_3381 : vector<16xf32>
        %add3A_3384 = arith.addf %add3A_3375, %mul3A_3383 : vector<16xf32>
        %swap3A_3385 = arith.index_cast %add3A_3301 : i32 to index
        %swap3A_3386 = arith.constant 16 : index
        %swap3A_3387 = tpu.vector_load %arg11[%swap3A_3385, %swap3A_3386] {strides = array<i32>} : memref<128x64xf32, #tpu.memory_space<vmem>>, vector<1x16xf32>,
        %swap3A_3388 = vector.shape_cast %swap3A_3387 : vector<1x16xf32> to vector<16xf32>
        %swap3A_3389 = vector.shape_cast %add3A_3384 : vector<16xf32> to vector<1x16xf32>
        tpu.vector_store %arg11[%swap3A_3385, %swap3A_3386], %swap3A_3389 {add = true, strides = array<i32>} : memref<128x64xf32, #tpu.memory_space<vmem>>, vector<1x16xf32>,
        %get3A_3390 = arith.constant 0 : i32
        %get3A_3391 = arith.index_cast %get3A_3390 : i32 to index
        %get3A_3392 = arith.index_cast %add3A_3301 : i32 to index
        %get3A_3393 = arith.constant 32 : index
        %get3A_3394 = tpu.vector_load %arg10[%get3A_3391, %get3A_3392, %get3A_3393] {strides = array<i32>} : memref<4x128x64xf32, #tpu.memory_space<vmem>>, vector<1x1x16xf32>,
        %get3A_3395 = vector.shape_cast %get3A_3394 : vector<1x1x16xf32> to vector<16xf32>
        %mul3A_3396 = vector.broadcast %squeeze3A_3303 : f32 to vector<16xf32>
        %mul3A_3397 = arith.mulf %mul3A_3396, %get3A_3395 : vector<16xf32>
        %get3A_3398 = arith.constant 1 : i32
        %get3A_3399 = arith.index_cast %get3A_3398 : i32 to index
        %get3A_3400 = arith.index_cast %add3A_3301 : i32 to index
        %get3A_3401 = arith.constant 32 : index
        %get3A_3402 = tpu.vector_load %arg10[%get3A_3399, %get3A_3400, %get3A_3401] {strides = array<i32>} : memref<4x128x64xf32, #tpu.memory_space<vmem>>, vector<1x1x16xf32>,
        %get3A_3403 = vector.shape_cast %get3A_3402 : vector<1x1x16xf32> to vector<16xf32>
        %mul3A_3404 = vector.broadcast %squeeze3A_3305 : f32 to vector<16xf32>
        %mul3A_3405 = arith.mulf %mul3A_3404, %get3A_3403 : vector<16xf32>
        %add3A_3406 = arith.addf %mul3A_3397, %mul3A_3405 : vector<16xf32>
        %get3A_3407 = arith.constant 2 : i32
        %get3A_3408 = arith.index_cast %get3A_3407 : i32 to index
        %get3A_3409 = arith.index_cast %add3A_3301 : i32 to index
        %get3A_3410 = arith.constant 32 : index
        %get3A_3411 = tpu.vector_load %arg10[%get3A_3408, %get3A_3409, %get3A_3410] {strides = array<i32>} : memref<4x128x64xf32, #tpu.memory_space<vmem>>, vector<1x1x16xf32>,
        %get3A_3412 = vector.shape_cast %get3A_3411 : vector<1x1x16xf32> to vector<16xf32>
        %mul3A_3413 = vector.broadcast %squeeze3A_3307 : f32 to vector<16xf32>
        %mul3A_3414 = arith.mulf %mul3A_3413, %get3A_3412 : vector<16xf32>
        %add3A_3415 = arith.addf %add3A_3406, %mul3A_3414 : vector<16xf32>
        %get3A_3416 = arith.constant 3 : i32
        %get3A_3417 = arith.index_cast %get3A_3416 : i32 to index
        %get3A_3418 = arith.index_cast %add3A_3301 : i32 to index
        %get3A_3419 = arith.constant 32 : index
        %get3A_3420 = tpu.vector_load %arg10[%get3A_3417, %get3A_3418, %get3A_3419] {strides = array<i32>} : memref<4x128x64xf32, #tpu.memory_space<vmem>>, vector<1x1x16xf32>,
        %get3A_3421 = vector.shape_cast %get3A_3420 : vector<1x1x16xf32> to vector<16xf32>
        %mul3A_3422 = vector.broadcast %squeeze3A_3309 : f32 to vector<16xf32>
        %mul3A_3423 = arith.mulf %mul3A_3422, %get3A_3421 : vector<16xf32>
        %add3A_3424 = arith.addf %add3A_3415, %mul3A_3423 : vector<16xf32>
        %swap3A_3425 = arith.index_cast %add3A_3301 : i32 to index
        %swap3A_3426 = arith.constant 32 : index
        %swap3A_3427 = tpu.vector_load %arg11[%swap3A_3425, %swap3A_3426] {strides = array<i32>} : memref<128x64xf32, #tpu.memory_space<vmem>>, vector<1x16xf32>,
        %swap3A_3428 = vector.shape_cast %swap3A_3427 : vector<1x16xf32> to vector<16xf32>
        %swap3A_3429 = vector.shape_cast %add3A_3424 : vector<16xf32> to vector<1x16xf32>
        tpu.vector_store %arg11[%swap3A_3425, %swap3A_3426], %swap3A_3429 {add = true, strides = array<i32>} : memref<128x64xf32, #tpu.memory_space<vmem>>, vector<1x16xf32>,
        %get3A_3430 = arith.constant 0 : i32
        %get3A_3431 = arith.index_cast %get3A_3430 : i32 to index
        %get3A_3432 = arith.index_cast %add3A_3301 : i32 to index
        %get3A_3433 = arith.constant 48 : index
        %get3A_3434 = tpu.vector_load %arg10[%get3A_3431, %get3A_3432, %get3A_3433] {strides = array<i32>} : memref<4x128x64xf32, #tpu.memory_space<vmem>>, vector<1x1x16xf32>,
        %get3A_3435 = vector.shape_cast %get3A_3434 : vector<1x1x16xf32> to vector<16xf32>
        %mul3A_3436 = vector.broadcast %squeeze3A_3303 : f32 to vector<16xf32>
        %mul3A_3437 = arith.mulf %mul3A_3436, %get3A_3435 : vector<16xf32>
        %get3A_3438 = arith.constant 1 : i32
        %get3A_3439 = arith.index_cast %get3A_3438 : i32 to index
        %get3A_3440 = arith.index_cast %add3A_3301 : i32 to index
        %get3A_3441 = arith.constant 48 : index
        %get3A_3442 = tpu.vector_load %arg10[%get3A_3439, %get3A_3440, %get3A_3441] {strides = array<i32>} : memref<4x128x64xf32, #tpu.memory_space<vmem>>, vector<1x1x16xf32>,
        %get3A_3443 = vector.shape_cast %get3A_3442 : vector<1x1x16xf32> to vector<16xf32>
        %mul3A_3444 = vector.broadcast %squeeze3A_3305 : f32 to vector<16xf32>
        %mul3A_3445 = arith.mulf %mul3A_3444, %get3A_3443 : vector<16xf32>
        %add3A_3446 = arith.addf %mul3A_3437, %mul3A_3445 : vector<16xf32>
        %get3A_3447 = arith.constant 2 : i32
        %get3A_3448 = arith.index_cast %get3A_3447 : i32 to index
        %get3A_3449 = arith.index_cast %add3A_3301 : i32 to index
        %get3A_3450 = arith.constant 48 : index
        %get3A_3451 = tpu.vector_load %arg10[%get3A_3448, %get3A_3449, %get3A_3450] {strides = array<i32>} : memref<4x128x64xf32, #tpu.memory_space<vmem>>, vector<1x1x16xf32>,
        %get3A_3452 = vector.shape_cast %get3A_3451 : vector<1x1x16xf32> to vector<16xf32>
        %mul3A_3453 = vector.broadcast %squeeze3A_3307 : f32 to vector<16xf32>
        %mul3A_3454 = arith.mulf %mul3A_3453, %get3A_3452 : vector<16xf32>
        %add3A_3455 = arith.addf %add3A_3446, %mul3A_3454 : vector<16xf32>
        %get3A_3456 = arith.constant 3 : i32
        %get3A_3457 = arith.index_cast %get3A_3456 : i32 to index
        %get3A_3458 = arith.index_cast %add3A_3301 : i32 to index
        %get3A_3459 = arith.constant 48 : index
        %get3A_3460 = tpu.vector_load %arg10[%get3A_3457, %get3A_3458, %get3A_3459] {strides = array<i32>} : memref<4x128x64xf32, #tpu.memory_space<vmem>>, vector<1x1x16xf32>,
        %get3A_3461 = vector.shape_cast %get3A_3460 : vector<1x1x16xf32> to vector<16xf32>
        %mul3A_3462 = vector.broadcast %squeeze3A_3309 : f32 to vector<16xf32>
        %mul3A_3463 = arith.mulf %mul3A_3462, %get3A_3461 : vector<16xf32>
        %add3A_3464 = arith.addf %add3A_3455, %mul3A_3463 : vector<16xf32>
        %swap3A_3465 = arith.index_cast %add3A_3301 : i32 to index
        %swap3A_3466 = arith.constant 48 : index
        %swap3A_3467 = tpu.vector_load %arg11[%swap3A_3465, %swap3A_3466] {strides = array<i32>} : memref<128x64xf32, #tpu.memory_space<vmem>>, vector<1x16xf32>,
        %swap3A_3468 = vector.shape_cast %swap3A_3467 : vector<1x16xf32> to vector<16xf32>
        %swap3A_3469 = vector.shape_cast %add3A_3464 : vector<16xf32> to vector<1x16xf32>
        tpu.vector_store %arg11[%swap3A_3465, %swap3A_3466], %swap3A_3469 {add = true, strides = array<i32>} : memref<128x64xf32, #tpu.memory_space<vmem>>, vector<1x16xf32>,
        %add3A_3470 = arith.constant 15 : i32
        %add3A_3471 = arith.addi %mul3A_901, %add3A_3470 : i32
        %slice3A_3472 = vector.extract_strided_slice %get3A_906 {offsets = [15], sizes = [1], strides = [1]} : vector<16xf32> to vector<1xf32>
        %squeeze3A_3473 = vector.extract %slice3A_3472[0] : f32 from vector<1xf32>
        %slice3A_3474 = vector.extract_strided_slice %get3A_911 {offsets = [15], sizes = [1], strides = [1]} : vector<16xf32> to vector<1xf32>
        %squeeze3A_3475 = vector.extract %slice3A_3474[0] : f32 from vector<1xf32>
        %slice3A_3476 = vector.extract_strided_slice %get3A_916 {offsets = [15], sizes = [1], strides = [1]} : vector<16xf32> to vector<1xf32>
        %squeeze3A_3477 = vector.extract %slice3A_3476[0] : f32 from vector<1xf32>
        %slice3A_3478 = vector.extract_strided_slice %get3A_921 {offsets = [15], sizes = [1], strides = [1]} : vector<16xf32> to vector<1xf32>
        %squeeze3A_3479 = vector.extract %slice3A_3478[0] : f32 from vector<1xf32>
        %get3A_3480 = arith.constant 0 : i32
        %get3A_3481 = arith.index_cast %get3A_3480 : i32 to index
        %get3A_3482 = arith.index_cast %add3A_3471 : i32 to index
        %get3A_3483 = arith.constant 0 : index
        %get3A_3484 = tpu.vector_load %arg10[%get3A_3481, %get3A_3482, %get3A_3483] {strides = array<i32>} : memref<4x128x64xf32, #tpu.memory_space<vmem>>, vector<1x1x16xf32>,
        %get3A_3485 = vector.shape_cast %get3A_3484 : vector<1x1x16xf32> to vector<16xf32>
        %mul3A_3486 = vector.broadcast %squeeze3A_3473 : f32 to vector<16xf32>
        %mul3A_3487 = arith.mulf %mul3A_3486, %get3A_3485 : vector<16xf32>
        %get3A_3488 = arith.constant 1 : i32
        %get3A_3489 = arith.index_cast %get3A_3488 : i32 to index
        %get3A_3490 = arith.index_cast %add3A_3471 : i32 to index
        %get3A_3491 = arith.constant 0 : index
        %get3A_3492 = tpu.vector_load %arg10[%get3A_3489, %get3A_3490, %get3A_3491] {strides = array<i32>} : memref<4x128x64xf32, #tpu.memory_space<vmem>>, vector<1x1x16xf32>,
        %get3A_3493 = vector.shape_cast %get3A_3492 : vector<1x1x16xf32> to vector<16xf32>
        %mul3A_3494 = vector.broadcast %squeeze3A_3475 : f32 to vector<16xf32>
        %mul3A_3495 = arith.mulf %mul3A_3494, %get3A_3493 : vector<16xf32>
        %add3A_3496 = arith.addf %mul3A_3487, %mul3A_3495 : vector<16xf32>
        %get3A_3497 = arith.constant 2 : i32
        %get3A_3498 = arith.index_cast %get3A_3497 : i32 to index
        %get3A_3499 = arith.index_cast %add3A_3471 : i32 to index
        %get3A_3500 = arith.constant 0 : index
        %get3A_3501 = tpu.vector_load %arg10[%get3A_3498, %get3A_3499, %get3A_3500] {strides = array<i32>} : memref<4x128x64xf32, #tpu.memory_space<vmem>>, vector<1x1x16xf32>,
        %get3A_3502 = vector.shape_cast %get3A_3501 : vector<1x1x16xf32> to vector<16xf32>
        %mul3A_3503 = vector.broadcast %squeeze3A_3477 : f32 to vector<16xf32>
        %mul3A_3504 = arith.mulf %mul3A_3503, %get3A_3502 : vector<16xf32>
        %add3A_3505 = arith.addf %add3A_3496, %mul3A_3504 : vector<16xf32>
        %get3A_3506 = arith.constant 3 : i32
        %get3A_3507 = arith.index_cast %get3A_3506 : i32 to index
        %get3A_3508 = arith.index_cast %add3A_3471 : i32 to index
        %get3A_3509 = arith.constant 0 : index
        %get3A_3510 = tpu.vector_load %arg10[%get3A_3507, %get3A_3508, %get3A_3509] {strides = array<i32>} : memref<4x128x64xf32, #tpu.memory_space<vmem>>, vector<1x1x16xf32>,
        %get3A_3511 = vector.shape_cast %get3A_3510 : vector<1x1x16xf32> to vector<16xf32>
        %mul3A_3512 = vector.broadcast %squeeze3A_3479 : f32 to vector<16xf32>
        %mul3A_3513 = arith.mulf %mul3A_3512, %get3A_3511 : vector<16xf32>
        %add3A_3514 = arith.addf %add3A_3505, %mul3A_3513 : vector<16xf32>
        %swap3A_3515 = arith.index_cast %add3A_3471 : i32 to index
        %swap3A_3516 = arith.constant 0 : index
        %swap3A_3517 = tpu.vector_load %arg11[%swap3A_3515, %swap3A_3516] {strides = array<i32>} : memref<128x64xf32, #tpu.memory_space<vmem>>, vector<1x16xf32>,
        %swap3A_3518 = vector.shape_cast %swap3A_3517 : vector<1x16xf32> to vector<16xf32>
        %swap3A_3519 = vector.shape_cast %add3A_3514 : vector<16xf32> to vector<1x16xf32>
        tpu.vector_store %arg11[%swap3A_3515, %swap3A_3516], %swap3A_3519 {add = true, strides = array<i32>} : memref<128x64xf32, #tpu.memory_space<vmem>>, vector<1x16xf32>,
        %get3A_3520 = arith.constant 0 : i32
        %get3A_3521 = arith.index_cast %get3A_3520 : i32 to index
        %get3A_3522 = arith.index_cast %add3A_3471 : i32 to index
        %get3A_3523 = arith.constant 16 : index
        %get3A_3524 = tpu.vector_load %arg10[%get3A_3521, %get3A_3522, %get3A_3523] {strides = array<i32>} : memref<4x128x64xf32, #tpu.memory_space<vmem>>, vector<1x1x16xf32>,
        %get3A_3525 = vector.shape_cast %get3A_3524 : vector<1x1x16xf32> to vector<16xf32>
        %mul3A_3526 = vector.broadcast %squeeze3A_3473 : f32 to vector<16xf32>
        %mul3A_3527 = arith.mulf %mul3A_3526, %get3A_3525 : vector<16xf32>
        %get3A_3528 = arith.constant 1 : i32
        %get3A_3529 = arith.index_cast %get3A_3528 : i32 to index
        %get3A_3530 = arith.index_cast %add3A_3471 : i32 to index
        %get3A_3531 = arith.constant 16 : index
        %get3A_3532 = tpu.vector_load %arg10[%get3A_3529, %get3A_3530, %get3A_3531] {strides = array<i32>} : memref<4x128x64xf32, #tpu.memory_space<vmem>>, vector<1x1x16xf32>,
        %get3A_3533 = vector.shape_cast %get3A_3532 : vector<1x1x16xf32> to vector<16xf32>
        %mul3A_3534 = vector.broadcast %squeeze3A_3475 : f32 to vector<16xf32>
        %mul3A_3535 = arith.mulf %mul3A_3534, %get3A_3533 : vector<16xf32>
        %add3A_3536 = arith.addf %mul3A_3527, %mul3A_3535 : vector<16xf32>
        %get3A_3537 = arith.constant 2 : i32
        %get3A_3538 = arith.index_cast %get3A_3537 : i32 to index
        %get3A_3539 = arith.index_cast %add3A_3471 : i32 to index
        %get3A_3540 = arith.constant 16 : index
        %get3A_3541 = tpu.vector_load %arg10[%get3A_3538, %get3A_3539, %get3A_3540] {strides = array<i32>} : memref<4x128x64xf32, #tpu.memory_space<vmem>>, vector<1x1x16xf32>,
        %get3A_3542 = vector.shape_cast %get3A_3541 : vector<1x1x16xf32> to vector<16xf32>
        %mul3A_3543 = vector.broadcast %squeeze3A_3477 : f32 to vector<16xf32>
        %mul3A_3544 = arith.mulf %mul3A_3543, %get3A_3542 : vector<16xf32>
        %add3A_3545 = arith.addf %add3A_3536, %mul3A_3544 : vector<16xf32>
        %get3A_3546 = arith.constant 3 : i32
        %get3A_3547 = arith.index_cast %get3A_3546 : i32 to index
        %get3A_3548 = arith.index_cast %add3A_3471 : i32 to index
        %get3A_3549 = arith.constant 16 : index
        %get3A_3550 = tpu.vector_load %arg10[%get3A_3547, %get3A_3548, %get3A_3549] {strides = array<i32>} : memref<4x128x64xf32, #tpu.memory_space<vmem>>, vector<1x1x16xf32>,
        %get3A_3551 = vector.shape_cast %get3A_3550 : vector<1x1x16xf32> to vector<16xf32>
        %mul3A_3552 = vector.broadcast %squeeze3A_3479 : f32 to vector<16xf32>
        %mul3A_3553 = arith.mulf %mul3A_3552, %get3A_3551 : vector<16xf32>
        %add3A_3554 = arith.addf %add3A_3545, %mul3A_3553 : vector<16xf32>
        %swap3A_3555 = arith.index_cast %add3A_3471 : i32 to index
        %swap3A_3556 = arith.constant 16 : index
        %swap3A_3557 = tpu.vector_load %arg11[%swap3A_3555, %swap3A_3556] {strides = array<i32>} : memref<128x64xf32, #tpu.memory_space<vmem>>, vector<1x16xf32>,
        %swap3A_3558 = vector.shape_cast %swap3A_3557 : vector<1x16xf32> to vector<16xf32>
        %swap3A_3559 = vector.shape_cast %add3A_3554 : vector<16xf32> to vector<1x16xf32>
        tpu.vector_store %arg11[%swap3A_3555, %swap3A_3556], %swap3A_3559 {add = true, strides = array<i32>} : memref<128x64xf32, #tpu.memory_space<vmem>>, vector<1x16xf32>,
        %get3A_3560 = arith.constant 0 : i32
        %get3A_3561 = arith.index_cast %get3A_3560 : i32 to index
        %get3A_3562 = arith.index_cast %add3A_3471 : i32 to index
        %get3A_3563 = arith.constant 32 : index
        %get3A_3564 = tpu.vector_load %arg10[%get3A_3561, %get3A_3562, %get3A_3563] {strides = array<i32>} : memref<4x128x64xf32, #tpu.memory_space<vmem>>, vector<1x1x16xf32>,
        %get3A_3565 = vector.shape_cast %get3A_3564 : vector<1x1x16xf32> to vector<16xf32>
        %mul3A_3566 = vector.broadcast %squeeze3A_3473 : f32 to vector<16xf32>
        %mul3A_3567 = arith.mulf %mul3A_3566, %get3A_3565 : vector<16xf32>
        %get3A_3568 = arith.constant 1 : i32
        %get3A_3569 = arith.index_cast %get3A_3568 : i32 to index
        %get3A_3570 = arith.index_cast %add3A_3471 : i32 to index
        %get3A_3571 = arith.constant 32 : index
        %get3A_3572 = tpu.vector_load %arg10[%get3A_3569, %get3A_3570, %get3A_3571] {strides = array<i32>} : memref<4x128x64xf32, #tpu.memory_space<vmem>>, vector<1x1x16xf32>,
        %get3A_3573 = vector.shape_cast %get3A_3572 : vector<1x1x16xf32> to vector<16xf32>
        %mul3A_3574 = vector.broadcast %squeeze3A_3475 : f32 to vector<16xf32>
        %mul3A_3575 = arith.mulf %mul3A_3574, %get3A_3573 : vector<16xf32>
        %add3A_3576 = arith.addf %mul3A_3567, %mul3A_3575 : vector<16xf32>
        %get3A_3577 = arith.constant 2 : i32
        %get3A_3578 = arith.index_cast %get3A_3577 : i32 to index
        %get3A_3579 = arith.index_cast %add3A_3471 : i32 to index
        %get3A_3580 = arith.constant 32 : index
        %get3A_3581 = tpu.vector_load %arg10[%get3A_3578, %get3A_3579, %get3A_3580] {strides = array<i32>} : memref<4x128x64xf32, #tpu.memory_space<vmem>>, vector<1x1x16xf32>,
        %get3A_3582 = vector.shape_cast %get3A_3581 : vector<1x1x16xf32> to vector<16xf32>
        %mul3A_3583 = vector.broadcast %squeeze3A_3477 : f32 to vector<16xf32>
        %mul3A_3584 = arith.mulf %mul3A_3583, %get3A_3582 : vector<16xf32>
        %add3A_3585 = arith.addf %add3A_3576, %mul3A_3584 : vector<16xf32>
        %get3A_3586 = arith.constant 3 : i32
        %get3A_3587 = arith.index_cast %get3A_3586 : i32 to index
        %get3A_3588 = arith.index_cast %add3A_3471 : i32 to index
        %get3A_3589 = arith.constant 32 : index
        %get3A_3590 = tpu.vector_load %arg10[%get3A_3587, %get3A_3588, %get3A_3589] {strides = array<i32>} : memref<4x128x64xf32, #tpu.memory_space<vmem>>, vector<1x1x16xf32>,
        %get3A_3591 = vector.shape_cast %get3A_3590 : vector<1x1x16xf32> to vector<16xf32>
        %mul3A_3592 = vector.broadcast %squeeze3A_3479 : f32 to vector<16xf32>
        %mul3A_3593 = arith.mulf %mul3A_3592, %get3A_3591 : vector<16xf32>
        %add3A_3594 = arith.addf %add3A_3585, %mul3A_3593 : vector<16xf32>
        %swap3A_3595 = arith.index_cast %add3A_3471 : i32 to index
        %swap3A_3596 = arith.constant 32 : index
        %swap3A_3597 = tpu.vector_load %arg11[%swap3A_3595, %swap3A_3596] {strides = array<i32>} : memref<128x64xf32, #tpu.memory_space<vmem>>, vector<1x16xf32>,
        %swap3A_3598 = vector.shape_cast %swap3A_3597 : vector<1x16xf32> to vector<16xf32>
        %swap3A_3599 = vector.shape_cast %add3A_3594 : vector<16xf32> to vector<1x16xf32>
        tpu.vector_store %arg11[%swap3A_3595, %swap3A_3596], %swap3A_3599 {add = true, strides = array<i32>} : memref<128x64xf32, #tpu.memory_space<vmem>>, vector<1x16xf32>,
        %get3A_3600 = arith.constant 0 : i32
        %get3A_3601 = arith.index_cast %get3A_3600 : i32 to index
        %get3A_3602 = arith.index_cast %add3A_3471 : i32 to index
        %get3A_3603 = arith.constant 48 : index
        %get3A_3604 = tpu.vector_load %arg10[%get3A_3601, %get3A_3602, %get3A_3603] {strides = array<i32>} : memref<4x128x64xf32, #tpu.memory_space<vmem>>, vector<1x1x16xf32>,
        %get3A_3605 = vector.shape_cast %get3A_3604 : vector<1x1x16xf32> to vector<16xf32>
        %mul3A_3606 = vector.broadcast %squeeze3A_3473 : f32 to vector<16xf32>
        %mul3A_3607 = arith.mulf %mul3A_3606, %get3A_3605 : vector<16xf32>
        %get3A_3608 = arith.constant 1 : i32
        %get3A_3609 = arith.index_cast %get3A_3608 : i32 to index
        %get3A_3610 = arith.index_cast %add3A_3471 : i32 to index
        %get3A_3611 = arith.constant 48 : index
        %get3A_3612 = tpu.vector_load %arg10[%get3A_3609, %get3A_3610, %get3A_3611] {strides = array<i32>} : memref<4x128x64xf32, #tpu.memory_space<vmem>>, vector<1x1x16xf32>,
        %get3A_3613 = vector.shape_cast %get3A_3612 : vector<1x1x16xf32> to vector<16xf32>
        %mul3A_3614 = vector.broadcast %squeeze3A_3475 : f32 to vector<16xf32>
        %mul3A_3615 = arith.mulf %mul3A_3614, %get3A_3613 : vector<16xf32>
        %add3A_3616 = arith.addf %mul3A_3607, %mul3A_3615 : vector<16xf32>
        %get3A_3617 = arith.constant 2 : i32
        %get3A_3618 = arith.index_cast %get3A_3617 : i32 to index
        %get3A_3619 = arith.index_cast %add3A_3471 : i32 to index
        %get3A_3620 = arith.constant 48 : index
        %get3A_3621 = tpu.vector_load %arg10[%get3A_3618, %get3A_3619, %get3A_3620] {strides = array<i32>} : memref<4x128x64xf32, #tpu.memory_space<vmem>>, vector<1x1x16xf32>,
        %get3A_3622 = vector.shape_cast %get3A_3621 : vector<1x1x16xf32> to vector<16xf32>
        %mul3A_3623 = vector.broadcast %squeeze3A_3477 : f32 to vector<16xf32>
        %mul3A_3624 = arith.mulf %mul3A_3623, %get3A_3622 : vector<16xf32>
        %add3A_3625 = arith.addf %add3A_3616, %mul3A_3624 : vector<16xf32>
        %get3A_3626 = arith.constant 3 : i32
        %get3A_3627 = arith.index_cast %get3A_3626 : i32 to index
        %get3A_3628 = arith.index_cast %add3A_3471 : i32 to index
        %get3A_3629 = arith.constant 48 : index
        %get3A_3630 = tpu.vector_load %arg10[%get3A_3627, %get3A_3628, %get3A_3629] {strides = array<i32>} : memref<4x128x64xf32, #tpu.memory_space<vmem>>, vector<1x1x16xf32>,
        %get3A_3631 = vector.shape_cast %get3A_3630 : vector<1x1x16xf32> to vector<16xf32>
        %mul3A_3632 = vector.broadcast %squeeze3A_3479 : f32 to vector<16xf32>
        %mul3A_3633 = arith.mulf %mul3A_3632, %get3A_3631 : vector<16xf32>
        %add3A_3634 = arith.addf %add3A_3625, %mul3A_3633 : vector<16xf32>
        %swap3A_3635 = arith.index_cast %add3A_3471 : i32 to index
        %swap3A_3636 = arith.constant 48 : index
        %swap3A_3637 = tpu.vector_load %arg11[%swap3A_3635, %swap3A_3636] {strides = array<i32>} : memref<128x64xf32, #tpu.memory_space<vmem>>, vector<1x16xf32>,
        %swap3A_3638 = vector.shape_cast %swap3A_3637 : vector<1x16xf32> to vector<16xf32>
        %swap3A_3639 = vector.shape_cast %add3A_3634 : vector<16xf32> to vector<1x16xf32>
        tpu.vector_store %arg11[%swap3A_3635, %swap3A_3636], %swap3A_3639 {add = true, strides = array<i32>} : memref<128x64xf32, #tpu.memory_space<vmem>>, vector<1x16xf32>,
      }
      %scan3A_898 = arith.constant 8 : i32
      "tpu.region"() ({
        %run_scoped3A = tpu.sem_alloc : memref<!tpu.dma_semaphore, #tpu.memory_space<semaphore_mem>>
        %dma_start3A_899 = arith.constant 0 : i32
        %dma_start3A_900 = tpu.memref_slice %arg6[%add3A_11, %dma_start3A_899] : memref<204800x64xf32, #tpu.memory_space<hbm>> -> memref<128x64xf32, #tpu.memory_space<hbm>>
        %dma_start3A_901 = arith.constant 0 : i32
        %dma_start3A_902 = tpu.memref_slice %arg6[%add3A_11, %dma_start3A_901] : memref<204800x64xf32, #tpu.memory_space<hbm>> -> memref<128x64xf32, #tpu.memory_space<hbm>>
        tpu.enqueue_dma source(%arg11 : memref<128x64xf32, #tpu.memory_space<vmem>>) target(%dma_start3A_902 : memref<128x64xf32, #tpu.memory_space<hbm>>) target_semaphore(%run_scoped3A : memref<!tpu.dma_semaphore, #tpu.memory_space<semaphore_mem>>)
        %dma_wait3A_903 = arith.constant 0 : i32
        %dma_wait3A_904 = tpu.memref_slice %arg6[%add3A_11, %dma_wait3A_903] : memref<204800x64xf32, #tpu.memory_space<hbm>> -> memref<128x64xf32, #tpu.memory_space<hbm>>
        %dma_wait3A_905 = arith.constant 0 : i32
        %dma_wait3A_906 = tpu.memref_slice %arg6[%add3A_11, %dma_wait3A_905] : memref<204800x64xf32, #tpu.memory_space<hbm>> -> memref<128x64xf32, #tpu.memory_space<hbm>>
        tpu.wait_dma2 semaphore(%run_scoped3A : memref<!tpu.dma_semaphore, #tpu.memory_space<semaphore_mem>>) src(%arg11 : memref<128x64xf32, #tpu.memory_space<vmem>>) dst(%dma_wait3A_906 : memref<128x64xf32, #tpu.memory_space<hbm>>)
        tpu.yield
      }) : () -> ()
    }
    %scan3A_7 = arith.constant 50 : i32
    return
  }
}

</mosaic_0001>

<sc_bundles>
// kernel: kernel.3.cloned.1.call-start
scs
__scs_entry_jumppad:
0x0: {  	(pc) =	sbr.rel $0x88, $3  }
0x1: {  	(tag) =	ssettag $0x0;
	lr =	simm.s32 $0x1  }
0x2: {  	[smem:$0x3F9D] =	sst lr;
	_ =	strace $0xD0000000  }
0x3: {  	_ = 	snop  }
0x4: {  	_ = 	snop  }
0x5: {  	_ = 	snop  }
0x6: {  	_ = 	snop  }
0x7: {  	_ = 	snop  }
__scs_overlays_trampoline_lowered:
0x8: {  	[smem:$0x3FAC] =	sst s0  }
0x9: {  	[smem:$0x3FAD] =	sst s1  }
0xa: {  	[smem:$0x3FAE] =	sst s2  }
0xb: {  	[smem:$0x3FAF] =	sst s3  }
0xc: {  	[smem:$0x3FB0] =	sst s4  }
0xd: {  	[smem:$0x3FB1] =	sst s5  }
0xe: {  	[smem:$0x3FB2] =	sst s6  }
0xf: {  	[smem:$0x3FB3] =	sst s7  }
0x10: {  	[smem:$0x3FB4] =	sst s8  }
0x11: {  	[smem:$0x3FB5] =	sst s9;
	s0 =	simm.s32 @!p0 $0x0  }
0x12: {  	s1 =	sld [smem:$0x3F9B];
	s0 =	simm.s32 @p0 $0x1  }
0x13: {  	[smem:$0x3FB6] =	sst s0;
	s0 =	simm.s32 @!p1 $0x0  }
0x14: {  	s2 =	sld [smem:$0x3F9A];
	s0 =	simm.s32 @p1 $0x1  }
0x15: {  	[smem:$0x3FB7] =	sst s0;
	s0 =	simm.s32 @!p2 $0x0  }
0x16: {  	s3 =	sld [smem:$0x3FDB];
	s0 =	simm.s32 @p2 $0x1  }
0x17: {  	s4 =	simm.s32 $0x1BF5;
	[smem:$0x3FB9] =	sst s0  }
0x18: {  	s0 =	sld [smem:$0x3F9C];
	_ =	swait.ge [sflag:s4], $0x0  }
0x19: {  	s7 =	sld [smem:$0x3F9D]  }
0x1a: {  	s8 =	sadd.s32 $0xFFFFE003, lr  }
0x1b: {  	s9 =	sadd.s32 $0xFFFFFEF7, lr;
	s5 =	simm.s32 $0xFFFFFFFF;
	p2 =	slt.u32 s8, $0xFFFFF086  }
0x1c: {  	p1 =	slt.u32 s9, $0xF7A;
	s5 =	simm.s32 @!p2 $0x0  }
0x1d: {  	s5 =	simm.s32 @p1 $0x1;
	p0 =	seq.s32 s7, s2  }
0x1e: {  	s7 =	smul.u32 @!p0 $0xF7A, s2;
	p2 =	seq.s32 @!p0 s5, $0x0  }
0x1f: {  	s9 =	smul.u32 $0xF7A, s1;
	s8 =	simm.s32 @!p0 $0x1BF5;
	p2 =	por !p2, p0  }
0x20: {  	[sflag:s8] =	ssyncset.s32 @!p0 $0xFFFFF086;
	s6 =	sadd.s32 @!p0 s3, s7;
	s7 =	simm.s32 @!p0 $0x108  }
0x21: {  	s3 =	sadd.s32 s3, s9;
	s6 =	sadd.s32 @!p0 $0x88, s6;
	s7 =	simm.s32 @p2 $0x1082  }
0x22: {  	[simem:s7], [sflag:s8] =	dma.local @!p0 [hbm:s6], $0xF7A  }
0x23: {  	s9 =	sor.u32 $0xD0000000, s2;
	s6 =	simm.s32 $0x108;
	_ =	swait.ge @!p0 [sflag:s8], $0x0  }
0x24: {  	s3 =	sadd.s32 $0x88, s3;
	s6 =	simm.s32 @!p1 $0x1082;
	[sflag:s4] =	ssyncset.s32 $0xFFFFF086  }
0x25: {  	[simem:s6], [sflag:s4] =	dma.local [hbm:s3], $0xF7A  }
0x26: {  	[smem:$0x3F9D] =	sst s1;
	(tag) =	ssettag s2;
	_ =	strace s9  }
0x27: {  	s1 =	sld [smem:$0x3FAD]  }
0x28: {  	s2 =	sld [smem:$0x3FAE]  }
0x29: {  	s4 =	sld [smem:$0x3FB0]  }
0x2a: {  	p0 =	seq.s32 s5, $0x0;
	s5 =	sld [smem:$0x3FB1]  }
0x2b: {  	s6 =	sld [smem:$0x3FB2]  }
0x2c: {  	s7 =	sld [smem:$0x3FB3]  }
0x2d: {  	s3 =	simm.s32 $0x108;
	s8 =	sld [smem:$0x3FB4]  }
0x2e: {  	s3 =	simm.s32 @!p0 $0x1082;
	s9 =	sld [smem:$0x3FB5]  }
0x2f: {  	lr =	sadd.s32 s0, s3;
	s0 =	sld [smem:$0x3FAC]  }
0x30: {  	s3 =	sld [smem:$0x3FAF]  }
0x31: {  	[smem:$0x3FB8] =	sst s10  }
0x32: {  	s10 =	sld [smem:$0x3FB6];
	_ =	sdelay $0x3  }
0x33: {  	p0 =	seq.s32 s10, $0x1;
	s10 =	sld [smem:$0x3FB8];
	_ =	sdelay $0x3  }
0x34: {  	[smem:$0x3FB8] =	sst s10  }
0x35: {  	s10 =	sld [smem:$0x3FB7];
	_ =	sdelay $0x3  }
0x36: {  	p1 =	seq.s32 s10, $0x1;
	s10 =	sld [smem:$0x3FB8];
	_ =	sdelay $0x3  }
0x37: {  	[smem:$0x3FB8] =	sst s10  }
0x38: {  	s10 =	sld [smem:$0x3FB9]  }
0x39: {  	_ = 	snop;
	(pc) =	sbr.ind lr, $3  }
0x3a: {  	_ = 	snop  }
0x3b: {  	_ = 	snop  }
0x3c: {  	p2 =	seq.s32 s10, $0x1;
	s10 =	sld [smem:$0x3FB8]  }
0x3d: {  	_ =	shalt  }
0x3e: {  	_ =	shalt  }
0x3f: {  	_ =	shalt  }
0x40: {  	_ =	shalt  }
0x41: {  	_ =	shalt  }
0x42: {  	_ =	shalt  }
0x43: {  	_ =	shalt  }
0x44: {  	_ =	shalt  }
0x45: {  	_ =	shalt  }
0x46: {  	_ =	shalt  }
0x47: {  	_ =	shalt  }
0x48: {  	_ =	shalt  }
0x49: {  	_ =	shalt  }
0x4a: {  	_ =	shalt  }
0x4b: {  	_ =	shalt  }
0x4c: {  	_ =	shalt  }
0x4d: {  	_ =	shalt  }
0x4e: {  	_ =	shalt  }
0x4f: {  	_ =	shalt  }
0x50: {  	_ =	shalt  }
0x51: {  	_ =	shalt  }
0x52: {  	_ =	shalt  }
0x53: {  	_ =	shalt  }
0x54: {  	_ =	shalt  }
0x55: {  	_ =	shalt  }
0x56: {  	_ =	shalt  }
0x57: {  	_ =	shalt  }
0x58: {  	_ =	shalt  }
0x59: {  	_ =	shalt  }
0x5a: {  	_ =	shalt  }
0x5b: {  	_ =	shalt  }
0x5c: {  	_ =	shalt  }
0x5d: {  	_ =	shalt  }
0x5e: {  	_ =	shalt  }
0x5f: {  	_ =	shalt  }
0x60: {  	_ =	shalt  }
0x61: {  	_ =	shalt  }
0x62: {  	_ =	shalt  }
0x63: {  	_ =	shalt  }
0x64: {  	_ =	shalt  }
0x65: {  	_ =	shalt  }
0x66: {  	_ =	shalt  }
0x67: {  	_ =	shalt  }
0x68: {  	_ =	shalt  }
0x69: {  	_ =	shalt  }
0x6a: {  	_ =	shalt  }
0x6b: {  	_ =	shalt  }
0x6c: {  	_ =	shalt  }
0x6d: {  	_ =	shalt  }
0x6e: {  	_ =	shalt  }
0x6f: {  	_ =	shalt  }
0x70: {  	_ =	shalt  }
0x71: {  	_ =	shalt  }
0x72: {  	_ =	shalt  }
0x73: {  	_ =	shalt  }
0x74: {  	_ =	shalt  }
0x75: {  	_ =	shalt  }
0x76: {  	_ =	shalt  }
0x77: {  	_ =	shalt  }
0x78: {  	_ =	shalt  }
0x79: {  	_ =	shalt  }
0x7a: {  	_ =	shalt  }
0x7b: {  	_ =	shalt  }
0x7c: {  	_ =	shalt  }
0x7d: {  	_ =	shalt  }
0x7e: {  	_ =	shalt  }
0x7f: {  	_ =	shalt  }
0x80: {  	_ =	shalt  }
0x81: {  	_ =	shalt  }
0x82: {  	_ =	shalt  }
0x83: {  	_ =	shalt  }
0x84: {  	_ =	shalt  }
0x85: {  	_ =	shalt  }
0x86: {  	_ =	shalt  }
0x87: {  	_ =	shalt  }
.Lfunc_end0:
.L_simem_size_0:
called_computation.1_lowered:
.L_overlay_start_0:
0x88: {  	s2 =	sld [smem:$0x3FD9]  }
0x89: {  	s3 =	sld [smem:$0x3FFE];
	_ =	sdelay $0x1  }
0x8a: {  	s1 =	srdreg.scid  }
0x8b: {  	s0 =	sand.u32 $0x1, s1  }
0x8c: {  	s17 =	sshll.u32 s0, $0xA;
	s2 =	sadd.s32 s3, s2  }
0x8d: {  	s2 =	sadd.s32 s2, s17  }
0x8e: {  	[smem:$0x3FC4] =	sst s2  }
0x8f: {  	_ = 	snop  }
0x90: {  	s2 =	sld [smem:$0x3FD0];
	(tm) =	ssettm $0x1  }
0x91: {  	s18 =	sld [smem:$0x3FFB];
	_ =	sdelay $0x3  }
0x92: {  	_ =	strace s18  }
0x93: {  	s3 =	sld [smem:$0x3FFC];
	_ =	sdelay $0x3  }
0x94: {  	_ =	strace s3  }
0x95: {  	s3 =	sld [smem:$0x3FFD];
	_ =	sdelay $0x3  }
0x96: {  	_ =	strace s3  }
0x97: {  	_ =	strace $0x8FFFFFFF  }
0x98: {  	s19 =	sld [smem:$0x3FDB];
	_ =	sdelay $0x1  }
0x99: {  	s4 =	simm.s32 $_scs_section_size  }
0x9a: {  	s5 =	simm.s32 $_size__tile_overlayer_lowered;
	s6 =	simm.s32 $_tile_overlayer_lowered  }
0x9b: {  	s22 =	simm.s32 $0x1BFF;
	s21 =	sshll.u32 s6, $0x1;
	s3 =	sadd.s32 s4, s19  }
0x9c: {  	s7 =	simm.s32 $0x0;
	s20 =	sshll.u32 s5, $0x1;
	s5 =	sadd.s32 s21, s3  }
0x9d: {  	[timem:s7], [sflag:s22] =	dma.local [hbm:s5], s20  }
0x9e: {  	_ =	swait.ge [sflag:s22], s20  }
0x9f: {  	s4 =	ssub.s32 $0x0, s20;
	[sflag:s22] =	ssyncset.done $0x0  }
0xa0: {  	[sflag:s22] =	ssyncadd.s32 s4;
	_ =	sdelay $0x1  }
0xa1: {  	s23 =	simm.s32 $0x1B8B  }
0xa2: {  	_ =	swait.ge [sflag:s23], $0x1  }
0xa3: {  	[sflag:s23] =	ssyncset.done $0x0  }
0xa4: {  	s25 =	simm.s32 $0x1B8E;
	s24 =	sld [smem:$0x3FFE];
	[sflag:s23] =	ssyncadd.s32 $0xFFFFFFFF  }
0xa5: {  	s26 =	simm.s32 $execute0_lowered;
	[smem:$0x3FD2] =	sst s25  }
0xa6: {  	s5 =	sshll.u32 s26, $0x1;
	_ =	strace $0x80000046;
	[dreg:$0x1] =	wrdreg $0xFFFFFFFF  }
0xa7: {  	s28 =	simm.s32 $_size_execute0_lowered;
	s3 =	sadd.s32 s3, s5;
	[dreg:$0x0] =	wrdreg $0x0  }
0xa8: {  	s5 =	sshll.u32 s28, $0x1;
	[dreg:$0x2] =	wrdreg s3  }
0xa9: {  	[dreg:$0x3] =	wrdreg s5  }
0xaa: {  	[dreg:$0x4] =	wrdreg $0xC0  }
0xab: {  	_ =	task [dreg:s7], $0x5FFFF  }
0xac: {  	[dreg:$0x1] =	wrdreg $0xFFFFFFFF  }
0xad: {  	[dreg:$0x0] =	wrdreg $0x60  }
0xae: {  	[dreg:$0x2] =	wrdreg s24  }
0xaf: {  	[dreg:$0x3] =	wrdreg s2  }
0xb0: {  	[dreg:$0x4] =	wrdreg $0x9  }
0xb1: {  	_ =	task.clear_ibuf [dreg:s7], $0x5FFFF;
	_ =	strace $0x90000046  }
0xb2: {  	s29 =	simm.s32 $0x9;
	_ =	strace $0x80000048  }
0xb3: {  	_ =	swait.ge [sflag:s29], $0x1  }
0xb4: {  	[sflag:s29] =	ssyncadd.s32 $0xFFFFFFFF  }
0xb5: {  	_ =	strace $0x90000048  }
0xb6: {  	_ =	sfence  }
0xb7: {  	s30 =	sld [smem:$0x0];
	_ =	sdelay $0x2  }
0xb8: {  	s31 =	sshll.u32 s1, $0xD;
	s1 =	sshrl.u32 s1, $0x2  }
0xb9: {  	s3 =	sand.u32 $0x4000, s31;
	s1 =	sadd.s32 s1, s30  }
0xba: {  	s0 =	sor.u32 s3, s0;
	s1 =	sshll.u32 s1, $0x11  }
0xbb: {  	s0 =	sor.u32 s1, s0  }
0xbc: {  	s0 =	sadd.s32 $0x8F2B, s0  }
0xbd: {  	[sflag:s0] =	ssyncadd.remote.s32 $0x1  }
0xbe: {  	_ =	sfence.sel $0xFFFF  }
0xbf: {  	[dreg:$0x0] =	wrdreg $0xFFFFFFFF;
	(pc) =	sbr.abs _section_cstart, $3  }
0xc0: {  	[dreg:$0x1] =	wrdreg $0xFFFFFFFF  }
0xc1: {  	_ =	task.clear_ibuf [dreg:s7], $0x2FFFF;
	_ =	strace $0x9FFFFFFF  }
0xc2: {  	(tm) =	ssettm $0x7FFFFFFF  }
0xc3: {  	_ =	shalt  }
tec
execute0_lowered:
.L_overlay_start_1:
0x0: {  	(tag) =	ssettag $0x1  }
0x1: {  	s7 =	rddreg [dreg:$0x0]  }
0x2: {  	s1 =	rddreg [dreg:$0x1]  }
0x3: {  	s0 =	rddreg [dreg:$0x2]  }
0x4: {  	s2 =	simm.s32 $0x0;
	s3 =	srdreg.scid;
	s12 =	simm.s32 $0x180  }
0x5: {  	s13 =	simm.s32 $0x200;
	s14 =	simm.s32 $0x1;
	s15 =	simm.s32 $0x8480  }
0x6: {  	s16 =	simm.s32 $0x480;
	s17 =	simm.s32 $0x2480;
	s18 =	simm.s32 $0x4480  }
0x7: {  	s19 =	simm.s32 $0x6480;
	s20 =	simm.s32 $0x2;
	s21 =	simm.s32 $0x3  }
0x8: {  	s22 =	simm.s32 $0x0;
	[smem:$0x7FF] =	sst s2;
	s4 =	sadd.s32 $0x19E00, s7  }
0x9: {  	s8 =	sand.u32 $0x1, s3;
	s5 =	sadd.s32 $0xE00, s7;
	s3 =	stileid.u32  }
0xa: {  	s6 =	sadd.s32 $0x20200, s7;
	s7 =	sadd.s32 $0xF43200, s7;
	s9 =	ssub.s32 $0x2, s8  }
0xb: {  	_ =	strace $0x80000047;
	s11 =	sshll.u32 s3, $0x1;
	s10 =	sshrl.u32 s9, $0x1  }
0xc: {  	s8 =	sor.u32 s8, s11;
	s11 =	simm.s32 $0x100;
	s9 =	ssub.s32 s9, s10  }
0xd: {  	v0 =	vimm.f32 $1.000000000e+00;
	s8 =	smul.u32 $0x1900, s8;
	s10 =	simm.s32 $0x80;
	s9 =	smax.u32 s9, $0x1  }
.LBB2_1:
0xe: {  	s23 =	simm.s32 $0x0  }
.LBB2_2:
0xf: {  	s24 =	sshll.u32 s23, $0x7  }
0x10: {  	s24 =	sadd.s32 s8, s24  }
0x11: {  	s26 =	sshrl.u32 s24, $0x3  }
0x12: {  	s25 =	simm.s32 $0x0;
	s28 =	sadd.s32 s4, s26  }
0x13: {  	[tilespmem:s25], [sflag:$0x1] =	stream.linear.gather [hbm4b:s28+s25], $0x80, $0x38;
	[tilespmem:$0xA480] =	vst v63  }
0x14: {  	s26 =	sadd.s32 s5, s26  }
0x15: {  	[tilespmem:s10], [sflag:$0x1] =	stream.linear.gather [hbm4b:s26+s25], $0x80, $0x38;
	[tilespmem:$0xA480] =	vst v63  }
0x16: {  	s30 =	sadd.s32 $0x6400, s26  }
0x17: {  	[tilespmem:s11], [sflag:$0x1] =	stream.linear.gather [hbm4b:s30+s25], $0x80, $0x38;
	[tilespmem:$0xA480] =	vst v63  }
0x18: {  	s31 =	sadd.s32 $0xC800, s26  }
0x19: {  	[tilespmem:s12], [sflag:$0x1] =	stream.linear.gather [hbm4b:s31+s25], $0x80, $0x38;
	[tilespmem:$0xA480] =	vst v63  }
0x1a: {  	s26 =	sadd.s32 $0x12C00, s26  }
0x1b: {  	[tilespmem:s13], [sflag:$0x1] =	stream.linear.gather [hbm4b:s26+s25], $0x80, $0x38;
	[tilespmem:$0xA480] =	vst v63  }
0x1c: {  	_ =	swait.ge [sflag:s14], $0x80  }
0x1d: {  	[sflag:s14] =	ssyncset.done $0x0  }
0x1e: {  	[sflag:s14] =	ssyncadd.s32 $0xFFFFFF80  }
0x1f: {  	_ =	swait.ge [sflag:s14], $0x80  }
0x20: {  	[sflag:s14] =	ssyncset.done $0x0  }
0x21: {  	[sflag:s14] =	ssyncadd.s32 $0xFFFFFF80  }
0x22: {  	_ =	swait.ge [sflag:s14], $0x80  }
0x23: {  	[sflag:s14] =	ssyncset.done $0x0  }
0x24: {  	[sflag:s14] =	ssyncadd.s32 $0xFFFFFF80  }
0x25: {  	_ =	swait.ge [sflag:s14], $0x80  }
0x26: {  	[sflag:s14] =	ssyncset.done $0x0  }
0x27: {  	[sflag:s14] =	ssyncadd.s32 $0xFFFFFF80  }
0x28: {  	_ =	swait.ge [sflag:s14], $0x80  }
0x29: {  	[sflag:s14] =	ssyncset.done $0x0  }
0x2a: {  	[sflag:s14] =	ssyncadd.s32 $0xFFFFFF80  }
0x2b: {  	[tilespmem:s15], [sflag:$0x2] =	stream.indirect.gather [hbm4b:s6+s10], $0x40, s25, s10, $0xb8;
	[tilespmem:$0xA480] =	vst v63  }
0x2c: {  	_ = 	snop  }
0x2d: {  	[tilespmem:s16], [sflag:$0x2] =	stream.indirect.gather [hbm4b:s7+s10], $0x40, s10, s10, $0xb8;
	[tilespmem:$0xA480] =	vst v63  }
0x2e: {  	_ = 	snop  }
0x2f: {  	[tilespmem:s17], [sflag:$0x2] =	stream.indirect.gather [hbm4b:s7+s10], $0x40, s11, s10, $0xb8;
	[tilespmem:$0xA480] =	vst v63  }
0x30: {  	_ = 	snop  }
0x31: {  	[tilespmem:s18], [sflag:$0x2] =	stream.indirect.gather [hbm4b:s7+s10], $0x40, s12, s10, $0xb8;
	[tilespmem:$0xA480] =	vst v63  }
0x32: {  	_ = 	snop  }
0x33: {  	[tilespmem:s19], [sflag:$0x2] =	stream.indirect.gather [hbm4b:s7+s10], $0x40, s13, s10, $0xb8;
	[tilespmem:$0xA480] =	vst v63  }
0x34: {  	v1 =	vld [tilespmem:$0x80]  }
0x35: {  	v2 =	vld [tilespmem:$0x100];
	_ =	sdelay $0x1  }
0x36: {  	v3 =	vld [tilespmem:$0x180]  }
0x37: {  	v4 =	vld [tilespmem:$0x200]  }
0x38: {  	v6 =	vld [tilespmem:$0x110]  }
0x39: {  	v8 =	vld [tilespmem:$0x190];
	vm0 =	veq.s32 v1, $0x0;
	vm1 =	veq.s32 v2, $0x0  }
0x3a: {  	v1 =	vld [tilespmem:$0x90];
	v2 =	vsel vm0, $0x0, v0;
	v5 =	vsel vm1, $0x0, v0  }
0x3b: {  	v9 =	vld [tilespmem:$0x210];
	vm10 =	veq.s32 v3, $0x0;
	v3 =	vadd.f32 v5, v2  }
0x3c: {  	v50 =	vld [tilespmem:$0xA0];
	v7 =	vsel vm10, $0x0, v0  }
0x3d: {  	v11 =	vld [tilespmem:$0x120];
	vm11 =	veq.s32 v4, $0x0;
	v3 =	vadd.f32 v7, v3  }
0x3e: {  	v12 =	vld [tilespmem:$0x1A0];
	v4 =	vsel vm11, $0x0, v0  }
0x3f: {  	v13 =	vld [tilespmem:$0xB0];
	vm13 =	veq.s32 v6, $0x0;
	vm12 =	veq.s32 v1, $0x0;
	v3 =	vadd.f32 v4, v3  }
0x40: {  	v14 =	vld [tilespmem:$0x130];
	v6 =	vsel vm13, $0x0, v0;
	v1 =	vsel vm12, $0x0, v0  }
0x41: {  	v51 =	vld [tilespmem:$0x1B0];
	vm14 =	veq.s32 v8, $0x0;
	v48 =	vadd.f32 v6, v1;
	v3 =	vadd.f32 $1.000000010e-10, v3  }
0x42: {  	v54 =	vld [tilespmem:$0x230];
	v10 =	vsel vm14, $0x0, v0  }
0x43: {  	v20 =	vld [tilespmem:$0x140];
	vm15 =	veq.s32 v9, $0x0;
	(erf) = vrcp.f32 v3;
	v3 =	vadd.f32 v10, v48  }
0x44: {  	v22 =	vld [tilespmem:$0x1C0];
	v49 =	vsel vm15, $0x0, v0  }
0x45: {  	v57 =	vld [tilespmem:$0xD0];
	v3 =	vadd.f32 v49, v3  }
0x46: {  	v24 =	vld [tilespmem:$0x150]  }
0x47: {  	v59 =	vld [tilespmem:$0x240];
	v3 =	vadd.f32 $1.000000010e-10, v3  }
0x48: {  	v60 =	vld [tilespmem:$0x1D0];
	vm4 =	veq.s32 v50, $0x0;
	vm5 =	veq.s32 v11, $0x0;
	vm6 =	veq.s32 v12, $0x0  }
0x49: {  	vm7 =	veq.s32 v13, $0x0;
	vm8 =	veq.s32 v14, $0x0;
	(erf) = vrcp.f32 v3;
	v3 =	vld [tilespmem:$0x220]  }
0x4a: {  	v61 =	vld [tilespmem:$0x250];
	v52 =	vsel vm4, $0x0, v0;
	v15 =	vsel vm5, $0x0, v0;
	v16 =	vsel vm6, $0x0, v0  }
0x4b: {  	v62 =	vld [tilespmem:$0xE0];
	v18 =	vsel vm7, $0x0, v0;
	v14 =	vsel vm8, $0x0, v0;
	vm10 =	veq.s32 v51, $0x0  }
0x4c: {  	vm11 =	veq.s32 v54, $0x0;
	vm13 =	veq.s32 v20, $0x0;
	v17 =	vadd.f32 v15, v52  }
0x4d: {  	vm14 =	veq.s32 v22, $0x0;
	vm15 =	veq.s32 v57, $0x0;
	vm4 =	veq.s32 v24, $0x0  }
0x4e: {  	v55 =	vld [tilespmem:$0xC0];
	vm5 =	veq.s32 v59, $0x0;
	vm9 =	veq.s32 v3, $0x0;
	v3 =	vadd.f32 v16, v17  }
0x4f: {  	vm6 =	veq.s32 v60, $0x0;
	vm7 =	veq.s32 v61, $0x0;
	v19 =	vsel vm9, $0x0, v0  }
0x50: {  	vm8 =	veq.s32 v62, $0x0;
	v56 =	vadd.f32 v14, v18;
	v3 =	vadd.f32 v19, v3  }
0x51: {  	v29 =	vld [tilespmem:$0x1E0];
	v21 =	vsel vm10, $0x0, v0;
	v23 =	vsel vm11, $0x0, v0;
	v25 =	vsel vm13, $0x0, v0  }
0x52: {  	v35 =	vld [tilespmem:$0x260];
	v26 =	vsel vm14, $0x0, v0;
	v63 =	vsel vm15, $0x0, v0;
	v3 =	vadd.f32 $1.000000010e-10, v3  }
0x53: {  	v41 =	vld [tilespmem:$0x170];
	v24 =	vsel vm4, $0x0, v0;
	v9 =	vadd.f32 v21, v56;
	vm12 =	veq.s32 v55, $0x0;
	v53 =	vpop (erf)  }
0x54: {  	v28 =	vsel vm5, $0x0, v0;
	v58 =	vpop (erf);
	(erf) = vrcp.f32 v3;
	v3 =	vsel vm12, $0x0, v0  }
0x55: {  	v30 =	vsel vm6, $0x0, v0;
	v9 =	vadd.f32 v23, v9;
	v27 =	vadd.f32 v25, v3  }
0x56: {  	v33 =	vld [tilespmem:$0x160];
	v31 =	vsel vm7, $0x0, v0;
	v40 =	vsel vm8, $0x0, v0;
	vm10 =	veq.s32 v29, $0x0  }
0x57: {  	vm11 =	veq.s32 v35, $0x0;
	v9 =	vadd.f32 $1.000000010e-10, v9;
	v32 =	vadd.f32 v26, v27  }
0x58: {  	vm13 =	veq.s32 v41, $0x0;
	v34 =	vadd.f32 v24, v63;
	v2 =	vmul.f32 v53, v2  }
0x59: {  	v5 =	vmul.f32 v53, v5;
	(erf) = vrcp.f32 v9;
	v17 =	vadd.f32 v28, v32  }
0x5a: {  	v36 =	vld [tilespmem:$0xF0];
	v44 =	vsel vm10, $0x0, v0;
	v20 =	vadd.f32 v30, v34;
	v7 =	vmul.f32 v53, v7;
	[tilespmem:$0x280] =	vst v2  }
0x5b: {  	[tilespmem:$0x300] =	vst v5;
	vm9 =	veq.s32 v33, $0x0;
	v2 =	vmul.f32 v58, v6;
	v38 =	vadd.f32 $1.000000010e-10, v17  }
0x5c: {  	v39 =	vadd.f32 v31, v20;
	v4 =	vmul.f32 v53, v4;
	[tilespmem:$0x380] =	vst v7;
	v42 =	vsel vm9, $0x0, v0  }
0x5d: {  	v45 =	vld [tilespmem:$0x1F0];
	v46 =	vadd.f32 v42, v40;
	[tilespmem:$0x310] =	vst v2;
	v2 =	vmul.f32 v58, v49;
	(erf) = vrcp.f32 v38  }
0x5e: {  	v43 =	vadd.f32 $1.000000010e-10, v39;
	v53 =	vsel vm13, $0x0, v0;
	[tilespmem:$0x400] =	vst v4;
	v1 =	vmul.f32 v58, v1;
	v48 =	vpop (erf)  }
0x5f: {  	v47 =	vld [tilespmem:$0x270];
	v51 =	vadd.f32 v44, v46;
	vm12 =	veq.s32 v36, $0x0;
	[tilespmem:$0x410] =	vst v2;
	v2 =	vmul.f32 v48, v15  }
0x60: {  	v37 =	vmul.f32 v58, v10;
	[tilespmem:$0x290] =	vst v1;
	v1 =	vsel vm11, $0x0, v0;
	v49 =	vsel vm12, $0x0, v0  }
0x61: {  	v54 =	vadd.f32 v1, v51;
	(erf) = vrcp.f32 v43;
	[tilespmem:$0x320] =	vst v2;
	v2 =	vmul.f32 v48, v19  }
0x62: {  	vm14 =	veq.s32 v45, $0x0;
	[tilespmem:$0x390] =	vst v37;
	v55 =	vadd.f32 v53, v49;
	v50 =	vmul.f32 v48, v52;
	v57 =	vpop (erf)  }
0x63: {  	v56 =	vsel vm14, $0x0, v0;
	v6 =	vadd.f32 $1.000000010e-10, v54;
	[tilespmem:$0x420] =	vst v2;
	v2 =	vmul.f32 v57, v14  }
0x64: {  	vm15 =	veq.s32 v47, $0x0;
	v10 =	vadd.f32 v56, v55;
	v52 =	vmul.f32 v48, v16;
	[tilespmem:$0x2A0] =	vst v50  }
0x65: {  	v13 =	vsel vm15, $0x0, v0;
	(erf) = vrcp.f32 v6;
	[tilespmem:$0x330] =	vst v2;
	v2 =	vmul.f32 v57, v23  }
0x66: {  	v10 =	vadd.f32 v13, v10;
	v58 =	vmul.f32 v57, v18;
	[tilespmem:$0x3A0] =	vst v52;
	v60 =	vpop (erf)  }
0x67: {  	[tilespmem:$0x430] =	vst v2;
	v2 =	vmul.f32 v60, v25  }
0x68: {  	v61 =	vadd.f32 $1.000000010e-10, v10;
	[tilespmem:$0x2B0] =	vst v58;
	v3 =	vmul.f32 v60, v3  }
0x69: {  	[tilespmem:$0x340] =	vst v2;
	v2 =	vmul.f32 v60, v28  }
0x6a: {  	(erf) = vrcp.f32 v61;
	v62 =	vpop (erf);
	[tilespmem:$0x2C0] =	vst v3;
	v3 =	vmul.f32 v60, v26  }
0x6b: {  	[tilespmem:$0x440] =	vst v2;
	v2 =	vmul.f32 v62, v24  }
0x6c: {  	[tilespmem:$0x3C0] =	vst v3;
	v3 =	vmul.f32 v62, v63  }
0x6d: {  	[tilespmem:$0x350] =	vst v2;
	v2 =	vmul.f32 v62, v31  }
0x6e: {  	v63 =	vpop (erf);
	[tilespmem:$0x2D0] =	vst v3;
	v3 =	vmul.f32 v62, v30  }
0x6f: {  	v59 =	vmul.f32 v57, v21;
	[tilespmem:$0x450] =	vst v2;
	v2 =	vmul.f32 v63, v42  }
0x70: {  	[tilespmem:$0x3D0] =	vst v3;
	v3 =	vmul.f32 v63, v40  }
0x71: {  	[tilespmem:$0x3B0] =	vst v59  }
0x72: {  	[tilespmem:$0x2E0] =	vst v3;
	v3 =	vmul.f32 v63, v44  }
0x73: {  	v1 =	vmul.f32 v63, v1;
	[tilespmem:$0x360] =	vst v2;
	v2 =	vpop (erf)  }
0x74: {  	[tilespmem:$0x3E0] =	vst v3;
	v3 =	vmul.f32 v2, v49  }
0x75: {  	[tilespmem:$0x460] =	vst v1;
	v1 =	vmul.f32 v2, v53  }
0x76: {  	[tilespmem:$0x2F0] =	vst v3;
	v3 =	vmul.f32 v2, v56  }
0x77: {  	[tilespmem:$0x370] =	vst v1;
	v1 =	vmul.f32 v2, v13  }
0x78: {  	[tilespmem:$0x3F0] =	vst v3  }
0x79: {  	[tilespmem:$0x470] =	vst v1  }
0x7a: {  	_ =	swait.ge [sflag:s20], $0x2000  }
0x7b: {  	[sflag:s20] =	ssyncset.done $0x0  }
0x7c: {  	[sflag:s20] =	ssyncadd.s32 $0xFFFFE000  }
0x7d: {  	_ =	swait.ge [sflag:s20], $0x2000  }
0x7e: {  	[sflag:s20] =	ssyncset.done $0x0  }
0x7f: {  	[sflag:s20] =	ssyncadd.s32 $0xFFFFE000  }
0x80: {  	_ =	swait.ge [sflag:s20], $0x2000  }
0x81: {  	[sflag:s20] =	ssyncset.done $0x0  }
0x82: {  	[sflag:s20] =	ssyncadd.s32 $0xFFFFE000  }
0x83: {  	_ =	swait.ge [sflag:s20], $0x2000  }
0x84: {  	[sflag:s20] =	ssyncset.done $0x0  }
0x85: {  	[sflag:s20] =	ssyncadd.s32 $0xFFFFE000  }
0x86: {  	_ =	swait.ge [sflag:s20], $0x2000  }
0x87: {  	[sflag:s20] =	ssyncset.done $0x0  }
0x88: {  	[sflag:s20] =	ssyncadd.s32 $0xFFFFE000  }
.LBB2_3:
0x89: {  	s31 =	sshll.u32 s25, $0xA  }
0x8a: {  	v5 =	vld [tilespmem:s31+$0x480]  }
0x8b: {  	v6 =	vld [tilespmem:s31+$0x2480]  }
0x8c: {  	v8 =	vld [tilespmem:s31+$0x4480]  }
0x8d: {  	v10 =	vld [tilespmem:s31+$0x6480]  }
0x8e: {  	v52 =	vld [tilespmem:s31+$0x490]  }
0x8f: {  	v53 =	vld [tilespmem:s31+$0x2490]  }
0x90: {  	v54 =	vld [tilespmem:s31+$0x4490]  }
0x91: {  	v12 =	vld [tilespmem:s31+$0x6490]  }
0x92: {  	v13 =	vld [tilespmem:s31+$0x4A0]  }
0x93: {  	v14 =	vld [tilespmem:s31+$0x24A0]  }
0x94: {  	v15 =	vld [tilespmem:s31+$0x44A0]  }
0x95: {  	v16 =	vld [tilespmem:s31+$0x64A0]  }
0x96: {  	v17 =	vld [tilespmem:s31+$0x4B0]  }
0x97: {  	v18 =	vld [tilespmem:s31+$0x24B0]  }
0x98: {  	v19 =	vld [tilespmem:s31+$0x44B0]  }
0x99: {  	v20 =	vld [tilespmem:s31+$0x64B0]  }
0x9a: {  	v21 =	vld [tilespmem:s31+$0x4C0]  }
0x9b: {  	v22 =	vld [tilespmem:s31+$0x24C0]  }
0x9c: {  	v23 =	vld [tilespmem:s31+$0x44C0]  }
0x9d: {  	v24 =	vld [tilespmem:s31+$0x64C0]  }
0x9e: {  	v25 =	vld [tilespmem:s31+$0x4D0]  }
0x9f: {  	v26 =	vld [tilespmem:s31+$0x24D0]  }
0xa0: {  	s26 =	sshll.u32 s25, $0x4;
	v56 =	vld [tilespmem:s31+$0x44D0]  }
0xa1: {  	s28 =	sand.u32 $0x3FFFFFF0, s26;
	v27 =	vld [tilespmem:s31+$0x64D0]  }
0xa2: {  	v4 =	vld [tilespmem:s28+$0x280]  }
0xa3: {  	v3 =	vld [tilespmem:s28+$0x300]  }
0xa4: {  	v2 =	vld [tilespmem:s28+$0x380]  }
0xa5: {  	v1 =	vld [tilespmem:s28+$0x400]  }
0xa6: {  	v59 =	vld [tilespmem:s31+$0x4E0]  }
0xa7: {  	v61 =	vld [tilespmem:s31+$0x24E0]  }
0xa8: {  	v28 =	vld [tilespmem:s31+$0x44E0];
	v7 =	vbroadcast v4, $0x0  }
0xa9: {  	v30 =	vld [tilespmem:s31+$0x64E0];
	v9 =	vbroadcast v3, $0x0;
	v11 =	vbroadcast v2, $0x0  }
0xaa: {  	v33 =	vld [tilespmem:s31+$0x4F0];
	v50 =	vbroadcast v1, $0x0;
	v63 =	vbroadcast v4, $0x1  }
0xab: {  	v36 =	vld [tilespmem:s31+$0x24F0];
	v29 =	vbroadcast v3, $0x1;
	v35 =	vbroadcast v2, $0x1  }
0xac: {  	v39 =	vld [tilespmem:s31+$0x44F0];
	v41 =	vbroadcast v1, $0x1;
	v5 =	vmul.f32 v5, v7  }
0xad: {  	v42 =	vld [tilespmem:s31+$0x64F0];
	v51 =	vmul.f32 v10, v50;
	v55 =	vmul.f32 v54, v11  }
0xae: {  	v44 =	vld [tilespmem:s31+$0x500];
	v13 =	vmul.f32 v13, v7;
	v14 =	vmul.f32 v14, v9  }
0xaf: {  	v47 =	vld [tilespmem:s31+$0x2500];
	v57 =	vmul.f32 v12, v50;
	v60 =	vmul.f32 v16, v50  }
0xb0: {  	v31 =	vmul.f32 v20, v50;
	v32 =	vmul.f32 v21, v63;
	v50 =	vld [tilespmem:s31+$0x510]  }
0xb1: {  	v34 =	vmul.f32 v22, v29;
	v37 =	vmul.f32 v25, v63;
	v54 =	vld [tilespmem:s31+$0x4500]  }
0xb2: {  	v38 =	vmul.f32 v26, v29;
	v48 =	vmul.f32 v59, v63;
	v59 =	vld [tilespmem:s31+$0x6500]  }
0xb3: {  	v40 =	vmul.f32 v23, v35;
	v23 =	vmul.f32 v42, v41;
	v42 =	vld [tilespmem:s31+$0x540]  }
0xb4: {  	v6 =	vmul.f32 v6, v9;
	v49 =	vmul.f32 v8, v11;
	v8 =	vadd.f32 v34, v32;
	v34 =	vld [tilespmem:s31+$0x520]  }
0xb5: {  	v58 =	vmul.f32 v15, v11;
	v13 =	vadd.f32 v14, v13;
	v43 =	vadd.f32 v38, v37;
	v37 =	vld [tilespmem:s31+$0x6520]  }
0xb6: {  	v5 =	vadd.f32 v6, v5;
	v38 =	vld [tilespmem:s31+$0x530]  }
0xb7: {  	v6 =	vmul.f32 v53, v9;
	v12 =	vadd.f32 v58, v13;
	v13 =	vmul.f32 v36, v29;
	v36 =	vld [tilespmem:s31+$0x4520]  }
0xb8: {  	v53 =	vbroadcast v4, $0x2;
	v58 =	vmul.f32 v39, v35;
	v39 =	vld [tilespmem:s31+$0x2530]  }
0xb9: {  	v10 =	vmul.f32 v56, v35;
	v5 =	vadd.f32 v49, v5;
	v8 =	vadd.f32 v40, v8;
	v40 =	vld [tilespmem:s31+$0x4530]  }
0xba: {  	v45 =	vmul.f32 v24, v41;
	v16 =	vmul.f32 v50, v53;
	v50 =	vld [tilespmem:s31+$0x560]  }
0xbb: {  	v56 =	vbroadcast v3, $0x2;
	v5 =	vadd.f32 v51, v5;
	v51 =	vmul.f32 v28, v35;
	v35 =	vld [tilespmem:s31+$0x2520]  }
0xbc: {  	v8 =	vadd.f32 v45, v8;
	v45 =	vld [tilespmem:s31+$0x6540]  }
0xbd: {  	v12 =	vadd.f32 v60, v12;
	v60 =	vmul.f32 v47, v56;
	v47 =	vld [tilespmem:s31+$0x2550]  }
0xbe: {  	[tilespmem:s31+$0x8480] =	vst.add.f32.msk $0xffff, v5  }
0xbf: {  	v5 =	vmul.f32 v52, v7;
	v52 =	vld [tilespmem:s31+$0x2510]  }
0xc0: {  	v62 =	vmul.f32 v18, v9;
	v14 =	vbroadcast v1, $0x2;
	[tilespmem:s31+$0x84A0] =	vst.add.f32.msk $0xffff, v12  }
0xc1: {  	v49 =	vmul.f32 v61, v29;
	v61 =	vbroadcast v2, $0x2;
	[tilespmem:s31+$0x84C0] =	vst.add.f32.msk $0xffff, v8  }
0xc2: {  	v7 =	vmul.f32 v17, v7;
	v8 =	vmul.f32 v37, v14;
	v37 =	vld [tilespmem:s31+$0x4580]  }
0xc3: {  	v29 =	vmul.f32 v59, v14;
	v59 =	vmul.f32 v40, v61;
	v40 =	vld [tilespmem:s31+$0x6580]  }
0xc4: {  	v5 =	vadd.f32 v6, v5;
	v6 =	vadd.f32 v62, v7;
	v62 =	vld [tilespmem:s31+$0x6510]  }
0xc5: {  	v7 =	vadd.f32 v10, v43;
	v43 =	vld [tilespmem:s31+$0x2540]  }
0xc6: {  	v10 =	vadd.f32 v49, v48;
	v48 =	vld [tilespmem:s31+$0x4550]  }
0xc7: {  	v11 =	vmul.f32 v19, v11;
	v49 =	vld [tilespmem:s31+$0x6550]  }
0xc8: {  	v46 =	vmul.f32 v27, v41;
	v5 =	vadd.f32 v55, v5;
	v55 =	vmul.f32 v30, v41;
	v41 =	vld [tilespmem:s31+$0x6530]  }
0xc9: {  	v6 =	vadd.f32 v11, v6;
	v11 =	vmul.f32 v44, v53;
	v44 =	vld [tilespmem:s31+$0x4540]  }
0xca: {  	v9 =	vmul.f32 v33, v63;
	v7 =	vadd.f32 v46, v7;
	v46 =	vld [tilespmem:s31+$0x550]  }
0xcb: {  	v10 =	vadd.f32 v51, v10;
	v51 =	vld [tilespmem:s31+$0x2560]  }
0xcc: {  	v9 =	vadd.f32 v13, v9;
	v5 =	vadd.f32 v57, v5;
	v57 =	vld [tilespmem:s31+$0x4510]  }
0xcd: {  	[tilespmem:s31+$0x84D0] =	vst.add.f32.msk $0xffff, v7  }
0xce: {  	v63 =	vadd.f32 v58, v9;
	v58 =	vbroadcast v2, $0x3;
	v27 =	vadd.f32 v55, v10;
	v55 =	vld [tilespmem:s31+$0x6560]  }
0xcf: {  	v11 =	vadd.f32 v60, v11;
	v60 =	vld [tilespmem:s31+$0x4570]  }
0xd0: {  	v6 =	vadd.f32 v31, v6;
	v7 =	vmul.f32 v36, v61;
	v36 =	vmul.f32 v48, v58;
	v48 =	vld [tilespmem:s31+$0x25A0]  }
0xd1: {  	[tilespmem:s31+$0x8490] =	vst.add.f32.msk $0xffff, v5  }
0xd2: {  	v21 =	vmul.f32 v54, v61;
	[tilespmem:s31+$0x84B0] =	vst.add.f32.msk $0xffff, v6  }
0xd3: {  	v54 =	vbroadcast v3, $0x3;
	v17 =	vmul.f32 v52, v56;
	[tilespmem:s31+$0x84E0] =	vst.add.f32.msk $0xffff, v27  }
0xd4: {  	v10 =	vmul.f32 v39, v56;
	v6 =	vmul.f32 v35, v56;
	v56 =	vld [tilespmem:s31+$0x570]  }
0xd5: {  	v5 =	vadd.f32 v23, v63;
	v63 =	vld [tilespmem:s31+$0x6570]  }
0xd6: {  	v28 =	vadd.f32 v21, v11;
	v39 =	vmul.f32 v51, v54;
	v51 =	vld [tilespmem:s31+$0x4590]  }
0xd7: {  	[tilespmem:s31+$0x84F0] =	vst.add.f32.msk $0xffff, v5  }
0xd8: {  	v32 =	vadd.f32 v29, v28;
	v28 =	vld [tilespmem:s31+$0x4560]  }
0xd9: {  	v31 =	vmul.f32 v62, v14;
	v29 =	vld [tilespmem:s31+$0x2570]  }
0xda: {  	v62 =	vbroadcast v1, $0x3;
	v5 =	vmul.f32 v34, v53;
	v34 =	vld [tilespmem:s31+$0x2580]  }
0xdb: {  	v26 =	vmul.f32 v57, v61;
	v57 =	vmul.f32 v43, v54;
	v43 =	vld [tilespmem:s31+$0x590]  }
0xdc: {  	v52 =	vbroadcast v4, $0x3;
	v61 =	vmul.f32 v44, v58;
	v44 =	vld [tilespmem:s31+$0x2590]  }
0xdd: {  	v53 =	vmul.f32 v38, v53;
	v19 =	vmul.f32 v55, v62;
	v55 =	vld [tilespmem:s31+$0x6590]  }
0xde: {  	v38 =	vmul.f32 v50, v52;
	v50 =	vbroadcast v2, $0x4;
	[tilespmem:s31+$0x8500] =	vst.add.f32.msk $0xffff, v32  }
0xdf: {  	v9 =	vadd.f32 v17, v16;
	v32 =	vmul.f32 v45, v62;
	v45 =	vld [tilespmem:s31+$0x5A0]  }
0xe0: {  	v5 =	vadd.f32 v6, v5;
	v6 =	vadd.f32 v10, v53;
	v53 =	vmul.f32 v37, v50;
	v37 =	vld [tilespmem:s31+$0x65C0]  }
0xe1: {  	v35 =	vmul.f32 v47, v54;
	v47 =	vbroadcast v3, $0x4;
	v12 =	vadd.f32 v39, v38;
	v38 =	vld [tilespmem:s31+$0x5D0]  }
0xe2: {  	v13 =	vmul.f32 v42, v52;
	v39 =	vld [tilespmem:s31+$0x25D0]  }
0xe3: {  	v11 =	vmul.f32 v60, v58;
	v60 =	vmul.f32 v48, v47;
	v48 =	vld [tilespmem:s31+$0x25F0];
	v30 =	vadd.f32 v26, v9  }
0xe4: {  	v5 =	vadd.f32 v7, v5;
	v7 =	vadd.f32 v57, v13;
	v57 =	vld [tilespmem:s31+$0x65A0]  }
0xe5: {  	v33 =	vadd.f32 v31, v30;
	v31 =	vld [tilespmem:s31+$0x580]  }
0xe6: {  	v30 =	vmul.f32 v41, v14;
	v14 =	vmul.f32 v34, v47;
	v34 =	vld [tilespmem:s31+$0x5C0]  }
0xe7: {  	v21 =	vmul.f32 v44, v47;
	v44 =	vld [tilespmem:s31+$0x45E0]  }
0xe8: {  	v18 =	vmul.f32 v56, v52;
	v6 =	vadd.f32 v59, v6;
	v9 =	vmul.f32 v29, v54;
	[tilespmem:s31+$0x8510] =	vst.add.f32.msk $0xffff, v33  }
0xe9: {  	v54 =	vbroadcast v1, $0x4;
	v33 =	vmul.f32 v46, v52;
	v52 =	vld [tilespmem:s31+$0x45A0]  }
0xea: {  	v42 =	vmul.f32 v28, v58;
	v6 =	vadd.f32 v30, v6;
	v30 =	vld [tilespmem:s31+$0x5B0]  }
0xeb: {  	v9 =	vadd.f32 v9, v18;
	v18 =	vmul.f32 v40, v54;
	v40 =	vld [tilespmem:s31+$0x45D0]  }
0xec: {  	v5 =	vadd.f32 v8, v5;
	v12 =	vadd.f32 v42, v12;
	v42 =	vld [tilespmem:s31+$0x5E0]  }
0xed: {  	v7 =	vadd.f32 v61, v7;
	v24 =	vmul.f32 v55, v54;
	v55 =	vld [tilespmem:s31+$0x600]  }
0xee: {  	[tilespmem:s31+$0x8520] =	vst.add.f32.msk $0xffff, v5  }
0xef: {  	v7 =	vadd.f32 v32, v7;
	v32 =	vld [tilespmem:s31+$0x45B0]  }
0xf0: {  	[tilespmem:s31+$0x8530] =	vst.add.f32.msk $0xffff, v6  }
0xf1: {  	v46 =	vbroadcast v4, $0x4;
	v8 =	vadd.f32 v35, v33;
	v33 =	vld [tilespmem:s31+$0x65B0]  }
0xf2: {  	v35 =	vld [tilespmem:s31+$0x25C0]  }
0xf3: {  	v56 =	vmul.f32 v43, v46;
	v43 =	vld [tilespmem:s31+$0x25E0]  }
0xf4: {  	v59 =	vmul.f32 v45, v46;
	v45 =	vld [tilespmem:s31+$0x65E0]  }
0xf5: {  	v41 =	vmul.f32 v49, v62;
	v12 =	vadd.f32 v19, v12;
	[tilespmem:s31+$0x8540] =	vst.add.f32.msk $0xffff, v7  }
0xf6: {  	v49 =	vmul.f32 v63, v62;
	v58 =	vadd.f32 v11, v9;
	v10 =	vmul.f32 v31, v46;
	v31 =	vld [tilespmem:s31+$0x25B0]  }
0xf7: {  	[tilespmem:s31+$0x8560] =	vst.add.f32.msk $0xffff, v12  }
0xf8: {  	v8 =	vadd.f32 v36, v8;
	v5 =	vadd.f32 v49, v58;
	v36 =	vld [tilespmem:s31+$0x45C0]  }
0xf9: {  	v58 =	vld [tilespmem:s31+$0x2600]  }
0xfa: {  	[tilespmem:s31+$0x8570] =	vst.add.f32.msk $0xffff, v5  }
0xfb: {  	v8 =	vadd.f32 v41, v8;
	v41 =	vld [tilespmem:s31+$0x65D0]  }
0xfc: {  	v63 =	vmul.f32 v51, v50;
	v62 =	vadd.f32 v21, v56;
	v5 =	vmul.f32 v30, v46;
	v46 =	vld [tilespmem:s31+$0x5F0]  }
0xfd: {  	v21 =	vmul.f32 v52, v50;
	v7 =	vmul.f32 v32, v50;
	v50 =	vld [tilespmem:s31+$0x45F0]  }
0xfe: {  	v10 =	vadd.f32 v14, v10;
	v22 =	vadd.f32 v63, v62;
	v63 =	vld [tilespmem:s31+$0x6600]  }
0xff: {  	v49 =	vbroadcast v3, $0x5;
	v32 =	vld [tilespmem:s31+$0x610]  }
0x100: {  	v61 =	vadd.f32 v53, v10;
	v53 =	vld [tilespmem:s31+$0x65F0]  }
0x101: {  	v27 =	vmul.f32 v57, v54;
	v10 =	vmul.f32 v35, v49;
	v35 =	vld [tilespmem:s31+$0x2610]  }
0x102: {  	v9 =	vadd.f32 v60, v59;
	v51 =	vmul.f32 v33, v54;
	v54 =	vbroadcast v2, $0x5;
	[tilespmem:s31+$0x8550] =	vst.add.f32.msk $0xffff, v8  }
0x103: {  	v57 =	vmul.f32 v39, v49;
	v16 =	vmul.f32 v48, v49;
	v6 =	vadd.f32 v18, v61;
	v61 =	vld [tilespmem:s31+$0x4600]  }
0x104: {  	v26 =	vadd.f32 v21, v9;
	v28 =	vadd.f32 v24, v22;
	v62 =	vmul.f32 v40, v54;
	v40 =	vld [tilespmem:s31+$0x6610]  }
0x105: {  	v59 =	vmul.f32 v36, v54;
	v36 =	vmul.f32 v43, v49;
	v49 =	vld [tilespmem:s31+$0x2630]  }
0x106: {  	v60 =	vbroadcast v1, $0x5;
	v29 =	vadd.f32 v27, v26;
	[tilespmem:s31+$0x8590] =	vst.add.f32.msk $0xffff, v28  }
0x107: {  	[tilespmem:s31+$0x8580] =	vst.add.f32.msk $0xffff, v6;
	v6 =	vmul.f32 v31, v47  }
0x108: {  	[tilespmem:s31+$0x85A0] =	vst.add.f32.msk $0xffff, v29;
	v47 =	vbroadcast v4, $0x5;
	v31 =	vmul.f32 v37, v60  }
0x109: {  	v33 =	vmul.f32 v41, v60;
	v41 =	vmul.f32 v45, v60;
	v45 =	vld [tilespmem:s31+$0x2620]  }
0x10a: {  	v37 =	vmul.f32 v44, v54;
	v20 =	vmul.f32 v50, v54;
	v54 =	vld [tilespmem:s31+$0x4630]  }
0x10b: {  	v44 =	vbroadcast v3, $0x6;
	v56 =	vmul.f32 v38, v47;
	v38 =	vld [tilespmem:s31+$0x4610]  }
0x10c: {  	v52 =	vmul.f32 v34, v47;
	v34 =	vmul.f32 v42, v47;
	v42 =	vld [tilespmem:s31+$0x620]  }
0x10d: {  	v43 =	vbroadcast v4, $0x6;
	v39 =	vmul.f32 v46, v47;
	v47 =	vld [tilespmem:s31+$0x630]  }
0x10e: {  	v9 =	vmul.f32 v53, v60;
	v5 =	vadd.f32 v6, v5;
	v53 =	vmul.f32 v35, v44;
	v35 =	vld [tilespmem:s31+$0x2650]  }
0x10f: {  	v8 =	vadd.f32 v10, v52;
	v52 =	vld [tilespmem:s31+$0x4620]  }
0x110: {  	v48 =	vmul.f32 v55, v43;
	v5 =	vadd.f32 v7, v5;
	v7 =	vadd.f32 v57, v56;
	v56 =	vld [tilespmem:s31+$0x6620]  }
0x111: {  	v14 =	vmul.f32 v58, v44;
	v10 =	vmul.f32 v32, v43;
	v32 =	vld [tilespmem:s31+$0x4640]  }
0x112: {  	v12 =	vadd.f32 v16, v39;
	v39 =	vld [tilespmem:s31+$0x2660]  }
0x113: {  	v14 =	vadd.f32 v14, v48;
	v48 =	vld [tilespmem:s31+$0x680]  }
0x114: {  	v30 =	vadd.f32 v59, v8;
	v59 =	vld [tilespmem:s31+$0x6630]  }
0x115: {  	v8 =	vadd.f32 v36, v34;
	v34 =	vld [tilespmem:s31+$0x650]  }
0x116: {  	v36 =	vld [tilespmem:s31+$0x4650]  }
0x117: {  	v58 =	vmul.f32 v45, v44;
	v7 =	vadd.f32 v62, v7;
	v62 =	vmul.f32 v49, v44;
	v44 =	vld [tilespmem:s31+$0x2670]  }
0x118: {  	v46 =	vbroadcast v2, $0x6;
	v49 =	vld [tilespmem:s31+$0x2680]  }
0x119: {  	v10 =	vadd.f32 v53, v10;
	v53 =	vld [tilespmem:s31+$0x6680]  }
0x11a: {  	v5 =	vadd.f32 v51, v5;
	v55 =	vmul.f32 v38, v46;
	v38 =	vld [tilespmem:s31+$0x660]  }
0x11b: {  	v57 =	vmul.f32 v42, v43;
	v42 =	vld [tilespmem:s31+$0x670]  }
0x11c: {  	[tilespmem:s31+$0x85B0] =	vst.add.f32.msk $0xffff, v5  }
0x11d: {  	v6 =	vadd.f32 v31, v30;
	v30 =	vld [tilespmem:s31+$0x640]  }
0x11e: {  	v31 =	vld [tilespmem:s31+$0x2640]  }
0x11f: {  	v51 =	vbroadcast v1, $0x6;
	v7 =	vadd.f32 v33, v7;
	v33 =	vld [tilespmem:s31+$0x6640]  }
0x120: {  	v8 =	vadd.f32 v37, v8;
	v37 =	vld [tilespmem:s31+$0x6650]  }
0x121: {  	v50 =	vmul.f32 v61, v46;
	v12 =	vadd.f32 v20, v12;
	v20 =	vmul.f32 v40, v51;
	v40 =	vld [tilespmem:s31+$0x4660]  }
0x122: {  	v11 =	vmul.f32 v54, v46;
	v19 =	vmul.f32 v52, v46;
	v46 =	vld [tilespmem:s31+$0x4670]  }
0x123: {  	v61 =	vmul.f32 v47, v43;
	v52 =	vld [tilespmem:s31+$0x4680]  }
0x124: {  	v23 =	vmul.f32 v56, v51;
	v56 =	vld [tilespmem:s31+$0x690]  }
0x125: {  	v13 =	vadd.f32 v62, v61;
	v62 =	vld [tilespmem:s31+$0x4690]  }
0x126: {  	v9 =	vadd.f32 v9, v12;
	[tilespmem:s31+$0x85C0] =	vst.add.f32.msk $0xffff, v6  }
0x127: {  	[tilespmem:s31+$0x85D0] =	vst.add.f32.msk $0xffff, v7  }
0x128: {  	v45 =	vbroadcast v3, $0x7;
	v60 =	vadd.f32 v50, v14;
	v15 =	vmul.f32 v63, v51;
	[tilespmem:s31+$0x85F0] =	vst.add.f32.msk $0xffff, v9  }
0x129: {  	v8 =	vadd.f32 v41, v8;
	v41 =	vld [tilespmem:s31+$0x6660]  }
0x12a: {  	v47 =	vbroadcast v2, $0x7;
	v5 =	vadd.f32 v15, v60;
	v60 =	vmul.f32 v39, v45;
	v39 =	vld [tilespmem:s31+$0x26A0]  }
0x12b: {  	v27 =	vmul.f32 v59, v51;
	v59 =	vld [tilespmem:s31+$0x2690]  }
0x12c: {  	v63 =	vadd.f32 v55, v10;
	v55 =	vmul.f32 v36, v47;
	v36 =	vld [tilespmem:s31+$0x6A0]  }
0x12d: {  	v43 =	vbroadcast v4, $0x7;
	[tilespmem:s31+$0x85E0] =	vst.add.f32.msk $0xffff, v8  }
0x12e: {  	v16 =	vadd.f32 v58, v57;
	v50 =	vmul.f32 v32, v47;
	v32 =	vbroadcast v4, $0x8;
	[tilespmem:s31+$0x8600] =	vst.add.f32.msk $0xffff, v5  }
0x12f: {  	v6 =	vadd.f32 v20, v63;
	v9 =	vmul.f32 v34, v43;
	v34 =	vmul.f32 v42, v43;
	v42 =	vld [tilespmem:s31+$0x46A0]  }
0x130: {  	v22 =	vadd.f32 v19, v16;
	v58 =	vmul.f32 v38, v43;
	v38 =	vmul.f32 v48, v32;
	v48 =	vld [tilespmem:s31+$0x6B0]  }
0x131: {  	v51 =	vbroadcast v1, $0x7;
	[tilespmem:s31+$0x8610] =	vst.add.f32.msk $0xffff, v6  }
0x132: {  	v10 =	vmul.f32 v35, v45;
	v25 =	vadd.f32 v11, v13;
	v28 =	vadd.f32 v23, v22;
	v22 =	vld [tilespmem:s31+$0x6670]  }
0x133: {  	v6 =	vmul.f32 v31, v45;
	v54 =	vmul.f32 v33, v51;
	v33 =	vld [tilespmem:s31+$0x6690]  }
0x134: {  	v29 =	vadd.f32 v27, v25;
	v57 =	vmul.f32 v37, v51;
	v37 =	vmul.f32 v44, v45;
	v45 =	vld [tilespmem:s31+$0x66A0]  }
0x135: {  	v35 =	vbroadcast v3, $0x8;
	v5 =	vmul.f32 v30, v43;
	[tilespmem:s31+$0x8620] =	vst.add.f32.msk $0xffff, v28  }
0x136: {  	v61 =	vmul.f32 v40, v47;
	[tilespmem:s31+$0x8630] =	vst.add.f32.msk $0xffff, v29  }
0x137: {  	v40 =	vmul.f32 v49, v35;
	v5 =	vadd.f32 v6, v5;
	v6 =	vadd.f32 v60, v58;
	v60 =	vld [tilespmem:s31+$0x66B0]  }
0x138: {  	v9 =	vadd.f32 v10, v9;
	v10 =	vadd.f32 v37, v34;
	v37 =	vld [tilespmem:s31+$0x6D0]  }
0x139: {  	v43 =	vmul.f32 v46, v47;
	v46 =	vadd.f32 v40, v38;
	v38 =	vld [tilespmem:s31+$0x26D0]  }
0x13a: {  	v11 =	vmul.f32 v56, v32;
	v56 =	vmul.f32 v39, v35;
	v39 =	vld [tilespmem:s31+$0x46D0]  }
0x13b: {  	v40 =	vld [tilespmem:s31+$0x66D0]  }
0x13c: {  	v8 =	vadd.f32 v55, v9;
	v13 =	vmul.f32 v59, v35;
	v59 =	vld [tilespmem:s31+$0x46C0]  }
0x13d: {  	v63 =	vmul.f32 v41, v51;
	v41 =	vbroadcast v2, $0x8;
	v5 =	vadd.f32 v50, v5;
	v50 =	vld [tilespmem:s31+$0x26B0]  }
0x13e: {  	v8 =	vadd.f32 v57, v8;
	v57 =	vld [tilespmem:s31+$0x46B0]  }
0x13f: {  	v47 =	vmul.f32 v52, v41;
	v52 =	vmul.f32 v62, v41;
	v62 =	vld [tilespmem:s31+$0x66C0]  }
0x140: {  	v58 =	vmul.f32 v42, v41;
	v42 =	vld [tilespmem:s31+$0x26E0]  }
0x141: {  	v10 =	vadd.f32 v43, v10;
	v43 =	vld [tilespmem:s31+$0x46E0]  }
0x142: {  	v44 =	vbroadcast v1, $0x8;
	v16 =	vmul.f32 v48, v32;
	v48 =	vld [tilespmem:s31+$0x66F0]  }
0x143: {  	v55 =	vmul.f32 v36, v32;
	v7 =	vmul.f32 v22, v51;
	v51 =	vld [tilespmem:s31+$0x6C0]  }
0x144: {  	v26 =	vmul.f32 v45, v44;
	v45 =	vld [tilespmem:s31+$0x6F0]  }
0x145: {  	v12 =	vadd.f32 v56, v55;
	v56 =	vld [tilespmem:s31+$0x4710]  }
0x146: {  	v5 =	vadd.f32 v54, v5;
	v54 =	vld [tilespmem:s31+$0x26C0]  }
0x147: {  	[tilespmem:s31+$0x8650] =	vst.add.f32.msk $0xffff, v8  }
0x148: {  	v9 =	vadd.f32 v47, v46;
	v46 =	vld [tilespmem:s31+$0x26F0]  }
0x149: {  	v49 =	vmul.f32 v53, v44;
	v11 =	vadd.f32 v13, v11;
	v47 =	vld [tilespmem:s31+$0x46F0]  }
0x14a: {  	v6 =	vadd.f32 v61, v6;
	v53 =	vmul.f32 v33, v44;
	v33 =	vmul.f32 v60, v44;
	v44 =	vld [tilespmem:s31+$0x66E0]  }
0x14b: {  	v7 =	vadd.f32 v7, v10;
	v10 =	vadd.f32 v52, v11;
	v52 =	vld [tilespmem:s31+$0x6700]  }
0x14c: {  	v6 =	vadd.f32 v63, v6;
	v60 =	vld [tilespmem:s31+$0x720]  }
0x14d: {  	[tilespmem:s31+$0x8640] =	vst.add.f32.msk $0xffff, v5  }
0x14e: {  	[tilespmem:s31+$0x8660] =	vst.add.f32.msk $0xffff, v6  }
0x14f: {  	v9 =	vadd.f32 v49, v9;
	v49 =	vld [tilespmem:s31+$0x700]  }
0x150: {  	[tilespmem:s31+$0x8670] =	vst.add.f32.msk $0xffff, v7  }
0x151: {  	v28 =	vmul.f32 v57, v41;
	v41 =	vld [tilespmem:s31+$0x6E0]  }
0x152: {  	v61 =	vmul.f32 v50, v35;
	v50 =	vld [tilespmem:s31+$0x2700]  }
0x153: {  	v63 =	vadd.f32 v58, v12;
	v31 =	vadd.f32 v53, v10;
	v53 =	vld [tilespmem:s31+$0x710]  }
0x154: {  	v57 =	vld [tilespmem:s31+$0x6710]  }
0x155: {  	v25 =	vbroadcast v4, $0x9;
	v5 =	vadd.f32 v26, v63;
	v63 =	vld [tilespmem:s31+$0x2720]  }
0x156: {  	v19 =	vbroadcast v3, $0x9;
	[tilespmem:s31+$0x8680] =	vst.add.f32.msk $0xffff, v9  }
0x157: {  	v14 =	vmul.f32 v51, v25;
	v51 =	vld [tilespmem:s31+$0x4700]  }
0x158: {  	v13 =	vbroadcast v2, $0x9;
	v22 =	vmul.f32 v54, v19;
	[tilespmem:s31+$0x8690] =	vst.add.f32.msk $0xffff, v31  }
0x159: {  	[tilespmem:s31+$0x86A0] =	vst.add.f32.msk $0xffff, v5;
	v5 =	vmul.f32 v37, v25;
	v37 =	vbroadcast v2, $0xA  }
0x15a: {  	v11 =	vadd.f32 v61, v16;
	v54 =	vld [tilespmem:s31+$0x2710]  }
0x15b: {  	v30 =	vmul.f32 v59, v13;
	v29 =	vadd.f32 v22, v14;
	v7 =	vmul.f32 v56, v37;
	v56 =	vld [tilespmem:s31+$0x4750]  }
0x15c: {  	v32 =	vadd.f32 v28, v11;
	v9 =	vmul.f32 v41, v25;
	v41 =	vld [tilespmem:s31+$0x4730]  }
0x15d: {  	v14 =	vbroadcast v1, $0x9;
	v6 =	vadd.f32 v30, v29;
	v29 =	vld [tilespmem:s31+$0x4720]  }
0x15e: {  	v35 =	vadd.f32 v33, v32;
	v32 =	vld [tilespmem:s31+$0x6720]  }
0x15f: {  	v10 =	vmul.f32 v42, v19;
	v61 =	vmul.f32 v44, v14;
	v44 =	vld [tilespmem:s31+$0x6730]  }
0x160: {  	v34 =	vmul.f32 v62, v14;
	v62 =	vmul.f32 v45, v25;
	v45 =	vld [tilespmem:s31+$0x740]  }
0x161: {  	v28 =	vbroadcast v4, $0xA;
	v33 =	vmul.f32 v48, v14;
	v48 =	vld [tilespmem:s31+$0x2740]  }
0x162: {  	v31 =	vbroadcast v3, $0xA;
	v42 =	vmul.f32 v51, v37;
	v51 =	vld [tilespmem:s31+$0x750]  }
0x163: {  	v55 =	vmul.f32 v39, v13;
	v39 =	vmul.f32 v53, v28;
	v53 =	vld [tilespmem:s31+$0x2750]  }
0x164: {  	v58 =	vmul.f32 v40, v14;
	v40 =	vmul.f32 v54, v31;
	v54 =	vld [tilespmem:s31+$0x4740]  }
0x165: {  	[tilespmem:s31+$0x86B0] =	vst.add.f32.msk $0xffff, v35  }
0x166: {  	v59 =	vmul.f32 v43, v13;
	v35 =	vld [tilespmem:s31+$0x730]  }
0x167: {  	v9 =	vadd.f32 v10, v9;
	v36 =	vadd.f32 v34, v6;
	v6 =	vmul.f32 v38, v19;
	v38 =	vld [tilespmem:s31+$0x2730]  }
0x168: {  	v34 =	vmul.f32 v49, v28;
	v49 =	vmul.f32 v60, v28;
	v60 =	vld [tilespmem:s31+$0x6750]  }
0x169: {  	v43 =	vbroadcast v1, $0xA;
	v8 =	vadd.f32 v59, v9;
	v9 =	vadd.f32 v40, v39;
	v39 =	vld [tilespmem:s31+$0x2770]  }
0x16a: {  	v17 =	vbroadcast v3, $0xB;
	v25 =	vmul.f32 v46, v19;
	v40 =	vld [tilespmem:s31+$0x4770]  }
0x16b: {  	v30 =	vmul.f32 v47, v13;
	v47 =	vmul.f32 v57, v43;
	[tilespmem:s31+$0x86C0] =	vst.add.f32.msk $0xffff, v36  }
0x16c: {  	v19 =	vbroadcast v4, $0xB;
	v57 =	vmul.f32 v41, v37;
	v41 =	vld [tilespmem:s31+$0x6770]  }
0x16d: {  	v46 =	vmul.f32 v52, v43;
	v52 =	vmul.f32 v29, v37;
	v37 =	vld [tilespmem:s31+$0x6760]  }
0x16e: {  	v12 =	vmul.f32 v45, v19;
	v45 =	vld [tilespmem:s31+$0x6780]  }
0x16f: {  	v24 =	vbroadcast v2, $0xB;
	v5 =	vadd.f32 v6, v5;
	v59 =	vmul.f32 v48, v17;
	v48 =	vld [tilespmem:s31+$0x4790]  }
0x170: {  	v6 =	vadd.f32 v25, v62;
	v36 =	vmul.f32 v50, v31;
	v62 =	vmul.f32 v51, v19;
	v51 =	vld [tilespmem:s31+$0x27A0]  }
0x171: {  	v50 =	vmul.f32 v63, v31;
	v63 =	vmul.f32 v53, v17;
	v53 =	vld [tilespmem:s31+$0x47A0]  }
0x172: {  	v29 =	vmul.f32 v56, v24;
	v56 =	vld [tilespmem:s31+$0x67A0]  }
0x173: {  	v10 =	vadd.f32 v36, v34;
	v34 =	vld [tilespmem:s31+$0x760]  }
0x174: {  	v8 =	vadd.f32 v61, v8;
	v36 =	vld [tilespmem:s31+$0x4760]  }
0x175: {  	v7 =	vadd.f32 v7, v9;
	v9 =	vadd.f32 v50, v49;
	v49 =	vld [tilespmem:s31+$0x6790]  }
0x176: {  	v50 =	vld [tilespmem:s31+$0x7A0]  }
0x177: {  	[tilespmem:s31+$0x86E0] =	vst.add.f32.msk $0xffff, v8  }
0x178: {  	v16 =	vmul.f32 v35, v28;
	v35 =	vld [tilespmem:s31+$0x2760]  }
0x179: {  	v13 =	vmul.f32 v38, v31;
	v38 =	vld [tilespmem:s31+$0x770]  }
0x17a: {  	v5 =	vadd.f32 v55, v5;
	v55 =	vmul.f32 v32, v43;
	v28 =	vmul.f32 v44, v43;
	v43 =	vld [tilespmem:s31+$0x2780]  }
0x17b: {  	v14 =	vbroadcast v1, $0xB;
	v44 =	vld [tilespmem:s31+$0x4780]  }
0x17c: {  	v7 =	vadd.f32 v47, v7;
	v47 =	vld [tilespmem:s31+$0x2790]  }
0x17d: {  	v32 =	vmul.f32 v60, v14;
	v60 =	vld [tilespmem:s31+$0x27B0]  }
0x17e: {  	v6 =	vadd.f32 v30, v6;
	v5 =	vadd.f32 v58, v5;
	v58 =	vld [tilespmem:s31+$0x6740]  }
0x17f: {  	v10 =	vadd.f32 v42, v10;
	v42 =	vld [tilespmem:s31+$0x780]  }
0x180: {  	v6 =	vadd.f32 v33, v6;
	[tilespmem:s31+$0x8710] =	vst.add.f32.msk $0xffff, v7  }
0x181: {  	[tilespmem:s31+$0x86D0] =	vst.add.f32.msk $0xffff, v5  }
0x182: {  	v13 =	vadd.f32 v13, v16;
	[tilespmem:s31+$0x86F0] =	vst.add.f32.msk $0xffff, v6  }
0x183: {  	v10 =	vadd.f32 v46, v10;
	v46 =	vld [tilespmem:s31+$0x790]  }
0x184: {  	v9 =	vadd.f32 v52, v9;
	v61 =	vadd.f32 v57, v13;
	v57 =	vld [tilespmem:s31+$0x7B0]  }
0x185: {  	v13 =	vadd.f32 v63, v62;
	v62 =	vld [tilespmem:s31+$0x47B0]  }
0x186: {  	v9 =	vadd.f32 v55, v9;
	v7 =	vmul.f32 v36, v24;
	v36 =	vld [tilespmem:s31+$0x27C0]  }
0x187: {  	[tilespmem:s31+$0x8700] =	vst.add.f32.msk $0xffff, v10  }
0x188: {  	v27 =	vmul.f32 v54, v24;
	v18 =	vadd.f32 v59, v12;
	v59 =	vbroadcast v2, $0xC;
	[tilespmem:s31+$0x8720] =	vst.add.f32.msk $0xffff, v9  }
0x189: {  	v52 =	vbroadcast v4, $0xC;
	v10 =	vmul.f32 v39, v17;
	v39 =	vld [tilespmem:s31+$0x47C0]  }
0x18a: {  	v63 =	vmul.f32 v44, v59;
	v44 =	vmul.f32 v53, v59;
	v53 =	vld [tilespmem:s31+$0x47D0]  }
0x18b: {  	v5 =	vadd.f32 v28, v61;
	v31 =	vadd.f32 v29, v13;
	v13 =	vmul.f32 v42, v52;
	v42 =	vld [tilespmem:s31+$0x67C0]  }
0x18c: {  	v61 =	vmul.f32 v40, v24;
	v40 =	vmul.f32 v50, v52;
	v50 =	vld [tilespmem:s31+$0x27E0]  }
0x18d: {  	v8 =	vadd.f32 v27, v18;
	[tilespmem:s31+$0x8730] =	vst.add.f32.msk $0xffff, v5  }
0x18e: {  	v55 =	vbroadcast v3, $0xC;
	v30 =	vmul.f32 v58, v14;
	v33 =	vadd.f32 v32, v31;
	v31 =	vld [tilespmem:s31+$0x67B0]  }
0x18f: {  	v6 =	vmul.f32 v35, v17;
	v35 =	vmul.f32 v46, v52;
	v46 =	vld [tilespmem:s31+$0x27D0]  }
0x190: {  	v54 =	vmul.f32 v38, v19;
	v8 =	vadd.f32 v30, v8;
	v17 =	vmul.f32 v57, v52;
	v57 =	vld [tilespmem:s31+$0x67D0]  }
0x191: {  	v38 =	vmul.f32 v48, v59;
	v11 =	vmul.f32 v62, v59;
	v59 =	vld [tilespmem:s31+$0x67E0]  }
0x192: {  	[tilespmem:s31+$0x8740] =	vst.add.f32.msk $0xffff, v8  }
0x193: {  	v9 =	vmul.f32 v60, v55;
	v30 =	vbroadcast v1, $0xC;
	[tilespmem:s31+$0x8750] =	vst.add.f32.msk $0xffff, v33  }
0x194: {  	v5 =	vmul.f32 v34, v19;
	v32 =	vmul.f32 v41, v14;
	v33 =	vld [tilespmem:s31+$0x7C0]  }
0x195: {  	v41 =	vmul.f32 v51, v55;
	v34 =	vmul.f32 v45, v30;
	v45 =	vld [tilespmem:s31+$0x7D0]  }
0x196: {  	v8 =	vmul.f32 v37, v14;
	v37 =	vmul.f32 v47, v55;
	v47 =	vld [tilespmem:s31+$0x7E0]  }
0x197: {  	v58 =	vmul.f32 v43, v55;
	v5 =	vadd.f32 v6, v5;
	v6 =	vadd.f32 v10, v54;
	v54 =	vld [tilespmem:s31+$0x47E0]  }
0x198: {  	v52 =	vbroadcast v2, $0xD;
	v43 =	vmul.f32 v49, v30;
	v12 =	vadd.f32 v41, v40;
	v40 =	vld [tilespmem:s31+$0x810]  }
0x199: {  	v19 =	vmul.f32 v56, v30;
	v49 =	vbroadcast v3, $0xD;
	v41 =	vld [tilespmem:s31+$0x2810]  }
0x19a: {  	v56 =	vbroadcast v1, $0xD;
	v55 =	vmul.f32 v39, v52;
	v39 =	vld [tilespmem:s31+$0x6800]  }
0x19b: {  	v14 =	vmul.f32 v36, v49;
	v36 =	vld [tilespmem:s31+$0x800]  }
0x19c: {  	v22 =	vmul.f32 v42, v56;
	v42 =	vld [tilespmem:s31+$0x4810]  }
0x19d: {  	v12 =	vadd.f32 v44, v12;
	v44 =	vld [tilespmem:s31+$0x820]  }
0x19e: {  	v6 =	vadd.f32 v61, v6;
	v62 =	vmul.f32 v50, v49;
	v50 =	vld [tilespmem:s31+$0x2830]  }
0x19f: {  	v5 =	vadd.f32 v7, v5;
	v21 =	vmul.f32 v46, v49;
	v46 =	vld [tilespmem:s31+$0x4820]  }
0x1a0: {  	v6 =	vadd.f32 v32, v6;
	v32 =	vld [tilespmem:s31+$0x7F0]  }
0x1a1: {  	v5 =	vadd.f32 v8, v5;
	v8 =	vadd.f32 v37, v35;
	v35 =	vld [tilespmem:s31+$0x67F0]  }
0x1a2: {  	v48 =	vbroadcast v4, $0xD;
	v37 =	vld [tilespmem:s31+$0x2800]  }
0x1a3: {  	v27 =	vmul.f32 v57, v56;
	v57 =	vld [tilespmem:s31+$0x840]  }
0x1a4: {  	v10 =	vmul.f32 v33, v48;
	v33 =	vld [tilespmem:s31+$0x27F0]  }
0x1a5: {  	v7 =	vadd.f32 v58, v13;
	v58 =	vmul.f32 v45, v48;
	v45 =	vld [tilespmem:s31+$0x2820]  }
0x1a6: {  	v61 =	vmul.f32 v47, v48;
	v47 =	vld [tilespmem:s31+$0x6820]  }
0x1a7: {  	v12 =	vadd.f32 v19, v12;
	[tilespmem:s31+$0x8760] =	vst.add.f32.msk $0xffff, v5  }
0x1a8: {  	v9 =	vadd.f32 v9, v17;
	v7 =	vadd.f32 v63, v7;
	[tilespmem:s31+$0x8770] =	vst.add.f32.msk $0xffff, v6  }
0x1a9: {  	[tilespmem:s31+$0x87A0] =	vst.add.f32.msk $0xffff, v12  }
0x1aa: {  	v51 =	vmul.f32 v31, v30;
	v60 =	vadd.f32 v11, v9;
	v7 =	vadd.f32 v34, v7;
	v34 =	vld [tilespmem:s31+$0x47F0]  }
0x1ab: {  	v8 =	vadd.f32 v38, v8;
	v38 =	vld [tilespmem:s31+$0x4800]  }
0x1ac: {  	v29 =	vmul.f32 v59, v56;
	v24 =	vmul.f32 v54, v52;
	v5 =	vadd.f32 v51, v60;
	v60 =	vld [tilespmem:s31+$0x2840]  }
0x1ad: {  	v51 =	vbroadcast v3, $0xE;
	v3 =	vbroadcast v3, $0xF;
	v10 =	vadd.f32 v14, v10;
	[tilespmem:s31+$0x8780] =	vst.add.f32.msk $0xffff, v7  }
0x1ae: {  	v17 =	vadd.f32 v21, v58;
	v21 =	vmul.f32 v53, v52;
	v9 =	vadd.f32 v62, v61;
	[tilespmem:s31+$0x87B0] =	vst.add.f32.msk $0xffff, v5  }
0x1af: {  	v62 =	vbroadcast v1, $0xE;
	v1 =	vbroadcast v1, $0xF;
	v8 =	vadd.f32 v43, v8;
	v43 =	vld [tilespmem:s31+$0x6810]  }
0x1b0: {  	v59 =	vmul.f32 v41, v51;
	v16 =	vmul.f32 v50, v51;
	v50 =	vld [tilespmem:s31+$0x4860]  }
0x1b1: {  	v63 =	vadd.f32 v55, v10;
	v5 =	vmul.f32 v32, v48;
	v48 =	vld [tilespmem:s31+$0x830];
	v53 =	vmul.f32 v35, v56  }
0x1b2: {  	v26 =	vadd.f32 v21, v17;
	v55 =	vld [tilespmem:s31+$0x6830];
	v10 =	vmul.f32 v37, v51;
	v56 =	vbroadcast v2, $0xE  }
0x1b3: {  	v37 =	vld [tilespmem:s31+$0x2850];
	v2 =	vbroadcast v2, $0xF;
	v6 =	vadd.f32 v22, v63;
	v7 =	vmul.f32 v34, v52  }
0x1b4: {  	[tilespmem:s31+$0x8790] =	vst.add.f32.msk $0xffff, v8;
	v30 =	vadd.f32 v27, v26;
	v61 =	vmul.f32 v38, v56;
	v38 =	vmul.f32 v45, v51  }
0x1b5: {  	v14 =	vmul.f32 v60, v3;
	[tilespmem:s31+$0x87C0] =	vst.add.f32.msk $0xffff, v6;
	v6 =	vmul.f32 v33, v49  }
0x1b6: {  	[tilespmem:s31+$0x87D0] =	vst.add.f32.msk $0xffff, v30;
	v49 =	vbroadcast v4, $0xE;
	v30 =	vmul.f32 v42, v56  }
0x1b7: {  	v28 =	vadd.f32 v24, v9;
	v52 =	vld [tilespmem:s31+$0x4830];
	v33 =	vmul.f32 v39, v62;
	v35 =	vmul.f32 v43, v62  }
0x1b8: {  	v63 =	vld [tilespmem:s31+$0x4840];
	v42 =	vmul.f32 v47, v62;
	v4 =	vbroadcast v4, $0xF  }
0x1b9: {  	v31 =	vadd.f32 v29, v28;
	v34 =	vld [tilespmem:s31+$0x850];
	v60 =	vmul.f32 v50, v2;
	v9 =	vmul.f32 v55, v62  }
0x1ba: {  	v45 =	vld [tilespmem:s31+$0x2860];
	v54 =	vmul.f32 v36, v49;
	v58 =	vmul.f32 v40, v49  }
0x1bb: {  	[tilespmem:s31+$0x87E0] =	vst.add.f32.msk $0xffff, v31;
	v36 =	vmul.f32 v44, v49;
	v18 =	vmul.f32 v48, v49  }
0x1bc: {  	v43 =	vld [tilespmem:s31+$0x860];
	v5 =	vadd.f32 v6, v5;
	v40 =	vmul.f32 v46, v56;
	v46 =	vmul.f32 v57, v4  }
0x1bd: {  	v47 =	vld [tilespmem:s31+$0x870];
	v49 =	vmul.f32 v37, v3;
	v44 =	vmul.f32 v52, v56  }
0x1be: {  	v31 =	vld [tilespmem:s31+$0x6840];
	v51 =	vmul.f32 v63, v2;
	v5 =	vadd.f32 v7, v5;
	v8 =	vadd.f32 v10, v54  }
0x1bf: {  	v39 =	vld [tilespmem:s31+$0x4850];
	v20 =	vmul.f32 v45, v3;
	v7 =	vadd.f32 v59, v58;
	v16 =	vadd.f32 v16, v18  }
0x1c0: {  	v48 =	vld [tilespmem:s31+$0x2870];
	v10 =	vmul.f32 v34, v4;
	v11 =	vadd.f32 v14, v46;
	v5 =	vadd.f32 v53, v5  }
0x1c1: {  	v41 =	vld [tilespmem:s31+$0x6850];
	v55 =	vmul.f32 v43, v4;
	v32 =	vadd.f32 v61, v8;
	v7 =	vadd.f32 v30, v7  }
0x1c2: {  	v52 =	vld [tilespmem:s31+$0x4870];
	v4 =	vmul.f32 v47, v4;
	v8 =	vadd.f32 v38, v36;
	v16 =	vadd.f32 v44, v16  }
0x1c3: {  	v54 =	vld [tilespmem:s31+$0x6860];
	v59 =	vmul.f32 v31, v1;
	v10 =	vadd.f32 v49, v10;
	v11 =	vadd.f32 v51, v11  }
0x1c4: {  	v56 =	vld [tilespmem:s31+$0x6870];
	v53 =	vmul.f32 v39, v2;
	v58 =	vadd.f32 v20, v55;
	v6 =	vadd.f32 v33, v32  }
0x1c5: {  	v3 =	vmul.f32 v48, v3;
	v7 =	vadd.f32 v35, v7;
	v8 =	vadd.f32 v40, v8;
	[tilespmem:s31+$0x87F0] =	vst.add.f32.msk $0xffff, v5  }
0x1c6: {  	v61 =	vmul.f32 v41, v1;
	v9 =	vadd.f32 v9, v16;
	v57 =	vadd.f32 v53, v10;
	[tilespmem:s31+$0x8800] =	vst.add.f32.msk $0xffff, v6  }
0x1c7: {  	v2 =	vmul.f32 v52, v2;
	v62 =	vadd.f32 v59, v11;
	v3 =	vadd.f32 v3, v4;
	[tilespmem:s31+$0x8810] =	vst.add.f32.msk $0xffff, v7  }
0x1c8: {  	p0 =	sne.s32 s25, $0x7;
	v63 =	vmul.f32 v54, v1;
	v8 =	vadd.f32 v42, v8;
	v6 =	vadd.f32 v60, v58;
	[tilespmem:s31+$0x8830] =	vst.add.f32.msk $0xffff, v9  }
.Ltmp0:
0x1c9: {  	v1 =	vmul.f32 v56, v1;
	v4 =	vadd.f32 v61, v57;
	[tilespmem:s31+$0x8840] =	vst.add.f32.msk $0xffff, v62;
	v2 =	vadd.f32 v2, v3;
	(pc) =	sbr.rel @p0 .LBB2_3-.Ltmp0, $4  }
0x1ca: {  	[tilespmem:s31+$0x8820] =	vst.add.f32.msk $0xffff, v8;
	v3 =	vadd.f32 v63, v6  }
0x1cb: {  	[tilespmem:s31+$0x8850] =	vst.add.f32.msk $0xffff, v4;
	v1 =	vadd.f32 v1, v2  }
0x1cc: {  	[tilespmem:s31+$0x8860] =	vst.add.f32.msk $0xffff, v3  }
0x1cd: {  	s25 =	sadd.s32 $0x1, s25;
	[tilespmem:s31+$0x8870] =	vst.add.f32.msk $0xffff, v1  }
0x1ce: {  	s23 =	sadd.s32 $0x1, s23  }
0x1cf: {  	s24 =	sshll.u32 s24, $0x3;
	p0 =	sne.s32 s23, $0x32  }
.Ltmp1:
0x1d0: {  	s24 =	sadd.s32 s1, s24;
	(pc) =	sbr.rel @p0 .LBB2_2-.Ltmp1, $4  }
0x1d1: {  	[hbm4b:s24+s2] =	stream.linear.scatter [tilespmem:s15], [sflag:$0x3], $0x2000, $0x38;
	[tilespmem:$0xA480] =	vst v63  }
0x1d2: {  	_ =	swait.ge [sflag:s21], $0x2000  }
0x1d3: {  	[sflag:s21] =	ssyncset.done $0x0  }
0x1d4: {  	[sflag:s21] =	ssyncadd.s32 $0xFFFFE000  }
0x1d5: {  	s22 =	sadd.s32 $0x1, s22  }
0x1d6: {  	p0 =	sne.s32 s22, s9  }
.Ltmp2:
0x1d7: {  	_ = 	snop;
	(pc) =	sbr.rel @p0 .LBB2_1-.Ltmp2, $1  }
0x1d8: {  	_ =	sdelay $0x3  }
0x1d9: {  	_ =	sfence.sel $0x180000  }
0x1da: {  	[bflag:$0x0] =	sbarrier.arrive $0xFFFF  }
0x1db: {  	p0 =	sne.s32 s3, $0x0;
	_ =	strace $0x90000047  }
0x1dc: {  	s0 =	sadd.s32 @!p0 $0x100000, s0;
	[bflag:$0x2] =	sbarrier.arrive $0xFFFF  }
0x1dd: {  	[sflag:s0] =	ssyncadd.tile.s32 @!p0 $0x1;
	_ =	shalt  }
.Lfunc_end2:
_tile_overlayer_lowered:
.L_overlay_start_2:
0x1de: {  	(tag) =	ssettag $0x2  }
0x1df: {  	s0 =	rddreg [dreg:$0x0];
	s2 =	stileid.u32  }
0x1e0: {  	s1 =	rddreg [dreg:$0x1];
	p0 =	sne.s32 s2, $0x0  }
0x1e1: {  	s3 =	rddreg [dreg:$0x2];
	[bflag:$0x3] =	sbarrier.arrive $0xFFFF;
	s2 =	simm.s32 @!p0 $0x1C03  }
0x1e2: {  	[timem:s3], [sflag:s2] =	dma.local @!p0 [hbm:s0], s1  }
0x1e3: {  	s0 =	simm.s32 @!p0 $0x3  }
0x1e4: {  	_ =	swait.ge @!p0 [sflag:s0], s1  }
0x1e5: {  	s1 =	ssub.s32 @!p0 $0x0, s1;
	[sflag:s0] =	ssyncset.done @!p0 $0x0  }
0x1e6: {  	[sflag:s0] =	ssyncadd.s32 @!p0 s1  }
0x1e7: {  	[bflag:$0x3] =	sbarrier.arrive $0xFFFF  }
0x1e8: {  	_ =	shalt  }

// kernel: sparse-core-data-format-call.cloned.1.call-start
scs
called_computation_lowered:
.L_overlay_start_0:
0x0: {  	s2 =	sld [smem:$0x3FD9]  }
0x1: {  	s3 =	sld [smem:$0x3FFE];
	_ =	sdelay $0x1  }
0x2: {  	s1 =	srdreg.scid  }
0x3: {  	s0 =	sand.u32 $0x1, s1  }
0x4: {  	s18 =	sshll.u32 s0, $0xA;
	s2 =	sadd.s32 s3, s2  }
0x5: {  	s2 =	sadd.s32 s2, s18  }
0x6: {  	[smem:$0x3FC4] =	sst s2  }
0x7: {  	_ = 	snop  }
0x8: {  	s2 =	sld [smem:$0x3FD0];
	(tm) =	ssettm $0x1  }
0x9: {  	s19 =	sld [smem:$0x3FFB];
	_ =	sdelay $0x3  }
0xa: {  	_ =	strace s19  }
0xb: {  	s3 =	sld [smem:$0x3FFC];
	_ =	sdelay $0x3  }
0xc: {  	_ =	strace s3  }
0xd: {  	s3 =	sld [smem:$0x3FFD];
	_ =	sdelay $0x3  }
0xe: {  	_ =	strace s3  }
0xf: {  	_ =	strace $0x8FFFFFFF  }
0x10: {  	s20 =	sld [smem:$0x3FDB];
	_ =	sdelay $0x1  }
0x11: {  	s4 =	simm.s32 $_scs_section_size  }
0x12: {  	s5 =	simm.s32 $_size__tile_overlayer_lowered;
	s6 =	simm.s32 $_tile_overlayer_lowered  }
0x13: {  	s23 =	simm.s32 $0x1BFF;
	s22 =	sshll.u32 s6, $0x1;
	s3 =	sadd.s32 s4, s20  }
0x14: {  	s7 =	simm.s32 $0x0;
	s21 =	sshll.u32 s5, $0x1;
	s5 =	sadd.s32 s22, s3  }
0x15: {  	[timem:s7], [sflag:s23] =	dma.local [hbm:s5], s21  }
0x16: {  	_ =	swait.ge [sflag:s23], s21  }
0x17: {  	s4 =	ssub.s32 $0x0, s21;
	[sflag:s23] =	ssyncset.done $0x0  }
0x18: {  	[sflag:s23] =	ssyncadd.s32 s4;
	_ =	sdelay $0x1  }
0x19: {  	s24 =	simm.s32 $0x1B8B  }
0x1a: {  	_ =	swait.ge [sflag:s24], $0x1  }
0x1b: {  	[sflag:s24] =	ssyncset.done $0x0  }
0x1c: {  	s26 =	simm.s32 $0x1B8E;
	s25 =	sld [smem:$0x3FFE];
	[sflag:s24] =	ssyncadd.s32 $0xFFFFFFFF  }
0x1d: {  	s27 =	simm.s32 $execute0_lowered;
	[smem:$0x3FD2] =	sst s26  }
0x1e: {  	s5 =	sshll.u32 s27, $0x1;
	_ =	strace $0x80000049;
	[dreg:$0x1] =	wrdreg $0xFFFFFFFF  }
0x1f: {  	s28 =	simm.s32 $_size_execute0_lowered;
	s3 =	sadd.s32 s3, s5;
	[dreg:$0x0] =	wrdreg $0x0  }
0x20: {  	s5 =	sshll.u32 s28, $0x1;
	[dreg:$0x2] =	wrdreg s3  }
0x21: {  	[dreg:$0x3] =	wrdreg s5  }
0x22: {  	[dreg:$0x4] =	wrdreg $0xC0  }
0x23: {  	_ =	task [dreg:s7], $0x5FFFF  }
0x24: {  	[dreg:$0x1] =	wrdreg $0xFFFFFFFF  }
0x25: {  	[dreg:$0x0] =	wrdreg $0x60  }
0x26: {  	[dreg:$0x2] =	wrdreg s25  }
0x27: {  	[dreg:$0x3] =	wrdreg s2  }
0x28: {  	[dreg:$0x4] =	wrdreg $0x9  }
0x29: {  	_ =	task.clear_ibuf [dreg:s7], $0x5FFFF;
	_ =	strace $0x90000049  }
0x2a: {  	s29 =	simm.s32 $0x9;
	_ =	strace $0x8000004B  }
0x2b: {  	_ =	swait.ge [sflag:s29], $0x1  }
0x2c: {  	[sflag:s29] =	ssyncadd.s32 $0xFFFFFFFF  }
0x2d: {  	_ =	strace $0x9000004B  }
0x2e: {  	_ =	sfence  }
0x2f: {  	s30 =	sld [smem:$0x0];
	_ =	sdelay $0x2  }
0x30: {  	s31 =	sshll.u32 s1, $0xD;
	s1 =	sshrl.u32 s1, $0x2  }
0x31: {  	s3 =	sand.u32 $0x4000, s31;
	s1 =	sadd.s32 s1, s30  }
0x32: {  	s0 =	sor.u32 s3, s0;
	s1 =	sshll.u32 s1, $0x11  }
0x33: {  	s0 =	sor.u32 s1, s0  }
0x34: {  	s0 =	sadd.s32 $0x8F2B, s0  }
0x35: {  	[sflag:s0] =	ssyncadd.remote.s32 $0x1  }
0x36: {  	_ =	sfence.sel $0xFFFF  }
0x37: {  	[dreg:$0x0] =	wrdreg $0xFFFFFFFF;
	(pc) =	sbr.abs _section_cstart, $3  }
0x38: {  	[dreg:$0x1] =	wrdreg $0xFFFFFFFF  }
0x39: {  	_ =	task.clear_ibuf [dreg:s7], $0x2FFFF;
	_ =	strace $0x9FFFFFFF  }
0x3a: {  	(tm) =	ssettm $0x7FFFFFFF  }
0x3b: {  	_ =	shalt  }
tec
execute0_lowered:
.L_overlay_start_1:
0x0: {  	(tag) =	ssettag $0x1  }
0x1: {  	s0 =	stileid.u32;
	s6 =	rddreg [dreg:$0x0]  }
0x2: {  	s2 =	rddreg [dreg:$0x1];
	s5 =	srdreg.scid  }
0x3: {  	s31 =	simm.s32 $0x2;
	s13 =	simm.s32 $0x0;
	s1 =	sshll.u32 s0, $0x7  }
0x4: {  	s14 =	simm.s32 $0x0;
	s12 =	simm.s32 $0x0;
	s3 =	sand.u32 $0x380, s1  }
0x5: {  	s5 =	sshll.u32 s5, $0x4;
	s6 =	sadd.s32 $0xE00, s6;
	s4 =	ssub.s32 $0x400, s3  }
0x6: {  	s1 =	rddreg [dreg:$0x2];
	_ =	strace $0x8000004A;
	s7 =	sand.u32 $0x380, s4  }
0x7: {  	s5 =	sand.u32 $0x10, s5;
	p0 =	sne.s32 s7, $0x0;
	s7 =	simm.s32 $0x1  }
.Ltmp0:
0x8: {  	s8 =	sshrl.u32 s4, $0xA;
	s7 =	simm.s32 @!p0 $0x0;
	(pc) =	sbr.rel .LBB1_1-.Ltmp0, $4  }
0x9: {  	s9 =	sor.u32 s0, s5;
	s4 =	simm.s32 $0x1;
	s30 =	sadd.s32 s7, s8  }
0xa: {  	s11 =	smov.u32 s3;
	[sflag:s4] =	ssyncpa.u1 $0x0;
	s5 =	smul.u32 $0x32, s30  }
0xb: {  	[sflag:s31] =	ssyncpa.u1 $0x0;
	p0 =	por $0x0, $0x0;
	s7 =	sshrl.u32 s9, $0x3  }
0xc: {  	s9 =	simm.s32 $0x2000;
	s10 =	smov.u32 s7;
	s8 =	sor.u32 $0x1, s5  }
.LBB1_4:
0xd: {  	s17 =	sand.u32 $0x1F80, s14;
	s13 =	sshll.u32 s13, $0xD  }
0xe: {  	[tilespmem:s16+$0x810 ss:$0x81] =	vst.msk $0xffff, v2;
	s18 =	sshrl.u32 s14, $0x3;
	s31 =	sand.u32 $0x7, s14;
	s17 =	sadd.s32 s2, s17  }
0xf: {  	[tilespmem:s16+$0x1020 ss:$0x81] =	vst.msk $0xffff, v0;
	s18 =	sand.u32 $0xF, s18;
	s14 =	sshll.u32 s31, $0x12;
	s13 =	sadd.s32 s13, s17  }
0x10: {  	[tilespmem:s16+$0x0 ss:$0x81] =	vst.msk $0xffff, v1;
	s14 =	sor.u32 $0x400, s14;
	s13 =	sadd.s32 s18, s13  }
0x11: {  	[hbm4b:s13+s14] =	stream.strided.scatter [tilespmem:s15], [sflag:$0x2], $0x2000, s9, s14, $0x20;
	[tilespmem:$0x8080] =	vst v63  }
.LBB1_5:
0x12: {  	s15 =	sadd.s32 $0x4, s10  }
0x13: {  	s13 =	sadd.s32 $0x400, s11;
	s17 =	smov.u32 s11;
	p2 =	sgt.s32 s15, $0xC7  }
0x14: {  	s17 =	smov.u32 @p2 s13  }
0x15: {  	s15 =	smov.u32 @p2 s7;
	p2 =	sgt.s32 s17, $0x3FF  }
0x16: {  	s17 =	smov.u32 @p2 s3;
	p2 =	sne.s32 s12, s8  }
.Ltmp1:
0x17: {  	p1 =	slt.u32 s12, $0x2;
	(pc) =	sbr.rel @!p2 .LBB1_6-.Ltmp1, $4  }
0x18: {  	s16 =	simm.s32 @!p1 $0x2  }
0x19: {  	s14 =	smov.u32 s11;
	p0 =	por !p0, !p0;
	_ =	swait.ge @!p1 [sflag:s16], $0x2000  }
0x1a: {  	s13 =	smov.u32 s10;
	[sflag:s16] =	ssyncset.done @!p1 $0x0;
	s10 =	smov.u32 s15  }
0x1b: {  	s12 =	sadd.s32 $0x1, s12;
	[sflag:s16] =	ssyncadd.s32 @!p1 $0xFFFFE000;
	s11 =	smov.u32 s17  }
.LBB1_1:
0x1c: {  	p1 =	sge.u32 s12, s5  }
0x1d: {  	s15 =	sand.u32 @!p1 $0x1FFFFFF, s10  }
0x1e: {  	s16 =	smulhi.u32 @!p1 $0x147AE15, s15;
	_ =	sdelay $0x1  }
0x1f: {  	s16 =	smul.u32 @!p1 $0xC8, s16  }
0x20: {  	s17 =	sxor.u32 @!p1 $0xFFFFFFFF, s12;
	s18 =	smul.u32 @!p1 $0xC80, s11  }
0x21: {  	s31 =	sadd.s32 $0xFFFFFFFF, s12;
	s17 =	sshll.u32 @!p1 s17, $0xD;
	s15 =	ssub.s32 @!p1 s15, s16  }
0x22: {  	s16 =	sand.u32 @!p1 $0x2000, s17;
	s17 =	sadd.s32 @!p1 s6, s18;
	s15 =	sshll.u32 @!p1 s15, $0x4  }
0x23: {  	s18 =	simm.s32 @!p1 $0x6400;
	s15 =	sadd.s32 @!p1 s15, s17;
	s17 =	simm.s32 @!p1 $0x40  }
0x24: {  	[tilespmem:s16], [sflag:$0x1] =	stream.strided.gather @!p1 [hbm4b:s15+s17], $0x2000, s18, s17, $0x38;
	[tilespmem:$0x8080] =	vst v63  }
0x25: {  	p1 =	sge.u32 s31, s5  }
.Ltmp2:
0x26: {  	_ = 	snop;
	(pc) =	sbr.rel @p1 .LBB1_5-.Ltmp2, $1  }
0x27: {  	_ =	sdelay $0x3  }
0x28: {  	s15 =	simm.s32 $0x1  }
0x29: {  	_ =	swait.ge [sflag:s4], $0x2000;
	s15 =	simm.s32 @!p0 $0x0  }
0x2a: {  	[sflag:s4] =	ssyncset.done $0x0;
	s16 =	sshll.u32 s15, $0xD  }
0x2b: {  	[sflag:s4] =	ssyncadd.s32 $0xFFFFE000;
	s19 =	sor.u32 $0x20, s16  }
0x2c: {  	s15 =	smul.u32 $0x8100, s15;
	v3 =	vld [tilespmem:s19+$0x10]  }
0x2d: {  	s30 =	sand.u32 $0x1, s12;
	v2 =	vld [tilespmem:s19+$0xFFFFFFF0]  }
0x2e: {  	s16 =	smul.u32 $0x8100, s30;
	s15 =	sshrl.u32 s15, $0x2;
	v0 =	vld [tilespmem:s19+$0x0]  }
0x2f: {  	v1 =	vld [tilespmem:s19+$0xFFFFFFE0];
	s17 =	sor.u32 $0x4000, s15  }
0x30: {  	s31 =	sshrl.u32 s16, $0x2;
	s16 =	sadd.s32 $0x0, s17  }
0x31: {  	s18 =	simm.s32 $0x4;
	s19 =	sadd.s32 $0x40, s19;
	s15 =	sor.u32 $0x4000, s31;
	[tilespmem:s16+$0x1830 ss:$0x81] =	vst.msk $0xffff, v3  }
.LBB1_3:
0x32: {  	v3 =	vld [tilespmem:s19+$0x10];
	p1 =	sne.s32 s18, $0x1FC;
	[tilespmem:s16+$0x810 ss:$0x81] =	vst.msk $0xffff, v2;
	s20 =	smov.u32 s18;
	s18 =	sadd.s32 $0x4, s18  }
.Ltmp3:
0x33: {  	v2 =	vld [tilespmem:s19+$0xFFFFFFF0];
	[tilespmem:s16+$0x1020 ss:$0x81] =	vst.msk $0xffff, v0;
	(pc) =	sbr.rel @p1 .LBB1_3-.Ltmp3, $4  }
0x34: {  	v0 =	vld [tilespmem:s19+$0x0];
	[tilespmem:s16+$0x0 ss:$0x81] =	vst.msk $0xffff, v1  }
0x35: {  	s16 =	sshra.s32 s20, $0x2;
	v1 =	vld [tilespmem:s19+$0xFFFFFFE0]  }
0x36: {  	s16 =	sadd.s32 s16, s17  }
0x37: {  	s19 =	sadd.s32 $0x40, s19;
	[tilespmem:s16+$0x1830 ss:$0x81] =	vst.msk $0xffff, v3  }
.Ltmp4:
0x38: {  	_ = 	snop;
	(pc) =	sbr.rel .LBB1_4-.Ltmp4, $1  }
0x39: {  	_ =	sdelay $0x3  }
.LBB1_6:
0x3a: {  	_ =	sfence.sel $0x180000  }
0x3b: {  	s2 =	simm.s32 $0x1;
	[bflag:$0x0] =	sbarrier.arrive $0xFFFF  }
0x3c: {  	s31 =	simm.s32 $0x2;
	[sflag:s2] =	ssyncpa.u1 $0x1  }
0x3d: {  	[sflag:s31] =	ssyncpa.u1 $0x1  }
0x3e: {  	p0 =	sne.s32 s0, $0x0;
	_ =	strace $0x9000004A  }
0x3f: {  	s0 =	sadd.s32 @!p0 $0x100000, s1;
	[bflag:$0x2] =	sbarrier.arrive $0xFFFF  }
0x40: {  	[sflag:s0] =	ssyncadd.tile.s32 @!p0 $0x1;
	_ =	shalt  }
.Lfunc_end1:
_tile_overlayer_lowered:
.L_overlay_start_2:
0x41: {  	(tag) =	ssettag $0x2  }
0x42: {  	s0 =	rddreg [dreg:$0x0];
	s2 =	stileid.u32  }
0x43: {  	s1 =	rddreg [dreg:$0x1];
	p0 =	sne.s32 s2, $0x0  }
0x44: {  	s3 =	rddreg [dreg:$0x2];
	[bflag:$0x3] =	sbarrier.arrive $0xFFFF;
	s2 =	simm.s32 @!p0 $0x1C01  }
0x45: {  	[timem:s3], [sflag:s2] =	dma.local @!p0 [hbm:s0], s1  }
0x46: {  	s0 =	simm.s32 @!p0 $0x1  }
0x47: {  	_ =	swait.ge @!p0 [sflag:s0], s1  }
0x48: {  	s1 =	ssub.s32 @!p0 $0x0, s1;
	[sflag:s0] =	ssyncset.done @!p0 $0x0  }
0x49: {  	[sflag:s0] =	ssyncadd.s32 @!p0 s1  }
0x4a: {  	[bflag:$0x3] =	sbarrier.arrive $0xFFFF  }
0x4b: {  	_ =	shalt  }

</sc_bundles>
